<compile_context>
chip_gen: v7x
topology: tpu7x:2x2x1
jax: 0.10.2.dev20260603
libtpu: 0.0.44.dev20260713+nightly
codegen_flags: <defaults>
</compile_context>

<pallas_src>
import functools

import jax
import jax.numpy as jnp
from jax import lax
from jax.experimental import pallas as pl
from jax.experimental.pallas import tpu as pltpu
from jax.experimental.pallas import tpu_sc as plsc

_B = 16384
_D = 64
_DP = 128
_NC = 2
_NS = 16
_NW = _NC * _NS
_KC = 512
_NCHUNKS = 1953
_TMAX = 62
_KEYS = 1000000
_COVERED = _KC * _NCHUNKS
_CAP = 704
_PIECE = 2048
_NPIECE = _B // _PIECE
_RING = 16
_CBYTES = 64 * _KC * 4

_mesh = plsc.VectorSubcoreMesh(core_axis_name="c", subcore_axis_name="s")


@functools.partial(
    pl.kernel,
    mesh=_mesh,
    out_type=jax.ShapeDtypeStruct((_B, _DP), jnp.float32),
    scratch_types=[
        pltpu.VMEM((64, _KC), jnp.float32),
        pltpu.VMEM((64, _KC), jnp.float32),
        pltpu.VMEM((64, _KC), jnp.float32),
        pltpu.VMEM((64, 128), jnp.float32),
        pltpu.VMEM((_CAP,), jnp.int32),
        pltpu.VMEM((_CAP,), jnp.int32),
        pltpu.VMEM((_PIECE,), jnp.int32),
        pltpu.VMEM((_RING, _DP), jnp.float32),
        pltpu.SMEM((1,), jnp.int32),
        pltpu.SemaphoreType.DMA,
        pltpu.SemaphoreType.DMA,
        pltpu.SemaphoreType.DMA,
        pltpu.SemaphoreType.DMA,
    ],
    compiler_params=pltpu.CompilerParams(
        needs_layout_passes=False, use_tc_tiling_on_sc=True),
)
def _sc_stream_gather(idx_hbm, tablet_hbm, tail_hbm, out_hbm,
                      buf_a, buf_b, buf_c, tail_v, bkeys, bpos, piece, ring,
                      served_ref, sem_a, sem_b, sem_c, osem):
    wid = lax.axis_index("s") * _NC + lax.axis_index("c")
    lanes = lax.iota(jnp.int32, 16)
    served_ref[0] = 0

    ones = jnp.full((16,), 1, jnp.int32)
    probe = plsc.cumsum(ones)
    excl_flag = jnp.where(probe[0] == 0, jnp.int32(1), jnp.int32(0))

    def inclusive_cumsum(x):
        return plsc.cumsum(x) + excl_flag * x

    def chunk_of(t):
        return wid + _NW * t

    def issue_chunk(t, buf, sem):
        c = chunk_of(t)

        @pl.when(c < _NCHUNKS)
        def _():
            pltpu.async_copy(
                tablet_hbm.at[:, pl.ds(c * _KC, _KC)], buf, sem)

    issue_chunk(0, buf_a, sem_a)
    issue_chunk(1, buf_b, sem_b)
    issue_chunk(2, buf_c, sem_c)
    pltpu.sync_copy(tail_hbm, tail_v)

    for v in range(_CAP // 16):
        bkeys[pl.ds(v * 16, 16)] = jnp.full((16,), jnp.int32(2**30))

    off = jnp.int32(0)
    for p in range(_NPIECE):
        pltpu.sync_copy(idx_hbm.at[pl.ds(p * _PIECE, _PIECE)], piece)

        def scan_body(v, off):
            kv = piece[pl.ds(v * 16, 16)]
            cid = kv // _KC
            mine = (cid % _NW) == wid
            posv = p * _PIECE + v * 16 + lanes
            inc = inclusive_cumsum(mine.astype(jnp.int32))
            dest = off + inc - 1
            plsc.store_scatter(bkeys, [dest], kv, mask=mine)
            plsc.store_scatter(bpos, [dest], posv, mask=mine)
            return off + inc[15]

        off = lax.fori_loop(0, _PIECE // 16, scan_body, off)

    def serve_key(m1, kv, pv, lo, buf):
        key = jnp.sum(jnp.where(m1, kv, 0))
        pos = jnp.sum(jnp.where(m1, pv, 0))
        offl = key - lo
        col = jnp.full((16,), 0, jnp.int32) + offl
        srv = served_ref[0]
        r = lax.rem(srv, jnp.int32(_RING))

        @pl.when(jnp.logical_and(r == 0, srv > 0))
        def _():
            pltpu.make_async_copy(
                out_hbm.at[pl.ds(0, _RING)], ring, osem).wait()

        acc = jnp.zeros((16,), jnp.float32)
        for d16 in range(4):
            rows = d16 * 16 + lanes
            g = plsc.load_gather(buf, [rows, col])
            ring[r, pl.ds(d16 * 16, 16)] = g
            acc = acc + g * g
        loss = jnp.sum(acc) * (0.1 / _D)
        ring[r, pl.ds(_D, 16)] = jnp.zeros((16,), jnp.float32) + loss
        pltpu.async_copy(
            ring.at[pl.ds(r, 1)], out_hbm.at[pl.ds(pos, 1)], osem)
        served_ref[0] = srv + 1

    def serve_chunk(t, buf):
        c = chunk_of(t)
        lo = c * _KC

        def vreg_body(v, carry):
            kv = bkeys[pl.ds(v * 16, 16)]
            pv = bpos[pl.ds(v * 16, 16)]
            m = jnp.logical_and(kv >= lo, kv < lo + _KC)
            cnt = plsc.all_reduce_population_count(m)[0]

            def body(i, m):
                sel = inclusive_cumsum(m.astype(jnp.int32))
                m1 = jnp.logical_and(m, sel == 1)
                serve_key(m1, kv, pv, lo, buf)
                return jnp.logical_and(m, jnp.logical_not(m1))

            lax.fori_loop(0, cnt, body, m)
            return carry

        lax.fori_loop(0, _CAP // 16, vreg_body, 0)

    def main_body(t, carry):
        c = chunk_of(t)

        @pl.when(c == _NCHUNKS)
        def _():
            serve_chunk(t, tail_v)

        @pl.when(c < _NCHUNKS)
        def _():
            @pl.when(t % 3 == 0)
            def _():
                pltpu.make_async_copy(
                    tablet_hbm.at[:, pl.ds(0, _KC)], buf_a, sem_a).wait()
                serve_chunk(t, buf_a)
                issue_chunk(t + 3, buf_a, sem_a)

            @pl.when(t % 3 == 1)
            def _():
                pltpu.make_async_copy(
                    tablet_hbm.at[:, pl.ds(0, _KC)], buf_b, sem_b).wait()
                serve_chunk(t, buf_b)
                issue_chunk(t + 3, buf_b, sem_b)

            @pl.when(t % 3 == 2)
            def _():
                pltpu.make_async_copy(
                    tablet_hbm.at[:, pl.ds(0, _KC)], buf_c, sem_c).wait()
                serve_chunk(t, buf_c)
                issue_chunk(t + 3, buf_c, sem_c)

        return carry

    lax.fori_loop(0, _TMAX, main_body, 0)

    srv = served_ref[0]
    rem = jnp.where(
        srv > 0, srv - _RING * ((srv - 1) // _RING), jnp.int32(0))

    def drain_body(i, carry):
        pltpu.make_async_copy(
            out_hbm.at[pl.ds(0, 1)], ring.at[pl.ds(0, 1)], osem).wait()
        return carry

    lax.fori_loop(0, rem, drain_body, 0)


def kernel(input, kernel):
    idx = jnp.asarray(input, jnp.int32)
    tail = jnp.pad(kernel[_COVERED:].T, ((0, 0), (0, 128 - (_KEYS - _COVERED))))
    out = _sc_stream_gather(idx, kernel.T, tail)
    feat = out[:, :_D]
    loss = out[:, _D:_D + 1]
    return feat, loss

# --- scband reference (transcript-rebuilt; emitter-appended) ---
"""Pipeline reference for scband-primitive-dictionary-layer-33809982554237 (READ-ONLY COPY).

The authoritative reference and input builder live on the scoring server;
editing this copy changes nothing except your own understanding.
"""

import jax, jax.numpy as jnp
import numpy as np

NUM_KEYS = 1000000
NUM_FEATURES = 64
BATCH = 16384

def setup_inputs(seed: int = 0) -> dict:
    key = jax.random.key(seed)
    k1, k2 = jax.random.split(key)
    inp = jax.random.randint(k1, (BATCH,), 0, NUM_KEYS, dtype=jnp.int64 if jax.config.jax_enable_x64 else jnp.int32)
    kernel = jax.random.normal(k2, (NUM_KEYS, NUM_FEATURES), dtype=jnp.float32) * 0.05
    return {"input": inp, "kernel": kernel}

def reference(input, kernel):
    # fetched_features = tf.gather(self.kernel, input, axis=0)
    fetched_features = jnp.take(kernel, input, axis=0)
    # training=True path: incentive_magnitude(fetched, Target.Small, Level.Proportional)
    # Target.Small -> multiplier = 1.0 ; Level.Proportional -> square of abs
    a_prime = jnp.square(jnp.abs(fetched_features))
    features_loss = 0.1 * a_prime
    features_loss = jnp.mean(features_loss, axis=1, keepdims=True)
    # sample=False path: no noise added
    return (fetched_features, features_loss)

if __name__ == "__main__":
    import jax
    _d = setup_inputs()
    print(jax.jit(kernel)(*tuple(_d.values())))

</pallas_src>

<mosaic_0001>
#map = affine_map<(d0, d1) -> (0)>
#map1 = affine_map<(d0, d1) -> (0, 0)>
module attributes {stable_mosaic.version = 14 : i64} {
  func.func @_sc_stream_gather(%arg0: i32, %arg1: i32, %arg2: memref<16384xi32, #tpu.memory_space<hbm>>, %arg3: memref<64x1000000xf32, #tpu.memory_space<hbm>>, %arg4: memref<64x128xf32, #tpu.memory_space<hbm>>, %arg5: memref<16384x128xf32, #tpu.memory_space<hbm>>, %arg6: memref<64x512xf32, #tpu.memory_space<vmem>>, %arg7: memref<64x512xf32, #tpu.memory_space<vmem>>, %arg8: memref<64x512xf32, #tpu.memory_space<vmem>>, %arg9: memref<64x128xf32, #tpu.memory_space<vmem>>, %arg10: memref<704xi32, #tpu.memory_space<vmem>>, %arg11: memref<704xi32, #tpu.memory_space<vmem>>, %arg12: memref<2048xi32, #tpu.memory_space<vmem>>, %arg13: memref<16x128xf32, #tpu.memory_space<vmem>>, %arg14: memref<1xi32, #tpu.memory_space<smem>>, %arg15: memref<!tpu.dma_semaphore, #tpu.memory_space<semaphore_mem>>, %arg16: memref<!tpu.dma_semaphore, #tpu.memory_space<semaphore_mem>>, %arg17: memref<!tpu.dma_semaphore, #tpu.memory_space<semaphore_mem>>, %arg18: memref<!tpu.dma_semaphore, #tpu.memory_space<semaphore_mem>>) attributes {dimension_semantics = [#tpu.dimension_semantics<core_parallel>, #tpu.dimension_semantics<subcore_parallel>], iteration_bounds = array<i64: 2, 16>, scalar_prefetch = 0 : i64, scratch_operands = 13 : i64, tpu.core_type = #tpu.core_type<sc_vector_subcore>, window_params = [{transform_indices = #map}, {transform_indices = #map1}, {transform_indices = #map1}, {transform_indices = #map1}]} {
    %mul3A = arith.constant 2 : i32
    %mul3A_0 = arith.muli %arg1, %mul3A : i32
    %add3A = arith.addi %mul3A_0, %arg0 : i32
    %iota3A = tpu.iota {dimensions = array<i32: 0>} : vector<16xi32>
    %swap3A = arith.constant 0 : i32
    %swap3A_1 = arith.constant 0 : i32
    %swap3A_2 = arith.index_cast %swap3A_1 : i32 to index
    %swap3A_3 = memref.load %arg14[%swap3A_2] : memref<1xi32, #tpu.memory_space<smem>>
    memref.store %swap3A, %arg14[%swap3A_2] : memref<1xi32, #tpu.memory_space<smem>>
    %broadcast_in_dim3A = arith.constant 1 : i32
    %broadcast_in_dim3A_4 = vector.broadcast %broadcast_in_dim3A : i32 to vector<16xi32>
    %broadcast_in_dim3A_5 = arith.constant true
    %broadcast_in_dim3A_6 = vector.broadcast %broadcast_in_dim3A_5 : i1 to vector<16xi1>
    %masked_cumsum3A = tpu.scan <sum>, %broadcast_in_dim3A_4 masked %broadcast_in_dim3A_6 : vector<16xi32>, vector<16xi1> -> vector<16xi32>
    %slice3A = vector.extract_strided_slice %masked_cumsum3A {offsets = [0], sizes = [1], strides = [1]} : vector<16xi32> to vector<1xi32>
    %squeeze3A = vector.extract %slice3A[0] : i32 from vector<1xi32>
    %eq3A = arith.constant 0 : i32
    %eq3A_7 = arith.cmpi eq, %squeeze3A, %eq3A : i32
    %jit3A = arith.constant 1 : i32
    %jit3A_8 = arith.constant 0 : i32
    %select_n3A = arith.select %eq3A_7, %jit3A, %jit3A_8 : i32
    %add3A_9 = arith.constant 0 : i32
    %add3A_10 = arith.addi %add3A, %add3A_9 : i32
    %lt3A = arith.constant 1953 : i32
    %lt3A_11 = arith.cmpi slt, %add3A_10, %lt3A : i32
    %convert_element_type3A = arith.extui %lt3A_11 : i1 to i32
    %cond3A = arith.constant 0 : i32
    %cond3A_12 = arith.cmpi ne, %convert_element_type3A, %cond3A : i32
    scf.if %cond3A_12 {
      %mul3A_294 = arith.constant 512 : i32
      %mul3A_295 = arith.muli %add3A_10, %mul3A_294 : i32
      %dma_start3A = arith.constant 0 : i32
      %dma_start3A_296 = tpu.memref_slice %arg3[%dma_start3A, %mul3A_295] : memref<64x1000000xf32, #tpu.memory_space<hbm>> -> memref<64x512xf32, #tpu.memory_space<hbm>>
      %dma_start3A_297 = arith.constant 0 : i32
      %dma_start3A_298 = tpu.memref_slice %arg3[%dma_start3A_297, %mul3A_295] : memref<64x1000000xf32, #tpu.memory_space<hbm>> -> memref<64x512xf32, #tpu.memory_space<hbm>>
      tpu.enqueue_dma source(%dma_start3A_298 : memref<64x512xf32, #tpu.memory_space<hbm>>) target(%arg6 : memref<64x512xf32, #tpu.memory_space<vmem>>) target_semaphore(%arg15 : memref<!tpu.dma_semaphore, #tpu.memory_space<semaphore_mem>>)
    } else {
    }
    %add3A_13 = arith.constant 32 : i32
    %add3A_14 = arith.addi %add3A, %add3A_13 : i32
    %lt3A_15 = arith.constant 1953 : i32
    %lt3A_16 = arith.cmpi slt, %add3A_14, %lt3A_15 : i32
    %convert_element_type3A_17 = arith.extui %lt3A_16 : i1 to i32
    %cond3A_18 = arith.constant 0 : i32
    %cond3A_19 = arith.cmpi ne, %convert_element_type3A_17, %cond3A_18 : i32
    scf.if %cond3A_19 {
      %mul3A_294 = arith.constant 512 : i32
      %mul3A_295 = arith.muli %add3A_14, %mul3A_294 : i32
      %dma_start3A = arith.constant 0 : i32
      %dma_start3A_296 = tpu.memref_slice %arg3[%dma_start3A, %mul3A_295] : memref<64x1000000xf32, #tpu.memory_space<hbm>> -> memref<64x512xf32, #tpu.memory_space<hbm>>
      %dma_start3A_297 = arith.constant 0 : i32
      %dma_start3A_298 = tpu.memref_slice %arg3[%dma_start3A_297, %mul3A_295] : memref<64x1000000xf32, #tpu.memory_space<hbm>> -> memref<64x512xf32, #tpu.memory_space<hbm>>
      tpu.enqueue_dma source(%dma_start3A_298 : memref<64x512xf32, #tpu.memory_space<hbm>>) target(%arg7 : memref<64x512xf32, #tpu.memory_space<vmem>>) target_semaphore(%arg16 : memref<!tpu.dma_semaphore, #tpu.memory_space<semaphore_mem>>)
    } else {
    }
    %add3A_20 = arith.constant 64 : i32
    %add3A_21 = arith.addi %add3A, %add3A_20 : i32
    %lt3A_22 = arith.constant 1953 : i32
    %lt3A_23 = arith.cmpi slt, %add3A_21, %lt3A_22 : i32
    %convert_element_type3A_24 = arith.extui %lt3A_23 : i1 to i32
    %cond3A_25 = arith.constant 0 : i32
    %cond3A_26 = arith.cmpi ne, %convert_element_type3A_24, %cond3A_25 : i32
    scf.if %cond3A_26 {
      %mul3A_294 = arith.constant 512 : i32
      %mul3A_295 = arith.muli %add3A_21, %mul3A_294 : i32
      %dma_start3A = arith.constant 0 : i32
      %dma_start3A_296 = tpu.memref_slice %arg3[%dma_start3A, %mul3A_295] : memref<64x1000000xf32, #tpu.memory_space<hbm>> -> memref<64x512xf32, #tpu.memory_space<hbm>>
      %dma_start3A_297 = arith.constant 0 : i32
      %dma_start3A_298 = tpu.memref_slice %arg3[%dma_start3A_297, %mul3A_295] : memref<64x1000000xf32, #tpu.memory_space<hbm>> -> memref<64x512xf32, #tpu.memory_space<hbm>>
      tpu.enqueue_dma source(%dma_start3A_298 : memref<64x512xf32, #tpu.memory_space<hbm>>) target(%arg8 : memref<64x512xf32, #tpu.memory_space<vmem>>) target_semaphore(%arg17 : memref<!tpu.dma_semaphore, #tpu.memory_space<semaphore_mem>>)
    } else {
    }
    "tpu.region"() ({
      %run_scoped3A = tpu.sem_alloc : memref<!tpu.dma_semaphore, #tpu.memory_space<semaphore_mem>>
      tpu.enqueue_dma source(%arg4 : memref<64x128xf32, #tpu.memory_space<hbm>>) target(%arg9 : memref<64x128xf32, #tpu.memory_space<vmem>>) target_semaphore(%run_scoped3A : memref<!tpu.dma_semaphore, #tpu.memory_space<semaphore_mem>>)
      tpu.wait_dma2 semaphore(%run_scoped3A : memref<!tpu.dma_semaphore, #tpu.memory_space<semaphore_mem>>) src(%arg4 : memref<64x128xf32, #tpu.memory_space<hbm>>) dst(%arg9 : memref<64x128xf32, #tpu.memory_space<vmem>>)
      tpu.yield
    }) : () -> ()
    %broadcast_in_dim3A_27 = arith.constant 1073741824 : i32
    %broadcast_in_dim3A_28 = vector.broadcast %broadcast_in_dim3A_27 : i32 to vector<16xi32>
    %swap3A_29 = arith.constant 0 : index
    %swap3A_30 = tpu.vector_load %arg10[%swap3A_29] {strides = array<i32>} : memref<704xi32, #tpu.memory_space<vmem>>, vector<16xi32>,
    tpu.vector_store %arg10[%swap3A_29], %broadcast_in_dim3A_28 {strides = array<i32>} : memref<704xi32, #tpu.memory_space<vmem>>, vector<16xi32>,
    %broadcast_in_dim3A_31 = arith.constant 1073741824 : i32
    %broadcast_in_dim3A_32 = vector.broadcast %broadcast_in_dim3A_31 : i32 to vector<16xi32>
    %swap3A_33 = arith.constant 16 : index
    %swap3A_34 = tpu.vector_load %arg10[%swap3A_33] {strides = array<i32>} : memref<704xi32, #tpu.memory_space<vmem>>, vector<16xi32>,
    tpu.vector_store %arg10[%swap3A_33], %broadcast_in_dim3A_32 {strides = array<i32>} : memref<704xi32, #tpu.memory_space<vmem>>, vector<16xi32>,
    %broadcast_in_dim3A_35 = arith.constant 1073741824 : i32
    %broadcast_in_dim3A_36 = vector.broadcast %broadcast_in_dim3A_35 : i32 to vector<16xi32>
    %swap3A_37 = arith.constant 32 : index
    %swap3A_38 = tpu.vector_load %arg10[%swap3A_37] {strides = array<i32>} : memref<704xi32, #tpu.memory_space<vmem>>, vector<16xi32>,
    tpu.vector_store %arg10[%swap3A_37], %broadcast_in_dim3A_36 {strides = array<i32>} : memref<704xi32, #tpu.memory_space<vmem>>, vector<16xi32>,
    %broadcast_in_dim3A_39 = arith.constant 1073741824 : i32
    %broadcast_in_dim3A_40 = vector.broadcast %broadcast_in_dim3A_39 : i32 to vector<16xi32>
    %swap3A_41 = arith.constant 48 : index
    %swap3A_42 = tpu.vector_load %arg10[%swap3A_41] {strides = array<i32>} : memref<704xi32, #tpu.memory_space<vmem>>, vector<16xi32>,
    tpu.vector_store %arg10[%swap3A_41], %broadcast_in_dim3A_40 {strides = array<i32>} : memref<704xi32, #tpu.memory_space<vmem>>, vector<16xi32>,
    %broadcast_in_dim3A_43 = arith.constant 1073741824 : i32
    %broadcast_in_dim3A_44 = vector.broadcast %broadcast_in_dim3A_43 : i32 to vector<16xi32>
    %swap3A_45 = arith.constant 64 : index
    %swap3A_46 = tpu.vector_load %arg10[%swap3A_45] {strides = array<i32>} : memref<704xi32, #tpu.memory_space<vmem>>, vector<16xi32>,
    tpu.vector_store %arg10[%swap3A_45], %broadcast_in_dim3A_44 {strides = array<i32>} : memref<704xi32, #tpu.memory_space<vmem>>, vector<16xi32>,
    %broadcast_in_dim3A_47 = arith.constant 1073741824 : i32
    %broadcast_in_dim3A_48 = vector.broadcast %broadcast_in_dim3A_47 : i32 to vector<16xi32>
    %swap3A_49 = arith.constant 80 : index
    %swap3A_50 = tpu.vector_load %arg10[%swap3A_49] {strides = array<i32>} : memref<704xi32, #tpu.memory_space<vmem>>, vector<16xi32>,
    tpu.vector_store %arg10[%swap3A_49], %broadcast_in_dim3A_48 {strides = array<i32>} : memref<704xi32, #tpu.memory_space<vmem>>, vector<16xi32>,
    %broadcast_in_dim3A_51 = arith.constant 1073741824 : i32
    %broadcast_in_dim3A_52 = vector.broadcast %broadcast_in_dim3A_51 : i32 to vector<16xi32>
    %swap3A_53 = arith.constant 96 : index
    %swap3A_54 = tpu.vector_load %arg10[%swap3A_53] {strides = array<i32>} : memref<704xi32, #tpu.memory_space<vmem>>, vector<16xi32>,
    tpu.vector_store %arg10[%swap3A_53], %broadcast_in_dim3A_52 {strides = array<i32>} : memref<704xi32, #tpu.memory_space<vmem>>, vector<16xi32>,
    %broadcast_in_dim3A_55 = arith.constant 1073741824 : i32
    %broadcast_in_dim3A_56 = vector.broadcast %broadcast_in_dim3A_55 : i32 to vector<16xi32>
    %swap3A_57 = arith.constant 112 : index
    %swap3A_58 = tpu.vector_load %arg10[%swap3A_57] {strides = array<i32>} : memref<704xi32, #tpu.memory_space<vmem>>, vector<16xi32>,
    tpu.vector_store %arg10[%swap3A_57], %broadcast_in_dim3A_56 {strides = array<i32>} : memref<704xi32, #tpu.memory_space<vmem>>, vector<16xi32>,
    %broadcast_in_dim3A_59 = arith.constant 1073741824 : i32
    %broadcast_in_dim3A_60 = vector.broadcast %broadcast_in_dim3A_59 : i32 to vector<16xi32>
    %swap3A_61 = arith.constant 128 : index
    %swap3A_62 = tpu.vector_load %arg10[%swap3A_61] {strides = array<i32>} : memref<704xi32, #tpu.memory_space<vmem>>, vector<16xi32>,
    tpu.vector_store %arg10[%swap3A_61], %broadcast_in_dim3A_60 {strides = array<i32>} : memref<704xi32, #tpu.memory_space<vmem>>, vector<16xi32>,
    %broadcast_in_dim3A_63 = arith.constant 1073741824 : i32
    %broadcast_in_dim3A_64 = vector.broadcast %broadcast_in_dim3A_63 : i32 to vector<16xi32>
    %swap3A_65 = arith.constant 144 : index
    %swap3A_66 = tpu.vector_load %arg10[%swap3A_65] {strides = array<i32>} : memref<704xi32, #tpu.memory_space<vmem>>, vector<16xi32>,
    tpu.vector_store %arg10[%swap3A_65], %broadcast_in_dim3A_64 {strides = array<i32>} : memref<704xi32, #tpu.memory_space<vmem>>, vector<16xi32>,
    %broadcast_in_dim3A_67 = arith.constant 1073741824 : i32
    %broadcast_in_dim3A_68 = vector.broadcast %broadcast_in_dim3A_67 : i32 to vector<16xi32>
    %swap3A_69 = arith.constant 160 : index
    %swap3A_70 = tpu.vector_load %arg10[%swap3A_69] {strides = array<i32>} : memref<704xi32, #tpu.memory_space<vmem>>, vector<16xi32>,
    tpu.vector_store %arg10[%swap3A_69], %broadcast_in_dim3A_68 {strides = array<i32>} : memref<704xi32, #tpu.memory_space<vmem>>, vector<16xi32>,
    %broadcast_in_dim3A_71 = arith.constant 1073741824 : i32
    %broadcast_in_dim3A_72 = vector.broadcast %broadcast_in_dim3A_71 : i32 to vector<16xi32>
    %swap3A_73 = arith.constant 176 : index
    %swap3A_74 = tpu.vector_load %arg10[%swap3A_73] {strides = array<i32>} : memref<704xi32, #tpu.memory_space<vmem>>, vector<16xi32>,
    tpu.vector_store %arg10[%swap3A_73], %broadcast_in_dim3A_72 {strides = array<i32>} : memref<704xi32, #tpu.memory_space<vmem>>, vector<16xi32>,
    %broadcast_in_dim3A_75 = arith.constant 1073741824 : i32
    %broadcast_in_dim3A_76 = vector.broadcast %broadcast_in_dim3A_75 : i32 to vector<16xi32>
    %swap3A_77 = arith.constant 192 : index
    %swap3A_78 = tpu.vector_load %arg10[%swap3A_77] {strides = array<i32>} : memref<704xi32, #tpu.memory_space<vmem>>, vector<16xi32>,
    tpu.vector_store %arg10[%swap3A_77], %broadcast_in_dim3A_76 {strides = array<i32>} : memref<704xi32, #tpu.memory_space<vmem>>, vector<16xi32>,
    %broadcast_in_dim3A_79 = arith.constant 1073741824 : i32
    %broadcast_in_dim3A_80 = vector.broadcast %broadcast_in_dim3A_79 : i32 to vector<16xi32>
    %swap3A_81 = arith.constant 208 : index
    %swap3A_82 = tpu.vector_load %arg10[%swap3A_81] {strides = array<i32>} : memref<704xi32, #tpu.memory_space<vmem>>, vector<16xi32>,
    tpu.vector_store %arg10[%swap3A_81], %broadcast_in_dim3A_80 {strides = array<i32>} : memref<704xi32, #tpu.memory_space<vmem>>, vector<16xi32>,
    %broadcast_in_dim3A_83 = arith.constant 1073741824 : i32
    %broadcast_in_dim3A_84 = vector.broadcast %broadcast_in_dim3A_83 : i32 to vector<16xi32>
    %swap3A_85 = arith.constant 224 : index
    %swap3A_86 = tpu.vector_load %arg10[%swap3A_85] {strides = array<i32>} : memref<704xi32, #tpu.memory_space<vmem>>, vector<16xi32>,
    tpu.vector_store %arg10[%swap3A_85], %broadcast_in_dim3A_84 {strides = array<i32>} : memref<704xi32, #tpu.memory_space<vmem>>, vector<16xi32>,
    %broadcast_in_dim3A_87 = arith.constant 1073741824 : i32
    %broadcast_in_dim3A_88 = vector.broadcast %broadcast_in_dim3A_87 : i32 to vector<16xi32>
    %swap3A_89 = arith.constant 240 : index
    %swap3A_90 = tpu.vector_load %arg10[%swap3A_89] {strides = array<i32>} : memref<704xi32, #tpu.memory_space<vmem>>, vector<16xi32>,
    tpu.vector_store %arg10[%swap3A_89], %broadcast_in_dim3A_88 {strides = array<i32>} : memref<704xi32, #tpu.memory_space<vmem>>, vector<16xi32>,
    %broadcast_in_dim3A_91 = arith.constant 1073741824 : i32
    %broadcast_in_dim3A_92 = vector.broadcast %broadcast_in_dim3A_91 : i32 to vector<16xi32>
    %swap3A_93 = arith.constant 256 : index
    %swap3A_94 = tpu.vector_load %arg10[%swap3A_93] {strides = array<i32>} : memref<704xi32, #tpu.memory_space<vmem>>, vector<16xi32>,
    tpu.vector_store %arg10[%swap3A_93], %broadcast_in_dim3A_92 {strides = array<i32>} : memref<704xi32, #tpu.memory_space<vmem>>, vector<16xi32>,
    %broadcast_in_dim3A_95 = arith.constant 1073741824 : i32
    %broadcast_in_dim3A_96 = vector.broadcast %broadcast_in_dim3A_95 : i32 to vector<16xi32>
    %swap3A_97 = arith.constant 272 : index
    %swap3A_98 = tpu.vector_load %arg10[%swap3A_97] {strides = array<i32>} : memref<704xi32, #tpu.memory_space<vmem>>, vector<16xi32>,
    tpu.vector_store %arg10[%swap3A_97], %broadcast_in_dim3A_96 {strides = array<i32>} : memref<704xi32, #tpu.memory_space<vmem>>, vector<16xi32>,
    %broadcast_in_dim3A_99 = arith.constant 1073741824 : i32
    %broadcast_in_dim3A_100 = vector.broadcast %broadcast_in_dim3A_99 : i32 to vector<16xi32>
    %swap3A_101 = arith.constant 288 : index
    %swap3A_102 = tpu.vector_load %arg10[%swap3A_101] {strides = array<i32>} : memref<704xi32, #tpu.memory_space<vmem>>, vector<16xi32>,
    tpu.vector_store %arg10[%swap3A_101], %broadcast_in_dim3A_100 {strides = array<i32>} : memref<704xi32, #tpu.memory_space<vmem>>, vector<16xi32>,
    %broadcast_in_dim3A_103 = arith.constant 1073741824 : i32
    %broadcast_in_dim3A_104 = vector.broadcast %broadcast_in_dim3A_103 : i32 to vector<16xi32>
    %swap3A_105 = arith.constant 304 : index
    %swap3A_106 = tpu.vector_load %arg10[%swap3A_105] {strides = array<i32>} : memref<704xi32, #tpu.memory_space<vmem>>, vector<16xi32>,
    tpu.vector_store %arg10[%swap3A_105], %broadcast_in_dim3A_104 {strides = array<i32>} : memref<704xi32, #tpu.memory_space<vmem>>, vector<16xi32>,
    %broadcast_in_dim3A_107 = arith.constant 1073741824 : i32
    %broadcast_in_dim3A_108 = vector.broadcast %broadcast_in_dim3A_107 : i32 to vector<16xi32>
    %swap3A_109 = arith.constant 320 : index
    %swap3A_110 = tpu.vector_load %arg10[%swap3A_109] {strides = array<i32>} : memref<704xi32, #tpu.memory_space<vmem>>, vector<16xi32>,
    tpu.vector_store %arg10[%swap3A_109], %broadcast_in_dim3A_108 {strides = array<i32>} : memref<704xi32, #tpu.memory_space<vmem>>, vector<16xi32>,
    %broadcast_in_dim3A_111 = arith.constant 1073741824 : i32
    %broadcast_in_dim3A_112 = vector.broadcast %broadcast_in_dim3A_111 : i32 to vector<16xi32>
    %swap3A_113 = arith.constant 336 : index
    %swap3A_114 = tpu.vector_load %arg10[%swap3A_113] {strides = array<i32>} : memref<704xi32, #tpu.memory_space<vmem>>, vector<16xi32>,
    tpu.vector_store %arg10[%swap3A_113], %broadcast_in_dim3A_112 {strides = array<i32>} : memref<704xi32, #tpu.memory_space<vmem>>, vector<16xi32>,
    %broadcast_in_dim3A_115 = arith.constant 1073741824 : i32
    %broadcast_in_dim3A_116 = vector.broadcast %broadcast_in_dim3A_115 : i32 to vector<16xi32>
    %swap3A_117 = arith.constant 352 : index
    %swap3A_118 = tpu.vector_load %arg10[%swap3A_117] {strides = array<i32>} : memref<704xi32, #tpu.memory_space<vmem>>, vector<16xi32>,
    tpu.vector_store %arg10[%swap3A_117], %broadcast_in_dim3A_116 {strides = array<i32>} : memref<704xi32, #tpu.memory_space<vmem>>, vector<16xi32>,
    %broadcast_in_dim3A_119 = arith.constant 1073741824 : i32
    %broadcast_in_dim3A_120 = vector.broadcast %broadcast_in_dim3A_119 : i32 to vector<16xi32>
    %swap3A_121 = arith.constant 368 : index
    %swap3A_122 = tpu.vector_load %arg10[%swap3A_121] {strides = array<i32>} : memref<704xi32, #tpu.memory_space<vmem>>, vector<16xi32>,
    tpu.vector_store %arg10[%swap3A_121], %broadcast_in_dim3A_120 {strides = array<i32>} : memref<704xi32, #tpu.memory_space<vmem>>, vector<16xi32>,
    %broadcast_in_dim3A_123 = arith.constant 1073741824 : i32
    %broadcast_in_dim3A_124 = vector.broadcast %broadcast_in_dim3A_123 : i32 to vector<16xi32>
    %swap3A_125 = arith.constant 384 : index
    %swap3A_126 = tpu.vector_load %arg10[%swap3A_125] {strides = array<i32>} : memref<704xi32, #tpu.memory_space<vmem>>, vector<16xi32>,
    tpu.vector_store %arg10[%swap3A_125], %broadcast_in_dim3A_124 {strides = array<i32>} : memref<704xi32, #tpu.memory_space<vmem>>, vector<16xi32>,
    %broadcast_in_dim3A_127 = arith.constant 1073741824 : i32
    %broadcast_in_dim3A_128 = vector.broadcast %broadcast_in_dim3A_127 : i32 to vector<16xi32>
    %swap3A_129 = arith.constant 400 : index
    %swap3A_130 = tpu.vector_load %arg10[%swap3A_129] {strides = array<i32>} : memref<704xi32, #tpu.memory_space<vmem>>, vector<16xi32>,
    tpu.vector_store %arg10[%swap3A_129], %broadcast_in_dim3A_128 {strides = array<i32>} : memref<704xi32, #tpu.memory_space<vmem>>, vector<16xi32>,
    %broadcast_in_dim3A_131 = arith.constant 1073741824 : i32
    %broadcast_in_dim3A_132 = vector.broadcast %broadcast_in_dim3A_131 : i32 to vector<16xi32>
    %swap3A_133 = arith.constant 416 : index
    %swap3A_134 = tpu.vector_load %arg10[%swap3A_133] {strides = array<i32>} : memref<704xi32, #tpu.memory_space<vmem>>, vector<16xi32>,
    tpu.vector_store %arg10[%swap3A_133], %broadcast_in_dim3A_132 {strides = array<i32>} : memref<704xi32, #tpu.memory_space<vmem>>, vector<16xi32>,
    %broadcast_in_dim3A_135 = arith.constant 1073741824 : i32
    %broadcast_in_dim3A_136 = vector.broadcast %broadcast_in_dim3A_135 : i32 to vector<16xi32>
    %swap3A_137 = arith.constant 432 : index
    %swap3A_138 = tpu.vector_load %arg10[%swap3A_137] {strides = array<i32>} : memref<704xi32, #tpu.memory_space<vmem>>, vector<16xi32>,
    tpu.vector_store %arg10[%swap3A_137], %broadcast_in_dim3A_136 {strides = array<i32>} : memref<704xi32, #tpu.memory_space<vmem>>, vector<16xi32>,
    %broadcast_in_dim3A_139 = arith.constant 1073741824 : i32
    %broadcast_in_dim3A_140 = vector.broadcast %broadcast_in_dim3A_139 : i32 to vector<16xi32>
    %swap3A_141 = arith.constant 448 : index
    %swap3A_142 = tpu.vector_load %arg10[%swap3A_141] {strides = array<i32>} : memref<704xi32, #tpu.memory_space<vmem>>, vector<16xi32>,
    tpu.vector_store %arg10[%swap3A_141], %broadcast_in_dim3A_140 {strides = array<i32>} : memref<704xi32, #tpu.memory_space<vmem>>, vector<16xi32>,
    %broadcast_in_dim3A_143 = arith.constant 1073741824 : i32
    %broadcast_in_dim3A_144 = vector.broadcast %broadcast_in_dim3A_143 : i32 to vector<16xi32>
    %swap3A_145 = arith.constant 464 : index
    %swap3A_146 = tpu.vector_load %arg10[%swap3A_145] {strides = array<i32>} : memref<704xi32, #tpu.memory_space<vmem>>, vector<16xi32>,
    tpu.vector_store %arg10[%swap3A_145], %broadcast_in_dim3A_144 {strides = array<i32>} : memref<704xi32, #tpu.memory_space<vmem>>, vector<16xi32>,
    %broadcast_in_dim3A_147 = arith.constant 1073741824 : i32
    %broadcast_in_dim3A_148 = vector.broadcast %broadcast_in_dim3A_147 : i32 to vector<16xi32>
    %swap3A_149 = arith.constant 480 : index
    %swap3A_150 = tpu.vector_load %arg10[%swap3A_149] {strides = array<i32>} : memref<704xi32, #tpu.memory_space<vmem>>, vector<16xi32>,
    tpu.vector_store %arg10[%swap3A_149], %broadcast_in_dim3A_148 {strides = array<i32>} : memref<704xi32, #tpu.memory_space<vmem>>, vector<16xi32>,
    %broadcast_in_dim3A_151 = arith.constant 1073741824 : i32
    %broadcast_in_dim3A_152 = vector.broadcast %broadcast_in_dim3A_151 : i32 to vector<16xi32>
    %swap3A_153 = arith.constant 496 : index
    %swap3A_154 = tpu.vector_load %arg10[%swap3A_153] {strides = array<i32>} : memref<704xi32, #tpu.memory_space<vmem>>, vector<16xi32>,
    tpu.vector_store %arg10[%swap3A_153], %broadcast_in_dim3A_152 {strides = array<i32>} : memref<704xi32, #tpu.memory_space<vmem>>, vector<16xi32>,
    %broadcast_in_dim3A_155 = arith.constant 1073741824 : i32
    %broadcast_in_dim3A_156 = vector.broadcast %broadcast_in_dim3A_155 : i32 to vector<16xi32>
    %swap3A_157 = arith.constant 512 : index
    %swap3A_158 = tpu.vector_load %arg10[%swap3A_157] {strides = array<i32>} : memref<704xi32, #tpu.memory_space<vmem>>, vector<16xi32>,
    tpu.vector_store %arg10[%swap3A_157], %broadcast_in_dim3A_156 {strides = array<i32>} : memref<704xi32, #tpu.memory_space<vmem>>, vector<16xi32>,
    %broadcast_in_dim3A_159 = arith.constant 1073741824 : i32
    %broadcast_in_dim3A_160 = vector.broadcast %broadcast_in_dim3A_159 : i32 to vector<16xi32>
    %swap3A_161 = arith.constant 528 : index
    %swap3A_162 = tpu.vector_load %arg10[%swap3A_161] {strides = array<i32>} : memref<704xi32, #tpu.memory_space<vmem>>, vector<16xi32>,
    tpu.vector_store %arg10[%swap3A_161], %broadcast_in_dim3A_160 {strides = array<i32>} : memref<704xi32, #tpu.memory_space<vmem>>, vector<16xi32>,
    %broadcast_in_dim3A_163 = arith.constant 1073741824 : i32
    %broadcast_in_dim3A_164 = vector.broadcast %broadcast_in_dim3A_163 : i32 to vector<16xi32>
    %swap3A_165 = arith.constant 544 : index
    %swap3A_166 = tpu.vector_load %arg10[%swap3A_165] {strides = array<i32>} : memref<704xi32, #tpu.memory_space<vmem>>, vector<16xi32>,
    tpu.vector_store %arg10[%swap3A_165], %broadcast_in_dim3A_164 {strides = array<i32>} : memref<704xi32, #tpu.memory_space<vmem>>, vector<16xi32>,
    %broadcast_in_dim3A_167 = arith.constant 1073741824 : i32
    %broadcast_in_dim3A_168 = vector.broadcast %broadcast_in_dim3A_167 : i32 to vector<16xi32>
    %swap3A_169 = arith.constant 560 : index
    %swap3A_170 = tpu.vector_load %arg10[%swap3A_169] {strides = array<i32>} : memref<704xi32, #tpu.memory_space<vmem>>, vector<16xi32>,
    tpu.vector_store %arg10[%swap3A_169], %broadcast_in_dim3A_168 {strides = array<i32>} : memref<704xi32, #tpu.memory_space<vmem>>, vector<16xi32>,
    %broadcast_in_dim3A_171 = arith.constant 1073741824 : i32
    %broadcast_in_dim3A_172 = vector.broadcast %broadcast_in_dim3A_171 : i32 to vector<16xi32>
    %swap3A_173 = arith.constant 576 : index
    %swap3A_174 = tpu.vector_load %arg10[%swap3A_173] {strides = array<i32>} : memref<704xi32, #tpu.memory_space<vmem>>, vector<16xi32>,
    tpu.vector_store %arg10[%swap3A_173], %broadcast_in_dim3A_172 {strides = array<i32>} : memref<704xi32, #tpu.memory_space<vmem>>, vector<16xi32>,
    %broadcast_in_dim3A_175 = arith.constant 1073741824 : i32
    %broadcast_in_dim3A_176 = vector.broadcast %broadcast_in_dim3A_175 : i32 to vector<16xi32>
    %swap3A_177 = arith.constant 592 : index
    %swap3A_178 = tpu.vector_load %arg10[%swap3A_177] {strides = array<i32>} : memref<704xi32, #tpu.memory_space<vmem>>, vector<16xi32>,
    tpu.vector_store %arg10[%swap3A_177], %broadcast_in_dim3A_176 {strides = array<i32>} : memref<704xi32, #tpu.memory_space<vmem>>, vector<16xi32>,
    %broadcast_in_dim3A_179 = arith.constant 1073741824 : i32
    %broadcast_in_dim3A_180 = vector.broadcast %broadcast_in_dim3A_179 : i32 to vector<16xi32>
    %swap3A_181 = arith.constant 608 : index
    %swap3A_182 = tpu.vector_load %arg10[%swap3A_181] {strides = array<i32>} : memref<704xi32, #tpu.memory_space<vmem>>, vector<16xi32>,
    tpu.vector_store %arg10[%swap3A_181], %broadcast_in_dim3A_180 {strides = array<i32>} : memref<704xi32, #tpu.memory_space<vmem>>, vector<16xi32>,
    %broadcast_in_dim3A_183 = arith.constant 1073741824 : i32
    %broadcast_in_dim3A_184 = vector.broadcast %broadcast_in_dim3A_183 : i32 to vector<16xi32>
    %swap3A_185 = arith.constant 624 : index
    %swap3A_186 = tpu.vector_load %arg10[%swap3A_185] {strides = array<i32>} : memref<704xi32, #tpu.memory_space<vmem>>, vector<16xi32>,
    tpu.vector_store %arg10[%swap3A_185], %broadcast_in_dim3A_184 {strides = array<i32>} : memref<704xi32, #tpu.memory_space<vmem>>, vector<16xi32>,
    %broadcast_in_dim3A_187 = arith.constant 1073741824 : i32
    %broadcast_in_dim3A_188 = vector.broadcast %broadcast_in_dim3A_187 : i32 to vector<16xi32>
    %swap3A_189 = arith.constant 640 : index
    %swap3A_190 = tpu.vector_load %arg10[%swap3A_189] {strides = array<i32>} : memref<704xi32, #tpu.memory_space<vmem>>, vector<16xi32>,
    tpu.vector_store %arg10[%swap3A_189], %broadcast_in_dim3A_188 {strides = array<i32>} : memref<704xi32, #tpu.memory_space<vmem>>, vector<16xi32>,
    %broadcast_in_dim3A_191 = arith.constant 1073741824 : i32
    %broadcast_in_dim3A_192 = vector.broadcast %broadcast_in_dim3A_191 : i32 to vector<16xi32>
    %swap3A_193 = arith.constant 656 : index
    %swap3A_194 = tpu.vector_load %arg10[%swap3A_193] {strides = array<i32>} : memref<704xi32, #tpu.memory_space<vmem>>, vector<16xi32>,
    tpu.vector_store %arg10[%swap3A_193], %broadcast_in_dim3A_192 {strides = array<i32>} : memref<704xi32, #tpu.memory_space<vmem>>, vector<16xi32>,
    %broadcast_in_dim3A_195 = arith.constant 1073741824 : i32
    %broadcast_in_dim3A_196 = vector.broadcast %broadcast_in_dim3A_195 : i32 to vector<16xi32>
    %swap3A_197 = arith.constant 672 : index
    %swap3A_198 = tpu.vector_load %arg10[%swap3A_197] {strides = array<i32>} : memref<704xi32, #tpu.memory_space<vmem>>, vector<16xi32>,
    tpu.vector_store %arg10[%swap3A_197], %broadcast_in_dim3A_196 {strides = array<i32>} : memref<704xi32, #tpu.memory_space<vmem>>, vector<16xi32>,
    %broadcast_in_dim3A_199 = arith.constant 1073741824 : i32
    %broadcast_in_dim3A_200 = vector.broadcast %broadcast_in_dim3A_199 : i32 to vector<16xi32>
    %swap3A_201 = arith.constant 688 : index
    %swap3A_202 = tpu.vector_load %arg10[%swap3A_201] {strides = array<i32>} : memref<704xi32, #tpu.memory_space<vmem>>, vector<16xi32>,
    tpu.vector_store %arg10[%swap3A_201], %broadcast_in_dim3A_200 {strides = array<i32>} : memref<704xi32, #tpu.memory_space<vmem>>, vector<16xi32>,
    "tpu.region"() ({
      %run_scoped3A = tpu.sem_alloc : memref<!tpu.dma_semaphore, #tpu.memory_space<semaphore_mem>>
      %dma_start3A = arith.constant 0 : i32
      %dma_start3A_294 = tpu.memref_slice %arg2[%dma_start3A] : memref<16384xi32, #tpu.memory_space<hbm>> -> memref<2048xi32, #tpu.memory_space<hbm>>
      %dma_start3A_295 = arith.constant 0 : i32
      %dma_start3A_296 = tpu.memref_slice %arg2[%dma_start3A_295] : memref<16384xi32, #tpu.memory_space<hbm>> -> memref<2048xi32, #tpu.memory_space<hbm>>
      tpu.enqueue_dma source(%dma_start3A_296 : memref<2048xi32, #tpu.memory_space<hbm>>) target(%arg12 : memref<2048xi32, #tpu.memory_space<vmem>>) target_semaphore(%run_scoped3A : memref<!tpu.dma_semaphore, #tpu.memory_space<semaphore_mem>>)
      %dma_wait3A = arith.constant 0 : i32
      %dma_wait3A_297 = tpu.memref_slice %arg2[%dma_wait3A] : memref<16384xi32, #tpu.memory_space<hbm>> -> memref<2048xi32, #tpu.memory_space<hbm>>
      %dma_wait3A_298 = arith.constant 0 : i32
      %dma_wait3A_299 = tpu.memref_slice %arg2[%dma_wait3A_298] : memref<16384xi32, #tpu.memory_space<hbm>> -> memref<2048xi32, #tpu.memory_space<hbm>>
      tpu.wait_dma2 semaphore(%run_scoped3A : memref<!tpu.dma_semaphore, #tpu.memory_space<semaphore_mem>>) src(%dma_wait3A_299 : memref<2048xi32, #tpu.memory_space<hbm>>) dst(%arg12 : memref<2048xi32, #tpu.memory_space<vmem>>)
      tpu.yield
    }) : () -> ()
    %scan3A = arith.constant 0 : i32
    %scan3A_203 = arith.constant 0 : i32
    %scan3A_204 = arith.constant 128 : i32
    %scan3A_205 = arith.addi %scan3A_203, %scan3A_204 : i32
    %scan3A_206 = arith.constant 1 : i32
    %scan3A_207 = scf.for %scan3A_294 = %scan3A_203 to %scan3A_205 step %scan3A_206 iter_args(%scan3A_295 = %scan3A) -> (i32)  : i32 {
      %mul3A_296 = arith.constant 16 : i32
      %mul3A_297 = arith.muli %scan3A_294, %mul3A_296 : i32
      %get3A_298 = arith.index_cast %mul3A_297 : i32 to index
      %get3A_299 = tpu.vector_load %arg12[%get3A_298] {strides = array<i32>} : memref<2048xi32, #tpu.memory_space<vmem>>, vector<16xi32>,
      %jit3A_300 = arith.constant 512 : i32
      %div3A_301 = vector.broadcast %jit3A_300 : i32 to vector<16xi32>
      %div3A_302 = arith.divsi %get3A_299, %div3A_301 : vector<16xi32>
      %sign3A_303 = arith.constant 0 : i32
      %sign3A_304 = vector.broadcast %sign3A_303 : i32 to vector<16xi32>
      %sign3A_305 = arith.cmpi sgt, %get3A_299, %sign3A_304 : vector<16xi32>
      %sign3A_306 = arith.extui %sign3A_305 : vector<16xi1> to vector<16xi32>
      %sign3A_307 = arith.constant 0 : i32
      %sign3A_308 = vector.broadcast %sign3A_307 : i32 to vector<16xi32>
      %sign3A_309 = arith.cmpi slt, %get3A_299, %sign3A_308 : vector<16xi32>
      %sign3A_310 = arith.extui %sign3A_309 : vector<16xi1> to vector<16xi32>
      %sign3A_311 = arith.subi %sign3A_306, %sign3A_310 : vector<16xi32>
      %sign3A_312 = arith.constant 0 : i32
      %sign3A_313 = arith.cmpi sgt, %jit3A_300, %sign3A_312 : i32
      %sign3A_314 = arith.extui %sign3A_313 : i1 to i32
      %sign3A_315 = arith.constant 0 : i32
      %sign3A_316 = arith.cmpi slt, %jit3A_300, %sign3A_315 : i32
      %sign3A_317 = arith.extui %sign3A_316 : i1 to i32
      %sign3A_318 = arith.subi %sign3A_314, %sign3A_317 : i32
      %ne3A_319 = vector.broadcast %sign3A_318 : i32 to vector<16xi32>
      %ne3A_320 = arith.cmpi ne, %sign3A_311, %ne3A_319 : vector<16xi32>
      %rem3A_321 = vector.broadcast %jit3A_300 : i32 to vector<16xi32>
      %rem3A_322 = arith.remsi %get3A_299, %rem3A_321 : vector<16xi32>
      %ne3A_323 = arith.constant 0 : i32
      %ne3A_324 = vector.broadcast %ne3A_323 : i32 to vector<16xi32>
      %ne3A_325 = arith.cmpi ne, %rem3A_322, %ne3A_324 : vector<16xi32>
      %and3A_326 = arith.andi %ne3A_320, %ne3A_325 : vector<16xi1>
      %sub3A_327 = arith.constant 1 : i32
      %sub3A_328 = vector.broadcast %sub3A_327 : i32 to vector<16xi32>
      %sub3A_329 = arith.subi %div3A_302, %sub3A_328 : vector<16xi32>
      %select_n3A_330 = arith.select %and3A_326, %sub3A_329, %div3A_302 : vector<16xi1>, vector<16xi32>
      %jit3A_331 = arith.constant 32 : i32
      %eq3A_332 = arith.constant 0 : i32
      %eq3A_333 = arith.cmpi eq, %jit3A_331, %eq3A_332 : i32
      %jit3A_334 = arith.constant 1 : i32
      %select_n3A_335 = arith.select %eq3A_333, %jit3A_334, %jit3A_331 : i32
      %rem3A_336 = vector.broadcast %select_n3A_335 : i32 to vector<16xi32>
      %rem3A_337 = arith.remsi %select_n3A_330, %rem3A_336 : vector<16xi32>
      %ne3A_338 = arith.constant 0 : i32
      %ne3A_339 = vector.broadcast %ne3A_338 : i32 to vector<16xi32>
      %ne3A_340 = arith.cmpi ne, %rem3A_337, %ne3A_339 : vector<16xi32>
      %lt3A_341 = arith.constant 0 : i32
      %lt3A_342 = vector.broadcast %lt3A_341 : i32 to vector<16xi32>
      %lt3A_343 = arith.cmpi slt, %rem3A_337, %lt3A_342 : vector<16xi32>
      %lt3A_344 = arith.constant 0 : i32
      %lt3A_345 = arith.cmpi slt, %select_n3A_335, %lt3A_344 : i32
      %ne3A_346 = vector.broadcast %lt3A_345 : i1 to vector<16xi1>
      %ne3A_347 = vector.broadcast %ne3A_346 : vector<16xi1> to vector<16xi1>
      %ne3A_348 = arith.xori %lt3A_343, %ne3A_347 : vector<16xi1>
      %and3A_349 = arith.andi %ne3A_348, %ne3A_340 : vector<16xi1>
      %add3A_350 = vector.broadcast %select_n3A_335 : i32 to vector<16xi32>
      %add3A_351 = arith.addi %rem3A_337, %add3A_350 : vector<16xi32>
      %select_n3A_352 = arith.select %and3A_349, %add3A_351, %rem3A_337 : vector<16xi1>, vector<16xi32>
      %eq3A_353 = vector.broadcast %add3A : i32 to vector<16xi32>
      %eq3A_354 = arith.cmpi eq, %select_n3A_352, %eq3A_353 : vector<16xi32>
      %mul3A_355 = arith.constant 16 : i32
      %mul3A_356 = arith.muli %scan3A_294, %mul3A_355 : i32
      %add3A_357 = arith.constant 0 : i32
      %add3A_358 = arith.addi %add3A_357, %mul3A_356 : i32
      %add3A_359 = vector.broadcast %add3A_358 : i32 to vector<16xi32>
      %add3A_360 = arith.addi %add3A_359, %iota3A : vector<16xi32>
      %convert_element_type3A_361 = arith.extui %eq3A_354 : vector<16xi1> to vector<16xi32>
      %broadcast_in_dim3A_362 = arith.constant true
      %broadcast_in_dim3A_363 = vector.broadcast %broadcast_in_dim3A_362 : i1 to vector<16xi1>
      %masked_cumsum3A_364 = tpu.scan <sum>, %convert_element_type3A_361 masked %broadcast_in_dim3A_363 : vector<16xi32>, vector<16xi1> -> vector<16xi32>
      %mul3A_365 = vector.broadcast %select_n3A : i32 to vector<16xi32>
      %mul3A_366 = arith.muli %mul3A_365, %convert_element_type3A_361 : vector<16xi32>
      %add3A_367 = arith.addi %masked_cumsum3A_364, %mul3A_366 : vector<16xi32>
      %add3A_368 = vector.broadcast %scan3A_295 : i32 to vector<16xi32>
      %add3A_369 = arith.addi %add3A_368, %add3A_367 : vector<16xi32>
      %sub3A_370 = arith.constant 1 : i32
      %sub3A_371 = vector.broadcast %sub3A_370 : i32 to vector<16xi32>
      %sub3A_372 = arith.subi %add3A_369, %sub3A_371 : vector<16xi32>
      tpu.vector_store_idx %arg10[%sub3A_372], %get3A_299 masked %eq3A_354 : memref<704xi32, #tpu.memory_space<vmem>>[vector<16xi32>], vector<16xi32>, vector<16xi1>
      tpu.vector_store_idx %arg11[%sub3A_372], %add3A_360 masked %eq3A_354 : memref<704xi32, #tpu.memory_space<vmem>>[vector<16xi32>], vector<16xi32>, vector<16xi1>
      %slice3A_373 = vector.extract_strided_slice %add3A_367 {offsets = [15], sizes = [1], strides = [1]} : vector<16xi32> to vector<1xi32>
      %squeeze3A_374 = vector.extract %slice3A_373[0] : i32 from vector<1xi32>
      %add3A_375 = arith.addi %scan3A_295, %squeeze3A_374 : i32
      scf.yield %add3A_375 : i32
    }
    %scan3A_208 = arith.constant 128 : i32
    "tpu.region"() ({
      %run_scoped3A = tpu.sem_alloc : memref<!tpu.dma_semaphore, #tpu.memory_space<semaphore_mem>>
      %dma_start3A = arith.constant 2048 : i32
      %dma_start3A_294 = tpu.memref_slice %arg2[%dma_start3A] : memref<16384xi32, #tpu.memory_space<hbm>> -> memref<2048xi32, #tpu.memory_space<hbm>>
      %dma_start3A_295 = arith.constant 2048 : i32
      %dma_start3A_296 = tpu.memref_slice %arg2[%dma_start3A_295] : memref<16384xi32, #tpu.memory_space<hbm>> -> memref<2048xi32, #tpu.memory_space<hbm>>
      tpu.enqueue_dma source(%dma_start3A_296 : memref<2048xi32, #tpu.memory_space<hbm>>) target(%arg12 : memref<2048xi32, #tpu.memory_space<vmem>>) target_semaphore(%run_scoped3A : memref<!tpu.dma_semaphore, #tpu.memory_space<semaphore_mem>>)
      %dma_wait3A = arith.constant 2048 : i32
      %dma_wait3A_297 = tpu.memref_slice %arg2[%dma_wait3A] : memref<16384xi32, #tpu.memory_space<hbm>> -> memref<2048xi32, #tpu.memory_space<hbm>>
      %dma_wait3A_298 = arith.constant 2048 : i32
      %dma_wait3A_299 = tpu.memref_slice %arg2[%dma_wait3A_298] : memref<16384xi32, #tpu.memory_space<hbm>> -> memref<2048xi32, #tpu.memory_space<hbm>>
      tpu.wait_dma2 semaphore(%run_scoped3A : memref<!tpu.dma_semaphore, #tpu.memory_space<semaphore_mem>>) src(%dma_wait3A_299 : memref<2048xi32, #tpu.memory_space<hbm>>) dst(%arg12 : memref<2048xi32, #tpu.memory_space<vmem>>)
      tpu.yield
    }) : () -> ()
    %scan3A_209 = arith.constant 0 : i32
    %scan3A_210 = arith.constant 128 : i32
    %scan3A_211 = arith.addi %scan3A_209, %scan3A_210 : i32
    %scan3A_212 = arith.constant 1 : i32
    %scan3A_213 = scf.for %scan3A_294 = %scan3A_209 to %scan3A_211 step %scan3A_212 iter_args(%scan3A_295 = %scan3A_207) -> (i32)  : i32 {
      %mul3A_296 = arith.constant 16 : i32
      %mul3A_297 = arith.muli %scan3A_294, %mul3A_296 : i32
      %get3A_298 = arith.index_cast %mul3A_297 : i32 to index
      %get3A_299 = tpu.vector_load %arg12[%get3A_298] {strides = array<i32>} : memref<2048xi32, #tpu.memory_space<vmem>>, vector<16xi32>,
      %jit3A_300 = arith.constant 512 : i32
      %div3A_301 = vector.broadcast %jit3A_300 : i32 to vector<16xi32>
      %div3A_302 = arith.divsi %get3A_299, %div3A_301 : vector<16xi32>
      %sign3A_303 = arith.constant 0 : i32
      %sign3A_304 = vector.broadcast %sign3A_303 : i32 to vector<16xi32>
      %sign3A_305 = arith.cmpi sgt, %get3A_299, %sign3A_304 : vector<16xi32>
      %sign3A_306 = arith.extui %sign3A_305 : vector<16xi1> to vector<16xi32>
      %sign3A_307 = arith.constant 0 : i32
      %sign3A_308 = vector.broadcast %sign3A_307 : i32 to vector<16xi32>
      %sign3A_309 = arith.cmpi slt, %get3A_299, %sign3A_308 : vector<16xi32>
      %sign3A_310 = arith.extui %sign3A_309 : vector<16xi1> to vector<16xi32>
      %sign3A_311 = arith.subi %sign3A_306, %sign3A_310 : vector<16xi32>
      %sign3A_312 = arith.constant 0 : i32
      %sign3A_313 = arith.cmpi sgt, %jit3A_300, %sign3A_312 : i32
      %sign3A_314 = arith.extui %sign3A_313 : i1 to i32
      %sign3A_315 = arith.constant 0 : i32
      %sign3A_316 = arith.cmpi slt, %jit3A_300, %sign3A_315 : i32
      %sign3A_317 = arith.extui %sign3A_316 : i1 to i32
      %sign3A_318 = arith.subi %sign3A_314, %sign3A_317 : i32
      %ne3A_319 = vector.broadcast %sign3A_318 : i32 to vector<16xi32>
      %ne3A_320 = arith.cmpi ne, %sign3A_311, %ne3A_319 : vector<16xi32>
      %rem3A_321 = vector.broadcast %jit3A_300 : i32 to vector<16xi32>
      %rem3A_322 = arith.remsi %get3A_299, %rem3A_321 : vector<16xi32>
      %ne3A_323 = arith.constant 0 : i32
      %ne3A_324 = vector.broadcast %ne3A_323 : i32 to vector<16xi32>
      %ne3A_325 = arith.cmpi ne, %rem3A_322, %ne3A_324 : vector<16xi32>
      %and3A_326 = arith.andi %ne3A_320, %ne3A_325 : vector<16xi1>
      %sub3A_327 = arith.constant 1 : i32
      %sub3A_328 = vector.broadcast %sub3A_327 : i32 to vector<16xi32>
      %sub3A_329 = arith.subi %div3A_302, %sub3A_328 : vector<16xi32>
      %select_n3A_330 = arith.select %and3A_326, %sub3A_329, %div3A_302 : vector<16xi1>, vector<16xi32>
      %jit3A_331 = arith.constant 32 : i32
      %eq3A_332 = arith.constant 0 : i32
      %eq3A_333 = arith.cmpi eq, %jit3A_331, %eq3A_332 : i32
      %jit3A_334 = arith.constant 1 : i32
      %select_n3A_335 = arith.select %eq3A_333, %jit3A_334, %jit3A_331 : i32
      %rem3A_336 = vector.broadcast %select_n3A_335 : i32 to vector<16xi32>
      %rem3A_337 = arith.remsi %select_n3A_330, %rem3A_336 : vector<16xi32>
      %ne3A_338 = arith.constant 0 : i32
      %ne3A_339 = vector.broadcast %ne3A_338 : i32 to vector<16xi32>
      %ne3A_340 = arith.cmpi ne, %rem3A_337, %ne3A_339 : vector<16xi32>
      %lt3A_341 = arith.constant 0 : i32
      %lt3A_342 = vector.broadcast %lt3A_341 : i32 to vector<16xi32>
      %lt3A_343 = arith.cmpi slt, %rem3A_337, %lt3A_342 : vector<16xi32>
      %lt3A_344 = arith.constant 0 : i32
      %lt3A_345 = arith.cmpi slt, %select_n3A_335, %lt3A_344 : i32
      %ne3A_346 = vector.broadcast %lt3A_345 : i1 to vector<16xi1>
      %ne3A_347 = vector.broadcast %ne3A_346 : vector<16xi1> to vector<16xi1>
      %ne3A_348 = arith.xori %lt3A_343, %ne3A_347 : vector<16xi1>
      %and3A_349 = arith.andi %ne3A_348, %ne3A_340 : vector<16xi1>
      %add3A_350 = vector.broadcast %select_n3A_335 : i32 to vector<16xi32>
      %add3A_351 = arith.addi %rem3A_337, %add3A_350 : vector<16xi32>
      %select_n3A_352 = arith.select %and3A_349, %add3A_351, %rem3A_337 : vector<16xi1>, vector<16xi32>
      %eq3A_353 = vector.broadcast %add3A : i32 to vector<16xi32>
      %eq3A_354 = arith.cmpi eq, %select_n3A_352, %eq3A_353 : vector<16xi32>
      %mul3A_355 = arith.constant 16 : i32
      %mul3A_356 = arith.muli %scan3A_294, %mul3A_355 : i32
      %add3A_357 = arith.constant 2048 : i32
      %add3A_358 = arith.addi %add3A_357, %mul3A_356 : i32
      %add3A_359 = vector.broadcast %add3A_358 : i32 to vector<16xi32>
      %add3A_360 = arith.addi %add3A_359, %iota3A : vector<16xi32>
      %convert_element_type3A_361 = arith.extui %eq3A_354 : vector<16xi1> to vector<16xi32>
      %broadcast_in_dim3A_362 = arith.constant true
      %broadcast_in_dim3A_363 = vector.broadcast %broadcast_in_dim3A_362 : i1 to vector<16xi1>
      %masked_cumsum3A_364 = tpu.scan <sum>, %convert_element_type3A_361 masked %broadcast_in_dim3A_363 : vector<16xi32>, vector<16xi1> -> vector<16xi32>
      %mul3A_365 = vector.broadcast %select_n3A : i32 to vector<16xi32>
      %mul3A_366 = arith.muli %mul3A_365, %convert_element_type3A_361 : vector<16xi32>
      %add3A_367 = arith.addi %masked_cumsum3A_364, %mul3A_366 : vector<16xi32>
      %add3A_368 = vector.broadcast %scan3A_295 : i32 to vector<16xi32>
      %add3A_369 = arith.addi %add3A_368, %add3A_367 : vector<16xi32>
      %sub3A_370 = arith.constant 1 : i32
      %sub3A_371 = vector.broadcast %sub3A_370 : i32 to vector<16xi32>
      %sub3A_372 = arith.subi %add3A_369, %sub3A_371 : vector<16xi32>
      tpu.vector_store_idx %arg10[%sub3A_372], %get3A_299 masked %eq3A_354 : memref<704xi32, #tpu.memory_space<vmem>>[vector<16xi32>], vector<16xi32>, vector<16xi1>
      tpu.vector_store_idx %arg11[%sub3A_372], %add3A_360 masked %eq3A_354 : memref<704xi32, #tpu.memory_space<vmem>>[vector<16xi32>], vector<16xi32>, vector<16xi1>
      %slice3A_373 = vector.extract_strided_slice %add3A_367 {offsets = [15], sizes = [1], strides = [1]} : vector<16xi32> to vector<1xi32>
      %squeeze3A_374 = vector.extract %slice3A_373[0] : i32 from vector<1xi32>
      %add3A_375 = arith.addi %scan3A_295, %squeeze3A_374 : i32
      scf.yield %add3A_375 : i32
    }
    %scan3A_214 = arith.constant 128 : i32
    "tpu.region"() ({
      %run_scoped3A = tpu.sem_alloc : memref<!tpu.dma_semaphore, #tpu.memory_space<semaphore_mem>>
      %dma_start3A = arith.constant 4096 : i32
      %dma_start3A_294 = tpu.memref_slice %arg2[%dma_start3A] : memref<16384xi32, #tpu.memory_space<hbm>> -> memref<2048xi32, #tpu.memory_space<hbm>>
      %dma_start3A_295 = arith.constant 4096 : i32
      %dma_start3A_296 = tpu.memref_slice %arg2[%dma_start3A_295] : memref<16384xi32, #tpu.memory_space<hbm>> -> memref<2048xi32, #tpu.memory_space<hbm>>
      tpu.enqueue_dma source(%dma_start3A_296 : memref<2048xi32, #tpu.memory_space<hbm>>) target(%arg12 : memref<2048xi32, #tpu.memory_space<vmem>>) target_semaphore(%run_scoped3A : memref<!tpu.dma_semaphore, #tpu.memory_space<semaphore_mem>>)
      %dma_wait3A = arith.constant 4096 : i32
      %dma_wait3A_297 = tpu.memref_slice %arg2[%dma_wait3A] : memref<16384xi32, #tpu.memory_space<hbm>> -> memref<2048xi32, #tpu.memory_space<hbm>>
      %dma_wait3A_298 = arith.constant 4096 : i32
      %dma_wait3A_299 = tpu.memref_slice %arg2[%dma_wait3A_298] : memref<16384xi32, #tpu.memory_space<hbm>> -> memref<2048xi32, #tpu.memory_space<hbm>>
      tpu.wait_dma2 semaphore(%run_scoped3A : memref<!tpu.dma_semaphore, #tpu.memory_space<semaphore_mem>>) src(%dma_wait3A_299 : memref<2048xi32, #tpu.memory_space<hbm>>) dst(%arg12 : memref<2048xi32, #tpu.memory_space<vmem>>)
      tpu.yield
    }) : () -> ()
    %scan3A_215 = arith.constant 0 : i32
    %scan3A_216 = arith.constant 128 : i32
    %scan3A_217 = arith.addi %scan3A_215, %scan3A_216 : i32
    %scan3A_218 = arith.constant 1 : i32
    %scan3A_219 = scf.for %scan3A_294 = %scan3A_215 to %scan3A_217 step %scan3A_218 iter_args(%scan3A_295 = %scan3A_213) -> (i32)  : i32 {
      %mul3A_296 = arith.constant 16 : i32
      %mul3A_297 = arith.muli %scan3A_294, %mul3A_296 : i32
      %get3A_298 = arith.index_cast %mul3A_297 : i32 to index
      %get3A_299 = tpu.vector_load %arg12[%get3A_298] {strides = array<i32>} : memref<2048xi32, #tpu.memory_space<vmem>>, vector<16xi32>,
      %jit3A_300 = arith.constant 512 : i32
      %div3A_301 = vector.broadcast %jit3A_300 : i32 to vector<16xi32>
      %div3A_302 = arith.divsi %get3A_299, %div3A_301 : vector<16xi32>
      %sign3A_303 = arith.constant 0 : i32
      %sign3A_304 = vector.broadcast %sign3A_303 : i32 to vector<16xi32>
      %sign3A_305 = arith.cmpi sgt, %get3A_299, %sign3A_304 : vector<16xi32>
      %sign3A_306 = arith.extui %sign3A_305 : vector<16xi1> to vector<16xi32>
      %sign3A_307 = arith.constant 0 : i32
      %sign3A_308 = vector.broadcast %sign3A_307 : i32 to vector<16xi32>
      %sign3A_309 = arith.cmpi slt, %get3A_299, %sign3A_308 : vector<16xi32>
      %sign3A_310 = arith.extui %sign3A_309 : vector<16xi1> to vector<16xi32>
      %sign3A_311 = arith.subi %sign3A_306, %sign3A_310 : vector<16xi32>
      %sign3A_312 = arith.constant 0 : i32
      %sign3A_313 = arith.cmpi sgt, %jit3A_300, %sign3A_312 : i32
      %sign3A_314 = arith.extui %sign3A_313 : i1 to i32
      %sign3A_315 = arith.constant 0 : i32
      %sign3A_316 = arith.cmpi slt, %jit3A_300, %sign3A_315 : i32
      %sign3A_317 = arith.extui %sign3A_316 : i1 to i32
      %sign3A_318 = arith.subi %sign3A_314, %sign3A_317 : i32
      %ne3A_319 = vector.broadcast %sign3A_318 : i32 to vector<16xi32>
      %ne3A_320 = arith.cmpi ne, %sign3A_311, %ne3A_319 : vector<16xi32>
      %rem3A_321 = vector.broadcast %jit3A_300 : i32 to vector<16xi32>
      %rem3A_322 = arith.remsi %get3A_299, %rem3A_321 : vector<16xi32>
      %ne3A_323 = arith.constant 0 : i32
      %ne3A_324 = vector.broadcast %ne3A_323 : i32 to vector<16xi32>
      %ne3A_325 = arith.cmpi ne, %rem3A_322, %ne3A_324 : vector<16xi32>
      %and3A_326 = arith.andi %ne3A_320, %ne3A_325 : vector<16xi1>
      %sub3A_327 = arith.constant 1 : i32
      %sub3A_328 = vector.broadcast %sub3A_327 : i32 to vector<16xi32>
      %sub3A_329 = arith.subi %div3A_302, %sub3A_328 : vector<16xi32>
      %select_n3A_330 = arith.select %and3A_326, %sub3A_329, %div3A_302 : vector<16xi1>, vector<16xi32>
      %jit3A_331 = arith.constant 32 : i32
      %eq3A_332 = arith.constant 0 : i32
      %eq3A_333 = arith.cmpi eq, %jit3A_331, %eq3A_332 : i32
      %jit3A_334 = arith.constant 1 : i32
      %select_n3A_335 = arith.select %eq3A_333, %jit3A_334, %jit3A_331 : i32
      %rem3A_336 = vector.broadcast %select_n3A_335 : i32 to vector<16xi32>
      %rem3A_337 = arith.remsi %select_n3A_330, %rem3A_336 : vector<16xi32>
      %ne3A_338 = arith.constant 0 : i32
      %ne3A_339 = vector.broadcast %ne3A_338 : i32 to vector<16xi32>
      %ne3A_340 = arith.cmpi ne, %rem3A_337, %ne3A_339 : vector<16xi32>
      %lt3A_341 = arith.constant 0 : i32
      %lt3A_342 = vector.broadcast %lt3A_341 : i32 to vector<16xi32>
      %lt3A_343 = arith.cmpi slt, %rem3A_337, %lt3A_342 : vector<16xi32>
      %lt3A_344 = arith.constant 0 : i32
      %lt3A_345 = arith.cmpi slt, %select_n3A_335, %lt3A_344 : i32
      %ne3A_346 = vector.broadcast %lt3A_345 : i1 to vector<16xi1>
      %ne3A_347 = vector.broadcast %ne3A_346 : vector<16xi1> to vector<16xi1>
      %ne3A_348 = arith.xori %lt3A_343, %ne3A_347 : vector<16xi1>
      %and3A_349 = arith.andi %ne3A_348, %ne3A_340 : vector<16xi1>
      %add3A_350 = vector.broadcast %select_n3A_335 : i32 to vector<16xi32>
      %add3A_351 = arith.addi %rem3A_337, %add3A_350 : vector<16xi32>
      %select_n3A_352 = arith.select %and3A_349, %add3A_351, %rem3A_337 : vector<16xi1>, vector<16xi32>
      %eq3A_353 = vector.broadcast %add3A : i32 to vector<16xi32>
      %eq3A_354 = arith.cmpi eq, %select_n3A_352, %eq3A_353 : vector<16xi32>
      %mul3A_355 = arith.constant 16 : i32
      %mul3A_356 = arith.muli %scan3A_294, %mul3A_355 : i32
      %add3A_357 = arith.constant 4096 : i32
      %add3A_358 = arith.addi %add3A_357, %mul3A_356 : i32
      %add3A_359 = vector.broadcast %add3A_358 : i32 to vector<16xi32>
      %add3A_360 = arith.addi %add3A_359, %iota3A : vector<16xi32>
      %convert_element_type3A_361 = arith.extui %eq3A_354 : vector<16xi1> to vector<16xi32>
      %broadcast_in_dim3A_362 = arith.constant true
      %broadcast_in_dim3A_363 = vector.broadcast %broadcast_in_dim3A_362 : i1 to vector<16xi1>
      %masked_cumsum3A_364 = tpu.scan <sum>, %convert_element_type3A_361 masked %broadcast_in_dim3A_363 : vector<16xi32>, vector<16xi1> -> vector<16xi32>
      %mul3A_365 = vector.broadcast %select_n3A : i32 to vector<16xi32>
      %mul3A_366 = arith.muli %mul3A_365, %convert_element_type3A_361 : vector<16xi32>
      %add3A_367 = arith.addi %masked_cumsum3A_364, %mul3A_366 : vector<16xi32>
      %add3A_368 = vector.broadcast %scan3A_295 : i32 to vector<16xi32>
      %add3A_369 = arith.addi %add3A_368, %add3A_367 : vector<16xi32>
      %sub3A_370 = arith.constant 1 : i32
      %sub3A_371 = vector.broadcast %sub3A_370 : i32 to vector<16xi32>
      %sub3A_372 = arith.subi %add3A_369, %sub3A_371 : vector<16xi32>
      tpu.vector_store_idx %arg10[%sub3A_372], %get3A_299 masked %eq3A_354 : memref<704xi32, #tpu.memory_space<vmem>>[vector<16xi32>], vector<16xi32>, vector<16xi1>
      tpu.vector_store_idx %arg11[%sub3A_372], %add3A_360 masked %eq3A_354 : memref<704xi32, #tpu.memory_space<vmem>>[vector<16xi32>], vector<16xi32>, vector<16xi1>
      %slice3A_373 = vector.extract_strided_slice %add3A_367 {offsets = [15], sizes = [1], strides = [1]} : vector<16xi32> to vector<1xi32>
      %squeeze3A_374 = vector.extract %slice3A_373[0] : i32 from vector<1xi32>
      %add3A_375 = arith.addi %scan3A_295, %squeeze3A_374 : i32
      scf.yield %add3A_375 : i32
    }
    %scan3A_220 = arith.constant 128 : i32
    "tpu.region"() ({
      %run_scoped3A = tpu.sem_alloc : memref<!tpu.dma_semaphore, #tpu.memory_space<semaphore_mem>>
      %dma_start3A = arith.constant 6144 : i32
      %dma_start3A_294 = tpu.memref_slice %arg2[%dma_start3A] : memref<16384xi32, #tpu.memory_space<hbm>> -> memref<2048xi32, #tpu.memory_space<hbm>>
      %dma_start3A_295 = arith.constant 6144 : i32
      %dma_start3A_296 = tpu.memref_slice %arg2[%dma_start3A_295] : memref<16384xi32, #tpu.memory_space<hbm>> -> memref<2048xi32, #tpu.memory_space<hbm>>
      tpu.enqueue_dma source(%dma_start3A_296 : memref<2048xi32, #tpu.memory_space<hbm>>) target(%arg12 : memref<2048xi32, #tpu.memory_space<vmem>>) target_semaphore(%run_scoped3A : memref<!tpu.dma_semaphore, #tpu.memory_space<semaphore_mem>>)
      %dma_wait3A = arith.constant 6144 : i32
      %dma_wait3A_297 = tpu.memref_slice %arg2[%dma_wait3A] : memref<16384xi32, #tpu.memory_space<hbm>> -> memref<2048xi32, #tpu.memory_space<hbm>>
      %dma_wait3A_298 = arith.constant 6144 : i32
      %dma_wait3A_299 = tpu.memref_slice %arg2[%dma_wait3A_298] : memref<16384xi32, #tpu.memory_space<hbm>> -> memref<2048xi32, #tpu.memory_space<hbm>>
      tpu.wait_dma2 semaphore(%run_scoped3A : memref<!tpu.dma_semaphore, #tpu.memory_space<semaphore_mem>>) src(%dma_wait3A_299 : memref<2048xi32, #tpu.memory_space<hbm>>) dst(%arg12 : memref<2048xi32, #tpu.memory_space<vmem>>)
      tpu.yield
    }) : () -> ()
    %scan3A_221 = arith.constant 0 : i32
    %scan3A_222 = arith.constant 128 : i32
    %scan3A_223 = arith.addi %scan3A_221, %scan3A_222 : i32
    %scan3A_224 = arith.constant 1 : i32
    %scan3A_225 = scf.for %scan3A_294 = %scan3A_221 to %scan3A_223 step %scan3A_224 iter_args(%scan3A_295 = %scan3A_219) -> (i32)  : i32 {
      %mul3A_296 = arith.constant 16 : i32
      %mul3A_297 = arith.muli %scan3A_294, %mul3A_296 : i32
      %get3A_298 = arith.index_cast %mul3A_297 : i32 to index
      %get3A_299 = tpu.vector_load %arg12[%get3A_298] {strides = array<i32>} : memref<2048xi32, #tpu.memory_space<vmem>>, vector<16xi32>,
      %jit3A_300 = arith.constant 512 : i32
      %div3A_301 = vector.broadcast %jit3A_300 : i32 to vector<16xi32>
      %div3A_302 = arith.divsi %get3A_299, %div3A_301 : vector<16xi32>
      %sign3A_303 = arith.constant 0 : i32
      %sign3A_304 = vector.broadcast %sign3A_303 : i32 to vector<16xi32>
      %sign3A_305 = arith.cmpi sgt, %get3A_299, %sign3A_304 : vector<16xi32>
      %sign3A_306 = arith.extui %sign3A_305 : vector<16xi1> to vector<16xi32>
      %sign3A_307 = arith.constant 0 : i32
      %sign3A_308 = vector.broadcast %sign3A_307 : i32 to vector<16xi32>
      %sign3A_309 = arith.cmpi slt, %get3A_299, %sign3A_308 : vector<16xi32>
      %sign3A_310 = arith.extui %sign3A_309 : vector<16xi1> to vector<16xi32>
      %sign3A_311 = arith.subi %sign3A_306, %sign3A_310 : vector<16xi32>
      %sign3A_312 = arith.constant 0 : i32
      %sign3A_313 = arith.cmpi sgt, %jit3A_300, %sign3A_312 : i32
      %sign3A_314 = arith.extui %sign3A_313 : i1 to i32
      %sign3A_315 = arith.constant 0 : i32
      %sign3A_316 = arith.cmpi slt, %jit3A_300, %sign3A_315 : i32
      %sign3A_317 = arith.extui %sign3A_316 : i1 to i32
      %sign3A_318 = arith.subi %sign3A_314, %sign3A_317 : i32
      %ne3A_319 = vector.broadcast %sign3A_318 : i32 to vector<16xi32>
      %ne3A_320 = arith.cmpi ne, %sign3A_311, %ne3A_319 : vector<16xi32>
      %rem3A_321 = vector.broadcast %jit3A_300 : i32 to vector<16xi32>
      %rem3A_322 = arith.remsi %get3A_299, %rem3A_321 : vector<16xi32>
      %ne3A_323 = arith.constant 0 : i32
      %ne3A_324 = vector.broadcast %ne3A_323 : i32 to vector<16xi32>
      %ne3A_325 = arith.cmpi ne, %rem3A_322, %ne3A_324 : vector<16xi32>
      %and3A_326 = arith.andi %ne3A_320, %ne3A_325 : vector<16xi1>
      %sub3A_327 = arith.constant 1 : i32
      %sub3A_328 = vector.broadcast %sub3A_327 : i32 to vector<16xi32>
      %sub3A_329 = arith.subi %div3A_302, %sub3A_328 : vector<16xi32>
      %select_n3A_330 = arith.select %and3A_326, %sub3A_329, %div3A_302 : vector<16xi1>, vector<16xi32>
      %jit3A_331 = arith.constant 32 : i32
      %eq3A_332 = arith.constant 0 : i32
      %eq3A_333 = arith.cmpi eq, %jit3A_331, %eq3A_332 : i32
      %jit3A_334 = arith.constant 1 : i32
      %select_n3A_335 = arith.select %eq3A_333, %jit3A_334, %jit3A_331 : i32
      %rem3A_336 = vector.broadcast %select_n3A_335 : i32 to vector<16xi32>
      %rem3A_337 = arith.remsi %select_n3A_330, %rem3A_336 : vector<16xi32>
      %ne3A_338 = arith.constant 0 : i32
      %ne3A_339 = vector.broadcast %ne3A_338 : i32 to vector<16xi32>
      %ne3A_340 = arith.cmpi ne, %rem3A_337, %ne3A_339 : vector<16xi32>
      %lt3A_341 = arith.constant 0 : i32
      %lt3A_342 = vector.broadcast %lt3A_341 : i32 to vector<16xi32>
      %lt3A_343 = arith.cmpi slt, %rem3A_337, %lt3A_342 : vector<16xi32>
      %lt3A_344 = arith.constant 0 : i32
      %lt3A_345 = arith.cmpi slt, %select_n3A_335, %lt3A_344 : i32
      %ne3A_346 = vector.broadcast %lt3A_345 : i1 to vector<16xi1>
      %ne3A_347 = vector.broadcast %ne3A_346 : vector<16xi1> to vector<16xi1>
      %ne3A_348 = arith.xori %lt3A_343, %ne3A_347 : vector<16xi1>
      %and3A_349 = arith.andi %ne3A_348, %ne3A_340 : vector<16xi1>
      %add3A_350 = vector.broadcast %select_n3A_335 : i32 to vector<16xi32>
      %add3A_351 = arith.addi %rem3A_337, %add3A_350 : vector<16xi32>
      %select_n3A_352 = arith.select %and3A_349, %add3A_351, %rem3A_337 : vector<16xi1>, vector<16xi32>
      %eq3A_353 = vector.broadcast %add3A : i32 to vector<16xi32>
      %eq3A_354 = arith.cmpi eq, %select_n3A_352, %eq3A_353 : vector<16xi32>
      %mul3A_355 = arith.constant 16 : i32
      %mul3A_356 = arith.muli %scan3A_294, %mul3A_355 : i32
      %add3A_357 = arith.constant 6144 : i32
      %add3A_358 = arith.addi %add3A_357, %mul3A_356 : i32
      %add3A_359 = vector.broadcast %add3A_358 : i32 to vector<16xi32>
      %add3A_360 = arith.addi %add3A_359, %iota3A : vector<16xi32>
      %convert_element_type3A_361 = arith.extui %eq3A_354 : vector<16xi1> to vector<16xi32>
      %broadcast_in_dim3A_362 = arith.constant true
      %broadcast_in_dim3A_363 = vector.broadcast %broadcast_in_dim3A_362 : i1 to vector<16xi1>
      %masked_cumsum3A_364 = tpu.scan <sum>, %convert_element_type3A_361 masked %broadcast_in_dim3A_363 : vector<16xi32>, vector<16xi1> -> vector<16xi32>
      %mul3A_365 = vector.broadcast %select_n3A : i32 to vector<16xi32>
      %mul3A_366 = arith.muli %mul3A_365, %convert_element_type3A_361 : vector<16xi32>
      %add3A_367 = arith.addi %masked_cumsum3A_364, %mul3A_366 : vector<16xi32>
      %add3A_368 = vector.broadcast %scan3A_295 : i32 to vector<16xi32>
      %add3A_369 = arith.addi %add3A_368, %add3A_367 : vector<16xi32>
      %sub3A_370 = arith.constant 1 : i32
      %sub3A_371 = vector.broadcast %sub3A_370 : i32 to vector<16xi32>
      %sub3A_372 = arith.subi %add3A_369, %sub3A_371 : vector<16xi32>
      tpu.vector_store_idx %arg10[%sub3A_372], %get3A_299 masked %eq3A_354 : memref<704xi32, #tpu.memory_space<vmem>>[vector<16xi32>], vector<16xi32>, vector<16xi1>
      tpu.vector_store_idx %arg11[%sub3A_372], %add3A_360 masked %eq3A_354 : memref<704xi32, #tpu.memory_space<vmem>>[vector<16xi32>], vector<16xi32>, vector<16xi1>
      %slice3A_373 = vector.extract_strided_slice %add3A_367 {offsets = [15], sizes = [1], strides = [1]} : vector<16xi32> to vector<1xi32>
      %squeeze3A_374 = vector.extract %slice3A_373[0] : i32 from vector<1xi32>
      %add3A_375 = arith.addi %scan3A_295, %squeeze3A_374 : i32
      scf.yield %add3A_375 : i32
    }
    %scan3A_226 = arith.constant 128 : i32
    "tpu.region"() ({
      %run_scoped3A = tpu.sem_alloc : memref<!tpu.dma_semaphore, #tpu.memory_space<semaphore_mem>>
      %dma_start3A = arith.constant 8192 : i32
      %dma_start3A_294 = tpu.memref_slice %arg2[%dma_start3A] : memref<16384xi32, #tpu.memory_space<hbm>> -> memref<2048xi32, #tpu.memory_space<hbm>>
      %dma_start3A_295 = arith.constant 8192 : i32
      %dma_start3A_296 = tpu.memref_slice %arg2[%dma_start3A_295] : memref<16384xi32, #tpu.memory_space<hbm>> -> memref<2048xi32, #tpu.memory_space<hbm>>
      tpu.enqueue_dma source(%dma_start3A_296 : memref<2048xi32, #tpu.memory_space<hbm>>) target(%arg12 : memref<2048xi32, #tpu.memory_space<vmem>>) target_semaphore(%run_scoped3A : memref<!tpu.dma_semaphore, #tpu.memory_space<semaphore_mem>>)
      %dma_wait3A = arith.constant 8192 : i32
      %dma_wait3A_297 = tpu.memref_slice %arg2[%dma_wait3A] : memref<16384xi32, #tpu.memory_space<hbm>> -> memref<2048xi32, #tpu.memory_space<hbm>>
      %dma_wait3A_298 = arith.constant 8192 : i32
      %dma_wait3A_299 = tpu.memref_slice %arg2[%dma_wait3A_298] : memref<16384xi32, #tpu.memory_space<hbm>> -> memref<2048xi32, #tpu.memory_space<hbm>>
      tpu.wait_dma2 semaphore(%run_scoped3A : memref<!tpu.dma_semaphore, #tpu.memory_space<semaphore_mem>>) src(%dma_wait3A_299 : memref<2048xi32, #tpu.memory_space<hbm>>) dst(%arg12 : memref<2048xi32, #tpu.memory_space<vmem>>)
      tpu.yield
    }) : () -> ()
    %scan3A_227 = arith.constant 0 : i32
    %scan3A_228 = arith.constant 128 : i32
    %scan3A_229 = arith.addi %scan3A_227, %scan3A_228 : i32
    %scan3A_230 = arith.constant 1 : i32
    %scan3A_231 = scf.for %scan3A_294 = %scan3A_227 to %scan3A_229 step %scan3A_230 iter_args(%scan3A_295 = %scan3A_225) -> (i32)  : i32 {
      %mul3A_296 = arith.constant 16 : i32
      %mul3A_297 = arith.muli %scan3A_294, %mul3A_296 : i32
      %get3A_298 = arith.index_cast %mul3A_297 : i32 to index
      %get3A_299 = tpu.vector_load %arg12[%get3A_298] {strides = array<i32>} : memref<2048xi32, #tpu.memory_space<vmem>>, vector<16xi32>,
      %jit3A_300 = arith.constant 512 : i32
      %div3A_301 = vector.broadcast %jit3A_300 : i32 to vector<16xi32>
      %div3A_302 = arith.divsi %get3A_299, %div3A_301 : vector<16xi32>
      %sign3A_303 = arith.constant 0 : i32
      %sign3A_304 = vector.broadcast %sign3A_303 : i32 to vector<16xi32>
      %sign3A_305 = arith.cmpi sgt, %get3A_299, %sign3A_304 : vector<16xi32>
      %sign3A_306 = arith.extui %sign3A_305 : vector<16xi1> to vector<16xi32>
      %sign3A_307 = arith.constant 0 : i32
      %sign3A_308 = vector.broadcast %sign3A_307 : i32 to vector<16xi32>
      %sign3A_309 = arith.cmpi slt, %get3A_299, %sign3A_308 : vector<16xi32>
      %sign3A_310 = arith.extui %sign3A_309 : vector<16xi1> to vector<16xi32>
      %sign3A_311 = arith.subi %sign3A_306, %sign3A_310 : vector<16xi32>
      %sign3A_312 = arith.constant 0 : i32
      %sign3A_313 = arith.cmpi sgt, %jit3A_300, %sign3A_312 : i32
      %sign3A_314 = arith.extui %sign3A_313 : i1 to i32
      %sign3A_315 = arith.constant 0 : i32
      %sign3A_316 = arith.cmpi slt, %jit3A_300, %sign3A_315 : i32
      %sign3A_317 = arith.extui %sign3A_316 : i1 to i32
      %sign3A_318 = arith.subi %sign3A_314, %sign3A_317 : i32
      %ne3A_319 = vector.broadcast %sign3A_318 : i32 to vector<16xi32>
      %ne3A_320 = arith.cmpi ne, %sign3A_311, %ne3A_319 : vector<16xi32>
      %rem3A_321 = vector.broadcast %jit3A_300 : i32 to vector<16xi32>
      %rem3A_322 = arith.remsi %get3A_299, %rem3A_321 : vector<16xi32>
      %ne3A_323 = arith.constant 0 : i32
      %ne3A_324 = vector.broadcast %ne3A_323 : i32 to vector<16xi32>
      %ne3A_325 = arith.cmpi ne, %rem3A_322, %ne3A_324 : vector<16xi32>
      %and3A_326 = arith.andi %ne3A_320, %ne3A_325 : vector<16xi1>
      %sub3A_327 = arith.constant 1 : i32
      %sub3A_328 = vector.broadcast %sub3A_327 : i32 to vector<16xi32>
      %sub3A_329 = arith.subi %div3A_302, %sub3A_328 : vector<16xi32>
      %select_n3A_330 = arith.select %and3A_326, %sub3A_329, %div3A_302 : vector<16xi1>, vector<16xi32>
      %jit3A_331 = arith.constant 32 : i32
      %eq3A_332 = arith.constant 0 : i32
      %eq3A_333 = arith.cmpi eq, %jit3A_331, %eq3A_332 : i32
      %jit3A_334 = arith.constant 1 : i32
      %select_n3A_335 = arith.select %eq3A_333, %jit3A_334, %jit3A_331 : i32
      %rem3A_336 = vector.broadcast %select_n3A_335 : i32 to vector<16xi32>
      %rem3A_337 = arith.remsi %select_n3A_330, %rem3A_336 : vector<16xi32>
      %ne3A_338 = arith.constant 0 : i32
      %ne3A_339 = vector.broadcast %ne3A_338 : i32 to vector<16xi32>
      %ne3A_340 = arith.cmpi ne, %rem3A_337, %ne3A_339 : vector<16xi32>
      %lt3A_341 = arith.constant 0 : i32
      %lt3A_342 = vector.broadcast %lt3A_341 : i32 to vector<16xi32>
      %lt3A_343 = arith.cmpi slt, %rem3A_337, %lt3A_342 : vector<16xi32>
      %lt3A_344 = arith.constant 0 : i32
      %lt3A_345 = arith.cmpi slt, %select_n3A_335, %lt3A_344 : i32
      %ne3A_346 = vector.broadcast %lt3A_345 : i1 to vector<16xi1>
      %ne3A_347 = vector.broadcast %ne3A_346 : vector<16xi1> to vector<16xi1>
      %ne3A_348 = arith.xori %lt3A_343, %ne3A_347 : vector<16xi1>
      %and3A_349 = arith.andi %ne3A_348, %ne3A_340 : vector<16xi1>
      %add3A_350 = vector.broadcast %select_n3A_335 : i32 to vector<16xi32>
      %add3A_351 = arith.addi %rem3A_337, %add3A_350 : vector<16xi32>
      %select_n3A_352 = arith.select %and3A_349, %add3A_351, %rem3A_337 : vector<16xi1>, vector<16xi32>
      %eq3A_353 = vector.broadcast %add3A : i32 to vector<16xi32>
      %eq3A_354 = arith.cmpi eq, %select_n3A_352, %eq3A_353 : vector<16xi32>
      %mul3A_355 = arith.constant 16 : i32
      %mul3A_356 = arith.muli %scan3A_294, %mul3A_355 : i32
      %add3A_357 = arith.constant 8192 : i32
      %add3A_358 = arith.addi %add3A_357, %mul3A_356 : i32
      %add3A_359 = vector.broadcast %add3A_358 : i32 to vector<16xi32>
      %add3A_360 = arith.addi %add3A_359, %iota3A : vector<16xi32>
      %convert_element_type3A_361 = arith.extui %eq3A_354 : vector<16xi1> to vector<16xi32>
      %broadcast_in_dim3A_362 = arith.constant true
      %broadcast_in_dim3A_363 = vector.broadcast %broadcast_in_dim3A_362 : i1 to vector<16xi1>
      %masked_cumsum3A_364 = tpu.scan <sum>, %convert_element_type3A_361 masked %broadcast_in_dim3A_363 : vector<16xi32>, vector<16xi1> -> vector<16xi32>
      %mul3A_365 = vector.broadcast %select_n3A : i32 to vector<16xi32>
      %mul3A_366 = arith.muli %mul3A_365, %convert_element_type3A_361 : vector<16xi32>
      %add3A_367 = arith.addi %masked_cumsum3A_364, %mul3A_366 : vector<16xi32>
      %add3A_368 = vector.broadcast %scan3A_295 : i32 to vector<16xi32>
      %add3A_369 = arith.addi %add3A_368, %add3A_367 : vector<16xi32>
      %sub3A_370 = arith.constant 1 : i32
      %sub3A_371 = vector.broadcast %sub3A_370 : i32 to vector<16xi32>
      %sub3A_372 = arith.subi %add3A_369, %sub3A_371 : vector<16xi32>
      tpu.vector_store_idx %arg10[%sub3A_372], %get3A_299 masked %eq3A_354 : memref<704xi32, #tpu.memory_space<vmem>>[vector<16xi32>], vector<16xi32>, vector<16xi1>
      tpu.vector_store_idx %arg11[%sub3A_372], %add3A_360 masked %eq3A_354 : memref<704xi32, #tpu.memory_space<vmem>>[vector<16xi32>], vector<16xi32>, vector<16xi1>
      %slice3A_373 = vector.extract_strided_slice %add3A_367 {offsets = [15], sizes = [1], strides = [1]} : vector<16xi32> to vector<1xi32>
      %squeeze3A_374 = vector.extract %slice3A_373[0] : i32 from vector<1xi32>
      %add3A_375 = arith.addi %scan3A_295, %squeeze3A_374 : i32
      scf.yield %add3A_375 : i32
    }
    %scan3A_232 = arith.constant 128 : i32
    "tpu.region"() ({
      %run_scoped3A = tpu.sem_alloc : memref<!tpu.dma_semaphore, #tpu.memory_space<semaphore_mem>>
      %dma_start3A = arith.constant 10240 : i32
      %dma_start3A_294 = tpu.memref_slice %arg2[%dma_start3A] : memref<16384xi32, #tpu.memory_space<hbm>> -> memref<2048xi32, #tpu.memory_space<hbm>>
      %dma_start3A_295 = arith.constant 10240 : i32
      %dma_start3A_296 = tpu.memref_slice %arg2[%dma_start3A_295] : memref<16384xi32, #tpu.memory_space<hbm>> -> memref<2048xi32, #tpu.memory_space<hbm>>
      tpu.enqueue_dma source(%dma_start3A_296 : memref<2048xi32, #tpu.memory_space<hbm>>) target(%arg12 : memref<2048xi32, #tpu.memory_space<vmem>>) target_semaphore(%run_scoped3A : memref<!tpu.dma_semaphore, #tpu.memory_space<semaphore_mem>>)
      %dma_wait3A = arith.constant 10240 : i32
      %dma_wait3A_297 = tpu.memref_slice %arg2[%dma_wait3A] : memref<16384xi32, #tpu.memory_space<hbm>> -> memref<2048xi32, #tpu.memory_space<hbm>>
      %dma_wait3A_298 = arith.constant 10240 : i32
      %dma_wait3A_299 = tpu.memref_slice %arg2[%dma_wait3A_298] : memref<16384xi32, #tpu.memory_space<hbm>> -> memref<2048xi32, #tpu.memory_space<hbm>>
      tpu.wait_dma2 semaphore(%run_scoped3A : memref<!tpu.dma_semaphore, #tpu.memory_space<semaphore_mem>>) src(%dma_wait3A_299 : memref<2048xi32, #tpu.memory_space<hbm>>) dst(%arg12 : memref<2048xi32, #tpu.memory_space<vmem>>)
      tpu.yield
    }) : () -> ()
    %scan3A_233 = arith.constant 0 : i32
    %scan3A_234 = arith.constant 128 : i32
    %scan3A_235 = arith.addi %scan3A_233, %scan3A_234 : i32
    %scan3A_236 = arith.constant 1 : i32
    %scan3A_237 = scf.for %scan3A_294 = %scan3A_233 to %scan3A_235 step %scan3A_236 iter_args(%scan3A_295 = %scan3A_231) -> (i32)  : i32 {
      %mul3A_296 = arith.constant 16 : i32
      %mul3A_297 = arith.muli %scan3A_294, %mul3A_296 : i32
      %get3A_298 = arith.index_cast %mul3A_297 : i32 to index
      %get3A_299 = tpu.vector_load %arg12[%get3A_298] {strides = array<i32>} : memref<2048xi32, #tpu.memory_space<vmem>>, vector<16xi32>,
      %jit3A_300 = arith.constant 512 : i32
      %div3A_301 = vector.broadcast %jit3A_300 : i32 to vector<16xi32>
      %div3A_302 = arith.divsi %get3A_299, %div3A_301 : vector<16xi32>
      %sign3A_303 = arith.constant 0 : i32
      %sign3A_304 = vector.broadcast %sign3A_303 : i32 to vector<16xi32>
      %sign3A_305 = arith.cmpi sgt, %get3A_299, %sign3A_304 : vector<16xi32>
      %sign3A_306 = arith.extui %sign3A_305 : vector<16xi1> to vector<16xi32>
      %sign3A_307 = arith.constant 0 : i32
      %sign3A_308 = vector.broadcast %sign3A_307 : i32 to vector<16xi32>
      %sign3A_309 = arith.cmpi slt, %get3A_299, %sign3A_308 : vector<16xi32>
      %sign3A_310 = arith.extui %sign3A_309 : vector<16xi1> to vector<16xi32>
      %sign3A_311 = arith.subi %sign3A_306, %sign3A_310 : vector<16xi32>
      %sign3A_312 = arith.constant 0 : i32
      %sign3A_313 = arith.cmpi sgt, %jit3A_300, %sign3A_312 : i32
      %sign3A_314 = arith.extui %sign3A_313 : i1 to i32
      %sign3A_315 = arith.constant 0 : i32
      %sign3A_316 = arith.cmpi slt, %jit3A_300, %sign3A_315 : i32
      %sign3A_317 = arith.extui %sign3A_316 : i1 to i32
      %sign3A_318 = arith.subi %sign3A_314, %sign3A_317 : i32
      %ne3A_319 = vector.broadcast %sign3A_318 : i32 to vector<16xi32>
      %ne3A_320 = arith.cmpi ne, %sign3A_311, %ne3A_319 : vector<16xi32>
      %rem3A_321 = vector.broadcast %jit3A_300 : i32 to vector<16xi32>
      %rem3A_322 = arith.remsi %get3A_299, %rem3A_321 : vector<16xi32>
      %ne3A_323 = arith.constant 0 : i32
      %ne3A_324 = vector.broadcast %ne3A_323 : i32 to vector<16xi32>
      %ne3A_325 = arith.cmpi ne, %rem3A_322, %ne3A_324 : vector<16xi32>
      %and3A_326 = arith.andi %ne3A_320, %ne3A_325 : vector<16xi1>
      %sub3A_327 = arith.constant 1 : i32
      %sub3A_328 = vector.broadcast %sub3A_327 : i32 to vector<16xi32>
      %sub3A_329 = arith.subi %div3A_302, %sub3A_328 : vector<16xi32>
      %select_n3A_330 = arith.select %and3A_326, %sub3A_329, %div3A_302 : vector<16xi1>, vector<16xi32>
      %jit3A_331 = arith.constant 32 : i32
      %eq3A_332 = arith.constant 0 : i32
      %eq3A_333 = arith.cmpi eq, %jit3A_331, %eq3A_332 : i32
      %jit3A_334 = arith.constant 1 : i32
      %select_n3A_335 = arith.select %eq3A_333, %jit3A_334, %jit3A_331 : i32
      %rem3A_336 = vector.broadcast %select_n3A_335 : i32 to vector<16xi32>
      %rem3A_337 = arith.remsi %select_n3A_330, %rem3A_336 : vector<16xi32>
      %ne3A_338 = arith.constant 0 : i32
      %ne3A_339 = vector.broadcast %ne3A_338 : i32 to vector<16xi32>
      %ne3A_340 = arith.cmpi ne, %rem3A_337, %ne3A_339 : vector<16xi32>
      %lt3A_341 = arith.constant 0 : i32
      %lt3A_342 = vector.broadcast %lt3A_341 : i32 to vector<16xi32>
      %lt3A_343 = arith.cmpi slt, %rem3A_337, %lt3A_342 : vector<16xi32>
      %lt3A_344 = arith.constant 0 : i32
      %lt3A_345 = arith.cmpi slt, %select_n3A_335, %lt3A_344 : i32
      %ne3A_346 = vector.broadcast %lt3A_345 : i1 to vector<16xi1>
      %ne3A_347 = vector.broadcast %ne3A_346 : vector<16xi1> to vector<16xi1>
      %ne3A_348 = arith.xori %lt3A_343, %ne3A_347 : vector<16xi1>
      %and3A_349 = arith.andi %ne3A_348, %ne3A_340 : vector<16xi1>
      %add3A_350 = vector.broadcast %select_n3A_335 : i32 to vector<16xi32>
      %add3A_351 = arith.addi %rem3A_337, %add3A_350 : vector<16xi32>
      %select_n3A_352 = arith.select %and3A_349, %add3A_351, %rem3A_337 : vector<16xi1>, vector<16xi32>
      %eq3A_353 = vector.broadcast %add3A : i32 to vector<16xi32>
      %eq3A_354 = arith.cmpi eq, %select_n3A_352, %eq3A_353 : vector<16xi32>
      %mul3A_355 = arith.constant 16 : i32
      %mul3A_356 = arith.muli %scan3A_294, %mul3A_355 : i32
      %add3A_357 = arith.constant 10240 : i32
      %add3A_358 = arith.addi %add3A_357, %mul3A_356 : i32
      %add3A_359 = vector.broadcast %add3A_358 : i32 to vector<16xi32>
      %add3A_360 = arith.addi %add3A_359, %iota3A : vector<16xi32>
      %convert_element_type3A_361 = arith.extui %eq3A_354 : vector<16xi1> to vector<16xi32>
      %broadcast_in_dim3A_362 = arith.constant true
      %broadcast_in_dim3A_363 = vector.broadcast %broadcast_in_dim3A_362 : i1 to vector<16xi1>
      %masked_cumsum3A_364 = tpu.scan <sum>, %convert_element_type3A_361 masked %broadcast_in_dim3A_363 : vector<16xi32>, vector<16xi1> -> vector<16xi32>
      %mul3A_365 = vector.broadcast %select_n3A : i32 to vector<16xi32>
      %mul3A_366 = arith.muli %mul3A_365, %convert_element_type3A_361 : vector<16xi32>
      %add3A_367 = arith.addi %masked_cumsum3A_364, %mul3A_366 : vector<16xi32>
      %add3A_368 = vector.broadcast %scan3A_295 : i32 to vector<16xi32>
      %add3A_369 = arith.addi %add3A_368, %add3A_367 : vector<16xi32>
      %sub3A_370 = arith.constant 1 : i32
      %sub3A_371 = vector.broadcast %sub3A_370 : i32 to vector<16xi32>
      %sub3A_372 = arith.subi %add3A_369, %sub3A_371 : vector<16xi32>
      tpu.vector_store_idx %arg10[%sub3A_372], %get3A_299 masked %eq3A_354 : memref<704xi32, #tpu.memory_space<vmem>>[vector<16xi32>], vector<16xi32>, vector<16xi1>
      tpu.vector_store_idx %arg11[%sub3A_372], %add3A_360 masked %eq3A_354 : memref<704xi32, #tpu.memory_space<vmem>>[vector<16xi32>], vector<16xi32>, vector<16xi1>
      %slice3A_373 = vector.extract_strided_slice %add3A_367 {offsets = [15], sizes = [1], strides = [1]} : vector<16xi32> to vector<1xi32>
      %squeeze3A_374 = vector.extract %slice3A_373[0] : i32 from vector<1xi32>
      %add3A_375 = arith.addi %scan3A_295, %squeeze3A_374 : i32
      scf.yield %add3A_375 : i32
    }
    %scan3A_238 = arith.constant 128 : i32
    "tpu.region"() ({
      %run_scoped3A = tpu.sem_alloc : memref<!tpu.dma_semaphore, #tpu.memory_space<semaphore_mem>>
      %dma_start3A = arith.constant 12288 : i32
      %dma_start3A_294 = tpu.memref_slice %arg2[%dma_start3A] : memref<16384xi32, #tpu.memory_space<hbm>> -> memref<2048xi32, #tpu.memory_space<hbm>>
      %dma_start3A_295 = arith.constant 12288 : i32
      %dma_start3A_296 = tpu.memref_slice %arg2[%dma_start3A_295] : memref<16384xi32, #tpu.memory_space<hbm>> -> memref<2048xi32, #tpu.memory_space<hbm>>
      tpu.enqueue_dma source(%dma_start3A_296 : memref<2048xi32, #tpu.memory_space<hbm>>) target(%arg12 : memref<2048xi32, #tpu.memory_space<vmem>>) target_semaphore(%run_scoped3A : memref<!tpu.dma_semaphore, #tpu.memory_space<semaphore_mem>>)
      %dma_wait3A = arith.constant 12288 : i32
      %dma_wait3A_297 = tpu.memref_slice %arg2[%dma_wait3A] : memref<16384xi32, #tpu.memory_space<hbm>> -> memref<2048xi32, #tpu.memory_space<hbm>>
      %dma_wait3A_298 = arith.constant 12288 : i32
      %dma_wait3A_299 = tpu.memref_slice %arg2[%dma_wait3A_298] : memref<16384xi32, #tpu.memory_space<hbm>> -> memref<2048xi32, #tpu.memory_space<hbm>>
      tpu.wait_dma2 semaphore(%run_scoped3A : memref<!tpu.dma_semaphore, #tpu.memory_space<semaphore_mem>>) src(%dma_wait3A_299 : memref<2048xi32, #tpu.memory_space<hbm>>) dst(%arg12 : memref<2048xi32, #tpu.memory_space<vmem>>)
      tpu.yield
    }) : () -> ()
    %scan3A_239 = arith.constant 0 : i32
    %scan3A_240 = arith.constant 128 : i32
    %scan3A_241 = arith.addi %scan3A_239, %scan3A_240 : i32
    %scan3A_242 = arith.constant 1 : i32
    %scan3A_243 = scf.for %scan3A_294 = %scan3A_239 to %scan3A_241 step %scan3A_242 iter_args(%scan3A_295 = %scan3A_237) -> (i32)  : i32 {
      %mul3A_296 = arith.constant 16 : i32
      %mul3A_297 = arith.muli %scan3A_294, %mul3A_296 : i32
      %get3A_298 = arith.index_cast %mul3A_297 : i32 to index
      %get3A_299 = tpu.vector_load %arg12[%get3A_298] {strides = array<i32>} : memref<2048xi32, #tpu.memory_space<vmem>>, vector<16xi32>,
      %jit3A_300 = arith.constant 512 : i32
      %div3A_301 = vector.broadcast %jit3A_300 : i32 to vector<16xi32>
      %div3A_302 = arith.divsi %get3A_299, %div3A_301 : vector<16xi32>
      %sign3A_303 = arith.constant 0 : i32
      %sign3A_304 = vector.broadcast %sign3A_303 : i32 to vector<16xi32>
      %sign3A_305 = arith.cmpi sgt, %get3A_299, %sign3A_304 : vector<16xi32>
      %sign3A_306 = arith.extui %sign3A_305 : vector<16xi1> to vector<16xi32>
      %sign3A_307 = arith.constant 0 : i32
      %sign3A_308 = vector.broadcast %sign3A_307 : i32 to vector<16xi32>
      %sign3A_309 = arith.cmpi slt, %get3A_299, %sign3A_308 : vector<16xi32>
      %sign3A_310 = arith.extui %sign3A_309 : vector<16xi1> to vector<16xi32>
      %sign3A_311 = arith.subi %sign3A_306, %sign3A_310 : vector<16xi32>
      %sign3A_312 = arith.constant 0 : i32
      %sign3A_313 = arith.cmpi sgt, %jit3A_300, %sign3A_312 : i32
      %sign3A_314 = arith.extui %sign3A_313 : i1 to i32
      %sign3A_315 = arith.constant 0 : i32
      %sign3A_316 = arith.cmpi slt, %jit3A_300, %sign3A_315 : i32
      %sign3A_317 = arith.extui %sign3A_316 : i1 to i32
      %sign3A_318 = arith.subi %sign3A_314, %sign3A_317 : i32
      %ne3A_319 = vector.broadcast %sign3A_318 : i32 to vector<16xi32>
      %ne3A_320 = arith.cmpi ne, %sign3A_311, %ne3A_319 : vector<16xi32>
      %rem3A_321 = vector.broadcast %jit3A_300 : i32 to vector<16xi32>
      %rem3A_322 = arith.remsi %get3A_299, %rem3A_321 : vector<16xi32>
      %ne3A_323 = arith.constant 0 : i32
      %ne3A_324 = vector.broadcast %ne3A_323 : i32 to vector<16xi32>
      %ne3A_325 = arith.cmpi ne, %rem3A_322, %ne3A_324 : vector<16xi32>
      %and3A_326 = arith.andi %ne3A_320, %ne3A_325 : vector<16xi1>
      %sub3A_327 = arith.constant 1 : i32
      %sub3A_328 = vector.broadcast %sub3A_327 : i32 to vector<16xi32>
      %sub3A_329 = arith.subi %div3A_302, %sub3A_328 : vector<16xi32>
      %select_n3A_330 = arith.select %and3A_326, %sub3A_329, %div3A_302 : vector<16xi1>, vector<16xi32>
      %jit3A_331 = arith.constant 32 : i32
      %eq3A_332 = arith.constant 0 : i32
      %eq3A_333 = arith.cmpi eq, %jit3A_331, %eq3A_332 : i32
      %jit3A_334 = arith.constant 1 : i32
      %select_n3A_335 = arith.select %eq3A_333, %jit3A_334, %jit3A_331 : i32
      %rem3A_336 = vector.broadcast %select_n3A_335 : i32 to vector<16xi32>
      %rem3A_337 = arith.remsi %select_n3A_330, %rem3A_336 : vector<16xi32>
      %ne3A_338 = arith.constant 0 : i32
      %ne3A_339 = vector.broadcast %ne3A_338 : i32 to vector<16xi32>
      %ne3A_340 = arith.cmpi ne, %rem3A_337, %ne3A_339 : vector<16xi32>
      %lt3A_341 = arith.constant 0 : i32
      %lt3A_342 = vector.broadcast %lt3A_341 : i32 to vector<16xi32>
      %lt3A_343 = arith.cmpi slt, %rem3A_337, %lt3A_342 : vector<16xi32>
      %lt3A_344 = arith.constant 0 : i32
      %lt3A_345 = arith.cmpi slt, %select_n3A_335, %lt3A_344 : i32
      %ne3A_346 = vector.broadcast %lt3A_345 : i1 to vector<16xi1>
      %ne3A_347 = vector.broadcast %ne3A_346 : vector<16xi1> to vector<16xi1>
      %ne3A_348 = arith.xori %lt3A_343, %ne3A_347 : vector<16xi1>
      %and3A_349 = arith.andi %ne3A_348, %ne3A_340 : vector<16xi1>
      %add3A_350 = vector.broadcast %select_n3A_335 : i32 to vector<16xi32>
      %add3A_351 = arith.addi %rem3A_337, %add3A_350 : vector<16xi32>
      %select_n3A_352 = arith.select %and3A_349, %add3A_351, %rem3A_337 : vector<16xi1>, vector<16xi32>
      %eq3A_353 = vector.broadcast %add3A : i32 to vector<16xi32>
      %eq3A_354 = arith.cmpi eq, %select_n3A_352, %eq3A_353 : vector<16xi32>
      %mul3A_355 = arith.constant 16 : i32
      %mul3A_356 = arith.muli %scan3A_294, %mul3A_355 : i32
      %add3A_357 = arith.constant 12288 : i32
      %add3A_358 = arith.addi %add3A_357, %mul3A_356 : i32
      %add3A_359 = vector.broadcast %add3A_358 : i32 to vector<16xi32>
      %add3A_360 = arith.addi %add3A_359, %iota3A : vector<16xi32>
      %convert_element_type3A_361 = arith.extui %eq3A_354 : vector<16xi1> to vector<16xi32>
      %broadcast_in_dim3A_362 = arith.constant true
      %broadcast_in_dim3A_363 = vector.broadcast %broadcast_in_dim3A_362 : i1 to vector<16xi1>
      %masked_cumsum3A_364 = tpu.scan <sum>, %convert_element_type3A_361 masked %broadcast_in_dim3A_363 : vector<16xi32>, vector<16xi1> -> vector<16xi32>
      %mul3A_365 = vector.broadcast %select_n3A : i32 to vector<16xi32>
      %mul3A_366 = arith.muli %mul3A_365, %convert_element_type3A_361 : vector<16xi32>
      %add3A_367 = arith.addi %masked_cumsum3A_364, %mul3A_366 : vector<16xi32>
      %add3A_368 = vector.broadcast %scan3A_295 : i32 to vector<16xi32>
      %add3A_369 = arith.addi %add3A_368, %add3A_367 : vector<16xi32>
      %sub3A_370 = arith.constant 1 : i32
      %sub3A_371 = vector.broadcast %sub3A_370 : i32 to vector<16xi32>
      %sub3A_372 = arith.subi %add3A_369, %sub3A_371 : vector<16xi32>
      tpu.vector_store_idx %arg10[%sub3A_372], %get3A_299 masked %eq3A_354 : memref<704xi32, #tpu.memory_space<vmem>>[vector<16xi32>], vector<16xi32>, vector<16xi1>
      tpu.vector_store_idx %arg11[%sub3A_372], %add3A_360 masked %eq3A_354 : memref<704xi32, #tpu.memory_space<vmem>>[vector<16xi32>], vector<16xi32>, vector<16xi1>
      %slice3A_373 = vector.extract_strided_slice %add3A_367 {offsets = [15], sizes = [1], strides = [1]} : vector<16xi32> to vector<1xi32>
      %squeeze3A_374 = vector.extract %slice3A_373[0] : i32 from vector<1xi32>
      %add3A_375 = arith.addi %scan3A_295, %squeeze3A_374 : i32
      scf.yield %add3A_375 : i32
    }
    %scan3A_244 = arith.constant 128 : i32
    "tpu.region"() ({
      %run_scoped3A = tpu.sem_alloc : memref<!tpu.dma_semaphore, #tpu.memory_space<semaphore_mem>>
      %dma_start3A = arith.constant 14336 : i32
      %dma_start3A_294 = tpu.memref_slice %arg2[%dma_start3A] : memref<16384xi32, #tpu.memory_space<hbm>> -> memref<2048xi32, #tpu.memory_space<hbm>>
      %dma_start3A_295 = arith.constant 14336 : i32
      %dma_start3A_296 = tpu.memref_slice %arg2[%dma_start3A_295] : memref<16384xi32, #tpu.memory_space<hbm>> -> memref<2048xi32, #tpu.memory_space<hbm>>
      tpu.enqueue_dma source(%dma_start3A_296 : memref<2048xi32, #tpu.memory_space<hbm>>) target(%arg12 : memref<2048xi32, #tpu.memory_space<vmem>>) target_semaphore(%run_scoped3A : memref<!tpu.dma_semaphore, #tpu.memory_space<semaphore_mem>>)
      %dma_wait3A = arith.constant 14336 : i32
      %dma_wait3A_297 = tpu.memref_slice %arg2[%dma_wait3A] : memref<16384xi32, #tpu.memory_space<hbm>> -> memref<2048xi32, #tpu.memory_space<hbm>>
      %dma_wait3A_298 = arith.constant 14336 : i32
      %dma_wait3A_299 = tpu.memref_slice %arg2[%dma_wait3A_298] : memref<16384xi32, #tpu.memory_space<hbm>> -> memref<2048xi32, #tpu.memory_space<hbm>>
      tpu.wait_dma2 semaphore(%run_scoped3A : memref<!tpu.dma_semaphore, #tpu.memory_space<semaphore_mem>>) src(%dma_wait3A_299 : memref<2048xi32, #tpu.memory_space<hbm>>) dst(%arg12 : memref<2048xi32, #tpu.memory_space<vmem>>)
      tpu.yield
    }) : () -> ()
    %scan3A_245 = arith.constant 0 : i32
    %scan3A_246 = arith.constant 128 : i32
    %scan3A_247 = arith.addi %scan3A_245, %scan3A_246 : i32
    %scan3A_248 = arith.constant 1 : i32
    %scan3A_249 = scf.for %scan3A_294 = %scan3A_245 to %scan3A_247 step %scan3A_248 iter_args(%scan3A_295 = %scan3A_243) -> (i32)  : i32 {
      %mul3A_296 = arith.constant 16 : i32
      %mul3A_297 = arith.muli %scan3A_294, %mul3A_296 : i32
      %get3A_298 = arith.index_cast %mul3A_297 : i32 to index
      %get3A_299 = tpu.vector_load %arg12[%get3A_298] {strides = array<i32>} : memref<2048xi32, #tpu.memory_space<vmem>>, vector<16xi32>,
      %jit3A_300 = arith.constant 512 : i32
      %div3A_301 = vector.broadcast %jit3A_300 : i32 to vector<16xi32>
      %div3A_302 = arith.divsi %get3A_299, %div3A_301 : vector<16xi32>
      %sign3A_303 = arith.constant 0 : i32
      %sign3A_304 = vector.broadcast %sign3A_303 : i32 to vector<16xi32>
      %sign3A_305 = arith.cmpi sgt, %get3A_299, %sign3A_304 : vector<16xi32>
      %sign3A_306 = arith.extui %sign3A_305 : vector<16xi1> to vector<16xi32>
      %sign3A_307 = arith.constant 0 : i32
      %sign3A_308 = vector.broadcast %sign3A_307 : i32 to vector<16xi32>
      %sign3A_309 = arith.cmpi slt, %get3A_299, %sign3A_308 : vector<16xi32>
      %sign3A_310 = arith.extui %sign3A_309 : vector<16xi1> to vector<16xi32>
      %sign3A_311 = arith.subi %sign3A_306, %sign3A_310 : vector<16xi32>
      %sign3A_312 = arith.constant 0 : i32
      %sign3A_313 = arith.cmpi sgt, %jit3A_300, %sign3A_312 : i32
      %sign3A_314 = arith.extui %sign3A_313 : i1 to i32
      %sign3A_315 = arith.constant 0 : i32
      %sign3A_316 = arith.cmpi slt, %jit3A_300, %sign3A_315 : i32
      %sign3A_317 = arith.extui %sign3A_316 : i1 to i32
      %sign3A_318 = arith.subi %sign3A_314, %sign3A_317 : i32
      %ne3A_319 = vector.broadcast %sign3A_318 : i32 to vector<16xi32>
      %ne3A_320 = arith.cmpi ne, %sign3A_311, %ne3A_319 : vector<16xi32>
      %rem3A_321 = vector.broadcast %jit3A_300 : i32 to vector<16xi32>
      %rem3A_322 = arith.remsi %get3A_299, %rem3A_321 : vector<16xi32>
      %ne3A_323 = arith.constant 0 : i32
      %ne3A_324 = vector.broadcast %ne3A_323 : i32 to vector<16xi32>
      %ne3A_325 = arith.cmpi ne, %rem3A_322, %ne3A_324 : vector<16xi32>
      %and3A_326 = arith.andi %ne3A_320, %ne3A_325 : vector<16xi1>
      %sub3A_327 = arith.constant 1 : i32
      %sub3A_328 = vector.broadcast %sub3A_327 : i32 to vector<16xi32>
      %sub3A_329 = arith.subi %div3A_302, %sub3A_328 : vector<16xi32>
      %select_n3A_330 = arith.select %and3A_326, %sub3A_329, %div3A_302 : vector<16xi1>, vector<16xi32>
      %jit3A_331 = arith.constant 32 : i32
      %eq3A_332 = arith.constant 0 : i32
      %eq3A_333 = arith.cmpi eq, %jit3A_331, %eq3A_332 : i32
      %jit3A_334 = arith.constant 1 : i32
      %select_n3A_335 = arith.select %eq3A_333, %jit3A_334, %jit3A_331 : i32
      %rem3A_336 = vector.broadcast %select_n3A_335 : i32 to vector<16xi32>
      %rem3A_337 = arith.remsi %select_n3A_330, %rem3A_336 : vector<16xi32>
      %ne3A_338 = arith.constant 0 : i32
      %ne3A_339 = vector.broadcast %ne3A_338 : i32 to vector<16xi32>
      %ne3A_340 = arith.cmpi ne, %rem3A_337, %ne3A_339 : vector<16xi32>
      %lt3A_341 = arith.constant 0 : i32
      %lt3A_342 = vector.broadcast %lt3A_341 : i32 to vector<16xi32>
      %lt3A_343 = arith.cmpi slt, %rem3A_337, %lt3A_342 : vector<16xi32>
      %lt3A_344 = arith.constant 0 : i32
      %lt3A_345 = arith.cmpi slt, %select_n3A_335, %lt3A_344 : i32
      %ne3A_346 = vector.broadcast %lt3A_345 : i1 to vector<16xi1>
      %ne3A_347 = vector.broadcast %ne3A_346 : vector<16xi1> to vector<16xi1>
      %ne3A_348 = arith.xori %lt3A_343, %ne3A_347 : vector<16xi1>
      %and3A_349 = arith.andi %ne3A_348, %ne3A_340 : vector<16xi1>
      %add3A_350 = vector.broadcast %select_n3A_335 : i32 to vector<16xi32>
      %add3A_351 = arith.addi %rem3A_337, %add3A_350 : vector<16xi32>
      %select_n3A_352 = arith.select %and3A_349, %add3A_351, %rem3A_337 : vector<16xi1>, vector<16xi32>
      %eq3A_353 = vector.broadcast %add3A : i32 to vector<16xi32>
      %eq3A_354 = arith.cmpi eq, %select_n3A_352, %eq3A_353 : vector<16xi32>
      %mul3A_355 = arith.constant 16 : i32
      %mul3A_356 = arith.muli %scan3A_294, %mul3A_355 : i32
      %add3A_357 = arith.constant 14336 : i32
      %add3A_358 = arith.addi %add3A_357, %mul3A_356 : i32
      %add3A_359 = vector.broadcast %add3A_358 : i32 to vector<16xi32>
      %add3A_360 = arith.addi %add3A_359, %iota3A : vector<16xi32>
      %convert_element_type3A_361 = arith.extui %eq3A_354 : vector<16xi1> to vector<16xi32>
      %broadcast_in_dim3A_362 = arith.constant true
      %broadcast_in_dim3A_363 = vector.broadcast %broadcast_in_dim3A_362 : i1 to vector<16xi1>
      %masked_cumsum3A_364 = tpu.scan <sum>, %convert_element_type3A_361 masked %broadcast_in_dim3A_363 : vector<16xi32>, vector<16xi1> -> vector<16xi32>
      %mul3A_365 = vector.broadcast %select_n3A : i32 to vector<16xi32>
      %mul3A_366 = arith.muli %mul3A_365, %convert_element_type3A_361 : vector<16xi32>
      %add3A_367 = arith.addi %masked_cumsum3A_364, %mul3A_366 : vector<16xi32>
      %add3A_368 = vector.broadcast %scan3A_295 : i32 to vector<16xi32>
      %add3A_369 = arith.addi %add3A_368, %add3A_367 : vector<16xi32>
      %sub3A_370 = arith.constant 1 : i32
      %sub3A_371 = vector.broadcast %sub3A_370 : i32 to vector<16xi32>
      %sub3A_372 = arith.subi %add3A_369, %sub3A_371 : vector<16xi32>
      tpu.vector_store_idx %arg10[%sub3A_372], %get3A_299 masked %eq3A_354 : memref<704xi32, #tpu.memory_space<vmem>>[vector<16xi32>], vector<16xi32>, vector<16xi1>
      tpu.vector_store_idx %arg11[%sub3A_372], %add3A_360 masked %eq3A_354 : memref<704xi32, #tpu.memory_space<vmem>>[vector<16xi32>], vector<16xi32>, vector<16xi1>
      %slice3A_373 = vector.extract_strided_slice %add3A_367 {offsets = [15], sizes = [1], strides = [1]} : vector<16xi32> to vector<1xi32>
      %squeeze3A_374 = vector.extract %slice3A_373[0] : i32 from vector<1xi32>
      %add3A_375 = arith.addi %scan3A_295, %squeeze3A_374 : i32
      scf.yield %add3A_375 : i32
    }
    %scan3A_250 = arith.constant 128 : i32
    %scan3A_251 = arith.constant 0 : i32
    %scan3A_252 = arith.constant 0 : i32
    %scan3A_253 = arith.constant 62 : i32
    %scan3A_254 = arith.addi %scan3A_252, %scan3A_253 : i32
    %scan3A_255 = arith.constant 1 : i32
    scf.for %scan3A_294 = %scan3A_252 to %scan3A_254 step %scan3A_255  : i32 {
      %mul3A_295 = arith.constant 32 : i32
      %mul3A_296 = arith.muli %mul3A_295, %scan3A_294 : i32
      %add3A_297 = arith.addi %add3A, %mul3A_296 : i32
      %eq3A_298 = arith.constant 1953 : i32
      %eq3A_299 = arith.cmpi eq, %add3A_297, %eq3A_298 : i32
      %convert_element_type3A_300 = arith.extui %eq3A_299 : i1 to i32
      %cond3A_301 = arith.constant 0 : i32
      %cond3A_302 = arith.cmpi ne, %convert_element_type3A_300, %cond3A_301 : i32
      scf.if %cond3A_302 {
        %mul3A_308 = arith.constant 32 : i32
        %mul3A_309 = arith.muli %mul3A_308, %scan3A_294 : i32
        %add3A_310 = arith.addi %add3A, %mul3A_309 : i32
        %mul3A_311 = arith.constant 512 : i32
        %mul3A_312 = arith.muli %add3A_310, %mul3A_311 : i32
        %scan3A_313 = arith.constant 0 : i32
        %scan3A_314 = arith.constant 0 : i32
        %scan3A_315 = arith.constant 44 : i32
        %scan3A_316 = arith.addi %scan3A_314, %scan3A_315 : i32
        %scan3A_317 = arith.constant 1 : i32
        scf.for %scan3A_319 = %scan3A_314 to %scan3A_316 step %scan3A_317  : i32 {
          %mul3A_320 = arith.constant 16 : i32
          %mul3A_321 = arith.muli %scan3A_319, %mul3A_320 : i32
          %get3A_322 = arith.index_cast %mul3A_321 : i32 to index
          %get3A_323 = tpu.vector_load %arg10[%get3A_322] {strides = array<i32>} : memref<704xi32, #tpu.memory_space<vmem>>, vector<16xi32>,
          %mul3A_324 = arith.constant 16 : i32
          %mul3A_325 = arith.muli %scan3A_319, %mul3A_324 : i32
          %get3A_326 = arith.index_cast %mul3A_325 : i32 to index
          %get3A_327 = tpu.vector_load %arg11[%get3A_326] {strides = array<i32>} : memref<704xi32, #tpu.memory_space<vmem>>, vector<16xi32>,
          %ge3A = vector.broadcast %mul3A_312 : i32 to vector<16xi32>
          %ge3A_328 = arith.cmpi sge, %get3A_323, %ge3A : vector<16xi32>
          %add3A_329 = arith.constant 512 : i32
          %add3A_330 = arith.addi %mul3A_312, %add3A_329 : i32
          %lt3A_331 = vector.broadcast %add3A_330 : i32 to vector<16xi32>
          %lt3A_332 = arith.cmpi slt, %get3A_323, %lt3A_331 : vector<16xi32>
          %and3A_333 = arith.andi %ge3A_328, %lt3A_332 : vector<16xi1>
          %all_reduce_population_count3A = tpu.all_reduce %and3A_333 {dim = 0 : i64, kind = #tpu.reduction_kind<sum>} : vector<16xi1> -> vector<16xi32>
          %slice3A_334 = vector.extract_strided_slice %all_reduce_population_count3A {offsets = [0], sizes = [1], strides = [1]} : vector<16xi32> to vector<1xi32>
          %squeeze3A_335 = vector.extract %slice3A_334[0] : i32 from vector<1xi32>
          %while3A_336 = arith.constant 0 : i32
          %while3A_337 = arith.subi %squeeze3A_335, %while3A_336 : i32
          %while3A_338 = arith.addi %while3A_336, %while3A_337 : i32
          %while3A_339 = arith.constant 1 : i32
          %while3A_340 = arith.divsi %while3A_337, %while3A_339 : i32
          %while3A_341 = arith.muli %while3A_340, %while3A_339 : i32
          %while3A_342 = arith.addi %while3A_336, %while3A_341 : i32
          %while3A_343 = arith.constant 1 : i32
          %while3A_344 = scf.for %while3A_347 = %while3A_336 to %while3A_342 step %while3A_343 iter_args(%while3A_348 = %and3A_333) -> (vector<16xi1>)  : i32 {
            %convert_element_type3A_349 = arith.extui %while3A_348 : vector<16xi1> to vector<16xi32>
            %broadcast_in_dim3A_350 = arith.constant true
            %broadcast_in_dim3A_351 = vector.broadcast %broadcast_in_dim3A_350 : i1 to vector<16xi1>
            %masked_cumsum3A_352 = tpu.scan <sum>, %convert_element_type3A_349 masked %broadcast_in_dim3A_351 : vector<16xi32>, vector<16xi1> -> vector<16xi32>
            %mul3A_353 = vector.broadcast %select_n3A : i32 to vector<16xi32>
            %mul3A_354 = arith.muli %mul3A_353, %convert_element_type3A_349 : vector<16xi32>
            %add3A_355 = arith.addi %masked_cumsum3A_352, %mul3A_354 : vector<16xi32>
            %eq3A_356 = arith.constant 1 : i32
            %eq3A_357 = vector.broadcast %eq3A_356 : i32 to vector<16xi32>
            %eq3A_358 = arith.cmpi eq, %add3A_355, %eq3A_357 : vector<16xi32>
            %and3A_359 = arith.andi %while3A_348, %eq3A_358 : vector<16xi1>
            %jit3A_360 = arith.constant 0 : i32
            %broadcast_in_dim3A_361 = vector.broadcast %jit3A_360 : i32 to vector<16xi32>
            %select_n3A_362 = arith.select %and3A_359, %get3A_323, %broadcast_in_dim3A_361 : vector<16xi1>, vector<16xi32>
            %reduce_sum3A = arith.constant true
            %reduce_sum3A_363 = vector.broadcast %reduce_sum3A : i1 to vector<16xi1>
            %reduce_sum3A_364 = tpu.scan <sum>, %select_n3A_362 masked %reduce_sum3A_363 : vector<16xi32>, vector<16xi1> -> vector<16xi32>
            %reduce_sum3A_365 = vector.extract %reduce_sum3A_364[15] : i32 from vector<16xi32>
            %jit3A_366 = arith.constant 0 : i32
            %broadcast_in_dim3A_367 = vector.broadcast %jit3A_366 : i32 to vector<16xi32>
            %select_n3A_368 = arith.select %and3A_359, %get3A_327, %broadcast_in_dim3A_367 : vector<16xi1>, vector<16xi32>
            %reduce_sum3A_369 = arith.constant true
            %reduce_sum3A_370 = vector.broadcast %reduce_sum3A_369 : i1 to vector<16xi1>
            %reduce_sum3A_371 = tpu.scan <sum>, %select_n3A_368 masked %reduce_sum3A_370 : vector<16xi32>, vector<16xi1> -> vector<16xi32>
            %reduce_sum3A_372 = vector.extract %reduce_sum3A_371[15] : i32 from vector<16xi32>
            %sub3A_373 = arith.subi %reduce_sum3A_365, %mul3A_312 : i32
            %broadcast_in_dim3A_374 = arith.constant 0 : i32
            %broadcast_in_dim3A_375 = vector.broadcast %broadcast_in_dim3A_374 : i32 to vector<16xi32>
            %add3A_376 = vector.broadcast %sub3A_373 : i32 to vector<16xi32>
            %add3A_377 = arith.addi %broadcast_in_dim3A_375, %add3A_376 : vector<16xi32>
            %get3A_378 = arith.constant 0 : i32
            %get3A_379 = arith.index_cast %get3A_378 : i32 to index
            %get3A_380 = memref.load %arg14[%get3A_379] : memref<1xi32, #tpu.memory_space<smem>>
            %rem3A_381 = arith.constant 16 : i32
            %rem3A_382 = arith.remsi %get3A_380, %rem3A_381 : i32
            %eq3A_383 = arith.constant 0 : i32
            %eq3A_384 = arith.cmpi eq, %rem3A_382, %eq3A_383 : i32
            %gt3A_385 = arith.constant 0 : i32
            %gt3A_386 = arith.cmpi sgt, %get3A_380, %gt3A_385 : i32
            %and3A_387 = arith.andi %eq3A_384, %gt3A_386 : i1
            %convert_element_type3A_388 = arith.extui %and3A_387 : i1 to i32
            %cond3A_389 = arith.constant 0 : i32
            %cond3A_390 = arith.cmpi ne, %convert_element_type3A_388, %cond3A_389 : i32
            scf.if %cond3A_390 {
              %dma_wait3A = arith.constant 0 : i32
              %dma_wait3A_455 = arith.constant 0 : i32
              %dma_wait3A_456 = tpu.memref_slice %arg5[%dma_wait3A, %dma_wait3A_455] : memref<16384x128xf32, #tpu.memory_space<hbm>> -> memref<16x128xf32, #tpu.memory_space<hbm>>
              %dma_wait3A_457 = arith.constant 0 : i32
              %dma_wait3A_458 = arith.constant 0 : i32
              %dma_wait3A_459 = tpu.memref_slice %arg5[%dma_wait3A_457, %dma_wait3A_458] : memref<16384x128xf32, #tpu.memory_space<hbm>> -> memref<16x128xf32, #tpu.memory_space<hbm>>
              tpu.wait_dma2 semaphore(%arg18 : memref<!tpu.dma_semaphore, #tpu.memory_space<semaphore_mem>>) src(%dma_wait3A_459 : memref<16x128xf32, #tpu.memory_space<hbm>>) dst(%arg13 : memref<16x128xf32, #tpu.memory_space<vmem>>)
            } else {
            }
            %broadcast_in_dim3A_391 = arith.constant 0.000000e+00 : f32
            %broadcast_in_dim3A_392 = vector.broadcast %broadcast_in_dim3A_391 : f32 to vector<16xf32>
            %add3A_393 = arith.constant 0 : i32
            %add3A_394 = vector.broadcast %add3A_393 : i32 to vector<16xi32>
            %add3A_395 = arith.addi %add3A_394, %iota3A : vector<16xi32>
            %gather3A = tpu.vector_load_idx %arg9[%add3A_395, %add3A_377] : memref<64x128xf32, #tpu.memory_space<vmem>>[vector<16xi32>, vector<16xi32>], vector<16xf32>,
            %swap3A_396 = arith.index_cast %rem3A_382 : i32 to index
            %swap3A_397 = arith.constant 0 : index
            %swap3A_398 = tpu.vector_load %arg13[%swap3A_396, %swap3A_397] {strides = array<i32>} : memref<16x128xf32, #tpu.memory_space<vmem>>, vector<16xf32>,
            tpu.vector_store %arg13[%swap3A_396, %swap3A_397], %gather3A {strides = array<i32>} : memref<16x128xf32, #tpu.memory_space<vmem>>, vector<16xf32>,
            %mul3A_399 = arith.mulf %gather3A, %gather3A : vector<16xf32>
            %add3A_400 = arith.addf %broadcast_in_dim3A_392, %mul3A_399 : vector<16xf32>
            %add3A_401 = arith.constant 16 : i32
            %add3A_402 = vector.broadcast %add3A_401 : i32 to vector<16xi32>
            %add3A_403 = arith.addi %add3A_402, %iota3A : vector<16xi32>
            %gather3A_404 = tpu.vector_load_idx %arg9[%add3A_403, %add3A_377] : memref<64x128xf32, #tpu.memory_space<vmem>>[vector<16xi32>, vector<16xi32>], vector<16xf32>,
            %swap3A_405 = arith.index_cast %rem3A_382 : i32 to index
            %swap3A_406 = arith.constant 16 : index
            %swap3A_407 = tpu.vector_load %arg13[%swap3A_405, %swap3A_406] {strides = array<i32>} : memref<16x128xf32, #tpu.memory_space<vmem>>, vector<16xf32>,
            tpu.vector_store %arg13[%swap3A_405, %swap3A_406], %gather3A_404 {strides = array<i32>} : memref<16x128xf32, #tpu.memory_space<vmem>>, vector<16xf32>,
            %mul3A_408 = arith.mulf %gather3A_404, %gather3A_404 : vector<16xf32>
            %add3A_409 = arith.addf %add3A_400, %mul3A_408 : vector<16xf32>
            %add3A_410 = arith.constant 32 : i32
            %add3A_411 = vector.broadcast %add3A_410 : i32 to vector<16xi32>
            %add3A_412 = arith.addi %add3A_411, %iota3A : vector<16xi32>
            %gather3A_413 = tpu.vector_load_idx %arg9[%add3A_412, %add3A_377] : memref<64x128xf32, #tpu.memory_space<vmem>>[vector<16xi32>, vector<16xi32>], vector<16xf32>,
            %swap3A_414 = arith.index_cast %rem3A_382 : i32 to index
            %swap3A_415 = arith.constant 32 : index
            %swap3A_416 = tpu.vector_load %arg13[%swap3A_414, %swap3A_415] {strides = array<i32>} : memref<16x128xf32, #tpu.memory_space<vmem>>, vector<16xf32>,
            tpu.vector_store %arg13[%swap3A_414, %swap3A_415], %gather3A_413 {strides = array<i32>} : memref<16x128xf32, #tpu.memory_space<vmem>>, vector<16xf32>,
            %mul3A_417 = arith.mulf %gather3A_413, %gather3A_413 : vector<16xf32>
            %add3A_418 = arith.addf %add3A_409, %mul3A_417 : vector<16xf32>
            %add3A_419 = arith.constant 48 : i32
            %add3A_420 = vector.broadcast %add3A_419 : i32 to vector<16xi32>
            %add3A_421 = arith.addi %add3A_420, %iota3A : vector<16xi32>
            %gather3A_422 = tpu.vector_load_idx %arg9[%add3A_421, %add3A_377] : memref<64x128xf32, #tpu.memory_space<vmem>>[vector<16xi32>, vector<16xi32>], vector<16xf32>,
            %swap3A_423 = arith.index_cast %rem3A_382 : i32 to index
            %swap3A_424 = arith.constant 48 : index
            %swap3A_425 = tpu.vector_load %arg13[%swap3A_423, %swap3A_424] {strides = array<i32>} : memref<16x128xf32, #tpu.memory_space<vmem>>, vector<16xf32>,
            tpu.vector_store %arg13[%swap3A_423, %swap3A_424], %gather3A_422 {strides = array<i32>} : memref<16x128xf32, #tpu.memory_space<vmem>>, vector<16xf32>,
            %mul3A_426 = arith.mulf %gather3A_422, %gather3A_422 : vector<16xf32>
            %add3A_427 = arith.addf %add3A_418, %mul3A_426 : vector<16xf32>
            %reduce_sum3A_428 = arith.constant true
            %reduce_sum3A_429 = vector.broadcast %reduce_sum3A_428 : i1 to vector<16xi1>
            %reduce_sum3A_430 = tpu.scan <sum>, %add3A_427 masked %reduce_sum3A_429 : vector<16xf32>, vector<16xi1> -> vector<16xf32>
            %reduce_sum3A_431 = vector.extract %reduce_sum3A_430[15] : f32 from vector<16xf32>
            %mul3A_432 = arith.constant 1.562500e-03 : f32
            %mul3A_433 = arith.mulf %reduce_sum3A_431, %mul3A_432 : f32
            %broadcast_in_dim3A_434 = arith.constant 0.000000e+00 : f32
            %broadcast_in_dim3A_435 = vector.broadcast %broadcast_in_dim3A_434 : f32 to vector<16xf32>
            %add3A_436 = vector.broadcast %mul3A_433 : f32 to vector<16xf32>
            %add3A_437 = arith.addf %broadcast_in_dim3A_435, %add3A_436 : vector<16xf32>
            %swap3A_438 = arith.index_cast %rem3A_382 : i32 to index
            %swap3A_439 = arith.constant 64 : index
            %swap3A_440 = tpu.vector_load %arg13[%swap3A_438, %swap3A_439] {strides = array<i32>} : memref<16x128xf32, #tpu.memory_space<vmem>>, vector<16xf32>,
            tpu.vector_store %arg13[%swap3A_438, %swap3A_439], %add3A_437 {strides = array<i32>} : memref<16x128xf32, #tpu.memory_space<vmem>>, vector<16xf32>,
            %dma_start3A = arith.constant 0 : i32
            %dma_start3A_441 = tpu.memref_slice %arg13[%rem3A_382, %dma_start3A] : memref<16x128xf32, #tpu.memory_space<vmem>> -> memref<1x128xf32, #tpu.memory_space<vmem>>
            %dma_start3A_442 = arith.constant 0 : i32
            %dma_start3A_443 = tpu.memref_slice %arg5[%reduce_sum3A_372, %dma_start3A_442] : memref<16384x128xf32, #tpu.memory_space<hbm>> -> memref<1x128xf32, #tpu.memory_space<hbm>>
            %dma_start3A_444 = arith.constant 0 : i32
            %dma_start3A_445 = tpu.memref_slice %arg5[%reduce_sum3A_372, %dma_start3A_444] : memref<16384x128xf32, #tpu.memory_space<hbm>> -> memref<1x128xf32, #tpu.memory_space<hbm>>
            %dma_start3A_446 = arith.constant 0 : i32
            %dma_start3A_447 = tpu.memref_slice %arg13[%rem3A_382, %dma_start3A_446] : memref<16x128xf32, #tpu.memory_space<vmem>> -> memref<1x128xf32, #tpu.memory_space<vmem>>
            tpu.enqueue_dma source(%dma_start3A_447 : memref<1x128xf32, #tpu.memory_space<vmem>>) target(%dma_start3A_445 : memref<1x128xf32, #tpu.memory_space<hbm>>) target_semaphore(%arg18 : memref<!tpu.dma_semaphore, #tpu.memory_space<semaphore_mem>>)
            %add3A_448 = arith.constant 1 : i32
            %add3A_449 = arith.addi %get3A_380, %add3A_448 : i32
            %swap3A_450 = arith.constant 0 : i32
            %swap3A_451 = arith.index_cast %swap3A_450 : i32 to index
            %swap3A_452 = memref.load %arg14[%swap3A_451] : memref<1xi32, #tpu.memory_space<smem>>
            memref.store %add3A_449, %arg14[%swap3A_451] : memref<1xi32, #tpu.memory_space<smem>>
            %not3A = arith.constant dense<true> : vector<16xi1>
            %not3A_453 = arith.xori %and3A_359, %not3A : vector<16xi1>
            %and3A_454 = arith.andi %while3A_348, %not3A_453 : vector<16xi1>
            scf.yield %and3A_454 : vector<16xi1>
          }
          %while3A_345 = arith.constant 1 : i32
          %while3A_346 = scf.for %while3A_347 = %while3A_342 to %while3A_338 step %while3A_345 iter_args(%while3A_348 = %while3A_344) -> (vector<16xi1>)  : i32 {
            %convert_element_type3A_349 = arith.extui %while3A_348 : vector<16xi1> to vector<16xi32>
            %broadcast_in_dim3A_350 = arith.constant true
            %broadcast_in_dim3A_351 = vector.broadcast %broadcast_in_dim3A_350 : i1 to vector<16xi1>
            %masked_cumsum3A_352 = tpu.scan <sum>, %convert_element_type3A_349 masked %broadcast_in_dim3A_351 : vector<16xi32>, vector<16xi1> -> vector<16xi32>
            %mul3A_353 = vector.broadcast %select_n3A : i32 to vector<16xi32>
            %mul3A_354 = arith.muli %mul3A_353, %convert_element_type3A_349 : vector<16xi32>
            %add3A_355 = arith.addi %masked_cumsum3A_352, %mul3A_354 : vector<16xi32>
            %eq3A_356 = arith.constant 1 : i32
            %eq3A_357 = vector.broadcast %eq3A_356 : i32 to vector<16xi32>
            %eq3A_358 = arith.cmpi eq, %add3A_355, %eq3A_357 : vector<16xi32>
            %and3A_359 = arith.andi %while3A_348, %eq3A_358 : vector<16xi1>
            %jit3A_360 = arith.constant 0 : i32
            %broadcast_in_dim3A_361 = vector.broadcast %jit3A_360 : i32 to vector<16xi32>
            %select_n3A_362 = arith.select %and3A_359, %get3A_323, %broadcast_in_dim3A_361 : vector<16xi1>, vector<16xi32>
            %reduce_sum3A = arith.constant true
            %reduce_sum3A_363 = vector.broadcast %reduce_sum3A : i1 to vector<16xi1>
            %reduce_sum3A_364 = tpu.scan <sum>, %select_n3A_362 masked %reduce_sum3A_363 : vector<16xi32>, vector<16xi1> -> vector<16xi32>
            %reduce_sum3A_365 = vector.extract %reduce_sum3A_364[15] : i32 from vector<16xi32>
            %jit3A_366 = arith.constant 0 : i32
            %broadcast_in_dim3A_367 = vector.broadcast %jit3A_366 : i32 to vector<16xi32>
            %select_n3A_368 = arith.select %and3A_359, %get3A_327, %broadcast_in_dim3A_367 : vector<16xi1>, vector<16xi32>
            %reduce_sum3A_369 = arith.constant true
            %reduce_sum3A_370 = vector.broadcast %reduce_sum3A_369 : i1 to vector<16xi1>
            %reduce_sum3A_371 = tpu.scan <sum>, %select_n3A_368 masked %reduce_sum3A_370 : vector<16xi32>, vector<16xi1> -> vector<16xi32>
            %reduce_sum3A_372 = vector.extract %reduce_sum3A_371[15] : i32 from vector<16xi32>
            %sub3A_373 = arith.subi %reduce_sum3A_365, %mul3A_312 : i32
            %broadcast_in_dim3A_374 = arith.constant 0 : i32
            %broadcast_in_dim3A_375 = vector.broadcast %broadcast_in_dim3A_374 : i32 to vector<16xi32>
            %add3A_376 = vector.broadcast %sub3A_373 : i32 to vector<16xi32>
            %add3A_377 = arith.addi %broadcast_in_dim3A_375, %add3A_376 : vector<16xi32>
            %get3A_378 = arith.constant 0 : i32
            %get3A_379 = arith.index_cast %get3A_378 : i32 to index
            %get3A_380 = memref.load %arg14[%get3A_379] : memref<1xi32, #tpu.memory_space<smem>>
            %rem3A_381 = arith.constant 16 : i32
            %rem3A_382 = arith.remsi %get3A_380, %rem3A_381 : i32
            %eq3A_383 = arith.constant 0 : i32
            %eq3A_384 = arith.cmpi eq, %rem3A_382, %eq3A_383 : i32
            %gt3A_385 = arith.constant 0 : i32
            %gt3A_386 = arith.cmpi sgt, %get3A_380, %gt3A_385 : i32
            %and3A_387 = arith.andi %eq3A_384, %gt3A_386 : i1
            %convert_element_type3A_388 = arith.extui %and3A_387 : i1 to i32
            %cond3A_389 = arith.constant 0 : i32
            %cond3A_390 = arith.cmpi ne, %convert_element_type3A_388, %cond3A_389 : i32
            scf.if %cond3A_390 {
              %dma_wait3A = arith.constant 0 : i32
              %dma_wait3A_455 = arith.constant 0 : i32
              %dma_wait3A_456 = tpu.memref_slice %arg5[%dma_wait3A, %dma_wait3A_455] : memref<16384x128xf32, #tpu.memory_space<hbm>> -> memref<16x128xf32, #tpu.memory_space<hbm>>
              %dma_wait3A_457 = arith.constant 0 : i32
              %dma_wait3A_458 = arith.constant 0 : i32
              %dma_wait3A_459 = tpu.memref_slice %arg5[%dma_wait3A_457, %dma_wait3A_458] : memref<16384x128xf32, #tpu.memory_space<hbm>> -> memref<16x128xf32, #tpu.memory_space<hbm>>
              tpu.wait_dma2 semaphore(%arg18 : memref<!tpu.dma_semaphore, #tpu.memory_space<semaphore_mem>>) src(%dma_wait3A_459 : memref<16x128xf32, #tpu.memory_space<hbm>>) dst(%arg13 : memref<16x128xf32, #tpu.memory_space<vmem>>)
            } else {
            }
            %broadcast_in_dim3A_391 = arith.constant 0.000000e+00 : f32
            %broadcast_in_dim3A_392 = vector.broadcast %broadcast_in_dim3A_391 : f32 to vector<16xf32>
            %add3A_393 = arith.constant 0 : i32
            %add3A_394 = vector.broadcast %add3A_393 : i32 to vector<16xi32>
            %add3A_395 = arith.addi %add3A_394, %iota3A : vector<16xi32>
            %gather3A = tpu.vector_load_idx %arg9[%add3A_395, %add3A_377] : memref<64x128xf32, #tpu.memory_space<vmem>>[vector<16xi32>, vector<16xi32>], vector<16xf32>,
            %swap3A_396 = arith.index_cast %rem3A_382 : i32 to index
            %swap3A_397 = arith.constant 0 : index
            %swap3A_398 = tpu.vector_load %arg13[%swap3A_396, %swap3A_397] {strides = array<i32>} : memref<16x128xf32, #tpu.memory_space<vmem>>, vector<16xf32>,
            tpu.vector_store %arg13[%swap3A_396, %swap3A_397], %gather3A {strides = array<i32>} : memref<16x128xf32, #tpu.memory_space<vmem>>, vector<16xf32>,
            %mul3A_399 = arith.mulf %gather3A, %gather3A : vector<16xf32>
            %add3A_400 = arith.addf %broadcast_in_dim3A_392, %mul3A_399 : vector<16xf32>
            %add3A_401 = arith.constant 16 : i32
            %add3A_402 = vector.broadcast %add3A_401 : i32 to vector<16xi32>
            %add3A_403 = arith.addi %add3A_402, %iota3A : vector<16xi32>
            %gather3A_404 = tpu.vector_load_idx %arg9[%add3A_403, %add3A_377] : memref<64x128xf32, #tpu.memory_space<vmem>>[vector<16xi32>, vector<16xi32>], vector<16xf32>,
            %swap3A_405 = arith.index_cast %rem3A_382 : i32 to index
            %swap3A_406 = arith.constant 16 : index
            %swap3A_407 = tpu.vector_load %arg13[%swap3A_405, %swap3A_406] {strides = array<i32>} : memref<16x128xf32, #tpu.memory_space<vmem>>, vector<16xf32>,
            tpu.vector_store %arg13[%swap3A_405, %swap3A_406], %gather3A_404 {strides = array<i32>} : memref<16x128xf32, #tpu.memory_space<vmem>>, vector<16xf32>,
            %mul3A_408 = arith.mulf %gather3A_404, %gather3A_404 : vector<16xf32>
            %add3A_409 = arith.addf %add3A_400, %mul3A_408 : vector<16xf32>
            %add3A_410 = arith.constant 32 : i32
            %add3A_411 = vector.broadcast %add3A_410 : i32 to vector<16xi32>
            %add3A_412 = arith.addi %add3A_411, %iota3A : vector<16xi32>
            %gather3A_413 = tpu.vector_load_idx %arg9[%add3A_412, %add3A_377] : memref<64x128xf32, #tpu.memory_space<vmem>>[vector<16xi32>, vector<16xi32>], vector<16xf32>,
            %swap3A_414 = arith.index_cast %rem3A_382 : i32 to index
            %swap3A_415 = arith.constant 32 : index
            %swap3A_416 = tpu.vector_load %arg13[%swap3A_414, %swap3A_415] {strides = array<i32>} : memref<16x128xf32, #tpu.memory_space<vmem>>, vector<16xf32>,
            tpu.vector_store %arg13[%swap3A_414, %swap3A_415], %gather3A_413 {strides = array<i32>} : memref<16x128xf32, #tpu.memory_space<vmem>>, vector<16xf32>,
            %mul3A_417 = arith.mulf %gather3A_413, %gather3A_413 : vector<16xf32>
            %add3A_418 = arith.addf %add3A_409, %mul3A_417 : vector<16xf32>
            %add3A_419 = arith.constant 48 : i32
            %add3A_420 = vector.broadcast %add3A_419 : i32 to vector<16xi32>
            %add3A_421 = arith.addi %add3A_420, %iota3A : vector<16xi32>
            %gather3A_422 = tpu.vector_load_idx %arg9[%add3A_421, %add3A_377] : memref<64x128xf32, #tpu.memory_space<vmem>>[vector<16xi32>, vector<16xi32>], vector<16xf32>,
            %swap3A_423 = arith.index_cast %rem3A_382 : i32 to index
            %swap3A_424 = arith.constant 48 : index
            %swap3A_425 = tpu.vector_load %arg13[%swap3A_423, %swap3A_424] {strides = array<i32>} : memref<16x128xf32, #tpu.memory_space<vmem>>, vector<16xf32>,
            tpu.vector_store %arg13[%swap3A_423, %swap3A_424], %gather3A_422 {strides = array<i32>} : memref<16x128xf32, #tpu.memory_space<vmem>>, vector<16xf32>,
            %mul3A_426 = arith.mulf %gather3A_422, %gather3A_422 : vector<16xf32>
            %add3A_427 = arith.addf %add3A_418, %mul3A_426 : vector<16xf32>
            %reduce_sum3A_428 = arith.constant true
            %reduce_sum3A_429 = vector.broadcast %reduce_sum3A_428 : i1 to vector<16xi1>
            %reduce_sum3A_430 = tpu.scan <sum>, %add3A_427 masked %reduce_sum3A_429 : vector<16xf32>, vector<16xi1> -> vector<16xf32>
            %reduce_sum3A_431 = vector.extract %reduce_sum3A_430[15] : f32 from vector<16xf32>
            %mul3A_432 = arith.constant 1.562500e-03 : f32
            %mul3A_433 = arith.mulf %reduce_sum3A_431, %mul3A_432 : f32
            %broadcast_in_dim3A_434 = arith.constant 0.000000e+00 : f32
            %broadcast_in_dim3A_435 = vector.broadcast %broadcast_in_dim3A_434 : f32 to vector<16xf32>
            %add3A_436 = vector.broadcast %mul3A_433 : f32 to vector<16xf32>
            %add3A_437 = arith.addf %broadcast_in_dim3A_435, %add3A_436 : vector<16xf32>
            %swap3A_438 = arith.index_cast %rem3A_382 : i32 to index
            %swap3A_439 = arith.constant 64 : index
            %swap3A_440 = tpu.vector_load %arg13[%swap3A_438, %swap3A_439] {strides = array<i32>} : memref<16x128xf32, #tpu.memory_space<vmem>>, vector<16xf32>,
            tpu.vector_store %arg13[%swap3A_438, %swap3A_439], %add3A_437 {strides = array<i32>} : memref<16x128xf32, #tpu.memory_space<vmem>>, vector<16xf32>,
            %dma_start3A = arith.constant 0 : i32
            %dma_start3A_441 = tpu.memref_slice %arg13[%rem3A_382, %dma_start3A] : memref<16x128xf32, #tpu.memory_space<vmem>> -> memref<1x128xf32, #tpu.memory_space<vmem>>
            %dma_start3A_442 = arith.constant 0 : i32
            %dma_start3A_443 = tpu.memref_slice %arg5[%reduce_sum3A_372, %dma_start3A_442] : memref<16384x128xf32, #tpu.memory_space<hbm>> -> memref<1x128xf32, #tpu.memory_space<hbm>>
            %dma_start3A_444 = arith.constant 0 : i32
            %dma_start3A_445 = tpu.memref_slice %arg5[%reduce_sum3A_372, %dma_start3A_444] : memref<16384x128xf32, #tpu.memory_space<hbm>> -> memref<1x128xf32, #tpu.memory_space<hbm>>
            %dma_start3A_446 = arith.constant 0 : i32
            %dma_start3A_447 = tpu.memref_slice %arg13[%rem3A_382, %dma_start3A_446] : memref<16x128xf32, #tpu.memory_space<vmem>> -> memref<1x128xf32, #tpu.memory_space<vmem>>
            tpu.enqueue_dma source(%dma_start3A_447 : memref<1x128xf32, #tpu.memory_space<vmem>>) target(%dma_start3A_445 : memref<1x128xf32, #tpu.memory_space<hbm>>) target_semaphore(%arg18 : memref<!tpu.dma_semaphore, #tpu.memory_space<semaphore_mem>>)
            %add3A_448 = arith.constant 1 : i32
            %add3A_449 = arith.addi %get3A_380, %add3A_448 : i32
            %swap3A_450 = arith.constant 0 : i32
            %swap3A_451 = arith.index_cast %swap3A_450 : i32 to index
            %swap3A_452 = memref.load %arg14[%swap3A_451] : memref<1xi32, #tpu.memory_space<smem>>
            memref.store %add3A_449, %arg14[%swap3A_451] : memref<1xi32, #tpu.memory_space<smem>>
            %not3A = arith.constant dense<true> : vector<16xi1>
            %not3A_453 = arith.xori %and3A_359, %not3A : vector<16xi1>
            %and3A_454 = arith.andi %while3A_348, %not3A_453 : vector<16xi1>
            scf.yield %and3A_454 : vector<16xi1>
          }
        }
        %scan3A_318 = arith.constant 44 : i32
      } else {
      }
      %lt3A_303 = arith.constant 1953 : i32
      %lt3A_304 = arith.cmpi slt, %add3A_297, %lt3A_303 : i32
      %convert_element_type3A_305 = arith.extui %lt3A_304 : i1 to i32
      %cond3A_306 = arith.constant 0 : i32
      %cond3A_307 = arith.cmpi ne, %convert_element_type3A_305, %cond3A_306 : i32
      scf.if %cond3A_307 {
        %jit3A_308 = arith.constant 3 : i32
        %eq3A_309 = arith.constant 0 : i32
        %eq3A_310 = arith.cmpi eq, %jit3A_308, %eq3A_309 : i32
        %jit3A_311 = arith.constant 1 : i32
        %select_n3A_312 = arith.select %eq3A_310, %jit3A_311, %jit3A_308 : i32
        %rem3A_313 = arith.remsi %scan3A_294, %select_n3A_312 : i32
        %ne3A_314 = arith.constant 0 : i32
        %ne3A_315 = arith.cmpi ne, %rem3A_313, %ne3A_314 : i32
        %lt3A_316 = arith.constant 0 : i32
        %lt3A_317 = arith.cmpi slt, %rem3A_313, %lt3A_316 : i32
        %lt3A_318 = arith.constant 0 : i32
        %lt3A_319 = arith.cmpi slt, %select_n3A_312, %lt3A_318 : i32
        %ne3A_320 = arith.xori %lt3A_317, %lt3A_319 : i1
        %and3A_321 = arith.andi %ne3A_320, %ne3A_315 : i1
        %add3A_322 = arith.addi %rem3A_313, %select_n3A_312 : i32
        %select_n3A_323 = arith.select %and3A_321, %add3A_322, %rem3A_313 : i32
        %eq3A_324 = arith.constant 0 : i32
        %eq3A_325 = arith.cmpi eq, %select_n3A_323, %eq3A_324 : i32
        %convert_element_type3A_326 = arith.extui %eq3A_325 : i1 to i32
        %cond3A_327 = arith.constant 0 : i32
        %cond3A_328 = arith.cmpi ne, %convert_element_type3A_326, %cond3A_327 : i32
        scf.if %cond3A_328 {
          %dma_wait3A = arith.constant 0 : i32
          %dma_wait3A_371 = arith.constant 0 : i32
          %dma_wait3A_372 = tpu.memref_slice %arg3[%dma_wait3A, %dma_wait3A_371] : memref<64x1000000xf32, #tpu.memory_space<hbm>> -> memref<64x512xf32, #tpu.memory_space<hbm>>
          %dma_wait3A_373 = arith.constant 0 : i32
          %dma_wait3A_374 = arith.constant 0 : i32
          %dma_wait3A_375 = tpu.memref_slice %arg3[%dma_wait3A_373, %dma_wait3A_374] : memref<64x1000000xf32, #tpu.memory_space<hbm>> -> memref<64x512xf32, #tpu.memory_space<hbm>>
          tpu.wait_dma2 semaphore(%arg15 : memref<!tpu.dma_semaphore, #tpu.memory_space<semaphore_mem>>) src(%dma_wait3A_375 : memref<64x512xf32, #tpu.memory_space<hbm>>) dst(%arg6 : memref<64x512xf32, #tpu.memory_space<vmem>>)
          %mul3A_376 = arith.constant 32 : i32
          %mul3A_377 = arith.muli %mul3A_376, %scan3A_294 : i32
          %add3A_378 = arith.addi %add3A, %mul3A_377 : i32
          %mul3A_379 = arith.constant 512 : i32
          %mul3A_380 = arith.muli %add3A_378, %mul3A_379 : i32
          %scan3A_381 = arith.constant 0 : i32
          %scan3A_382 = arith.constant 0 : i32
          %scan3A_383 = arith.constant 44 : i32
          %scan3A_384 = arith.addi %scan3A_382, %scan3A_383 : i32
          %scan3A_385 = arith.constant 1 : i32
          scf.for %scan3A_397 = %scan3A_382 to %scan3A_384 step %scan3A_385  : i32 {
            %mul3A_398 = arith.constant 16 : i32
            %mul3A_399 = arith.muli %scan3A_397, %mul3A_398 : i32
            %get3A_400 = arith.index_cast %mul3A_399 : i32 to index
            %get3A_401 = tpu.vector_load %arg10[%get3A_400] {strides = array<i32>} : memref<704xi32, #tpu.memory_space<vmem>>, vector<16xi32>,
            %mul3A_402 = arith.constant 16 : i32
            %mul3A_403 = arith.muli %scan3A_397, %mul3A_402 : i32
            %get3A_404 = arith.index_cast %mul3A_403 : i32 to index
            %get3A_405 = tpu.vector_load %arg11[%get3A_404] {strides = array<i32>} : memref<704xi32, #tpu.memory_space<vmem>>, vector<16xi32>,
            %ge3A = vector.broadcast %mul3A_380 : i32 to vector<16xi32>
            %ge3A_406 = arith.cmpi sge, %get3A_401, %ge3A : vector<16xi32>
            %add3A_407 = arith.constant 512 : i32
            %add3A_408 = arith.addi %mul3A_380, %add3A_407 : i32
            %lt3A_409 = vector.broadcast %add3A_408 : i32 to vector<16xi32>
            %lt3A_410 = arith.cmpi slt, %get3A_401, %lt3A_409 : vector<16xi32>
            %and3A_411 = arith.andi %ge3A_406, %lt3A_410 : vector<16xi1>
            %all_reduce_population_count3A = tpu.all_reduce %and3A_411 {dim = 0 : i64, kind = #tpu.reduction_kind<sum>} : vector<16xi1> -> vector<16xi32>
            %slice3A_412 = vector.extract_strided_slice %all_reduce_population_count3A {offsets = [0], sizes = [1], strides = [1]} : vector<16xi32> to vector<1xi32>
            %squeeze3A_413 = vector.extract %slice3A_412[0] : i32 from vector<1xi32>
            %while3A_414 = arith.constant 0 : i32
            %while3A_415 = arith.subi %squeeze3A_413, %while3A_414 : i32
            %while3A_416 = arith.addi %while3A_414, %while3A_415 : i32
            %while3A_417 = arith.constant 1 : i32
            %while3A_418 = arith.divsi %while3A_415, %while3A_417 : i32
            %while3A_419 = arith.muli %while3A_418, %while3A_417 : i32
            %while3A_420 = arith.addi %while3A_414, %while3A_419 : i32
            %while3A_421 = arith.constant 1 : i32
            %while3A_422 = scf.for %while3A_425 = %while3A_414 to %while3A_420 step %while3A_421 iter_args(%while3A_426 = %and3A_411) -> (vector<16xi1>)  : i32 {
              %convert_element_type3A_427 = arith.extui %while3A_426 : vector<16xi1> to vector<16xi32>
              %broadcast_in_dim3A_428 = arith.constant true
              %broadcast_in_dim3A_429 = vector.broadcast %broadcast_in_dim3A_428 : i1 to vector<16xi1>
              %masked_cumsum3A_430 = tpu.scan <sum>, %convert_element_type3A_427 masked %broadcast_in_dim3A_429 : vector<16xi32>, vector<16xi1> -> vector<16xi32>
              %mul3A_431 = vector.broadcast %select_n3A : i32 to vector<16xi32>
              %mul3A_432 = arith.muli %mul3A_431, %convert_element_type3A_427 : vector<16xi32>
              %add3A_433 = arith.addi %masked_cumsum3A_430, %mul3A_432 : vector<16xi32>
              %eq3A_434 = arith.constant 1 : i32
              %eq3A_435 = vector.broadcast %eq3A_434 : i32 to vector<16xi32>
              %eq3A_436 = arith.cmpi eq, %add3A_433, %eq3A_435 : vector<16xi32>
              %and3A_437 = arith.andi %while3A_426, %eq3A_436 : vector<16xi1>
              %jit3A_438 = arith.constant 0 : i32
              %broadcast_in_dim3A_439 = vector.broadcast %jit3A_438 : i32 to vector<16xi32>
              %select_n3A_440 = arith.select %and3A_437, %get3A_401, %broadcast_in_dim3A_439 : vector<16xi1>, vector<16xi32>
              %reduce_sum3A = arith.constant true
              %reduce_sum3A_441 = vector.broadcast %reduce_sum3A : i1 to vector<16xi1>
              %reduce_sum3A_442 = tpu.scan <sum>, %select_n3A_440 masked %reduce_sum3A_441 : vector<16xi32>, vector<16xi1> -> vector<16xi32>
              %reduce_sum3A_443 = vector.extract %reduce_sum3A_442[15] : i32 from vector<16xi32>
              %jit3A_444 = arith.constant 0 : i32
              %broadcast_in_dim3A_445 = vector.broadcast %jit3A_444 : i32 to vector<16xi32>
              %select_n3A_446 = arith.select %and3A_437, %get3A_405, %broadcast_in_dim3A_445 : vector<16xi1>, vector<16xi32>
              %reduce_sum3A_447 = arith.constant true
              %reduce_sum3A_448 = vector.broadcast %reduce_sum3A_447 : i1 to vector<16xi1>
              %reduce_sum3A_449 = tpu.scan <sum>, %select_n3A_446 masked %reduce_sum3A_448 : vector<16xi32>, vector<16xi1> -> vector<16xi32>
              %reduce_sum3A_450 = vector.extract %reduce_sum3A_449[15] : i32 from vector<16xi32>
              %sub3A_451 = arith.subi %reduce_sum3A_443, %mul3A_380 : i32
              %broadcast_in_dim3A_452 = arith.constant 0 : i32
              %broadcast_in_dim3A_453 = vector.broadcast %broadcast_in_dim3A_452 : i32 to vector<16xi32>
              %add3A_454 = vector.broadcast %sub3A_451 : i32 to vector<16xi32>
              %add3A_455 = arith.addi %broadcast_in_dim3A_453, %add3A_454 : vector<16xi32>
              %get3A_456 = arith.constant 0 : i32
              %get3A_457 = arith.index_cast %get3A_456 : i32 to index
              %get3A_458 = memref.load %arg14[%get3A_457] : memref<1xi32, #tpu.memory_space<smem>>
              %rem3A_459 = arith.constant 16 : i32
              %rem3A_460 = arith.remsi %get3A_458, %rem3A_459 : i32
              %eq3A_461 = arith.constant 0 : i32
              %eq3A_462 = arith.cmpi eq, %rem3A_460, %eq3A_461 : i32
              %gt3A_463 = arith.constant 0 : i32
              %gt3A_464 = arith.cmpi sgt, %get3A_458, %gt3A_463 : i32
              %and3A_465 = arith.andi %eq3A_462, %gt3A_464 : i1
              %convert_element_type3A_466 = arith.extui %and3A_465 : i1 to i32
              %cond3A_467 = arith.constant 0 : i32
              %cond3A_468 = arith.cmpi ne, %convert_element_type3A_466, %cond3A_467 : i32
              scf.if %cond3A_468 {
                %dma_wait3A_533 = arith.constant 0 : i32
                %dma_wait3A_534 = arith.constant 0 : i32
                %dma_wait3A_535 = tpu.memref_slice %arg5[%dma_wait3A_533, %dma_wait3A_534] : memref<16384x128xf32, #tpu.memory_space<hbm>> -> memref<16x128xf32, #tpu.memory_space<hbm>>
                %dma_wait3A_536 = arith.constant 0 : i32
                %dma_wait3A_537 = arith.constant 0 : i32
                %dma_wait3A_538 = tpu.memref_slice %arg5[%dma_wait3A_536, %dma_wait3A_537] : memref<16384x128xf32, #tpu.memory_space<hbm>> -> memref<16x128xf32, #tpu.memory_space<hbm>>
                tpu.wait_dma2 semaphore(%arg18 : memref<!tpu.dma_semaphore, #tpu.memory_space<semaphore_mem>>) src(%dma_wait3A_538 : memref<16x128xf32, #tpu.memory_space<hbm>>) dst(%arg13 : memref<16x128xf32, #tpu.memory_space<vmem>>)
              } else {
              }
              %broadcast_in_dim3A_469 = arith.constant 0.000000e+00 : f32
              %broadcast_in_dim3A_470 = vector.broadcast %broadcast_in_dim3A_469 : f32 to vector<16xf32>
              %add3A_471 = arith.constant 0 : i32
              %add3A_472 = vector.broadcast %add3A_471 : i32 to vector<16xi32>
              %add3A_473 = arith.addi %add3A_472, %iota3A : vector<16xi32>
              %gather3A = tpu.vector_load_idx %arg6[%add3A_473, %add3A_455] : memref<64x512xf32, #tpu.memory_space<vmem>>[vector<16xi32>, vector<16xi32>], vector<16xf32>,
              %swap3A_474 = arith.index_cast %rem3A_460 : i32 to index
              %swap3A_475 = arith.constant 0 : index
              %swap3A_476 = tpu.vector_load %arg13[%swap3A_474, %swap3A_475] {strides = array<i32>} : memref<16x128xf32, #tpu.memory_space<vmem>>, vector<16xf32>,
              tpu.vector_store %arg13[%swap3A_474, %swap3A_475], %gather3A {strides = array<i32>} : memref<16x128xf32, #tpu.memory_space<vmem>>, vector<16xf32>,
              %mul3A_477 = arith.mulf %gather3A, %gather3A : vector<16xf32>
              %add3A_478 = arith.addf %broadcast_in_dim3A_470, %mul3A_477 : vector<16xf32>
              %add3A_479 = arith.constant 16 : i32
              %add3A_480 = vector.broadcast %add3A_479 : i32 to vector<16xi32>
              %add3A_481 = arith.addi %add3A_480, %iota3A : vector<16xi32>
              %gather3A_482 = tpu.vector_load_idx %arg6[%add3A_481, %add3A_455] : memref<64x512xf32, #tpu.memory_space<vmem>>[vector<16xi32>, vector<16xi32>], vector<16xf32>,
              %swap3A_483 = arith.index_cast %rem3A_460 : i32 to index
              %swap3A_484 = arith.constant 16 : index
              %swap3A_485 = tpu.vector_load %arg13[%swap3A_483, %swap3A_484] {strides = array<i32>} : memref<16x128xf32, #tpu.memory_space<vmem>>, vector<16xf32>,
              tpu.vector_store %arg13[%swap3A_483, %swap3A_484], %gather3A_482 {strides = array<i32>} : memref<16x128xf32, #tpu.memory_space<vmem>>, vector<16xf32>,
              %mul3A_486 = arith.mulf %gather3A_482, %gather3A_482 : vector<16xf32>
              %add3A_487 = arith.addf %add3A_478, %mul3A_486 : vector<16xf32>
              %add3A_488 = arith.constant 32 : i32
              %add3A_489 = vector.broadcast %add3A_488 : i32 to vector<16xi32>
              %add3A_490 = arith.addi %add3A_489, %iota3A : vector<16xi32>
              %gather3A_491 = tpu.vector_load_idx %arg6[%add3A_490, %add3A_455] : memref<64x512xf32, #tpu.memory_space<vmem>>[vector<16xi32>, vector<16xi32>], vector<16xf32>,
              %swap3A_492 = arith.index_cast %rem3A_460 : i32 to index
              %swap3A_493 = arith.constant 32 : index
              %swap3A_494 = tpu.vector_load %arg13[%swap3A_492, %swap3A_493] {strides = array<i32>} : memref<16x128xf32, #tpu.memory_space<vmem>>, vector<16xf32>,
              tpu.vector_store %arg13[%swap3A_492, %swap3A_493], %gather3A_491 {strides = array<i32>} : memref<16x128xf32, #tpu.memory_space<vmem>>, vector<16xf32>,
              %mul3A_495 = arith.mulf %gather3A_491, %gather3A_491 : vector<16xf32>
              %add3A_496 = arith.addf %add3A_487, %mul3A_495 : vector<16xf32>
              %add3A_497 = arith.constant 48 : i32
              %add3A_498 = vector.broadcast %add3A_497 : i32 to vector<16xi32>
              %add3A_499 = arith.addi %add3A_498, %iota3A : vector<16xi32>
              %gather3A_500 = tpu.vector_load_idx %arg6[%add3A_499, %add3A_455] : memref<64x512xf32, #tpu.memory_space<vmem>>[vector<16xi32>, vector<16xi32>], vector<16xf32>,
              %swap3A_501 = arith.index_cast %rem3A_460 : i32 to index
              %swap3A_502 = arith.constant 48 : index
              %swap3A_503 = tpu.vector_load %arg13[%swap3A_501, %swap3A_502] {strides = array<i32>} : memref<16x128xf32, #tpu.memory_space<vmem>>, vector<16xf32>,
              tpu.vector_store %arg13[%swap3A_501, %swap3A_502], %gather3A_500 {strides = array<i32>} : memref<16x128xf32, #tpu.memory_space<vmem>>, vector<16xf32>,
              %mul3A_504 = arith.mulf %gather3A_500, %gather3A_500 : vector<16xf32>
              %add3A_505 = arith.addf %add3A_496, %mul3A_504 : vector<16xf32>
              %reduce_sum3A_506 = arith.constant true
              %reduce_sum3A_507 = vector.broadcast %reduce_sum3A_506 : i1 to vector<16xi1>
              %reduce_sum3A_508 = tpu.scan <sum>, %add3A_505 masked %reduce_sum3A_507 : vector<16xf32>, vector<16xi1> -> vector<16xf32>
              %reduce_sum3A_509 = vector.extract %reduce_sum3A_508[15] : f32 from vector<16xf32>
              %mul3A_510 = arith.constant 1.562500e-03 : f32
              %mul3A_511 = arith.mulf %reduce_sum3A_509, %mul3A_510 : f32
              %broadcast_in_dim3A_512 = arith.constant 0.000000e+00 : f32
              %broadcast_in_dim3A_513 = vector.broadcast %broadcast_in_dim3A_512 : f32 to vector<16xf32>
              %add3A_514 = vector.broadcast %mul3A_511 : f32 to vector<16xf32>
              %add3A_515 = arith.addf %broadcast_in_dim3A_513, %add3A_514 : vector<16xf32>
              %swap3A_516 = arith.index_cast %rem3A_460 : i32 to index
              %swap3A_517 = arith.constant 64 : index
              %swap3A_518 = tpu.vector_load %arg13[%swap3A_516, %swap3A_517] {strides = array<i32>} : memref<16x128xf32, #tpu.memory_space<vmem>>, vector<16xf32>,
              tpu.vector_store %arg13[%swap3A_516, %swap3A_517], %add3A_515 {strides = array<i32>} : memref<16x128xf32, #tpu.memory_space<vmem>>, vector<16xf32>,
              %dma_start3A = arith.constant 0 : i32
              %dma_start3A_519 = tpu.memref_slice %arg13[%rem3A_460, %dma_start3A] : memref<16x128xf32, #tpu.memory_space<vmem>> -> memref<1x128xf32, #tpu.memory_space<vmem>>
              %dma_start3A_520 = arith.constant 0 : i32
              %dma_start3A_521 = tpu.memref_slice %arg5[%reduce_sum3A_450, %dma_start3A_520] : memref<16384x128xf32, #tpu.memory_space<hbm>> -> memref<1x128xf32, #tpu.memory_space<hbm>>
              %dma_start3A_522 = arith.constant 0 : i32
              %dma_start3A_523 = tpu.memref_slice %arg5[%reduce_sum3A_450, %dma_start3A_522] : memref<16384x128xf32, #tpu.memory_space<hbm>> -> memref<1x128xf32, #tpu.memory_space<hbm>>
              %dma_start3A_524 = arith.constant 0 : i32
              %dma_start3A_525 = tpu.memref_slice %arg13[%rem3A_460, %dma_start3A_524] : memref<16x128xf32, #tpu.memory_space<vmem>> -> memref<1x128xf32, #tpu.memory_space<vmem>>
              tpu.enqueue_dma source(%dma_start3A_525 : memref<1x128xf32, #tpu.memory_space<vmem>>) target(%dma_start3A_523 : memref<1x128xf32, #tpu.memory_space<hbm>>) target_semaphore(%arg18 : memref<!tpu.dma_semaphore, #tpu.memory_space<semaphore_mem>>)
              %add3A_526 = arith.constant 1 : i32
              %add3A_527 = arith.addi %get3A_458, %add3A_526 : i32
              %swap3A_528 = arith.constant 0 : i32
              %swap3A_529 = arith.index_cast %swap3A_528 : i32 to index
              %swap3A_530 = memref.load %arg14[%swap3A_529] : memref<1xi32, #tpu.memory_space<smem>>
              memref.store %add3A_527, %arg14[%swap3A_529] : memref<1xi32, #tpu.memory_space<smem>>
              %not3A = arith.constant dense<true> : vector<16xi1>
              %not3A_531 = arith.xori %and3A_437, %not3A : vector<16xi1>
              %and3A_532 = arith.andi %while3A_426, %not3A_531 : vector<16xi1>
              scf.yield %and3A_532 : vector<16xi1>
            }
            %while3A_423 = arith.constant 1 : i32
            %while3A_424 = scf.for %while3A_425 = %while3A_420 to %while3A_416 step %while3A_423 iter_args(%while3A_426 = %while3A_422) -> (vector<16xi1>)  : i32 {
              %convert_element_type3A_427 = arith.extui %while3A_426 : vector<16xi1> to vector<16xi32>
              %broadcast_in_dim3A_428 = arith.constant true
              %broadcast_in_dim3A_429 = vector.broadcast %broadcast_in_dim3A_428 : i1 to vector<16xi1>
              %masked_cumsum3A_430 = tpu.scan <sum>, %convert_element_type3A_427 masked %broadcast_in_dim3A_429 : vector<16xi32>, vector<16xi1> -> vector<16xi32>
              %mul3A_431 = vector.broadcast %select_n3A : i32 to vector<16xi32>
              %mul3A_432 = arith.muli %mul3A_431, %convert_element_type3A_427 : vector<16xi32>
              %add3A_433 = arith.addi %masked_cumsum3A_430, %mul3A_432 : vector<16xi32>
              %eq3A_434 = arith.constant 1 : i32
              %eq3A_435 = vector.broadcast %eq3A_434 : i32 to vector<16xi32>
              %eq3A_436 = arith.cmpi eq, %add3A_433, %eq3A_435 : vector<16xi32>
              %and3A_437 = arith.andi %while3A_426, %eq3A_436 : vector<16xi1>
              %jit3A_438 = arith.constant 0 : i32
              %broadcast_in_dim3A_439 = vector.broadcast %jit3A_438 : i32 to vector<16xi32>
              %select_n3A_440 = arith.select %and3A_437, %get3A_401, %broadcast_in_dim3A_439 : vector<16xi1>, vector<16xi32>
              %reduce_sum3A = arith.constant true
              %reduce_sum3A_441 = vector.broadcast %reduce_sum3A : i1 to vector<16xi1>
              %reduce_sum3A_442 = tpu.scan <sum>, %select_n3A_440 masked %reduce_sum3A_441 : vector<16xi32>, vector<16xi1> -> vector<16xi32>
              %reduce_sum3A_443 = vector.extract %reduce_sum3A_442[15] : i32 from vector<16xi32>
              %jit3A_444 = arith.constant 0 : i32
              %broadcast_in_dim3A_445 = vector.broadcast %jit3A_444 : i32 to vector<16xi32>
              %select_n3A_446 = arith.select %and3A_437, %get3A_405, %broadcast_in_dim3A_445 : vector<16xi1>, vector<16xi32>
              %reduce_sum3A_447 = arith.constant true
              %reduce_sum3A_448 = vector.broadcast %reduce_sum3A_447 : i1 to vector<16xi1>
              %reduce_sum3A_449 = tpu.scan <sum>, %select_n3A_446 masked %reduce_sum3A_448 : vector<16xi32>, vector<16xi1> -> vector<16xi32>
              %reduce_sum3A_450 = vector.extract %reduce_sum3A_449[15] : i32 from vector<16xi32>
              %sub3A_451 = arith.subi %reduce_sum3A_443, %mul3A_380 : i32
              %broadcast_in_dim3A_452 = arith.constant 0 : i32
              %broadcast_in_dim3A_453 = vector.broadcast %broadcast_in_dim3A_452 : i32 to vector<16xi32>
              %add3A_454 = vector.broadcast %sub3A_451 : i32 to vector<16xi32>
              %add3A_455 = arith.addi %broadcast_in_dim3A_453, %add3A_454 : vector<16xi32>
              %get3A_456 = arith.constant 0 : i32
              %get3A_457 = arith.index_cast %get3A_456 : i32 to index
              %get3A_458 = memref.load %arg14[%get3A_457] : memref<1xi32, #tpu.memory_space<smem>>
              %rem3A_459 = arith.constant 16 : i32
              %rem3A_460 = arith.remsi %get3A_458, %rem3A_459 : i32
              %eq3A_461 = arith.constant 0 : i32
              %eq3A_462 = arith.cmpi eq, %rem3A_460, %eq3A_461 : i32
              %gt3A_463 = arith.constant 0 : i32
              %gt3A_464 = arith.cmpi sgt, %get3A_458, %gt3A_463 : i32
              %and3A_465 = arith.andi %eq3A_462, %gt3A_464 : i1
              %convert_element_type3A_466 = arith.extui %and3A_465 : i1 to i32
              %cond3A_467 = arith.constant 0 : i32
              %cond3A_468 = arith.cmpi ne, %convert_element_type3A_466, %cond3A_467 : i32
              scf.if %cond3A_468 {
                %dma_wait3A_533 = arith.constant 0 : i32
                %dma_wait3A_534 = arith.constant 0 : i32
                %dma_wait3A_535 = tpu.memref_slice %arg5[%dma_wait3A_533, %dma_wait3A_534] : memref<16384x128xf32, #tpu.memory_space<hbm>> -> memref<16x128xf32, #tpu.memory_space<hbm>>
                %dma_wait3A_536 = arith.constant 0 : i32
                %dma_wait3A_537 = arith.constant 0 : i32
                %dma_wait3A_538 = tpu.memref_slice %arg5[%dma_wait3A_536, %dma_wait3A_537] : memref<16384x128xf32, #tpu.memory_space<hbm>> -> memref<16x128xf32, #tpu.memory_space<hbm>>
                tpu.wait_dma2 semaphore(%arg18 : memref<!tpu.dma_semaphore, #tpu.memory_space<semaphore_mem>>) src(%dma_wait3A_538 : memref<16x128xf32, #tpu.memory_space<hbm>>) dst(%arg13 : memref<16x128xf32, #tpu.memory_space<vmem>>)
              } else {
              }
              %broadcast_in_dim3A_469 = arith.constant 0.000000e+00 : f32
              %broadcast_in_dim3A_470 = vector.broadcast %broadcast_in_dim3A_469 : f32 to vector<16xf32>
              %add3A_471 = arith.constant 0 : i32
              %add3A_472 = vector.broadcast %add3A_471 : i32 to vector<16xi32>
              %add3A_473 = arith.addi %add3A_472, %iota3A : vector<16xi32>
              %gather3A = tpu.vector_load_idx %arg6[%add3A_473, %add3A_455] : memref<64x512xf32, #tpu.memory_space<vmem>>[vector<16xi32>, vector<16xi32>], vector<16xf32>,
              %swap3A_474 = arith.index_cast %rem3A_460 : i32 to index
              %swap3A_475 = arith.constant 0 : index
              %swap3A_476 = tpu.vector_load %arg13[%swap3A_474, %swap3A_475] {strides = array<i32>} : memref<16x128xf32, #tpu.memory_space<vmem>>, vector<16xf32>,
              tpu.vector_store %arg13[%swap3A_474, %swap3A_475], %gather3A {strides = array<i32>} : memref<16x128xf32, #tpu.memory_space<vmem>>, vector<16xf32>,
              %mul3A_477 = arith.mulf %gather3A, %gather3A : vector<16xf32>
              %add3A_478 = arith.addf %broadcast_in_dim3A_470, %mul3A_477 : vector<16xf32>
              %add3A_479 = arith.constant 16 : i32
              %add3A_480 = vector.broadcast %add3A_479 : i32 to vector<16xi32>
              %add3A_481 = arith.addi %add3A_480, %iota3A : vector<16xi32>
              %gather3A_482 = tpu.vector_load_idx %arg6[%add3A_481, %add3A_455] : memref<64x512xf32, #tpu.memory_space<vmem>>[vector<16xi32>, vector<16xi32>], vector<16xf32>,
              %swap3A_483 = arith.index_cast %rem3A_460 : i32 to index
              %swap3A_484 = arith.constant 16 : index
              %swap3A_485 = tpu.vector_load %arg13[%swap3A_483, %swap3A_484] {strides = array<i32>} : memref<16x128xf32, #tpu.memory_space<vmem>>, vector<16xf32>,
              tpu.vector_store %arg13[%swap3A_483, %swap3A_484], %gather3A_482 {strides = array<i32>} : memref<16x128xf32, #tpu.memory_space<vmem>>, vector<16xf32>,
              %mul3A_486 = arith.mulf %gather3A_482, %gather3A_482 : vector<16xf32>
              %add3A_487 = arith.addf %add3A_478, %mul3A_486 : vector<16xf32>
              %add3A_488 = arith.constant 32 : i32
              %add3A_489 = vector.broadcast %add3A_488 : i32 to vector<16xi32>
              %add3A_490 = arith.addi %add3A_489, %iota3A : vector<16xi32>
              %gather3A_491 = tpu.vector_load_idx %arg6[%add3A_490, %add3A_455] : memref<64x512xf32, #tpu.memory_space<vmem>>[vector<16xi32>, vector<16xi32>], vector<16xf32>,
              %swap3A_492 = arith.index_cast %rem3A_460 : i32 to index
              %swap3A_493 = arith.constant 32 : index
              %swap3A_494 = tpu.vector_load %arg13[%swap3A_492, %swap3A_493] {strides = array<i32>} : memref<16x128xf32, #tpu.memory_space<vmem>>, vector<16xf32>,
              tpu.vector_store %arg13[%swap3A_492, %swap3A_493], %gather3A_491 {strides = array<i32>} : memref<16x128xf32, #tpu.memory_space<vmem>>, vector<16xf32>,
              %mul3A_495 = arith.mulf %gather3A_491, %gather3A_491 : vector<16xf32>
              %add3A_496 = arith.addf %add3A_487, %mul3A_495 : vector<16xf32>
              %add3A_497 = arith.constant 48 : i32
              %add3A_498 = vector.broadcast %add3A_497 : i32 to vector<16xi32>
              %add3A_499 = arith.addi %add3A_498, %iota3A : vector<16xi32>
              %gather3A_500 = tpu.vector_load_idx %arg6[%add3A_499, %add3A_455] : memref<64x512xf32, #tpu.memory_space<vmem>>[vector<16xi32>, vector<16xi32>], vector<16xf32>,
              %swap3A_501 = arith.index_cast %rem3A_460 : i32 to index
              %swap3A_502 = arith.constant 48 : index
              %swap3A_503 = tpu.vector_load %arg13[%swap3A_501, %swap3A_502] {strides = array<i32>} : memref<16x128xf32, #tpu.memory_space<vmem>>, vector<16xf32>,
              tpu.vector_store %arg13[%swap3A_501, %swap3A_502], %gather3A_500 {strides = array<i32>} : memref<16x128xf32, #tpu.memory_space<vmem>>, vector<16xf32>,
              %mul3A_504 = arith.mulf %gather3A_500, %gather3A_500 : vector<16xf32>
              %add3A_505 = arith.addf %add3A_496, %mul3A_504 : vector<16xf32>
              %reduce_sum3A_506 = arith.constant true
              %reduce_sum3A_507 = vector.broadcast %reduce_sum3A_506 : i1 to vector<16xi1>
              %reduce_sum3A_508 = tpu.scan <sum>, %add3A_505 masked %reduce_sum3A_507 : vector<16xf32>, vector<16xi1> -> vector<16xf32>
              %reduce_sum3A_509 = vector.extract %reduce_sum3A_508[15] : f32 from vector<16xf32>
              %mul3A_510 = arith.constant 1.562500e-03 : f32
              %mul3A_511 = arith.mulf %reduce_sum3A_509, %mul3A_510 : f32
              %broadcast_in_dim3A_512 = arith.constant 0.000000e+00 : f32
              %broadcast_in_dim3A_513 = vector.broadcast %broadcast_in_dim3A_512 : f32 to vector<16xf32>
              %add3A_514 = vector.broadcast %mul3A_511 : f32 to vector<16xf32>
              %add3A_515 = arith.addf %broadcast_in_dim3A_513, %add3A_514 : vector<16xf32>
              %swap3A_516 = arith.index_cast %rem3A_460 : i32 to index
              %swap3A_517 = arith.constant 64 : index
              %swap3A_518 = tpu.vector_load %arg13[%swap3A_516, %swap3A_517] {strides = array<i32>} : memref<16x128xf32, #tpu.memory_space<vmem>>, vector<16xf32>,
              tpu.vector_store %arg13[%swap3A_516, %swap3A_517], %add3A_515 {strides = array<i32>} : memref<16x128xf32, #tpu.memory_space<vmem>>, vector<16xf32>,
              %dma_start3A = arith.constant 0 : i32
              %dma_start3A_519 = tpu.memref_slice %arg13[%rem3A_460, %dma_start3A] : memref<16x128xf32, #tpu.memory_space<vmem>> -> memref<1x128xf32, #tpu.memory_space<vmem>>
              %dma_start3A_520 = arith.constant 0 : i32
              %dma_start3A_521 = tpu.memref_slice %arg5[%reduce_sum3A_450, %dma_start3A_520] : memref<16384x128xf32, #tpu.memory_space<hbm>> -> memref<1x128xf32, #tpu.memory_space<hbm>>
              %dma_start3A_522 = arith.constant 0 : i32
              %dma_start3A_523 = tpu.memref_slice %arg5[%reduce_sum3A_450, %dma_start3A_522] : memref<16384x128xf32, #tpu.memory_space<hbm>> -> memref<1x128xf32, #tpu.memory_space<hbm>>
              %dma_start3A_524 = arith.constant 0 : i32
              %dma_start3A_525 = tpu.memref_slice %arg13[%rem3A_460, %dma_start3A_524] : memref<16x128xf32, #tpu.memory_space<vmem>> -> memref<1x128xf32, #tpu.memory_space<vmem>>
              tpu.enqueue_dma source(%dma_start3A_525 : memref<1x128xf32, #tpu.memory_space<vmem>>) target(%dma_start3A_523 : memref<1x128xf32, #tpu.memory_space<hbm>>) target_semaphore(%arg18 : memref<!tpu.dma_semaphore, #tpu.memory_space<semaphore_mem>>)
              %add3A_526 = arith.constant 1 : i32
              %add3A_527 = arith.addi %get3A_458, %add3A_526 : i32
              %swap3A_528 = arith.constant 0 : i32
              %swap3A_529 = arith.index_cast %swap3A_528 : i32 to index
              %swap3A_530 = memref.load %arg14[%swap3A_529] : memref<1xi32, #tpu.memory_space<smem>>
              memref.store %add3A_527, %arg14[%swap3A_529] : memref<1xi32, #tpu.memory_space<smem>>
              %not3A = arith.constant dense<true> : vector<16xi1>
              %not3A_531 = arith.xori %and3A_437, %not3A : vector<16xi1>
              %and3A_532 = arith.andi %while3A_426, %not3A_531 : vector<16xi1>
              scf.yield %and3A_532 : vector<16xi1>
            }
          }
          %scan3A_386 = arith.constant 44 : i32
          %add3A_387 = arith.constant 3 : i32
          %add3A_388 = arith.addi %scan3A_294, %add3A_387 : i32
          %mul3A_389 = arith.constant 32 : i32
          %mul3A_390 = arith.muli %mul3A_389, %add3A_388 : i32
          %add3A_391 = arith.addi %add3A, %mul3A_390 : i32
          %lt3A_392 = arith.constant 1953 : i32
          %lt3A_393 = arith.cmpi slt, %add3A_391, %lt3A_392 : i32
          %convert_element_type3A_394 = arith.extui %lt3A_393 : i1 to i32
          %cond3A_395 = arith.constant 0 : i32
          %cond3A_396 = arith.cmpi ne, %convert_element_type3A_394, %cond3A_395 : i32
          scf.if %cond3A_396 {
            %mul3A_397 = arith.constant 512 : i32
            %mul3A_398 = arith.muli %add3A_391, %mul3A_397 : i32
            %dma_start3A = arith.constant 0 : i32
            %dma_start3A_399 = tpu.memref_slice %arg3[%dma_start3A, %mul3A_398] : memref<64x1000000xf32, #tpu.memory_space<hbm>> -> memref<64x512xf32, #tpu.memory_space<hbm>>
            %dma_start3A_400 = arith.constant 0 : i32
            %dma_start3A_401 = tpu.memref_slice %arg3[%dma_start3A_400, %mul3A_398] : memref<64x1000000xf32, #tpu.memory_space<hbm>> -> memref<64x512xf32, #tpu.memory_space<hbm>>
            tpu.enqueue_dma source(%dma_start3A_401 : memref<64x512xf32, #tpu.memory_space<hbm>>) target(%arg6 : memref<64x512xf32, #tpu.memory_space<vmem>>) target_semaphore(%arg15 : memref<!tpu.dma_semaphore, #tpu.memory_space<semaphore_mem>>)
          } else {
          }
        } else {
        }
        %jit3A_329 = arith.constant 3 : i32
        %eq3A_330 = arith.constant 0 : i32
        %eq3A_331 = arith.cmpi eq, %jit3A_329, %eq3A_330 : i32
        %jit3A_332 = arith.constant 1 : i32
        %select_n3A_333 = arith.select %eq3A_331, %jit3A_332, %jit3A_329 : i32
        %rem3A_334 = arith.remsi %scan3A_294, %select_n3A_333 : i32
        %ne3A_335 = arith.constant 0 : i32
        %ne3A_336 = arith.cmpi ne, %rem3A_334, %ne3A_335 : i32
        %lt3A_337 = arith.constant 0 : i32
        %lt3A_338 = arith.cmpi slt, %rem3A_334, %lt3A_337 : i32
        %lt3A_339 = arith.constant 0 : i32
        %lt3A_340 = arith.cmpi slt, %select_n3A_333, %lt3A_339 : i32
        %ne3A_341 = arith.xori %lt3A_338, %lt3A_340 : i1
        %and3A_342 = arith.andi %ne3A_341, %ne3A_336 : i1
        %add3A_343 = arith.addi %rem3A_334, %select_n3A_333 : i32
        %select_n3A_344 = arith.select %and3A_342, %add3A_343, %rem3A_334 : i32
        %eq3A_345 = arith.constant 1 : i32
        %eq3A_346 = arith.cmpi eq, %select_n3A_344, %eq3A_345 : i32
        %convert_element_type3A_347 = arith.extui %eq3A_346 : i1 to i32
        %cond3A_348 = arith.constant 0 : i32
        %cond3A_349 = arith.cmpi ne, %convert_element_type3A_347, %cond3A_348 : i32
        scf.if %cond3A_349 {
          %dma_wait3A = arith.constant 0 : i32
          %dma_wait3A_371 = arith.constant 0 : i32
          %dma_wait3A_372 = tpu.memref_slice %arg3[%dma_wait3A, %dma_wait3A_371] : memref<64x1000000xf32, #tpu.memory_space<hbm>> -> memref<64x512xf32, #tpu.memory_space<hbm>>
          %dma_wait3A_373 = arith.constant 0 : i32
          %dma_wait3A_374 = arith.constant 0 : i32
          %dma_wait3A_375 = tpu.memref_slice %arg3[%dma_wait3A_373, %dma_wait3A_374] : memref<64x1000000xf32, #tpu.memory_space<hbm>> -> memref<64x512xf32, #tpu.memory_space<hbm>>
          tpu.wait_dma2 semaphore(%arg16 : memref<!tpu.dma_semaphore, #tpu.memory_space<semaphore_mem>>) src(%dma_wait3A_375 : memref<64x512xf32, #tpu.memory_space<hbm>>) dst(%arg7 : memref<64x512xf32, #tpu.memory_space<vmem>>)
          %mul3A_376 = arith.constant 32 : i32
          %mul3A_377 = arith.muli %mul3A_376, %scan3A_294 : i32
          %add3A_378 = arith.addi %add3A, %mul3A_377 : i32
          %mul3A_379 = arith.constant 512 : i32
          %mul3A_380 = arith.muli %add3A_378, %mul3A_379 : i32
          %scan3A_381 = arith.constant 0 : i32
          %scan3A_382 = arith.constant 0 : i32
          %scan3A_383 = arith.constant 44 : i32
          %scan3A_384 = arith.addi %scan3A_382, %scan3A_383 : i32
          %scan3A_385 = arith.constant 1 : i32
          scf.for %scan3A_397 = %scan3A_382 to %scan3A_384 step %scan3A_385  : i32 {
            %mul3A_398 = arith.constant 16 : i32
            %mul3A_399 = arith.muli %scan3A_397, %mul3A_398 : i32
            %get3A_400 = arith.index_cast %mul3A_399 : i32 to index
            %get3A_401 = tpu.vector_load %arg10[%get3A_400] {strides = array<i32>} : memref<704xi32, #tpu.memory_space<vmem>>, vector<16xi32>,
            %mul3A_402 = arith.constant 16 : i32
            %mul3A_403 = arith.muli %scan3A_397, %mul3A_402 : i32
            %get3A_404 = arith.index_cast %mul3A_403 : i32 to index
            %get3A_405 = tpu.vector_load %arg11[%get3A_404] {strides = array<i32>} : memref<704xi32, #tpu.memory_space<vmem>>, vector<16xi32>,
            %ge3A = vector.broadcast %mul3A_380 : i32 to vector<16xi32>
            %ge3A_406 = arith.cmpi sge, %get3A_401, %ge3A : vector<16xi32>
            %add3A_407 = arith.constant 512 : i32
            %add3A_408 = arith.addi %mul3A_380, %add3A_407 : i32
            %lt3A_409 = vector.broadcast %add3A_408 : i32 to vector<16xi32>
            %lt3A_410 = arith.cmpi slt, %get3A_401, %lt3A_409 : vector<16xi32>
            %and3A_411 = arith.andi %ge3A_406, %lt3A_410 : vector<16xi1>
            %all_reduce_population_count3A = tpu.all_reduce %and3A_411 {dim = 0 : i64, kind = #tpu.reduction_kind<sum>} : vector<16xi1> -> vector<16xi32>
            %slice3A_412 = vector.extract_strided_slice %all_reduce_population_count3A {offsets = [0], sizes = [1], strides = [1]} : vector<16xi32> to vector<1xi32>
            %squeeze3A_413 = vector.extract %slice3A_412[0] : i32 from vector<1xi32>
            %while3A_414 = arith.constant 0 : i32
            %while3A_415 = arith.subi %squeeze3A_413, %while3A_414 : i32
            %while3A_416 = arith.addi %while3A_414, %while3A_415 : i32
            %while3A_417 = arith.constant 1 : i32
            %while3A_418 = arith.divsi %while3A_415, %while3A_417 : i32
            %while3A_419 = arith.muli %while3A_418, %while3A_417 : i32
            %while3A_420 = arith.addi %while3A_414, %while3A_419 : i32
            %while3A_421 = arith.constant 1 : i32
            %while3A_422 = scf.for %while3A_425 = %while3A_414 to %while3A_420 step %while3A_421 iter_args(%while3A_426 = %and3A_411) -> (vector<16xi1>)  : i32 {
              %convert_element_type3A_427 = arith.extui %while3A_426 : vector<16xi1> to vector<16xi32>
              %broadcast_in_dim3A_428 = arith.constant true
              %broadcast_in_dim3A_429 = vector.broadcast %broadcast_in_dim3A_428 : i1 to vector<16xi1>
              %masked_cumsum3A_430 = tpu.scan <sum>, %convert_element_type3A_427 masked %broadcast_in_dim3A_429 : vector<16xi32>, vector<16xi1> -> vector<16xi32>
              %mul3A_431 = vector.broadcast %select_n3A : i32 to vector<16xi32>
              %mul3A_432 = arith.muli %mul3A_431, %convert_element_type3A_427 : vector<16xi32>
              %add3A_433 = arith.addi %masked_cumsum3A_430, %mul3A_432 : vector<16xi32>
              %eq3A_434 = arith.constant 1 : i32
              %eq3A_435 = vector.broadcast %eq3A_434 : i32 to vector<16xi32>
              %eq3A_436 = arith.cmpi eq, %add3A_433, %eq3A_435 : vector<16xi32>
              %and3A_437 = arith.andi %while3A_426, %eq3A_436 : vector<16xi1>
              %jit3A_438 = arith.constant 0 : i32
              %broadcast_in_dim3A_439 = vector.broadcast %jit3A_438 : i32 to vector<16xi32>
              %select_n3A_440 = arith.select %and3A_437, %get3A_401, %broadcast_in_dim3A_439 : vector<16xi1>, vector<16xi32>
              %reduce_sum3A = arith.constant true
              %reduce_sum3A_441 = vector.broadcast %reduce_sum3A : i1 to vector<16xi1>
              %reduce_sum3A_442 = tpu.scan <sum>, %select_n3A_440 masked %reduce_sum3A_441 : vector<16xi32>, vector<16xi1> -> vector<16xi32>
              %reduce_sum3A_443 = vector.extract %reduce_sum3A_442[15] : i32 from vector<16xi32>
              %jit3A_444 = arith.constant 0 : i32
              %broadcast_in_dim3A_445 = vector.broadcast %jit3A_444 : i32 to vector<16xi32>
              %select_n3A_446 = arith.select %and3A_437, %get3A_405, %broadcast_in_dim3A_445 : vector<16xi1>, vector<16xi32>
              %reduce_sum3A_447 = arith.constant true
              %reduce_sum3A_448 = vector.broadcast %reduce_sum3A_447 : i1 to vector<16xi1>
              %reduce_sum3A_449 = tpu.scan <sum>, %select_n3A_446 masked %reduce_sum3A_448 : vector<16xi32>, vector<16xi1> -> vector<16xi32>
              %reduce_sum3A_450 = vector.extract %reduce_sum3A_449[15] : i32 from vector<16xi32>
              %sub3A_451 = arith.subi %reduce_sum3A_443, %mul3A_380 : i32
              %broadcast_in_dim3A_452 = arith.constant 0 : i32
              %broadcast_in_dim3A_453 = vector.broadcast %broadcast_in_dim3A_452 : i32 to vector<16xi32>
              %add3A_454 = vector.broadcast %sub3A_451 : i32 to vector<16xi32>
              %add3A_455 = arith.addi %broadcast_in_dim3A_453, %add3A_454 : vector<16xi32>
              %get3A_456 = arith.constant 0 : i32
              %get3A_457 = arith.index_cast %get3A_456 : i32 to index
              %get3A_458 = memref.load %arg14[%get3A_457] : memref<1xi32, #tpu.memory_space<smem>>
              %rem3A_459 = arith.constant 16 : i32
              %rem3A_460 = arith.remsi %get3A_458, %rem3A_459 : i32
              %eq3A_461 = arith.constant 0 : i32
              %eq3A_462 = arith.cmpi eq, %rem3A_460, %eq3A_461 : i32
              %gt3A_463 = arith.constant 0 : i32
              %gt3A_464 = arith.cmpi sgt, %get3A_458, %gt3A_463 : i32
              %and3A_465 = arith.andi %eq3A_462, %gt3A_464 : i1
              %convert_element_type3A_466 = arith.extui %and3A_465 : i1 to i32
              %cond3A_467 = arith.constant 0 : i32
              %cond3A_468 = arith.cmpi ne, %convert_element_type3A_466, %cond3A_467 : i32
              scf.if %cond3A_468 {
                %dma_wait3A_533 = arith.constant 0 : i32
                %dma_wait3A_534 = arith.constant 0 : i32
                %dma_wait3A_535 = tpu.memref_slice %arg5[%dma_wait3A_533, %dma_wait3A_534] : memref<16384x128xf32, #tpu.memory_space<hbm>> -> memref<16x128xf32, #tpu.memory_space<hbm>>
                %dma_wait3A_536 = arith.constant 0 : i32
                %dma_wait3A_537 = arith.constant 0 : i32
                %dma_wait3A_538 = tpu.memref_slice %arg5[%dma_wait3A_536, %dma_wait3A_537] : memref<16384x128xf32, #tpu.memory_space<hbm>> -> memref<16x128xf32, #tpu.memory_space<hbm>>
                tpu.wait_dma2 semaphore(%arg18 : memref<!tpu.dma_semaphore, #tpu.memory_space<semaphore_mem>>) src(%dma_wait3A_538 : memref<16x128xf32, #tpu.memory_space<hbm>>) dst(%arg13 : memref<16x128xf32, #tpu.memory_space<vmem>>)
              } else {
              }
              %broadcast_in_dim3A_469 = arith.constant 0.000000e+00 : f32
              %broadcast_in_dim3A_470 = vector.broadcast %broadcast_in_dim3A_469 : f32 to vector<16xf32>
              %add3A_471 = arith.constant 0 : i32
              %add3A_472 = vector.broadcast %add3A_471 : i32 to vector<16xi32>
              %add3A_473 = arith.addi %add3A_472, %iota3A : vector<16xi32>
              %gather3A = tpu.vector_load_idx %arg7[%add3A_473, %add3A_455] : memref<64x512xf32, #tpu.memory_space<vmem>>[vector<16xi32>, vector<16xi32>], vector<16xf32>,
              %swap3A_474 = arith.index_cast %rem3A_460 : i32 to index
              %swap3A_475 = arith.constant 0 : index
              %swap3A_476 = tpu.vector_load %arg13[%swap3A_474, %swap3A_475] {strides = array<i32>} : memref<16x128xf32, #tpu.memory_space<vmem>>, vector<16xf32>,
              tpu.vector_store %arg13[%swap3A_474, %swap3A_475], %gather3A {strides = array<i32>} : memref<16x128xf32, #tpu.memory_space<vmem>>, vector<16xf32>,
              %mul3A_477 = arith.mulf %gather3A, %gather3A : vector<16xf32>
              %add3A_478 = arith.addf %broadcast_in_dim3A_470, %mul3A_477 : vector<16xf32>
              %add3A_479 = arith.constant 16 : i32
              %add3A_480 = vector.broadcast %add3A_479 : i32 to vector<16xi32>
              %add3A_481 = arith.addi %add3A_480, %iota3A : vector<16xi32>
              %gather3A_482 = tpu.vector_load_idx %arg7[%add3A_481, %add3A_455] : memref<64x512xf32, #tpu.memory_space<vmem>>[vector<16xi32>, vector<16xi32>], vector<16xf32>,
              %swap3A_483 = arith.index_cast %rem3A_460 : i32 to index
              %swap3A_484 = arith.constant 16 : index
              %swap3A_485 = tpu.vector_load %arg13[%swap3A_483, %swap3A_484] {strides = array<i32>} : memref<16x128xf32, #tpu.memory_space<vmem>>, vector<16xf32>,
              tpu.vector_store %arg13[%swap3A_483, %swap3A_484], %gather3A_482 {strides = array<i32>} : memref<16x128xf32, #tpu.memory_space<vmem>>, vector<16xf32>,
              %mul3A_486 = arith.mulf %gather3A_482, %gather3A_482 : vector<16xf32>
              %add3A_487 = arith.addf %add3A_478, %mul3A_486 : vector<16xf32>
              %add3A_488 = arith.constant 32 : i32
              %add3A_489 = vector.broadcast %add3A_488 : i32 to vector<16xi32>
              %add3A_490 = arith.addi %add3A_489, %iota3A : vector<16xi32>
              %gather3A_491 = tpu.vector_load_idx %arg7[%add3A_490, %add3A_455] : memref<64x512xf32, #tpu.memory_space<vmem>>[vector<16xi32>, vector<16xi32>], vector<16xf32>,
              %swap3A_492 = arith.index_cast %rem3A_460 : i32 to index
              %swap3A_493 = arith.constant 32 : index
              %swap3A_494 = tpu.vector_load %arg13[%swap3A_492, %swap3A_493] {strides = array<i32>} : memref<16x128xf32, #tpu.memory_space<vmem>>, vector<16xf32>,
              tpu.vector_store %arg13[%swap3A_492, %swap3A_493], %gather3A_491 {strides = array<i32>} : memref<16x128xf32, #tpu.memory_space<vmem>>, vector<16xf32>,
              %mul3A_495 = arith.mulf %gather3A_491, %gather3A_491 : vector<16xf32>
              %add3A_496 = arith.addf %add3A_487, %mul3A_495 : vector<16xf32>
              %add3A_497 = arith.constant 48 : i32
              %add3A_498 = vector.broadcast %add3A_497 : i32 to vector<16xi32>
              %add3A_499 = arith.addi %add3A_498, %iota3A : vector<16xi32>
              %gather3A_500 = tpu.vector_load_idx %arg7[%add3A_499, %add3A_455] : memref<64x512xf32, #tpu.memory_space<vmem>>[vector<16xi32>, vector<16xi32>], vector<16xf32>,
              %swap3A_501 = arith.index_cast %rem3A_460 : i32 to index
              %swap3A_502 = arith.constant 48 : index
              %swap3A_503 = tpu.vector_load %arg13[%swap3A_501, %swap3A_502] {strides = array<i32>} : memref<16x128xf32, #tpu.memory_space<vmem>>, vector<16xf32>,
              tpu.vector_store %arg13[%swap3A_501, %swap3A_502], %gather3A_500 {strides = array<i32>} : memref<16x128xf32, #tpu.memory_space<vmem>>, vector<16xf32>,
              %mul3A_504 = arith.mulf %gather3A_500, %gather3A_500 : vector<16xf32>
              %add3A_505 = arith.addf %add3A_496, %mul3A_504 : vector<16xf32>
              %reduce_sum3A_506 = arith.constant true
              %reduce_sum3A_507 = vector.broadcast %reduce_sum3A_506 : i1 to vector<16xi1>
              %reduce_sum3A_508 = tpu.scan <sum>, %add3A_505 masked %reduce_sum3A_507 : vector<16xf32>, vector<16xi1> -> vector<16xf32>
              %reduce_sum3A_509 = vector.extract %reduce_sum3A_508[15] : f32 from vector<16xf32>
              %mul3A_510 = arith.constant 1.562500e-03 : f32
              %mul3A_511 = arith.mulf %reduce_sum3A_509, %mul3A_510 : f32
              %broadcast_in_dim3A_512 = arith.constant 0.000000e+00 : f32
              %broadcast_in_dim3A_513 = vector.broadcast %broadcast_in_dim3A_512 : f32 to vector<16xf32>
              %add3A_514 = vector.broadcast %mul3A_511 : f32 to vector<16xf32>
              %add3A_515 = arith.addf %broadcast_in_dim3A_513, %add3A_514 : vector<16xf32>
              %swap3A_516 = arith.index_cast %rem3A_460 : i32 to index
              %swap3A_517 = arith.constant 64 : index
              %swap3A_518 = tpu.vector_load %arg13[%swap3A_516, %swap3A_517] {strides = array<i32>} : memref<16x128xf32, #tpu.memory_space<vmem>>, vector<16xf32>,
              tpu.vector_store %arg13[%swap3A_516, %swap3A_517], %add3A_515 {strides = array<i32>} : memref<16x128xf32, #tpu.memory_space<vmem>>, vector<16xf32>,
              %dma_start3A = arith.constant 0 : i32
              %dma_start3A_519 = tpu.memref_slice %arg13[%rem3A_460, %dma_start3A] : memref<16x128xf32, #tpu.memory_space<vmem>> -> memref<1x128xf32, #tpu.memory_space<vmem>>
              %dma_start3A_520 = arith.constant 0 : i32
              %dma_start3A_521 = tpu.memref_slice %arg5[%reduce_sum3A_450, %dma_start3A_520] : memref<16384x128xf32, #tpu.memory_space<hbm>> -> memref<1x128xf32, #tpu.memory_space<hbm>>
              %dma_start3A_522 = arith.constant 0 : i32
              %dma_start3A_523 = tpu.memref_slice %arg5[%reduce_sum3A_450, %dma_start3A_522] : memref<16384x128xf32, #tpu.memory_space<hbm>> -> memref<1x128xf32, #tpu.memory_space<hbm>>
              %dma_start3A_524 = arith.constant 0 : i32
              %dma_start3A_525 = tpu.memref_slice %arg13[%rem3A_460, %dma_start3A_524] : memref<16x128xf32, #tpu.memory_space<vmem>> -> memref<1x128xf32, #tpu.memory_space<vmem>>
              tpu.enqueue_dma source(%dma_start3A_525 : memref<1x128xf32, #tpu.memory_space<vmem>>) target(%dma_start3A_523 : memref<1x128xf32, #tpu.memory_space<hbm>>) target_semaphore(%arg18 : memref<!tpu.dma_semaphore, #tpu.memory_space<semaphore_mem>>)
              %add3A_526 = arith.constant 1 : i32
              %add3A_527 = arith.addi %get3A_458, %add3A_526 : i32
              %swap3A_528 = arith.constant 0 : i32
              %swap3A_529 = arith.index_cast %swap3A_528 : i32 to index
              %swap3A_530 = memref.load %arg14[%swap3A_529] : memref<1xi32, #tpu.memory_space<smem>>
              memref.store %add3A_527, %arg14[%swap3A_529] : memref<1xi32, #tpu.memory_space<smem>>
              %not3A = arith.constant dense<true> : vector<16xi1>
              %not3A_531 = arith.xori %and3A_437, %not3A : vector<16xi1>
              %and3A_532 = arith.andi %while3A_426, %not3A_531 : vector<16xi1>
              scf.yield %and3A_532 : vector<16xi1>
            }
            %while3A_423 = arith.constant 1 : i32
            %while3A_424 = scf.for %while3A_425 = %while3A_420 to %while3A_416 step %while3A_423 iter_args(%while3A_426 = %while3A_422) -> (vector<16xi1>)  : i32 {
              %convert_element_type3A_427 = arith.extui %while3A_426 : vector<16xi1> to vector<16xi32>
              %broadcast_in_dim3A_428 = arith.constant true
              %broadcast_in_dim3A_429 = vector.broadcast %broadcast_in_dim3A_428 : i1 to vector<16xi1>
              %masked_cumsum3A_430 = tpu.scan <sum>, %convert_element_type3A_427 masked %broadcast_in_dim3A_429 : vector<16xi32>, vector<16xi1> -> vector<16xi32>
              %mul3A_431 = vector.broadcast %select_n3A : i32 to vector<16xi32>
              %mul3A_432 = arith.muli %mul3A_431, %convert_element_type3A_427 : vector<16xi32>
              %add3A_433 = arith.addi %masked_cumsum3A_430, %mul3A_432 : vector<16xi32>
              %eq3A_434 = arith.constant 1 : i32
              %eq3A_435 = vector.broadcast %eq3A_434 : i32 to vector<16xi32>
              %eq3A_436 = arith.cmpi eq, %add3A_433, %eq3A_435 : vector<16xi32>
              %and3A_437 = arith.andi %while3A_426, %eq3A_436 : vector<16xi1>
              %jit3A_438 = arith.constant 0 : i32
              %broadcast_in_dim3A_439 = vector.broadcast %jit3A_438 : i32 to vector<16xi32>
              %select_n3A_440 = arith.select %and3A_437, %get3A_401, %broadcast_in_dim3A_439 : vector<16xi1>, vector<16xi32>
              %reduce_sum3A = arith.constant true
              %reduce_sum3A_441 = vector.broadcast %reduce_sum3A : i1 to vector<16xi1>
              %reduce_sum3A_442 = tpu.scan <sum>, %select_n3A_440 masked %reduce_sum3A_441 : vector<16xi32>, vector<16xi1> -> vector<16xi32>
              %reduce_sum3A_443 = vector.extract %reduce_sum3A_442[15] : i32 from vector<16xi32>
              %jit3A_444 = arith.constant 0 : i32
              %broadcast_in_dim3A_445 = vector.broadcast %jit3A_444 : i32 to vector<16xi32>
              %select_n3A_446 = arith.select %and3A_437, %get3A_405, %broadcast_in_dim3A_445 : vector<16xi1>, vector<16xi32>
              %reduce_sum3A_447 = arith.constant true
              %reduce_sum3A_448 = vector.broadcast %reduce_sum3A_447 : i1 to vector<16xi1>
              %reduce_sum3A_449 = tpu.scan <sum>, %select_n3A_446 masked %reduce_sum3A_448 : vector<16xi32>, vector<16xi1> -> vector<16xi32>
              %reduce_sum3A_450 = vector.extract %reduce_sum3A_449[15] : i32 from vector<16xi32>
              %sub3A_451 = arith.subi %reduce_sum3A_443, %mul3A_380 : i32
              %broadcast_in_dim3A_452 = arith.constant 0 : i32
              %broadcast_in_dim3A_453 = vector.broadcast %broadcast_in_dim3A_452 : i32 to vector<16xi32>
              %add3A_454 = vector.broadcast %sub3A_451 : i32 to vector<16xi32>
              %add3A_455 = arith.addi %broadcast_in_dim3A_453, %add3A_454 : vector<16xi32>
              %get3A_456 = arith.constant 0 : i32
              %get3A_457 = arith.index_cast %get3A_456 : i32 to index
              %get3A_458 = memref.load %arg14[%get3A_457] : memref<1xi32, #tpu.memory_space<smem>>
              %rem3A_459 = arith.constant 16 : i32
              %rem3A_460 = arith.remsi %get3A_458, %rem3A_459 : i32
              %eq3A_461 = arith.constant 0 : i32
              %eq3A_462 = arith.cmpi eq, %rem3A_460, %eq3A_461 : i32
              %gt3A_463 = arith.constant 0 : i32
              %gt3A_464 = arith.cmpi sgt, %get3A_458, %gt3A_463 : i32
              %and3A_465 = arith.andi %eq3A_462, %gt3A_464 : i1
              %convert_element_type3A_466 = arith.extui %and3A_465 : i1 to i32
              %cond3A_467 = arith.constant 0 : i32
              %cond3A_468 = arith.cmpi ne, %convert_element_type3A_466, %cond3A_467 : i32
              scf.if %cond3A_468 {
                %dma_wait3A_533 = arith.constant 0 : i32
                %dma_wait3A_534 = arith.constant 0 : i32
                %dma_wait3A_535 = tpu.memref_slice %arg5[%dma_wait3A_533, %dma_wait3A_534] : memref<16384x128xf32, #tpu.memory_space<hbm>> -> memref<16x128xf32, #tpu.memory_space<hbm>>
                %dma_wait3A_536 = arith.constant 0 : i32
                %dma_wait3A_537 = arith.constant 0 : i32
                %dma_wait3A_538 = tpu.memref_slice %arg5[%dma_wait3A_536, %dma_wait3A_537] : memref<16384x128xf32, #tpu.memory_space<hbm>> -> memref<16x128xf32, #tpu.memory_space<hbm>>
                tpu.wait_dma2 semaphore(%arg18 : memref<!tpu.dma_semaphore, #tpu.memory_space<semaphore_mem>>) src(%dma_wait3A_538 : memref<16x128xf32, #tpu.memory_space<hbm>>) dst(%arg13 : memref<16x128xf32, #tpu.memory_space<vmem>>)
              } else {
              }
              %broadcast_in_dim3A_469 = arith.constant 0.000000e+00 : f32
              %broadcast_in_dim3A_470 = vector.broadcast %broadcast_in_dim3A_469 : f32 to vector<16xf32>
              %add3A_471 = arith.constant 0 : i32
              %add3A_472 = vector.broadcast %add3A_471 : i32 to vector<16xi32>
              %add3A_473 = arith.addi %add3A_472, %iota3A : vector<16xi32>
              %gather3A = tpu.vector_load_idx %arg7[%add3A_473, %add3A_455] : memref<64x512xf32, #tpu.memory_space<vmem>>[vector<16xi32>, vector<16xi32>], vector<16xf32>,
              %swap3A_474 = arith.index_cast %rem3A_460 : i32 to index
              %swap3A_475 = arith.constant 0 : index
              %swap3A_476 = tpu.vector_load %arg13[%swap3A_474, %swap3A_475] {strides = array<i32>} : memref<16x128xf32, #tpu.memory_space<vmem>>, vector<16xf32>,
              tpu.vector_store %arg13[%swap3A_474, %swap3A_475], %gather3A {strides = array<i32>} : memref<16x128xf32, #tpu.memory_space<vmem>>, vector<16xf32>,
              %mul3A_477 = arith.mulf %gather3A, %gather3A : vector<16xf32>
              %add3A_478 = arith.addf %broadcast_in_dim3A_470, %mul3A_477 : vector<16xf32>
              %add3A_479 = arith.constant 16 : i32
              %add3A_480 = vector.broadcast %add3A_479 : i32 to vector<16xi32>
              %add3A_481 = arith.addi %add3A_480, %iota3A : vector<16xi32>
              %gather3A_482 = tpu.vector_load_idx %arg7[%add3A_481, %add3A_455] : memref<64x512xf32, #tpu.memory_space<vmem>>[vector<16xi32>, vector<16xi32>], vector<16xf32>,
              %swap3A_483 = arith.index_cast %rem3A_460 : i32 to index
              %swap3A_484 = arith.constant 16 : index
              %swap3A_485 = tpu.vector_load %arg13[%swap3A_483, %swap3A_484] {strides = array<i32>} : memref<16x128xf32, #tpu.memory_space<vmem>>, vector<16xf32>,
              tpu.vector_store %arg13[%swap3A_483, %swap3A_484], %gather3A_482 {strides = array<i32>} : memref<16x128xf32, #tpu.memory_space<vmem>>, vector<16xf32>,
              %mul3A_486 = arith.mulf %gather3A_482, %gather3A_482 : vector<16xf32>
              %add3A_487 = arith.addf %add3A_478, %mul3A_486 : vector<16xf32>
              %add3A_488 = arith.constant 32 : i32
              %add3A_489 = vector.broadcast %add3A_488 : i32 to vector<16xi32>
              %add3A_490 = arith.addi %add3A_489, %iota3A : vector<16xi32>
              %gather3A_491 = tpu.vector_load_idx %arg7[%add3A_490, %add3A_455] : memref<64x512xf32, #tpu.memory_space<vmem>>[vector<16xi32>, vector<16xi32>], vector<16xf32>,
              %swap3A_492 = arith.index_cast %rem3A_460 : i32 to index
              %swap3A_493 = arith.constant 32 : index
              %swap3A_494 = tpu.vector_load %arg13[%swap3A_492, %swap3A_493] {strides = array<i32>} : memref<16x128xf32, #tpu.memory_space<vmem>>, vector<16xf32>,
              tpu.vector_store %arg13[%swap3A_492, %swap3A_493], %gather3A_491 {strides = array<i32>} : memref<16x128xf32, #tpu.memory_space<vmem>>, vector<16xf32>,
              %mul3A_495 = arith.mulf %gather3A_491, %gather3A_491 : vector<16xf32>
              %add3A_496 = arith.addf %add3A_487, %mul3A_495 : vector<16xf32>
              %add3A_497 = arith.constant 48 : i32
              %add3A_498 = vector.broadcast %add3A_497 : i32 to vector<16xi32>
              %add3A_499 = arith.addi %add3A_498, %iota3A : vector<16xi32>
              %gather3A_500 = tpu.vector_load_idx %arg7[%add3A_499, %add3A_455] : memref<64x512xf32, #tpu.memory_space<vmem>>[vector<16xi32>, vector<16xi32>], vector<16xf32>,
              %swap3A_501 = arith.index_cast %rem3A_460 : i32 to index
              %swap3A_502 = arith.constant 48 : index
              %swap3A_503 = tpu.vector_load %arg13[%swap3A_501, %swap3A_502] {strides = array<i32>} : memref<16x128xf32, #tpu.memory_space<vmem>>, vector<16xf32>,
              tpu.vector_store %arg13[%swap3A_501, %swap3A_502], %gather3A_500 {strides = array<i32>} : memref<16x128xf32, #tpu.memory_space<vmem>>, vector<16xf32>,
              %mul3A_504 = arith.mulf %gather3A_500, %gather3A_500 : vector<16xf32>
              %add3A_505 = arith.addf %add3A_496, %mul3A_504 : vector<16xf32>
              %reduce_sum3A_506 = arith.constant true
              %reduce_sum3A_507 = vector.broadcast %reduce_sum3A_506 : i1 to vector<16xi1>
              %reduce_sum3A_508 = tpu.scan <sum>, %add3A_505 masked %reduce_sum3A_507 : vector<16xf32>, vector<16xi1> -> vector<16xf32>
              %reduce_sum3A_509 = vector.extract %reduce_sum3A_508[15] : f32 from vector<16xf32>
              %mul3A_510 = arith.constant 1.562500e-03 : f32
              %mul3A_511 = arith.mulf %reduce_sum3A_509, %mul3A_510 : f32
              %broadcast_in_dim3A_512 = arith.constant 0.000000e+00 : f32
              %broadcast_in_dim3A_513 = vector.broadcast %broadcast_in_dim3A_512 : f32 to vector<16xf32>
              %add3A_514 = vector.broadcast %mul3A_511 : f32 to vector<16xf32>
              %add3A_515 = arith.addf %broadcast_in_dim3A_513, %add3A_514 : vector<16xf32>
              %swap3A_516 = arith.index_cast %rem3A_460 : i32 to index
              %swap3A_517 = arith.constant 64 : index
              %swap3A_518 = tpu.vector_load %arg13[%swap3A_516, %swap3A_517] {strides = array<i32>} : memref<16x128xf32, #tpu.memory_space<vmem>>, vector<16xf32>,
              tpu.vector_store %arg13[%swap3A_516, %swap3A_517], %add3A_515 {strides = array<i32>} : memref<16x128xf32, #tpu.memory_space<vmem>>, vector<16xf32>,
              %dma_start3A = arith.constant 0 : i32
              %dma_start3A_519 = tpu.memref_slice %arg13[%rem3A_460, %dma_start3A] : memref<16x128xf32, #tpu.memory_space<vmem>> -> memref<1x128xf32, #tpu.memory_space<vmem>>
              %dma_start3A_520 = arith.constant 0 : i32
              %dma_start3A_521 = tpu.memref_slice %arg5[%reduce_sum3A_450, %dma_start3A_520] : memref<16384x128xf32, #tpu.memory_space<hbm>> -> memref<1x128xf32, #tpu.memory_space<hbm>>
              %dma_start3A_522 = arith.constant 0 : i32
              %dma_start3A_523 = tpu.memref_slice %arg5[%reduce_sum3A_450, %dma_start3A_522] : memref<16384x128xf32, #tpu.memory_space<hbm>> -> memref<1x128xf32, #tpu.memory_space<hbm>>
              %dma_start3A_524 = arith.constant 0 : i32
              %dma_start3A_525 = tpu.memref_slice %arg13[%rem3A_460, %dma_start3A_524] : memref<16x128xf32, #tpu.memory_space<vmem>> -> memref<1x128xf32, #tpu.memory_space<vmem>>
              tpu.enqueue_dma source(%dma_start3A_525 : memref<1x128xf32, #tpu.memory_space<vmem>>) target(%dma_start3A_523 : memref<1x128xf32, #tpu.memory_space<hbm>>) target_semaphore(%arg18 : memref<!tpu.dma_semaphore, #tpu.memory_space<semaphore_mem>>)
              %add3A_526 = arith.constant 1 : i32
              %add3A_527 = arith.addi %get3A_458, %add3A_526 : i32
              %swap3A_528 = arith.constant 0 : i32
              %swap3A_529 = arith.index_cast %swap3A_528 : i32 to index
              %swap3A_530 = memref.load %arg14[%swap3A_529] : memref<1xi32, #tpu.memory_space<smem>>
              memref.store %add3A_527, %arg14[%swap3A_529] : memref<1xi32, #tpu.memory_space<smem>>
              %not3A = arith.constant dense<true> : vector<16xi1>
              %not3A_531 = arith.xori %and3A_437, %not3A : vector<16xi1>
              %and3A_532 = arith.andi %while3A_426, %not3A_531 : vector<16xi1>
              scf.yield %and3A_532 : vector<16xi1>
            }
          }
          %scan3A_386 = arith.constant 44 : i32
          %add3A_387 = arith.constant 3 : i32
          %add3A_388 = arith.addi %scan3A_294, %add3A_387 : i32
          %mul3A_389 = arith.constant 32 : i32
          %mul3A_390 = arith.muli %mul3A_389, %add3A_388 : i32
          %add3A_391 = arith.addi %add3A, %mul3A_390 : i32
          %lt3A_392 = arith.constant 1953 : i32
          %lt3A_393 = arith.cmpi slt, %add3A_391, %lt3A_392 : i32
          %convert_element_type3A_394 = arith.extui %lt3A_393 : i1 to i32
          %cond3A_395 = arith.constant 0 : i32
          %cond3A_396 = arith.cmpi ne, %convert_element_type3A_394, %cond3A_395 : i32
          scf.if %cond3A_396 {
            %mul3A_397 = arith.constant 512 : i32
            %mul3A_398 = arith.muli %add3A_391, %mul3A_397 : i32
            %dma_start3A = arith.constant 0 : i32
            %dma_start3A_399 = tpu.memref_slice %arg3[%dma_start3A, %mul3A_398] : memref<64x1000000xf32, #tpu.memory_space<hbm>> -> memref<64x512xf32, #tpu.memory_space<hbm>>
            %dma_start3A_400 = arith.constant 0 : i32
            %dma_start3A_401 = tpu.memref_slice %arg3[%dma_start3A_400, %mul3A_398] : memref<64x1000000xf32, #tpu.memory_space<hbm>> -> memref<64x512xf32, #tpu.memory_space<hbm>>
            tpu.enqueue_dma source(%dma_start3A_401 : memref<64x512xf32, #tpu.memory_space<hbm>>) target(%arg7 : memref<64x512xf32, #tpu.memory_space<vmem>>) target_semaphore(%arg16 : memref<!tpu.dma_semaphore, #tpu.memory_space<semaphore_mem>>)
          } else {
          }
        } else {
        }
        %jit3A_350 = arith.constant 3 : i32
        %eq3A_351 = arith.constant 0 : i32
        %eq3A_352 = arith.cmpi eq, %jit3A_350, %eq3A_351 : i32
        %jit3A_353 = arith.constant 1 : i32
        %select_n3A_354 = arith.select %eq3A_352, %jit3A_353, %jit3A_350 : i32
        %rem3A_355 = arith.remsi %scan3A_294, %select_n3A_354 : i32
        %ne3A_356 = arith.constant 0 : i32
        %ne3A_357 = arith.cmpi ne, %rem3A_355, %ne3A_356 : i32
        %lt3A_358 = arith.constant 0 : i32
        %lt3A_359 = arith.cmpi slt, %rem3A_355, %lt3A_358 : i32
        %lt3A_360 = arith.constant 0 : i32
        %lt3A_361 = arith.cmpi slt, %select_n3A_354, %lt3A_360 : i32
        %ne3A_362 = arith.xori %lt3A_359, %lt3A_361 : i1
        %and3A_363 = arith.andi %ne3A_362, %ne3A_357 : i1
        %add3A_364 = arith.addi %rem3A_355, %select_n3A_354 : i32
        %select_n3A_365 = arith.select %and3A_363, %add3A_364, %rem3A_355 : i32
        %eq3A_366 = arith.constant 2 : i32
        %eq3A_367 = arith.cmpi eq, %select_n3A_365, %eq3A_366 : i32
        %convert_element_type3A_368 = arith.extui %eq3A_367 : i1 to i32
        %cond3A_369 = arith.constant 0 : i32
        %cond3A_370 = arith.cmpi ne, %convert_element_type3A_368, %cond3A_369 : i32
        scf.if %cond3A_370 {
          %dma_wait3A = arith.constant 0 : i32
          %dma_wait3A_371 = arith.constant 0 : i32
          %dma_wait3A_372 = tpu.memref_slice %arg3[%dma_wait3A, %dma_wait3A_371] : memref<64x1000000xf32, #tpu.memory_space<hbm>> -> memref<64x512xf32, #tpu.memory_space<hbm>>
          %dma_wait3A_373 = arith.constant 0 : i32
          %dma_wait3A_374 = arith.constant 0 : i32
          %dma_wait3A_375 = tpu.memref_slice %arg3[%dma_wait3A_373, %dma_wait3A_374] : memref<64x1000000xf32, #tpu.memory_space<hbm>> -> memref<64x512xf32, #tpu.memory_space<hbm>>
          tpu.wait_dma2 semaphore(%arg17 : memref<!tpu.dma_semaphore, #tpu.memory_space<semaphore_mem>>) src(%dma_wait3A_375 : memref<64x512xf32, #tpu.memory_space<hbm>>) dst(%arg8 : memref<64x512xf32, #tpu.memory_space<vmem>>)
          %mul3A_376 = arith.constant 32 : i32
          %mul3A_377 = arith.muli %mul3A_376, %scan3A_294 : i32
          %add3A_378 = arith.addi %add3A, %mul3A_377 : i32
          %mul3A_379 = arith.constant 512 : i32
          %mul3A_380 = arith.muli %add3A_378, %mul3A_379 : i32
          %scan3A_381 = arith.constant 0 : i32
          %scan3A_382 = arith.constant 0 : i32
          %scan3A_383 = arith.constant 44 : i32
          %scan3A_384 = arith.addi %scan3A_382, %scan3A_383 : i32
          %scan3A_385 = arith.constant 1 : i32
          scf.for %scan3A_397 = %scan3A_382 to %scan3A_384 step %scan3A_385  : i32 {
            %mul3A_398 = arith.constant 16 : i32
            %mul3A_399 = arith.muli %scan3A_397, %mul3A_398 : i32
            %get3A_400 = arith.index_cast %mul3A_399 : i32 to index
            %get3A_401 = tpu.vector_load %arg10[%get3A_400] {strides = array<i32>} : memref<704xi32, #tpu.memory_space<vmem>>, vector<16xi32>,
            %mul3A_402 = arith.constant 16 : i32
            %mul3A_403 = arith.muli %scan3A_397, %mul3A_402 : i32
            %get3A_404 = arith.index_cast %mul3A_403 : i32 to index
            %get3A_405 = tpu.vector_load %arg11[%get3A_404] {strides = array<i32>} : memref<704xi32, #tpu.memory_space<vmem>>, vector<16xi32>,
            %ge3A = vector.broadcast %mul3A_380 : i32 to vector<16xi32>
            %ge3A_406 = arith.cmpi sge, %get3A_401, %ge3A : vector<16xi32>
            %add3A_407 = arith.constant 512 : i32
            %add3A_408 = arith.addi %mul3A_380, %add3A_407 : i32
            %lt3A_409 = vector.broadcast %add3A_408 : i32 to vector<16xi32>
            %lt3A_410 = arith.cmpi slt, %get3A_401, %lt3A_409 : vector<16xi32>
            %and3A_411 = arith.andi %ge3A_406, %lt3A_410 : vector<16xi1>
            %all_reduce_population_count3A = tpu.all_reduce %and3A_411 {dim = 0 : i64, kind = #tpu.reduction_kind<sum>} : vector<16xi1> -> vector<16xi32>
            %slice3A_412 = vector.extract_strided_slice %all_reduce_population_count3A {offsets = [0], sizes = [1], strides = [1]} : vector<16xi32> to vector<1xi32>
            %squeeze3A_413 = vector.extract %slice3A_412[0] : i32 from vector<1xi32>
            %while3A_414 = arith.constant 0 : i32
            %while3A_415 = arith.subi %squeeze3A_413, %while3A_414 : i32
            %while3A_416 = arith.addi %while3A_414, %while3A_415 : i32
            %while3A_417 = arith.constant 1 : i32
            %while3A_418 = arith.divsi %while3A_415, %while3A_417 : i32
            %while3A_419 = arith.muli %while3A_418, %while3A_417 : i32
            %while3A_420 = arith.addi %while3A_414, %while3A_419 : i32
            %while3A_421 = arith.constant 1 : i32
            %while3A_422 = scf.for %while3A_425 = %while3A_414 to %while3A_420 step %while3A_421 iter_args(%while3A_426 = %and3A_411) -> (vector<16xi1>)  : i32 {
              %convert_element_type3A_427 = arith.extui %while3A_426 : vector<16xi1> to vector<16xi32>
              %broadcast_in_dim3A_428 = arith.constant true
              %broadcast_in_dim3A_429 = vector.broadcast %broadcast_in_dim3A_428 : i1 to vector<16xi1>
              %masked_cumsum3A_430 = tpu.scan <sum>, %convert_element_type3A_427 masked %broadcast_in_dim3A_429 : vector<16xi32>, vector<16xi1> -> vector<16xi32>
              %mul3A_431 = vector.broadcast %select_n3A : i32 to vector<16xi32>
              %mul3A_432 = arith.muli %mul3A_431, %convert_element_type3A_427 : vector<16xi32>
              %add3A_433 = arith.addi %masked_cumsum3A_430, %mul3A_432 : vector<16xi32>
              %eq3A_434 = arith.constant 1 : i32
              %eq3A_435 = vector.broadcast %eq3A_434 : i32 to vector<16xi32>
              %eq3A_436 = arith.cmpi eq, %add3A_433, %eq3A_435 : vector<16xi32>
              %and3A_437 = arith.andi %while3A_426, %eq3A_436 : vector<16xi1>
              %jit3A_438 = arith.constant 0 : i32
              %broadcast_in_dim3A_439 = vector.broadcast %jit3A_438 : i32 to vector<16xi32>
              %select_n3A_440 = arith.select %and3A_437, %get3A_401, %broadcast_in_dim3A_439 : vector<16xi1>, vector<16xi32>
              %reduce_sum3A = arith.constant true
              %reduce_sum3A_441 = vector.broadcast %reduce_sum3A : i1 to vector<16xi1>
              %reduce_sum3A_442 = tpu.scan <sum>, %select_n3A_440 masked %reduce_sum3A_441 : vector<16xi32>, vector<16xi1> -> vector<16xi32>
              %reduce_sum3A_443 = vector.extract %reduce_sum3A_442[15] : i32 from vector<16xi32>
              %jit3A_444 = arith.constant 0 : i32
              %broadcast_in_dim3A_445 = vector.broadcast %jit3A_444 : i32 to vector<16xi32>
              %select_n3A_446 = arith.select %and3A_437, %get3A_405, %broadcast_in_dim3A_445 : vector<16xi1>, vector<16xi32>
              %reduce_sum3A_447 = arith.constant true
              %reduce_sum3A_448 = vector.broadcast %reduce_sum3A_447 : i1 to vector<16xi1>
              %reduce_sum3A_449 = tpu.scan <sum>, %select_n3A_446 masked %reduce_sum3A_448 : vector<16xi32>, vector<16xi1> -> vector<16xi32>
              %reduce_sum3A_450 = vector.extract %reduce_sum3A_449[15] : i32 from vector<16xi32>
              %sub3A_451 = arith.subi %reduce_sum3A_443, %mul3A_380 : i32
              %broadcast_in_dim3A_452 = arith.constant 0 : i32
              %broadcast_in_dim3A_453 = vector.broadcast %broadcast_in_dim3A_452 : i32 to vector<16xi32>
              %add3A_454 = vector.broadcast %sub3A_451 : i32 to vector<16xi32>
              %add3A_455 = arith.addi %broadcast_in_dim3A_453, %add3A_454 : vector<16xi32>
              %get3A_456 = arith.constant 0 : i32
              %get3A_457 = arith.index_cast %get3A_456 : i32 to index
              %get3A_458 = memref.load %arg14[%get3A_457] : memref<1xi32, #tpu.memory_space<smem>>
              %rem3A_459 = arith.constant 16 : i32
              %rem3A_460 = arith.remsi %get3A_458, %rem3A_459 : i32
              %eq3A_461 = arith.constant 0 : i32
              %eq3A_462 = arith.cmpi eq, %rem3A_460, %eq3A_461 : i32
              %gt3A_463 = arith.constant 0 : i32
              %gt3A_464 = arith.cmpi sgt, %get3A_458, %gt3A_463 : i32
              %and3A_465 = arith.andi %eq3A_462, %gt3A_464 : i1
              %convert_element_type3A_466 = arith.extui %and3A_465 : i1 to i32
              %cond3A_467 = arith.constant 0 : i32
              %cond3A_468 = arith.cmpi ne, %convert_element_type3A_466, %cond3A_467 : i32
              scf.if %cond3A_468 {
                %dma_wait3A_533 = arith.constant 0 : i32
                %dma_wait3A_534 = arith.constant 0 : i32
                %dma_wait3A_535 = tpu.memref_slice %arg5[%dma_wait3A_533, %dma_wait3A_534] : memref<16384x128xf32, #tpu.memory_space<hbm>> -> memref<16x128xf32, #tpu.memory_space<hbm>>
                %dma_wait3A_536 = arith.constant 0 : i32
                %dma_wait3A_537 = arith.constant 0 : i32
                %dma_wait3A_538 = tpu.memref_slice %arg5[%dma_wait3A_536, %dma_wait3A_537] : memref<16384x128xf32, #tpu.memory_space<hbm>> -> memref<16x128xf32, #tpu.memory_space<hbm>>
                tpu.wait_dma2 semaphore(%arg18 : memref<!tpu.dma_semaphore, #tpu.memory_space<semaphore_mem>>) src(%dma_wait3A_538 : memref<16x128xf32, #tpu.memory_space<hbm>>) dst(%arg13 : memref<16x128xf32, #tpu.memory_space<vmem>>)
              } else {
              }
              %broadcast_in_dim3A_469 = arith.constant 0.000000e+00 : f32
              %broadcast_in_dim3A_470 = vector.broadcast %broadcast_in_dim3A_469 : f32 to vector<16xf32>
              %add3A_471 = arith.constant 0 : i32
              %add3A_472 = vector.broadcast %add3A_471 : i32 to vector<16xi32>
              %add3A_473 = arith.addi %add3A_472, %iota3A : vector<16xi32>
              %gather3A = tpu.vector_load_idx %arg8[%add3A_473, %add3A_455] : memref<64x512xf32, #tpu.memory_space<vmem>>[vector<16xi32>, vector<16xi32>], vector<16xf32>,
              %swap3A_474 = arith.index_cast %rem3A_460 : i32 to index
              %swap3A_475 = arith.constant 0 : index
              %swap3A_476 = tpu.vector_load %arg13[%swap3A_474, %swap3A_475] {strides = array<i32>} : memref<16x128xf32, #tpu.memory_space<vmem>>, vector<16xf32>,
              tpu.vector_store %arg13[%swap3A_474, %swap3A_475], %gather3A {strides = array<i32>} : memref<16x128xf32, #tpu.memory_space<vmem>>, vector<16xf32>,
              %mul3A_477 = arith.mulf %gather3A, %gather3A : vector<16xf32>
              %add3A_478 = arith.addf %broadcast_in_dim3A_470, %mul3A_477 : vector<16xf32>
              %add3A_479 = arith.constant 16 : i32
              %add3A_480 = vector.broadcast %add3A_479 : i32 to vector<16xi32>
              %add3A_481 = arith.addi %add3A_480, %iota3A : vector<16xi32>
              %gather3A_482 = tpu.vector_load_idx %arg8[%add3A_481, %add3A_455] : memref<64x512xf32, #tpu.memory_space<vmem>>[vector<16xi32>, vector<16xi32>], vector<16xf32>,
              %swap3A_483 = arith.index_cast %rem3A_460 : i32 to index
              %swap3A_484 = arith.constant 16 : index
              %swap3A_485 = tpu.vector_load %arg13[%swap3A_483, %swap3A_484] {strides = array<i32>} : memref<16x128xf32, #tpu.memory_space<vmem>>, vector<16xf32>,
              tpu.vector_store %arg13[%swap3A_483, %swap3A_484], %gather3A_482 {strides = array<i32>} : memref<16x128xf32, #tpu.memory_space<vmem>>, vector<16xf32>,
              %mul3A_486 = arith.mulf %gather3A_482, %gather3A_482 : vector<16xf32>
              %add3A_487 = arith.addf %add3A_478, %mul3A_486 : vector<16xf32>
              %add3A_488 = arith.constant 32 : i32
              %add3A_489 = vector.broadcast %add3A_488 : i32 to vector<16xi32>
              %add3A_490 = arith.addi %add3A_489, %iota3A : vector<16xi32>
              %gather3A_491 = tpu.vector_load_idx %arg8[%add3A_490, %add3A_455] : memref<64x512xf32, #tpu.memory_space<vmem>>[vector<16xi32>, vector<16xi32>], vector<16xf32>,
              %swap3A_492 = arith.index_cast %rem3A_460 : i32 to index
              %swap3A_493 = arith.constant 32 : index
              %swap3A_494 = tpu.vector_load %arg13[%swap3A_492, %swap3A_493] {strides = array<i32>} : memref<16x128xf32, #tpu.memory_space<vmem>>, vector<16xf32>,
              tpu.vector_store %arg13[%swap3A_492, %swap3A_493], %gather3A_491 {strides = array<i32>} : memref<16x128xf32, #tpu.memory_space<vmem>>, vector<16xf32>,
              %mul3A_495 = arith.mulf %gather3A_491, %gather3A_491 : vector<16xf32>
              %add3A_496 = arith.addf %add3A_487, %mul3A_495 : vector<16xf32>
              %add3A_497 = arith.constant 48 : i32
              %add3A_498 = vector.broadcast %add3A_497 : i32 to vector<16xi32>
              %add3A_499 = arith.addi %add3A_498, %iota3A : vector<16xi32>
              %gather3A_500 = tpu.vector_load_idx %arg8[%add3A_499, %add3A_455] : memref<64x512xf32, #tpu.memory_space<vmem>>[vector<16xi32>, vector<16xi32>], vector<16xf32>,
              %swap3A_501 = arith.index_cast %rem3A_460 : i32 to index
              %swap3A_502 = arith.constant 48 : index
              %swap3A_503 = tpu.vector_load %arg13[%swap3A_501, %swap3A_502] {strides = array<i32>} : memref<16x128xf32, #tpu.memory_space<vmem>>, vector<16xf32>,
              tpu.vector_store %arg13[%swap3A_501, %swap3A_502], %gather3A_500 {strides = array<i32>} : memref<16x128xf32, #tpu.memory_space<vmem>>, vector<16xf32>,
              %mul3A_504 = arith.mulf %gather3A_500, %gather3A_500 : vector<16xf32>
              %add3A_505 = arith.addf %add3A_496, %mul3A_504 : vector<16xf32>
              %reduce_sum3A_506 = arith.constant true
              %reduce_sum3A_507 = vector.broadcast %reduce_sum3A_506 : i1 to vector<16xi1>
              %reduce_sum3A_508 = tpu.scan <sum>, %add3A_505 masked %reduce_sum3A_507 : vector<16xf32>, vector<16xi1> -> vector<16xf32>
              %reduce_sum3A_509 = vector.extract %reduce_sum3A_508[15] : f32 from vector<16xf32>
              %mul3A_510 = arith.constant 1.562500e-03 : f32
              %mul3A_511 = arith.mulf %reduce_sum3A_509, %mul3A_510 : f32
              %broadcast_in_dim3A_512 = arith.constant 0.000000e+00 : f32
              %broadcast_in_dim3A_513 = vector.broadcast %broadcast_in_dim3A_512 : f32 to vector<16xf32>
              %add3A_514 = vector.broadcast %mul3A_511 : f32 to vector<16xf32>
              %add3A_515 = arith.addf %broadcast_in_dim3A_513, %add3A_514 : vector<16xf32>
              %swap3A_516 = arith.index_cast %rem3A_460 : i32 to index
              %swap3A_517 = arith.constant 64 : index
              %swap3A_518 = tpu.vector_load %arg13[%swap3A_516, %swap3A_517] {strides = array<i32>} : memref<16x128xf32, #tpu.memory_space<vmem>>, vector<16xf32>,
              tpu.vector_store %arg13[%swap3A_516, %swap3A_517], %add3A_515 {strides = array<i32>} : memref<16x128xf32, #tpu.memory_space<vmem>>, vector<16xf32>,
              %dma_start3A = arith.constant 0 : i32
              %dma_start3A_519 = tpu.memref_slice %arg13[%rem3A_460, %dma_start3A] : memref<16x128xf32, #tpu.memory_space<vmem>> -> memref<1x128xf32, #tpu.memory_space<vmem>>
              %dma_start3A_520 = arith.constant 0 : i32
              %dma_start3A_521 = tpu.memref_slice %arg5[%reduce_sum3A_450, %dma_start3A_520] : memref<16384x128xf32, #tpu.memory_space<hbm>> -> memref<1x128xf32, #tpu.memory_space<hbm>>
              %dma_start3A_522 = arith.constant 0 : i32
              %dma_start3A_523 = tpu.memref_slice %arg5[%reduce_sum3A_450, %dma_start3A_522] : memref<16384x128xf32, #tpu.memory_space<hbm>> -> memref<1x128xf32, #tpu.memory_space<hbm>>
              %dma_start3A_524 = arith.constant 0 : i32
              %dma_start3A_525 = tpu.memref_slice %arg13[%rem3A_460, %dma_start3A_524] : memref<16x128xf32, #tpu.memory_space<vmem>> -> memref<1x128xf32, #tpu.memory_space<vmem>>
              tpu.enqueue_dma source(%dma_start3A_525 : memref<1x128xf32, #tpu.memory_space<vmem>>) target(%dma_start3A_523 : memref<1x128xf32, #tpu.memory_space<hbm>>) target_semaphore(%arg18 : memref<!tpu.dma_semaphore, #tpu.memory_space<semaphore_mem>>)
              %add3A_526 = arith.constant 1 : i32
              %add3A_527 = arith.addi %get3A_458, %add3A_526 : i32
              %swap3A_528 = arith.constant 0 : i32
              %swap3A_529 = arith.index_cast %swap3A_528 : i32 to index
              %swap3A_530 = memref.load %arg14[%swap3A_529] : memref<1xi32, #tpu.memory_space<smem>>
              memref.store %add3A_527, %arg14[%swap3A_529] : memref<1xi32, #tpu.memory_space<smem>>
              %not3A = arith.constant dense<true> : vector<16xi1>
              %not3A_531 = arith.xori %and3A_437, %not3A : vector<16xi1>
              %and3A_532 = arith.andi %while3A_426, %not3A_531 : vector<16xi1>
              scf.yield %and3A_532 : vector<16xi1>
            }
            %while3A_423 = arith.constant 1 : i32
            %while3A_424 = scf.for %while3A_425 = %while3A_420 to %while3A_416 step %while3A_423 iter_args(%while3A_426 = %while3A_422) -> (vector<16xi1>)  : i32 {
              %convert_element_type3A_427 = arith.extui %while3A_426 : vector<16xi1> to vector<16xi32>
              %broadcast_in_dim3A_428 = arith.constant true
              %broadcast_in_dim3A_429 = vector.broadcast %broadcast_in_dim3A_428 : i1 to vector<16xi1>
              %masked_cumsum3A_430 = tpu.scan <sum>, %convert_element_type3A_427 masked %broadcast_in_dim3A_429 : vector<16xi32>, vector<16xi1> -> vector<16xi32>
              %mul3A_431 = vector.broadcast %select_n3A : i32 to vector<16xi32>
              %mul3A_432 = arith.muli %mul3A_431, %convert_element_type3A_427 : vector<16xi32>
              %add3A_433 = arith.addi %masked_cumsum3A_430, %mul3A_432 : vector<16xi32>
              %eq3A_434 = arith.constant 1 : i32
              %eq3A_435 = vector.broadcast %eq3A_434 : i32 to vector<16xi32>
              %eq3A_436 = arith.cmpi eq, %add3A_433, %eq3A_435 : vector<16xi32>
              %and3A_437 = arith.andi %while3A_426, %eq3A_436 : vector<16xi1>
              %jit3A_438 = arith.constant 0 : i32
              %broadcast_in_dim3A_439 = vector.broadcast %jit3A_438 : i32 to vector<16xi32>
              %select_n3A_440 = arith.select %and3A_437, %get3A_401, %broadcast_in_dim3A_439 : vector<16xi1>, vector<16xi32>
              %reduce_sum3A = arith.constant true
              %reduce_sum3A_441 = vector.broadcast %reduce_sum3A : i1 to vector<16xi1>
              %reduce_sum3A_442 = tpu.scan <sum>, %select_n3A_440 masked %reduce_sum3A_441 : vector<16xi32>, vector<16xi1> -> vector<16xi32>
              %reduce_sum3A_443 = vector.extract %reduce_sum3A_442[15] : i32 from vector<16xi32>
              %jit3A_444 = arith.constant 0 : i32
              %broadcast_in_dim3A_445 = vector.broadcast %jit3A_444 : i32 to vector<16xi32>
              %select_n3A_446 = arith.select %and3A_437, %get3A_405, %broadcast_in_dim3A_445 : vector<16xi1>, vector<16xi32>
              %reduce_sum3A_447 = arith.constant true
              %reduce_sum3A_448 = vector.broadcast %reduce_sum3A_447 : i1 to vector<16xi1>
              %reduce_sum3A_449 = tpu.scan <sum>, %select_n3A_446 masked %reduce_sum3A_448 : vector<16xi32>, vector<16xi1> -> vector<16xi32>
              %reduce_sum3A_450 = vector.extract %reduce_sum3A_449[15] : i32 from vector<16xi32>
              %sub3A_451 = arith.subi %reduce_sum3A_443, %mul3A_380 : i32
              %broadcast_in_dim3A_452 = arith.constant 0 : i32
              %broadcast_in_dim3A_453 = vector.broadcast %broadcast_in_dim3A_452 : i32 to vector<16xi32>
              %add3A_454 = vector.broadcast %sub3A_451 : i32 to vector<16xi32>
              %add3A_455 = arith.addi %broadcast_in_dim3A_453, %add3A_454 : vector<16xi32>
              %get3A_456 = arith.constant 0 : i32
              %get3A_457 = arith.index_cast %get3A_456 : i32 to index
              %get3A_458 = memref.load %arg14[%get3A_457] : memref<1xi32, #tpu.memory_space<smem>>
              %rem3A_459 = arith.constant 16 : i32
              %rem3A_460 = arith.remsi %get3A_458, %rem3A_459 : i32
              %eq3A_461 = arith.constant 0 : i32
              %eq3A_462 = arith.cmpi eq, %rem3A_460, %eq3A_461 : i32
              %gt3A_463 = arith.constant 0 : i32
              %gt3A_464 = arith.cmpi sgt, %get3A_458, %gt3A_463 : i32
              %and3A_465 = arith.andi %eq3A_462, %gt3A_464 : i1
              %convert_element_type3A_466 = arith.extui %and3A_465 : i1 to i32
              %cond3A_467 = arith.constant 0 : i32
              %cond3A_468 = arith.cmpi ne, %convert_element_type3A_466, %cond3A_467 : i32
              scf.if %cond3A_468 {
                %dma_wait3A_533 = arith.constant 0 : i32
                %dma_wait3A_534 = arith.constant 0 : i32
                %dma_wait3A_535 = tpu.memref_slice %arg5[%dma_wait3A_533, %dma_wait3A_534] : memref<16384x128xf32, #tpu.memory_space<hbm>> -> memref<16x128xf32, #tpu.memory_space<hbm>>
                %dma_wait3A_536 = arith.constant 0 : i32
                %dma_wait3A_537 = arith.constant 0 : i32
                %dma_wait3A_538 = tpu.memref_slice %arg5[%dma_wait3A_536, %dma_wait3A_537] : memref<16384x128xf32, #tpu.memory_space<hbm>> -> memref<16x128xf32, #tpu.memory_space<hbm>>
                tpu.wait_dma2 semaphore(%arg18 : memref<!tpu.dma_semaphore, #tpu.memory_space<semaphore_mem>>) src(%dma_wait3A_538 : memref<16x128xf32, #tpu.memory_space<hbm>>) dst(%arg13 : memref<16x128xf32, #tpu.memory_space<vmem>>)
              } else {
              }
              %broadcast_in_dim3A_469 = arith.constant 0.000000e+00 : f32
              %broadcast_in_dim3A_470 = vector.broadcast %broadcast_in_dim3A_469 : f32 to vector<16xf32>
              %add3A_471 = arith.constant 0 : i32
              %add3A_472 = vector.broadcast %add3A_471 : i32 to vector<16xi32>
              %add3A_473 = arith.addi %add3A_472, %iota3A : vector<16xi32>
              %gather3A = tpu.vector_load_idx %arg8[%add3A_473, %add3A_455] : memref<64x512xf32, #tpu.memory_space<vmem>>[vector<16xi32>, vector<16xi32>], vector<16xf32>,
              %swap3A_474 = arith.index_cast %rem3A_460 : i32 to index
              %swap3A_475 = arith.constant 0 : index
              %swap3A_476 = tpu.vector_load %arg13[%swap3A_474, %swap3A_475] {strides = array<i32>} : memref<16x128xf32, #tpu.memory_space<vmem>>, vector<16xf32>,
              tpu.vector_store %arg13[%swap3A_474, %swap3A_475], %gather3A {strides = array<i32>} : memref<16x128xf32, #tpu.memory_space<vmem>>, vector<16xf32>,
              %mul3A_477 = arith.mulf %gather3A, %gather3A : vector<16xf32>
              %add3A_478 = arith.addf %broadcast_in_dim3A_470, %mul3A_477 : vector<16xf32>
              %add3A_479 = arith.constant 16 : i32
              %add3A_480 = vector.broadcast %add3A_479 : i32 to vector<16xi32>
              %add3A_481 = arith.addi %add3A_480, %iota3A : vector<16xi32>
              %gather3A_482 = tpu.vector_load_idx %arg8[%add3A_481, %add3A_455] : memref<64x512xf32, #tpu.memory_space<vmem>>[vector<16xi32>, vector<16xi32>], vector<16xf32>,
              %swap3A_483 = arith.index_cast %rem3A_460 : i32 to index
              %swap3A_484 = arith.constant 16 : index
              %swap3A_485 = tpu.vector_load %arg13[%swap3A_483, %swap3A_484] {strides = array<i32>} : memref<16x128xf32, #tpu.memory_space<vmem>>, vector<16xf32>,
              tpu.vector_store %arg13[%swap3A_483, %swap3A_484], %gather3A_482 {strides = array<i32>} : memref<16x128xf32, #tpu.memory_space<vmem>>, vector<16xf32>,
              %mul3A_486 = arith.mulf %gather3A_482, %gather3A_482 : vector<16xf32>
              %add3A_487 = arith.addf %add3A_478, %mul3A_486 : vector<16xf32>
              %add3A_488 = arith.constant 32 : i32
              %add3A_489 = vector.broadcast %add3A_488 : i32 to vector<16xi32>
              %add3A_490 = arith.addi %add3A_489, %iota3A : vector<16xi32>
              %gather3A_491 = tpu.vector_load_idx %arg8[%add3A_490, %add3A_455] : memref<64x512xf32, #tpu.memory_space<vmem>>[vector<16xi32>, vector<16xi32>], vector<16xf32>,
              %swap3A_492 = arith.index_cast %rem3A_460 : i32 to index
              %swap3A_493 = arith.constant 32 : index
              %swap3A_494 = tpu.vector_load %arg13[%swap3A_492, %swap3A_493] {strides = array<i32>} : memref<16x128xf32, #tpu.memory_space<vmem>>, vector<16xf32>,
              tpu.vector_store %arg13[%swap3A_492, %swap3A_493], %gather3A_491 {strides = array<i32>} : memref<16x128xf32, #tpu.memory_space<vmem>>, vector<16xf32>,
              %mul3A_495 = arith.mulf %gather3A_491, %gather3A_491 : vector<16xf32>
              %add3A_496 = arith.addf %add3A_487, %mul3A_495 : vector<16xf32>
              %add3A_497 = arith.constant 48 : i32
              %add3A_498 = vector.broadcast %add3A_497 : i32 to vector<16xi32>
              %add3A_499 = arith.addi %add3A_498, %iota3A : vector<16xi32>
              %gather3A_500 = tpu.vector_load_idx %arg8[%add3A_499, %add3A_455] : memref<64x512xf32, #tpu.memory_space<vmem>>[vector<16xi32>, vector<16xi32>], vector<16xf32>,
              %swap3A_501 = arith.index_cast %rem3A_460 : i32 to index
              %swap3A_502 = arith.constant 48 : index
              %swap3A_503 = tpu.vector_load %arg13[%swap3A_501, %swap3A_502] {strides = array<i32>} : memref<16x128xf32, #tpu.memory_space<vmem>>, vector<16xf32>,
              tpu.vector_store %arg13[%swap3A_501, %swap3A_502], %gather3A_500 {strides = array<i32>} : memref<16x128xf32, #tpu.memory_space<vmem>>, vector<16xf32>,
              %mul3A_504 = arith.mulf %gather3A_500, %gather3A_500 : vector<16xf32>
              %add3A_505 = arith.addf %add3A_496, %mul3A_504 : vector<16xf32>
              %reduce_sum3A_506 = arith.constant true
              %reduce_sum3A_507 = vector.broadcast %reduce_sum3A_506 : i1 to vector<16xi1>
              %reduce_sum3A_508 = tpu.scan <sum>, %add3A_505 masked %reduce_sum3A_507 : vector<16xf32>, vector<16xi1> -> vector<16xf32>
              %reduce_sum3A_509 = vector.extract %reduce_sum3A_508[15] : f32 from vector<16xf32>
              %mul3A_510 = arith.constant 1.562500e-03 : f32
              %mul3A_511 = arith.mulf %reduce_sum3A_509, %mul3A_510 : f32
              %broadcast_in_dim3A_512 = arith.constant 0.000000e+00 : f32
              %broadcast_in_dim3A_513 = vector.broadcast %broadcast_in_dim3A_512 : f32 to vector<16xf32>
              %add3A_514 = vector.broadcast %mul3A_511 : f32 to vector<16xf32>
              %add3A_515 = arith.addf %broadcast_in_dim3A_513, %add3A_514 : vector<16xf32>
              %swap3A_516 = arith.index_cast %rem3A_460 : i32 to index
              %swap3A_517 = arith.constant 64 : index
              %swap3A_518 = tpu.vector_load %arg13[%swap3A_516, %swap3A_517] {strides = array<i32>} : memref<16x128xf32, #tpu.memory_space<vmem>>, vector<16xf32>,
              tpu.vector_store %arg13[%swap3A_516, %swap3A_517], %add3A_515 {strides = array<i32>} : memref<16x128xf32, #tpu.memory_space<vmem>>, vector<16xf32>,
              %dma_start3A = arith.constant 0 : i32
              %dma_start3A_519 = tpu.memref_slice %arg13[%rem3A_460, %dma_start3A] : memref<16x128xf32, #tpu.memory_space<vmem>> -> memref<1x128xf32, #tpu.memory_space<vmem>>
              %dma_start3A_520 = arith.constant 0 : i32
              %dma_start3A_521 = tpu.memref_slice %arg5[%reduce_sum3A_450, %dma_start3A_520] : memref<16384x128xf32, #tpu.memory_space<hbm>> -> memref<1x128xf32, #tpu.memory_space<hbm>>
              %dma_start3A_522 = arith.constant 0 : i32
              %dma_start3A_523 = tpu.memref_slice %arg5[%reduce_sum3A_450, %dma_start3A_522] : memref<16384x128xf32, #tpu.memory_space<hbm>> -> memref<1x128xf32, #tpu.memory_space<hbm>>
              %dma_start3A_524 = arith.constant 0 : i32
              %dma_start3A_525 = tpu.memref_slice %arg13[%rem3A_460, %dma_start3A_524] : memref<16x128xf32, #tpu.memory_space<vmem>> -> memref<1x128xf32, #tpu.memory_space<vmem>>
              tpu.enqueue_dma source(%dma_start3A_525 : memref<1x128xf32, #tpu.memory_space<vmem>>) target(%dma_start3A_523 : memref<1x128xf32, #tpu.memory_space<hbm>>) target_semaphore(%arg18 : memref<!tpu.dma_semaphore, #tpu.memory_space<semaphore_mem>>)
              %add3A_526 = arith.constant 1 : i32
              %add3A_527 = arith.addi %get3A_458, %add3A_526 : i32
              %swap3A_528 = arith.constant 0 : i32
              %swap3A_529 = arith.index_cast %swap3A_528 : i32 to index
              %swap3A_530 = memref.load %arg14[%swap3A_529] : memref<1xi32, #tpu.memory_space<smem>>
              memref.store %add3A_527, %arg14[%swap3A_529] : memref<1xi32, #tpu.memory_space<smem>>
              %not3A = arith.constant dense<true> : vector<16xi1>
              %not3A_531 = arith.xori %and3A_437, %not3A : vector<16xi1>
              %and3A_532 = arith.andi %while3A_426, %not3A_531 : vector<16xi1>
              scf.yield %and3A_532 : vector<16xi1>
            }
          }
          %scan3A_386 = arith.constant 44 : i32
          %add3A_387 = arith.constant 3 : i32
          %add3A_388 = arith.addi %scan3A_294, %add3A_387 : i32
          %mul3A_389 = arith.constant 32 : i32
          %mul3A_390 = arith.muli %mul3A_389, %add3A_388 : i32
          %add3A_391 = arith.addi %add3A, %mul3A_390 : i32
          %lt3A_392 = arith.constant 1953 : i32
          %lt3A_393 = arith.cmpi slt, %add3A_391, %lt3A_392 : i32
          %convert_element_type3A_394 = arith.extui %lt3A_393 : i1 to i32
          %cond3A_395 = arith.constant 0 : i32
          %cond3A_396 = arith.cmpi ne, %convert_element_type3A_394, %cond3A_395 : i32
          scf.if %cond3A_396 {
            %mul3A_397 = arith.constant 512 : i32
            %mul3A_398 = arith.muli %add3A_391, %mul3A_397 : i32
            %dma_start3A = arith.constant 0 : i32
            %dma_start3A_399 = tpu.memref_slice %arg3[%dma_start3A, %mul3A_398] : memref<64x1000000xf32, #tpu.memory_space<hbm>> -> memref<64x512xf32, #tpu.memory_space<hbm>>
            %dma_start3A_400 = arith.constant 0 : i32
            %dma_start3A_401 = tpu.memref_slice %arg3[%dma_start3A_400, %mul3A_398] : memref<64x1000000xf32, #tpu.memory_space<hbm>> -> memref<64x512xf32, #tpu.memory_space<hbm>>
            tpu.enqueue_dma source(%dma_start3A_401 : memref<64x512xf32, #tpu.memory_space<hbm>>) target(%arg8 : memref<64x512xf32, #tpu.memory_space<vmem>>) target_semaphore(%arg17 : memref<!tpu.dma_semaphore, #tpu.memory_space<semaphore_mem>>)
          } else {
          }
        } else {
        }
      } else {
      }
    }
    %scan3A_256 = arith.constant 62 : i32
    %get3A = arith.constant 0 : i32
    %get3A_257 = arith.index_cast %get3A : i32 to index
    %get3A_258 = memref.load %arg14[%get3A_257] : memref<1xi32, #tpu.memory_space<smem>>
    %gt3A = arith.constant 0 : i32
    %gt3A_259 = arith.cmpi sgt, %get3A_258, %gt3A : i32
    %sub3A = arith.constant 1 : i32
    %sub3A_260 = arith.subi %get3A_258, %sub3A : i32
    %jit3A_261 = arith.constant 16 : i32
    %div3A = arith.divsi %sub3A_260, %jit3A_261 : i32
    %sign3A = arith.constant 0 : i32
    %sign3A_262 = arith.cmpi sgt, %sub3A_260, %sign3A : i32
    %sign3A_263 = arith.extui %sign3A_262 : i1 to i32
    %sign3A_264 = arith.constant 0 : i32
    %sign3A_265 = arith.cmpi slt, %sub3A_260, %sign3A_264 : i32
    %sign3A_266 = arith.extui %sign3A_265 : i1 to i32
    %sign3A_267 = arith.subi %sign3A_263, %sign3A_266 : i32
    %sign3A_268 = arith.constant 0 : i32
    %sign3A_269 = arith.cmpi sgt, %jit3A_261, %sign3A_268 : i32
    %sign3A_270 = arith.extui %sign3A_269 : i1 to i32
    %sign3A_271 = arith.constant 0 : i32
    %sign3A_272 = arith.cmpi slt, %jit3A_261, %sign3A_271 : i32
    %sign3A_273 = arith.extui %sign3A_272 : i1 to i32
    %sign3A_274 = arith.subi %sign3A_270, %sign3A_273 : i32
    %ne3A = arith.cmpi ne, %sign3A_267, %sign3A_274 : i32
    %rem3A = arith.remsi %sub3A_260, %jit3A_261 : i32
    %ne3A_275 = arith.constant 0 : i32
    %ne3A_276 = arith.cmpi ne, %rem3A, %ne3A_275 : i32
    %and3A = arith.andi %ne3A, %ne3A_276 : i1
    %sub3A_277 = arith.constant 1 : i32
    %sub3A_278 = arith.subi %div3A, %sub3A_277 : i32
    %select_n3A_279 = arith.select %and3A, %sub3A_278, %div3A : i32
    %mul3A_280 = arith.constant 16 : i32
    %mul3A_281 = arith.muli %mul3A_280, %select_n3A_279 : i32
    %sub3A_282 = arith.subi %get3A_258, %mul3A_281 : i32
    %jit3A_283 = arith.constant 0 : i32
    %select_n3A_284 = arith.select %gt3A_259, %sub3A_282, %jit3A_283 : i32
    %while3A = arith.constant 0 : i32
    %while3A_285 = arith.constant 0 : i32
    %while3A_286 = arith.subi %select_n3A_284, %while3A_285 : i32
    %while3A_287 = arith.addi %while3A_285, %while3A_286 : i32
    %while3A_288 = arith.constant 1 : i32
    %while3A_289 = arith.divsi %while3A_286, %while3A_288 : i32
    %while3A_290 = arith.muli %while3A_289, %while3A_288 : i32
    %while3A_291 = arith.addi %while3A_285, %while3A_290 : i32
    %while3A_292 = arith.constant 1 : i32
    scf.for %while3A_294 = %while3A_285 to %while3A_291 step %while3A_292  : i32 {
      %dma_wait3A = arith.constant 0 : i32
      %dma_wait3A_295 = arith.constant 0 : i32
      %dma_wait3A_296 = tpu.memref_slice %arg13[%dma_wait3A, %dma_wait3A_295] : memref<16x128xf32, #tpu.memory_space<vmem>> -> memref<1x128xf32, #tpu.memory_space<vmem>>
      %dma_wait3A_297 = arith.constant 0 : i32
      %dma_wait3A_298 = arith.constant 0 : i32
      %dma_wait3A_299 = tpu.memref_slice %arg5[%dma_wait3A_297, %dma_wait3A_298] : memref<16384x128xf32, #tpu.memory_space<hbm>> -> memref<1x128xf32, #tpu.memory_space<hbm>>
      %dma_wait3A_300 = arith.constant 0 : i32
      %dma_wait3A_301 = arith.constant 0 : i32
      %dma_wait3A_302 = tpu.memref_slice %arg13[%dma_wait3A_300, %dma_wait3A_301] : memref<16x128xf32, #tpu.memory_space<vmem>> -> memref<1x128xf32, #tpu.memory_space<vmem>>
      %dma_wait3A_303 = arith.constant 0 : i32
      %dma_wait3A_304 = arith.constant 0 : i32
      %dma_wait3A_305 = tpu.memref_slice %arg5[%dma_wait3A_303, %dma_wait3A_304] : memref<16384x128xf32, #tpu.memory_space<hbm>> -> memref<1x128xf32, #tpu.memory_space<hbm>>
      tpu.wait_dma2 semaphore(%arg18 : memref<!tpu.dma_semaphore, #tpu.memory_space<semaphore_mem>>) src(%dma_wait3A_305 : memref<1x128xf32, #tpu.memory_space<hbm>>) dst(%dma_wait3A_302 : memref<1x128xf32, #tpu.memory_space<vmem>>)
    }
    %while3A_293 = arith.constant 1 : i32
    scf.for %while3A_294 = %while3A_291 to %while3A_287 step %while3A_293  : i32 {
      %dma_wait3A = arith.constant 0 : i32
      %dma_wait3A_295 = arith.constant 0 : i32
      %dma_wait3A_296 = tpu.memref_slice %arg13[%dma_wait3A, %dma_wait3A_295] : memref<16x128xf32, #tpu.memory_space<vmem>> -> memref<1x128xf32, #tpu.memory_space<vmem>>
      %dma_wait3A_297 = arith.constant 0 : i32
      %dma_wait3A_298 = arith.constant 0 : i32
      %dma_wait3A_299 = tpu.memref_slice %arg5[%dma_wait3A_297, %dma_wait3A_298] : memref<16384x128xf32, #tpu.memory_space<hbm>> -> memref<1x128xf32, #tpu.memory_space<hbm>>
      %dma_wait3A_300 = arith.constant 0 : i32
      %dma_wait3A_301 = arith.constant 0 : i32
      %dma_wait3A_302 = tpu.memref_slice %arg13[%dma_wait3A_300, %dma_wait3A_301] : memref<16x128xf32, #tpu.memory_space<vmem>> -> memref<1x128xf32, #tpu.memory_space<vmem>>
      %dma_wait3A_303 = arith.constant 0 : i32
      %dma_wait3A_304 = arith.constant 0 : i32
      %dma_wait3A_305 = tpu.memref_slice %arg5[%dma_wait3A_303, %dma_wait3A_304] : memref<16384x128xf32, #tpu.memory_space<hbm>> -> memref<1x128xf32, #tpu.memory_space<hbm>>
      tpu.wait_dma2 semaphore(%arg18 : memref<!tpu.dma_semaphore, #tpu.memory_space<semaphore_mem>>) src(%dma_wait3A_305 : memref<1x128xf32, #tpu.memory_space<hbm>>) dst(%dma_wait3A_302 : memref<1x128xf32, #tpu.memory_space<vmem>>)
    }
    return
  }
}

</mosaic_0001>

<sc_bundles>
// kernel: kernel.4.cloned.1.call-start
scs
__scs_entry_jumppad:
0x0: {  	(pc) =	sbr.rel $0x88, $3  }
0x1: {  	(tag) =	ssettag $0x0;
	lr =	simm.s32 $0x1  }
0x2: {  	[smem:$0x3F9F] =	sst lr;
	_ =	strace $0xD0000000  }
0x3: {  	_ = 	snop  }
0x4: {  	_ = 	snop  }
0x5: {  	_ = 	snop  }
0x6: {  	_ = 	snop  }
0x7: {  	_ = 	snop  }
__scs_overlays_trampoline_lowered:
0x8: {  	[smem:$0x3FAE] =	sst s0  }
0x9: {  	[smem:$0x3FAF] =	sst s1  }
0xa: {  	[smem:$0x3FB0] =	sst s2  }
0xb: {  	[smem:$0x3FB1] =	sst s3  }
0xc: {  	[smem:$0x3FB2] =	sst s4  }
0xd: {  	[smem:$0x3FB3] =	sst s5  }
0xe: {  	[smem:$0x3FB4] =	sst s6  }
0xf: {  	[smem:$0x3FB5] =	sst s7  }
0x10: {  	[smem:$0x3FB6] =	sst s8  }
0x11: {  	[smem:$0x3FB7] =	sst s9;
	s0 =	simm.s32 @!p0 $0x0  }
0x12: {  	s1 =	sld [smem:$0x3F9D];
	s0 =	simm.s32 @p0 $0x1  }
0x13: {  	[smem:$0x3FB8] =	sst s0;
	s0 =	simm.s32 @!p1 $0x0  }
0x14: {  	s2 =	sld [smem:$0x3F9C];
	s0 =	simm.s32 @p1 $0x1  }
0x15: {  	[smem:$0x3FB9] =	sst s0;
	s0 =	simm.s32 @!p2 $0x0  }
0x16: {  	s3 =	sld [smem:$0x3FDB];
	s0 =	simm.s32 @p2 $0x1  }
0x17: {  	s4 =	simm.s32 $0x1BF5;
	[smem:$0x3FBB] =	sst s0  }
0x18: {  	s0 =	sld [smem:$0x3F9E];
	_ =	swait.ge [sflag:s4], $0x0  }
0x19: {  	s7 =	sld [smem:$0x3F9F]  }
0x1a: {  	s8 =	sadd.s32 $0xFFFFE003, lr  }
0x1b: {  	s9 =	sadd.s32 $0xFFFFFEF7, lr;
	s5 =	simm.s32 $0xFFFFFFFF;
	p2 =	slt.u32 s8, $0xFFFFF086  }
0x1c: {  	p1 =	slt.u32 s9, $0xF7A;
	s5 =	simm.s32 @!p2 $0x0  }
0x1d: {  	s5 =	simm.s32 @p1 $0x1;
	p0 =	seq.s32 s7, s2  }
0x1e: {  	s7 =	smul.u32 @!p0 $0xF7A, s2;
	p2 =	seq.s32 @!p0 s5, $0x0  }
0x1f: {  	s9 =	smul.u32 $0xF7A, s1;
	s8 =	simm.s32 @!p0 $0x1BF5;
	p2 =	por !p2, p0  }
0x20: {  	[sflag:s8] =	ssyncset.s32 @!p0 $0xFFFFF086;
	s6 =	sadd.s32 @!p0 s3, s7;
	s7 =	simm.s32 @!p0 $0x108  }
0x21: {  	s3 =	sadd.s32 s3, s9;
	s6 =	sadd.s32 @!p0 $0x88, s6;
	s7 =	simm.s32 @p2 $0x1082  }
0x22: {  	[simem:s7], [sflag:s8] =	dma.local @!p0 [hbm:s6], $0xF7A  }
0x23: {  	s9 =	sor.u32 $0xD0000000, s2;
	s6 =	simm.s32 $0x108;
	_ =	swait.ge @!p0 [sflag:s8], $0x0  }
0x24: {  	s3 =	sadd.s32 $0x88, s3;
	s6 =	simm.s32 @!p1 $0x1082;
	[sflag:s4] =	ssyncset.s32 $0xFFFFF086  }
0x25: {  	[simem:s6], [sflag:s4] =	dma.local [hbm:s3], $0xF7A  }
0x26: {  	[smem:$0x3F9F] =	sst s1;
	(tag) =	ssettag s2;
	_ =	strace s9  }
0x27: {  	s1 =	sld [smem:$0x3FAF]  }
0x28: {  	s2 =	sld [smem:$0x3FB0]  }
0x29: {  	s4 =	sld [smem:$0x3FB2]  }
0x2a: {  	p0 =	seq.s32 s5, $0x0;
	s5 =	sld [smem:$0x3FB3]  }
0x2b: {  	s6 =	sld [smem:$0x3FB4]  }
0x2c: {  	s7 =	sld [smem:$0x3FB5]  }
0x2d: {  	s3 =	simm.s32 $0x108;
	s8 =	sld [smem:$0x3FB6]  }
0x2e: {  	s3 =	simm.s32 @!p0 $0x1082;
	s9 =	sld [smem:$0x3FB7]  }
0x2f: {  	lr =	sadd.s32 s0, s3;
	s0 =	sld [smem:$0x3FAE]  }
0x30: {  	s3 =	sld [smem:$0x3FB1]  }
0x31: {  	[smem:$0x3FBA] =	sst s10  }
0x32: {  	s10 =	sld [smem:$0x3FB8];
	_ =	sdelay $0x3  }
0x33: {  	p0 =	seq.s32 s10, $0x1;
	s10 =	sld [smem:$0x3FBA];
	_ =	sdelay $0x3  }
0x34: {  	[smem:$0x3FBA] =	sst s10  }
0x35: {  	s10 =	sld [smem:$0x3FB9];
	_ =	sdelay $0x3  }
0x36: {  	p1 =	seq.s32 s10, $0x1;
	s10 =	sld [smem:$0x3FBA];
	_ =	sdelay $0x3  }
0x37: {  	[smem:$0x3FBA] =	sst s10  }
0x38: {  	s10 =	sld [smem:$0x3FBB]  }
0x39: {  	_ = 	snop;
	(pc) =	sbr.ind lr, $3  }
0x3a: {  	_ = 	snop  }
0x3b: {  	_ = 	snop  }
0x3c: {  	p2 =	seq.s32 s10, $0x1;
	s10 =	sld [smem:$0x3FBA]  }
0x3d: {  	_ =	shalt  }
0x3e: {  	_ =	shalt  }
0x3f: {  	_ =	shalt  }
0x40: {  	_ =	shalt  }
0x41: {  	_ =	shalt  }
0x42: {  	_ =	shalt  }
0x43: {  	_ =	shalt  }
0x44: {  	_ =	shalt  }
0x45: {  	_ =	shalt  }
0x46: {  	_ =	shalt  }
0x47: {  	_ =	shalt  }
0x48: {  	_ =	shalt  }
0x49: {  	_ =	shalt  }
0x4a: {  	_ =	shalt  }
0x4b: {  	_ =	shalt  }
0x4c: {  	_ =	shalt  }
0x4d: {  	_ =	shalt  }
0x4e: {  	_ =	shalt  }
0x4f: {  	_ =	shalt  }
0x50: {  	_ =	shalt  }
0x51: {  	_ =	shalt  }
0x52: {  	_ =	shalt  }
0x53: {  	_ =	shalt  }
0x54: {  	_ =	shalt  }
0x55: {  	_ =	shalt  }
0x56: {  	_ =	shalt  }
0x57: {  	_ =	shalt  }
0x58: {  	_ =	shalt  }
0x59: {  	_ =	shalt  }
0x5a: {  	_ =	shalt  }
0x5b: {  	_ =	shalt  }
0x5c: {  	_ =	shalt  }
0x5d: {  	_ =	shalt  }
0x5e: {  	_ =	shalt  }
0x5f: {  	_ =	shalt  }
0x60: {  	_ =	shalt  }
0x61: {  	_ =	shalt  }
0x62: {  	_ =	shalt  }
0x63: {  	_ =	shalt  }
0x64: {  	_ =	shalt  }
0x65: {  	_ =	shalt  }
0x66: {  	_ =	shalt  }
0x67: {  	_ =	shalt  }
0x68: {  	_ =	shalt  }
0x69: {  	_ =	shalt  }
0x6a: {  	_ =	shalt  }
0x6b: {  	_ =	shalt  }
0x6c: {  	_ =	shalt  }
0x6d: {  	_ =	shalt  }
0x6e: {  	_ =	shalt  }
0x6f: {  	_ =	shalt  }
0x70: {  	_ =	shalt  }
0x71: {  	_ =	shalt  }
0x72: {  	_ =	shalt  }
0x73: {  	_ =	shalt  }
0x74: {  	_ =	shalt  }
0x75: {  	_ =	shalt  }
0x76: {  	_ =	shalt  }
0x77: {  	_ =	shalt  }
0x78: {  	_ =	shalt  }
0x79: {  	_ =	shalt  }
0x7a: {  	_ =	shalt  }
0x7b: {  	_ =	shalt  }
0x7c: {  	_ =	shalt  }
0x7d: {  	_ =	shalt  }
0x7e: {  	_ =	shalt  }
0x7f: {  	_ =	shalt  }
0x80: {  	_ =	shalt  }
0x81: {  	_ =	shalt  }
0x82: {  	_ =	shalt  }
0x83: {  	_ =	shalt  }
0x84: {  	_ =	shalt  }
0x85: {  	_ =	shalt  }
0x86: {  	_ =	shalt  }
0x87: {  	_ =	shalt  }
.Lfunc_end0:
.L_simem_size_0:
called_computation_lowered:
.L_overlay_start_0:
0x88: {  	s2 =	sld [smem:$0x3FD9]  }
0x89: {  	s3 =	sld [smem:$0x3FFE];
	_ =	sdelay $0x1  }
0x8a: {  	s1 =	srdreg.scid  }
0x8b: {  	s0 =	sand.u32 $0x1, s1  }
0x8c: {  	s14 =	sshll.u32 s0, $0xA;
	s2 =	sadd.s32 s3, s2  }
0x8d: {  	s2 =	sadd.s32 s2, s14  }
0x8e: {  	[smem:$0x3FC6] =	sst s2  }
0x8f: {  	_ = 	snop  }
0x90: {  	s2 =	sld [smem:$0x3FD0];
	_ =	sdelay $0x1  }
0x91: {  	s15 =	sld [smem:$0x3FC9]  }
0x92: {  	s5 =	simm.s32 $0xA;
	s6 =	simm.s32 $0x10;
	s4 =	sld [smem:$0x3FC8]  }
0x93: {  	[smem:s6], [sflag:s5] =	dma.local [hbm:s2], $0x1  }
0x94: {  	_ =	swait.eq [sflag:s5], $0x1  }
0x95: {  	[sflag:s5] =	ssyncset.done $0x0  }
0x96: {  	[sflag:s5] =	ssyncadd.s32 $0xFFFFFFFF  }
0x97: {  	s16 =	sld [smem:$0x11];
	(tm) =	ssettm $0x1  }
0x98: {  	s17 =	sld [smem:$0x3FFB];
	_ =	sdelay $0x3  }
0x99: {  	_ =	strace s17  }
0x9a: {  	s5 =	sld [smem:$0x3FFC];
	_ =	sdelay $0x3  }
0x9b: {  	_ =	strace s5  }
0x9c: {  	s5 =	sld [smem:$0x3FFD];
	_ =	sdelay $0x3  }
0x9d: {  	_ =	strace s5  }
0x9e: {  	_ =	strace $0x8FFFFFFF  }
0x9f: {  	s18 =	sld [smem:$0x3FDB];
	_ =	sdelay $0x1  }
0xa0: {  	s19 =	simm.s32 $_scs_section_size  }
0xa1: {  	s7 =	simm.s32 $_size__tile_overlayer_lowered;
	s8 =	simm.s32 $_tile_overlayer_lowered  }
0xa2: {  	s22 =	simm.s32 $0x1BFF;
	s21 =	sshll.u32 s8, $0x1;
	s5 =	sadd.s32 s19, s18  }
0xa3: {  	s9 =	simm.s32 $0x0;
	s20 =	sshll.u32 s7, $0x1;
	s7 =	sadd.s32 s21, s5  }
0xa4: {  	[timem:s9], [sflag:s22] =	dma.local [hbm:s7], s20  }
0xa5: {  	_ =	swait.ge [sflag:s22], s20  }
0xa6: {  	s6 =	ssub.s32 $0x0, s20;
	[sflag:s22] =	ssyncset.done $0x0  }
0xa7: {  	[sflag:s22] =	ssyncadd.s32 s6;
	_ =	sdelay $0x1  }
0xa8: {  	s23 =	simm.s32 $0x1B8B  }
0xa9: {  	_ =	swait.ge [sflag:s23], $0x1  }
0xaa: {  	[sflag:s23] =	ssyncset.done $0x0  }
0xab: {  	s25 =	simm.s32 $0x1B8E;
	s24 =	sld [smem:$0x3FFE];
	[sflag:s23] =	ssyncadd.s32 $0xFFFFFFFF  }
0xac: {  	s26 =	simm.s32 $execute0_lowered;
	[smem:$0x3FD2] =	sst s25  }
0xad: {  	s7 =	sshll.u32 s26, $0x1;
	_ =	strace $0x80000046;
	[dreg:$0x1] =	wrdreg $0xFFFFFFFF  }
0xae: {  	s28 =	simm.s32 $_size_execute0_lowered;
	s5 =	sadd.s32 s5, s7;
	[dreg:$0x0] =	wrdreg $0x0  }
0xaf: {  	s7 =	sshll.u32 s28, $0x1;
	[dreg:$0x2] =	wrdreg s5  }
0xb0: {  	[dreg:$0x3] =	wrdreg s7  }
0xb1: {  	[dreg:$0x4] =	wrdreg $0xC0  }
0xb2: {  	_ =	task [dreg:s9], $0x5FFFF  }
0xb3: {  	[dreg:$0x1] =	wrdreg $0xFFFFFFFF  }
0xb4: {  	[dreg:$0x0] =	wrdreg $0x60  }
0xb5: {  	[dreg:$0x2] =	wrdreg s15  }
0xb6: {  	[dreg:$0x3] =	wrdreg s4  }
0xb7: {  	[dreg:$0x4] =	wrdreg s16  }
0xb8: {  	[dreg:$0x5] =	wrdreg s24  }
0xb9: {  	[dreg:$0x6] =	wrdreg $0x9  }
0xba: {  	_ =	task.clear_ibuf [dreg:s9], $0x7FFFF;
	_ =	strace $0x90000046  }
0xbb: {  	s29 =	simm.s32 $0x9;
	_ =	strace $0x80000048  }
0xbc: {  	_ =	swait.ge [sflag:s29], $0x1  }
0xbd: {  	[sflag:s29] =	ssyncadd.s32 $0xFFFFFFFF  }
0xbe: {  	_ =	strace $0x90000048  }
0xbf: {  	_ =	sfence  }
0xc0: {  	s30 =	sld [smem:$0x0];
	_ =	sdelay $0x2  }
0xc1: {  	s31 =	sshll.u32 s1, $0xD;
	s1 =	sshrl.u32 s1, $0x2  }
0xc2: {  	s3 =	sand.u32 $0x4000, s31;
	s1 =	sadd.s32 s1, s30  }
0xc3: {  	s0 =	sor.u32 s3, s0;
	s1 =	sshll.u32 s1, $0x11  }
0xc4: {  	s0 =	sor.u32 s1, s0  }
0xc5: {  	s0 =	sadd.s32 $0x8F2B, s0  }
0xc6: {  	[sflag:s0] =	ssyncadd.remote.s32 $0x1  }
0xc7: {  	_ =	sfence.sel $0xFFFF  }
0xc8: {  	[dreg:$0x0] =	wrdreg $0xFFFFFFFF;
	(pc) =	sbr.abs _section_cstart, $3  }
0xc9: {  	[dreg:$0x1] =	wrdreg $0xFFFFFFFF  }
0xca: {  	_ =	task.clear_ibuf [dreg:s9], $0x2FFFF;
	_ =	strace $0x9FFFFFFF  }
0xcb: {  	(tm) =	ssettm $0x7FFFFFFF  }
tec
execute0_lowered:
.L_overlay_start_1:
0x0: {  	(tag) =	ssettag $0x1  }
0x1: {  	s8 =	rddreg [dreg:$0x0];
	v0 =	vimm.s32 $0x1;
	vm14 =	vcmask $0x300;
	vm13 =	vcmask $0x704  }
0x2: {  	s2 =	rddreg [dreg:$0x1];
	s4 =	simm.s32 $0x0;
	vm12 =	vcmask $0xB08;
	vm11 =	vcmask $0xF0C;
	vm10 =	vcmask $0x1310  }
0x3: {  	vm9 =	vcmask $0x1714;
	vm8 =	vcmask $0x1B18;
	vm7 =	vcmask $0x1F1C;
	[smem:$0x7FF] =	sst s4  }
0x4: {  	s0 =	rddreg [dreg:$0x3];
	vm6 =	vcmask $0x2320;
	vm5 =	vcmask $0x2724;
	vm4 =	vcmask $0x2B28;
	_ =	strace $0x80000047  }
0x5: {  	vm3 =	vcmask $0x2F2C;
	vm2 =	vcmask $0x3330;
	vm1 =	vcmask $0x3734;
	(xrf0) =	vadd.scan.msk.s32 $0xffff, v0  }
0x6: {  	vm0 =	vcmask $0x3B38;
	v10 =	vimm.s32 $0x3380;
	v11 =	vimm.s32 $0x5380  }
0x7: {  	v12 =	vimm.s32 $0x7380;
	v10 =	vsel vm14, $0x2000, v10;
	v11 =	vsel vm14, $0x4000, v11  }
0x8: {  	v12 =	vsel vm14, $0x6000, v12;
	v10 =	vsel vm13, $0x2080, v10;
	v11 =	vsel vm13, $0x4080, v11  }
0x9: {  	v12 =	vsel vm13, $0x6080, v12;
	v10 =	vsel vm12, $0x2100, v10;
	v11 =	vsel vm12, $0x4100, v11  }
0xa: {  	v12 =	vsel vm12, $0x6100, v12;
	v10 =	vsel vm11, $0x2180, v10;
	v11 =	vsel vm11, $0x4180, v11  }
0xb: {  	v12 =	vsel vm11, $0x6180, v12;
	v10 =	vsel vm10, $0x2200, v10;
	v11 =	vsel vm10, $0x4200, v11;
	v0, _, _ =	vpop (xrf0)  }
0xc: {  	v12 =	vsel vm10, $0x6200, v12;
	v10 =	vsel vm9, $0x2280, v10;
	(v2sf) =	vpush v0, $0x0  }
0xd: {  	v11 =	vsel vm9, $0x4280, v11;
	v12 =	vsel vm9, $0x6280, v12;
	v10 =	vsel vm8, $0x2300, v10  }
0xe: {  	s1 =	srdreg.scid;
	s3 =	stileid.u32;
	s9 =	simm.s32 $0x1;
	v11 =	vsel vm8, $0x4300, v11;
	v12 =	vsel vm8, $0x6300, v12;
	v10 =	vsel vm7, $0x2380, v10  }
0xf: {  	s28 =	simm.s32 $0x1A000;
	s29 =	simm.s32 $0x1A300;
	s30 =	simm.s32 $0x3;
	v11 =	vsel vm7, $0x4380, v11;
	v12 =	vsel vm7, $0x6380, v12;
	v0 =	vimm.s32 $0x1380  }
0x10: {  	s31 =	simm.s32 $0x2;
	s1 =	sand.u32 $0x1, s1;
	s20 =	sadd.s32 $0x100, s8;
	v10 =	vsel vm6, $0x3000, v10;
	v11 =	vsel vm6, $0x5000, v11;
	v0 =	vsel vm14, $0x0, v0  }
0x11: {  	s3 =	sshll.u32 s3, $0x1;
	s21 =	sadd.s32 $0x200, s8;
	[dreg:$0x8] =	wrdreg s20;
	v12 =	vsel vm6, $0x7000, v12;
	v10 =	vsel vm5, $0x3080, v10;
	v0 =	vsel vm13, $0x80, v0  }
0x12: {  	s7 =	sadd.s32 $0x600, s0;
	s22 =	sadd.s32 $0x300, s8;
	[dreg:$0x9] =	wrdreg s21;
	v11 =	vsel vm5, $0x5080, v11;
	v12 =	vsel vm5, $0x7080, v12;
	v0 =	vsel vm12, $0x100, v0  }
0x13: {  	s23 =	sadd.s32 $0x400, s8;
	s24 =	sadd.s32 $0x500, s8;
	[dreg:$0xa] =	wrdreg s22;
	v10 =	vsel vm4, $0x3100, v10;
	v11 =	vsel vm4, $0x5100, v11;
	v0 =	vsel vm11, $0x180, v0  }
0x14: {  	s25 =	sadd.s32 $0x600, s8;
	s26 =	sadd.s32 $0x700, s8;
	[dreg:$0xb] =	wrdreg s23;
	v12 =	vsel vm4, $0x7100, v12;
	v10 =	vsel vm3, $0x3180, v10;
	v0 =	vsel vm10, $0x200, v0  }
0x15: {  	s6 =	sor.u32 s1, s3;
	s3 =	simm.s32 $0x1;
	[dreg:$0xc] =	wrdreg s24;
	v11 =	vsel vm3, $0x5180, v11;
	v12 =	vsel vm3, $0x7180, v12;
	v0 =	vsel vm9, $0x280, v0  }
0x16: {  	s1 =	ssub.s32 $0x2, s1;
	[dreg:$0xd] =	wrdreg s25;
	s20 =	simm.s32 $0x1000;
	v10 =	vsel vm2, $0x3200, v10;
	v11 =	vsel vm2, $0x5200, v11;
	v1 =	vsel vm8, $0x300, v0  }
0x17: {  	[dreg:$0xe] =	wrdreg s26;
	s22 =	simm.s32 $0x7A1400;
	s23 =	simm.s32 $0x8000;
	v12 =	vsel vm2, $0x7200, v12;
	v10 =	vsel vm1, $0x3280, v10;
	v2 =	vsel vm7, $0x380, v1  }
0x18: {  	s24 =	simm.s32 $0x10000;
	s25 =	simm.s32 $0x18000;
	s16 =	sshll.u32 s6, $0x9;
	v11 =	vsel vm1, $0x5280, v11;
	v12 =	vsel vm1, $0x7280, v12;
	v3 =	vsel vm6, $0x1000, v2  }
0x19: {  	s26 =	simm.s32 $0x5;
	s15 =	sshrl.u32 s1, $0x1;
	s18 =	sadd.s32 s2, s16;
	v10 =	vsel vm0, $0x3300, v10;
	v11 =	vsel vm0, $0x5300, v11;
	v4 =	vsel vm5, $0x1080, v3  }
.Ltmp0:
0x1a: {  	s17 =	ssub.s32 s1, s15;
	s19 =	sadd.s32 $0x4000, s18;
	v12 =	vsel vm0, $0x7300, v12;
	v3 =	vlaneseq.u32;
	v5 =	vsel vm4, $0x1100, v4;
	(pc) =	sbr.rel .LBB2_1-.Ltmp0, $4  }
0x1b: {  	[dreg:$0x5] =	wrdreg s18;
	s1 =	sadd.s32 $0x8000, s18;
	v0 =	vmov s6;
	v4 =	vmul.u32 $0x80, v3;
	v6 =	vsel vm3, $0x1180, v5;
	s5 =	spop (v2sf)  }
0x1c: {  	s0 =	smax.u32 s17, $0x1;
	[dreg:$0x6] =	wrdreg s19;
	v2 =	vimm.s32 $0x40000000;
	v5 =	vimm.s32 $0x0;
	v7 =	vsel vm2, $0x1200, v6;
	p0 =	seq.s32 s5, $0x0  }
0x1d: {  	[dreg:$0x7] =	wrdreg s1;
	s19 =	sor.u32 $0x60, s6;
	v6 =	vor.u32 $0x800, v4;
	v8 =	vor.u32 $0x1800, v4;
	v9 =	vsel vm1, $0x1280, v7;
	s3 =	simm.s32 @!p0 $0x0  }
0x1e: {  	[dreg:$0xf] =	wrdreg s0;
	s0 =	simm.s32 $0x4;
	v7 =	vor.u32 $0x1000, v4;
	v9 =	vsel vm0, $0x1300, v9;
	s5 =	simm.s32 $0x0;
	v1 =	vmov s3  }
.LBB2_66:
0x1f: {  	[sflag:s0] =	ssyncadd.s32 $0xFFFFFF80  }
.LBB2_67:
0x20: {  	s5 =	sadd.s32 $0x1, s5;
	s1 =	rddreg [dreg:$0xf]  }
0x21: {  	p0 =	sne.s32 s5, s1  }
.Ltmp1:
0x22: {  	_ = 	snop;
	(pc) =	sbr.rel @!p0 .LBB2_68-.Ltmp1, $1  }
0x23: {  	_ =	sdelay $0x3  }
.LBB2_1:
0x24: {  	s1 =	rddreg [dreg:$0x5]  }
0x25: {  	s16 =	rddreg [dreg:$0x6]  }
0x26: {  	[tilespmem:s4], [sflag:$0x1] =	stream.strided.gather [hbm4b:s1+s20], $0x8000, s22, s20, $0x38;
	[tilespmem:$0x1B600] =	vst v63  }
0x27: {  	s17 =	rddreg [dreg:$0x7]  }
0x28: {  	[tilespmem:s23], [sflag:$0x2] =	stream.strided.gather [hbm4b:s16+s20], $0x8000, s22, s20, $0x38;
	[tilespmem:$0x1B600] =	vst v63  }
0x29: {  	[smem:$0x0] =	sst s4  }
0x2a: {  	[tilespmem:s24], [sflag:$0x3] =	stream.strided.gather [hbm4b:s17+s20], $0x8000, s22, s20, $0x38;
	[tilespmem:$0x1B600] =	vst v63  }
0x2b: {  	s18 =	rddreg [dreg:$0x2]  }
0x2c: {  	[tilespmem:s25], [sflag:$0x5] =	stream.linear.gather [hbm4b:s18+s4], $0x2000, $0x38;
	[tilespmem:$0x1B600] =	vst v63  }
0x2d: {  	_ =	swait.ge [sflag:s26], $0x2000  }
0x2e: {  	[sflag:s26] =	ssyncset.done $0x0  }
0x2f: {  	[sflag:s26] =	ssyncadd.s32 $0xFFFFE000  }
0x30: {  	[tilespmem:$0x1A000] =	vst v2  }
0x31: {  	[tilespmem:$0x1A010] =	vst v2  }
0x32: {  	[tilespmem:$0x1A020] =	vst v2  }
0x33: {  	[tilespmem:$0x1A030] =	vst v2  }
0x34: {  	[tilespmem:$0x1A040] =	vst v2  }
0x35: {  	[tilespmem:$0x1A050] =	vst v2  }
0x36: {  	[tilespmem:$0x1A060] =	vst v2  }
0x37: {  	[tilespmem:$0x1A070] =	vst v2  }
0x38: {  	[tilespmem:$0x1A080] =	vst v2  }
0x39: {  	[tilespmem:$0x1A090] =	vst v2  }
0x3a: {  	[tilespmem:$0x1A0A0] =	vst v2  }
0x3b: {  	[tilespmem:$0x1A0B0] =	vst v2  }
0x3c: {  	[tilespmem:$0x1A0C0] =	vst v2  }
0x3d: {  	[tilespmem:$0x1A0D0] =	vst v2  }
0x3e: {  	[tilespmem:$0x1A0E0] =	vst v2  }
0x3f: {  	[tilespmem:$0x1A0F0] =	vst v2  }
0x40: {  	[tilespmem:$0x1A100] =	vst v2  }
0x41: {  	[tilespmem:$0x1A110] =	vst v2  }
0x42: {  	[tilespmem:$0x1A120] =	vst v2  }
0x43: {  	[tilespmem:$0x1A130] =	vst v2  }
0x44: {  	[tilespmem:$0x1A140] =	vst v2  }
0x45: {  	[tilespmem:$0x1A150] =	vst v2  }
0x46: {  	[tilespmem:$0x1A160] =	vst v2  }
0x47: {  	[tilespmem:$0x1A170] =	vst v2  }
0x48: {  	[tilespmem:$0x1A180] =	vst v2  }
0x49: {  	[tilespmem:$0x1A190] =	vst v2  }
0x4a: {  	[tilespmem:$0x1A1A0] =	vst v2  }
0x4b: {  	[tilespmem:$0x1A1B0] =	vst v2  }
0x4c: {  	[tilespmem:$0x1A1C0] =	vst v2  }
0x4d: {  	[tilespmem:$0x1A1D0] =	vst v2  }
0x4e: {  	[tilespmem:$0x1A1E0] =	vst v2  }
0x4f: {  	[tilespmem:$0x1A1F0] =	vst v2  }
0x50: {  	[tilespmem:$0x1A200] =	vst v2  }
0x51: {  	[tilespmem:$0x1A210] =	vst v2  }
0x52: {  	[tilespmem:$0x1A220] =	vst v2  }
0x53: {  	[tilespmem:$0x1A230] =	vst v2  }
0x54: {  	[tilespmem:$0x1A240] =	vst v2  }
0x55: {  	[tilespmem:$0x1A250] =	vst v2  }
0x56: {  	[tilespmem:$0x1A260] =	vst v2  }
0x57: {  	[tilespmem:$0x1A270] =	vst v2  }
0x58: {  	[tilespmem:$0x1A280] =	vst v2  }
0x59: {  	[tilespmem:$0x1A290] =	vst v2  }
0x5a: {  	[tilespmem:$0x1A2A0] =	vst v2  }
0x5b: {  	s21 =	simm.s32 $0x1A600;
	[tilespmem:$0x1A2B0] =	vst v2;
	s3 =	rddreg [dreg:$0x0]  }
0x5c: {  	[tilespmem:s21], [sflag:$0x5] =	stream.linear.gather [hbm4b:s3+s4], $0x800, $0x38;
	[tilespmem:$0x1B600] =	vst v63  }
0x5d: {  	_ =	swait.ge [sflag:s26], $0x800  }
0x5e: {  	[sflag:s26] =	ssyncset.done $0x0  }
0x5f: {  	[sflag:s26] =	ssyncadd.s32 $0xFFFFF800  }
0x60: {  	v13 =	vld [tilespmem:s21+$0x0];
	_ =	sdelay $0x4  }
0x61: {  	v14 =	vshra.s32 v13, $0x1F;
	v15 =	vand.u32 $0x1FF, v13  }
0x62: {  	vm0 =	vlt.s32 v13, $0x1;
	v14 =	vshrl.u32 v14, $0x17;
	vm1 =	vne.s32 v15, $0x0  }
0x63: {  	v14 =	vadd.s32 v14, v13;
	vm0 =	vmand vm0, vm1  }
0x64: {  	v14 =	vshrl.u32 v14, $0x9;
	v15 =	vsel vm0, $0xFFFFFFFF, v5  }
0x65: {  	v14 =	vadd.s32 v15, v14  }
0x66: {  	v14 =	vand.u32 $0x1F, v14  }
0x67: {  	vm15 =	veq.s32 v14, v0  }
0x68: {  	v14 =	vsel vm15, $0x1, v5  }
0x69: {  	(xrf0) =	vadd.scan.msk.s32 $0xffff, v14;
	_ =	sdelay $0x3  }
0x6a: {  	v14 =	vmov s4  }
0x6b: {  	v14 =	vadd.s32 $0xFFFFFFFF, v14  }
0x6c: {  	v15 =	vnsel vm15, $0x0, v1;
	v14 =	vbroadcast v14, $0x0;
	v16, _, _ =	vpop (xrf0)  }
0x6d: {  	v15 =	vadd.s32 v15, v16  }
0x6e: {  	v14 =	vadd.s32 v15, v14;
	(v2sf) =	vpush v15, $0xF;
	_ =	sdelay $0x4  }
0x6f: {  	v63 =	vor.u32 s4, v3;
	[tilespmem:v14+s28+$0x0] =	vst.idx.msk vm15, v13  }
0x70: {  	s10 =	simm.s32 $0x1A610;
	[tilespmem:v14+s29+$0x0] =	vst.idx.msk vm15, v63  }
0x71: {  	s11 =	simm.s32 $0x20;
	s1 =	simm.s32 $0x10;
	s3 =	simm.s32 $0x0;
	v13 =	vld [tilespmem:s10+$0x0]  }
.LBB2_2:
0x72: {  	p0 =	sne.s32 s11, $0x7F0;
	_ =	sdelay $0x3  }
0x73: {  	v14 =	vshra.s32 v13, $0x1F;
	v15 =	vand.u32 $0x1FF, v13  }
0x74: {  	vm0 =	vlt.s32 v13, $0x1;
	v14 =	vshrl.u32 v14, $0x17;
	vm1 =	vne.s32 v15, $0x0  }
0x75: {  	v14 =	vadd.s32 v14, v13;
	vm0 =	vmand vm0, vm1  }
0x76: {  	v14 =	vshrl.u32 v14, $0x9;
	v15 =	vsel vm0, $0xFFFFFFFF, v5;
	s12 =	spop (v2sf)  }
0x77: {  	v14 =	vadd.s32 v15, v14;
	s3 =	sadd.s32 s3, s12  }
0x78: {  	v14 =	vand.u32 $0x1F, v14;
	v15 =	vmov s3  }
0x79: {  	vm0 =	veq.s32 v14, v0;
	v14 =	vadd.s32 $0xFFFFFFFF, v15  }
0x7a: {  	v15 =	vsel vm0, $0x1, v5;
	v14 =	vbroadcast v14, $0x0  }
0x7b: {  	(xrf0) =	vadd.scan.msk.s32 $0xffff, v15;
	_ =	sdelay $0x5  }
0x7c: {  	v15 =	vnsel vm0, $0x0, v1;
	v16, _, _ =	vpop (xrf0)  }
0x7d: {  	v15 =	vadd.s32 v15, v16  }
0x7e: {  	v14 =	vadd.s32 v15, v14;
	(v2sf) =	vpush v15, $0xF;
	_ =	sdelay $0x2  }
.Ltmp2:
0x7f: {  	(pc) =	sbr.rel @p0 .LBB2_2-.Ltmp2, $4  }
0x80: {  	_ = 	snop  }
0x81: {  	v15 =	vor.u32 s1, v3;
	s1 =	smov.u32 s11;
	[tilespmem:v14+s28+$0x0] =	vst.idx.msk vm0, v13  }
0x82: {  	s10 =	sadd.s32 $0x10, s10;
	[tilespmem:v14+s29+$0x0] =	vst.idx.msk vm0, v15  }
0x83: {  	s11 =	sadd.s32 $0x10, s11;
	v13 =	vld [tilespmem:s10+$0x0]  }
0x84: {  	_ =	sdelay $0x3  }
0x85: {  	v14 =	vshra.s32 v13, $0x1F;
	v15 =	vand.u32 $0x1FF, v13  }
0x86: {  	vm0 =	vlt.s32 v13, $0x1;
	v14 =	vshrl.u32 v14, $0x17;
	vm1 =	vne.s32 v15, $0x0  }
0x87: {  	v14 =	vadd.s32 v14, v13;
	vm0 =	vmand vm0, vm1  }
0x88: {  	v14 =	vshrl.u32 v14, $0x9;
	v15 =	vsel vm0, $0xFFFFFFFF, v5  }
0x89: {  	v14 =	vadd.s32 v15, v14  }
0x8a: {  	v14 =	vand.u32 $0x1F, v14  }
0x8b: {  	vm12 =	veq.s32 v14, v0  }
0x8c: {  	v14 =	vsel vm12, $0x1, v5  }
0x8d: {  	(xrf0) =	vadd.scan.msk.s32 $0xffff, v14;
	_ =	sdelay $0x5  }
0x8e: {  	v14 =	vnsel vm12, $0x0, v1;
	v15, _, _ =	vpop (xrf0)  }
0x8f: {  	v14 =	vadd.s32 v14, v15  }
0x90: {  	(v2sf) =	vpush v14, $0xF  }
0x91: {  	s10 =	spop (v2sf)  }
0x92: {  	s3 =	sadd.s32 s3, s10  }
0x93: {  	v15 =	vmov s3  }
0x94: {  	v15 =	vadd.s32 $0xFFFFFFFF, v15  }
0x95: {  	v15 =	vbroadcast v15, $0x0;
	_ =	sdelay $0x1  }
0x96: {  	v14 =	vadd.s32 v14, v15;
	_ =	sdelay $0x4  }
0x97: {  	v15 =	vor.u32 s1, v3;
	[tilespmem:v14+s28+$0x0] =	vst.idx.msk vm12, v13  }
0x98: {  	s18 =	simm.s32 $0x1A600;
	s8 =	rddreg [dreg:$0x8];
	[tilespmem:v14+s29+$0x0] =	vst.idx.msk vm12, v15  }
0x99: {  	[tilespmem:s18], [sflag:$0x5] =	stream.linear.gather [hbm4b:s8+s4], $0x800, $0x38;
	[tilespmem:$0x1B600] =	vst v63  }
0x9a: {  	s17 =	spop (v2sf)  }
0x9b: {  	_ =	swait.ge [sflag:s26], $0x800  }
0x9c: {  	[sflag:s26] =	ssyncset.done $0x0  }
0x9d: {  	[sflag:s26] =	ssyncadd.s32 $0xFFFFF800  }
0x9e: {  	v13 =	vld [tilespmem:s18+$0x0];
	_ =	sdelay $0x4  }
0x9f: {  	v14 =	vshra.s32 v13, $0x1F;
	v15 =	vand.u32 $0x1FF, v13  }
0xa0: {  	vm13 =	vlt.s32 v13, $0x1;
	v14 =	vshrl.u32 v14, $0x17;
	vm14 =	vne.s32 v15, $0x0  }
0xa1: {  	v14 =	vadd.s32 v14, v13;
	vm0 =	vmand vm13, vm14  }
0xa2: {  	v14 =	vshrl.u32 v14, $0x9;
	v15 =	vsel vm0, $0xFFFFFFFF, v5  }
0xa3: {  	v14 =	vadd.s32 v15, v14  }
0xa4: {  	v14 =	vand.u32 $0x1F, v14  }
0xa5: {  	vm15 =	veq.s32 v14, v0  }
0xa6: {  	v14 =	vsel vm15, $0x1, v5  }
0xa7: {  	(xrf0) =	vadd.scan.msk.s32 $0xffff, v14;
	_ =	sdelay $0x2  }
0xa8: {  	s1 =	sadd.s32 s3, s17  }
0xa9: {  	v14 =	vmov s1  }
0xaa: {  	v14 =	vadd.s32 $0xFFFFFFFF, v14  }
0xab: {  	v15 =	vnsel vm15, $0x0, v1;
	v14 =	vbroadcast v14, $0x0;
	v16, _, _ =	vpop (xrf0)  }
0xac: {  	v15 =	vadd.s32 v15, v16  }
0xad: {  	v14 =	vadd.s32 v15, v14;
	(v2sf) =	vpush v15, $0xF;
	_ =	sdelay $0x3  }
0xae: {  	s21 =	simm.s32 $0x800  }
0xaf: {  	v63 =	vor.u32 s21, v3;
	[tilespmem:v14+s28+$0x0] =	vst.idx.msk vm15, v13  }
0xb0: {  	s10 =	simm.s32 $0x1A610;
	[tilespmem:v14+s29+$0x0] =	vst.idx.msk vm15, v63  }
0xb1: {  	s11 =	simm.s32 $0x820;
	s3 =	simm.s32 $0x810;
	v13 =	vld [tilespmem:s10+$0x0]  }
.LBB2_4:
0xb2: {  	p0 =	sne.s32 s11, $0xFF0;
	_ =	sdelay $0x3  }
0xb3: {  	v14 =	vshra.s32 v13, $0x1F;
	v15 =	vand.u32 $0x1FF, v13  }
0xb4: {  	vm0 =	vlt.s32 v13, $0x1;
	v14 =	vshrl.u32 v14, $0x17;
	vm1 =	vne.s32 v15, $0x0  }
0xb5: {  	v14 =	vadd.s32 v14, v13;
	vm0 =	vmand vm0, vm1  }
0xb6: {  	v14 =	vshrl.u32 v14, $0x9;
	v15 =	vsel vm0, $0xFFFFFFFF, v5;
	s12 =	spop (v2sf)  }
0xb7: {  	v14 =	vadd.s32 v15, v14;
	s1 =	sadd.s32 s1, s12  }
0xb8: {  	v14 =	vand.u32 $0x1F, v14;
	v15 =	vmov s1  }
0xb9: {  	vm0 =	veq.s32 v14, v0;
	v14 =	vadd.s32 $0xFFFFFFFF, v15  }
0xba: {  	v15 =	vsel vm0, $0x1, v5;
	v14 =	vbroadcast v14, $0x0  }
0xbb: {  	(xrf0) =	vadd.scan.msk.s32 $0xffff, v15;
	_ =	sdelay $0x5  }
0xbc: {  	v15 =	vnsel vm0, $0x0, v1;
	v16, _, _ =	vpop (xrf0)  }
0xbd: {  	v15 =	vadd.s32 v15, v16  }
0xbe: {  	v14 =	vadd.s32 v15, v14;
	(v2sf) =	vpush v15, $0xF;
	_ =	sdelay $0x2  }
.Ltmp3:
0xbf: {  	(pc) =	sbr.rel @p0 .LBB2_4-.Ltmp3, $4  }
0xc0: {  	_ = 	snop  }
0xc1: {  	v15 =	vor.u32 s3, v3;
	s3 =	smov.u32 s11;
	[tilespmem:v14+s28+$0x0] =	vst.idx.msk vm0, v13  }
0xc2: {  	s10 =	sadd.s32 $0x10, s10;
	[tilespmem:v14+s29+$0x0] =	vst.idx.msk vm0, v15  }
0xc3: {  	s11 =	sadd.s32 $0x10, s11;
	v13 =	vld [tilespmem:s10+$0x0]  }
0xc4: {  	_ =	sdelay $0x3  }
0xc5: {  	v14 =	vshra.s32 v13, $0x1F;
	v15 =	vand.u32 $0x1FF, v13  }
0xc6: {  	vm0 =	vlt.s32 v13, $0x1;
	v14 =	vshrl.u32 v14, $0x17;
	vm1 =	vne.s32 v15, $0x0  }
0xc7: {  	v14 =	vadd.s32 v14, v13;
	vm0 =	vmand vm0, vm1  }
0xc8: {  	v14 =	vshrl.u32 v14, $0x9;
	v15 =	vsel vm0, $0xFFFFFFFF, v5  }
0xc9: {  	v14 =	vadd.s32 v15, v14  }
0xca: {  	v14 =	vand.u32 $0x1F, v14  }
0xcb: {  	vm12 =	veq.s32 v14, v0  }
0xcc: {  	v14 =	vsel vm12, $0x1, v5  }
0xcd: {  	(xrf0) =	vadd.scan.msk.s32 $0xffff, v14;
	_ =	sdelay $0x5  }
0xce: {  	v14 =	vnsel vm12, $0x0, v1;
	v15, _, _ =	vpop (xrf0)  }
0xcf: {  	v14 =	vadd.s32 v14, v15  }
0xd0: {  	(v2sf) =	vpush v14, $0xF  }
0xd1: {  	s10 =	spop (v2sf)  }
0xd2: {  	s1 =	sadd.s32 s1, s10  }
0xd3: {  	v15 =	vmov s1  }
0xd4: {  	v15 =	vadd.s32 $0xFFFFFFFF, v15  }
0xd5: {  	v15 =	vbroadcast v15, $0x0;
	_ =	sdelay $0x1  }
0xd6: {  	v14 =	vadd.s32 v14, v15;
	_ =	sdelay $0x4  }
0xd7: {  	v15 =	vor.u32 s3, v3;
	[tilespmem:v14+s28+$0x0] =	vst.idx.msk vm12, v13  }
0xd8: {  	s18 =	simm.s32 $0x1A600;
	s8 =	rddreg [dreg:$0x9];
	[tilespmem:v14+s29+$0x0] =	vst.idx.msk vm12, v15  }
0xd9: {  	[tilespmem:s18], [sflag:$0x5] =	stream.linear.gather [hbm4b:s8+s4], $0x800, $0x38;
	[tilespmem:$0x1B600] =	vst v63  }
0xda: {  	s17 =	spop (v2sf)  }
0xdb: {  	_ =	swait.ge [sflag:s26], $0x800  }
0xdc: {  	[sflag:s26] =	ssyncset.done $0x0  }
0xdd: {  	[sflag:s26] =	ssyncadd.s32 $0xFFFFF800  }
0xde: {  	v13 =	vld [tilespmem:s18+$0x0];
	_ =	sdelay $0x4  }
0xdf: {  	v14 =	vshra.s32 v13, $0x1F;
	v15 =	vand.u32 $0x1FF, v13  }
0xe0: {  	vm13 =	vlt.s32 v13, $0x1;
	v14 =	vshrl.u32 v14, $0x17;
	vm14 =	vne.s32 v15, $0x0  }
0xe1: {  	v14 =	vadd.s32 v14, v13;
	vm0 =	vmand vm13, vm14  }
0xe2: {  	v14 =	vshrl.u32 v14, $0x9;
	v15 =	vsel vm0, $0xFFFFFFFF, v5  }
0xe3: {  	v14 =	vadd.s32 v15, v14  }
0xe4: {  	v14 =	vand.u32 $0x1F, v14  }
0xe5: {  	vm15 =	veq.s32 v14, v0  }
0xe6: {  	v14 =	vsel vm15, $0x1, v5  }
0xe7: {  	(xrf0) =	vadd.scan.msk.s32 $0xffff, v14;
	_ =	sdelay $0x2  }
0xe8: {  	s1 =	sadd.s32 s1, s17  }
0xe9: {  	v14 =	vmov s1  }
0xea: {  	v14 =	vadd.s32 $0xFFFFFFFF, v14  }
0xeb: {  	v15 =	vnsel vm15, $0x0, v1;
	v14 =	vbroadcast v14, $0x0;
	v16, _, _ =	vpop (xrf0)  }
0xec: {  	v15 =	vadd.s32 v15, v16  }
0xed: {  	v14 =	vadd.s32 v15, v14;
	(v2sf) =	vpush v15, $0xF;
	_ =	sdelay $0x3  }
0xee: {  	s21 =	simm.s32 $0x1000  }
0xef: {  	v63 =	vor.u32 s21, v3;
	[tilespmem:v14+s28+$0x0] =	vst.idx.msk vm15, v13  }
0xf0: {  	s10 =	simm.s32 $0x1A610;
	[tilespmem:v14+s29+$0x0] =	vst.idx.msk vm15, v63  }
0xf1: {  	s11 =	simm.s32 $0x1020;
	s3 =	simm.s32 $0x1010;
	v13 =	vld [tilespmem:s10+$0x0]  }
.LBB2_6:
0xf2: {  	p0 =	sne.s32 s11, $0x17F0;
	_ =	sdelay $0x3  }
0xf3: {  	v14 =	vshra.s32 v13, $0x1F;
	v15 =	vand.u32 $0x1FF, v13  }
0xf4: {  	vm0 =	vlt.s32 v13, $0x1;
	v14 =	vshrl.u32 v14, $0x17;
	vm1 =	vne.s32 v15, $0x0  }
0xf5: {  	v14 =	vadd.s32 v14, v13;
	vm0 =	vmand vm0, vm1  }
0xf6: {  	v14 =	vshrl.u32 v14, $0x9;
	v15 =	vsel vm0, $0xFFFFFFFF, v5;
	s12 =	spop (v2sf)  }
0xf7: {  	v14 =	vadd.s32 v15, v14;
	s1 =	sadd.s32 s1, s12  }
0xf8: {  	v14 =	vand.u32 $0x1F, v14;
	v15 =	vmov s1  }
0xf9: {  	vm0 =	veq.s32 v14, v0;
	v14 =	vadd.s32 $0xFFFFFFFF, v15  }
0xfa: {  	v15 =	vsel vm0, $0x1, v5;
	v14 =	vbroadcast v14, $0x0  }
0xfb: {  	(xrf0) =	vadd.scan.msk.s32 $0xffff, v15;
	_ =	sdelay $0x5  }
0xfc: {  	v15 =	vnsel vm0, $0x0, v1;
	v16, _, _ =	vpop (xrf0)  }
0xfd: {  	v15 =	vadd.s32 v15, v16  }
0xfe: {  	v14 =	vadd.s32 v15, v14;
	(v2sf) =	vpush v15, $0xF;
	_ =	sdelay $0x2  }
.Ltmp4:
0xff: {  	(pc) =	sbr.rel @p0 .LBB2_6-.Ltmp4, $4  }
0x100: {  	_ = 	snop  }
0x101: {  	v15 =	vor.u32 s3, v3;
	s3 =	smov.u32 s11;
	[tilespmem:v14+s28+$0x0] =	vst.idx.msk vm0, v13  }
0x102: {  	s10 =	sadd.s32 $0x10, s10;
	[tilespmem:v14+s29+$0x0] =	vst.idx.msk vm0, v15  }
0x103: {  	s11 =	sadd.s32 $0x10, s11;
	v13 =	vld [tilespmem:s10+$0x0]  }
0x104: {  	_ =	sdelay $0x3  }
0x105: {  	v14 =	vshra.s32 v13, $0x1F;
	v15 =	vand.u32 $0x1FF, v13  }
0x106: {  	vm0 =	vlt.s32 v13, $0x1;
	v14 =	vshrl.u32 v14, $0x17;
	vm1 =	vne.s32 v15, $0x0  }
0x107: {  	v14 =	vadd.s32 v14, v13;
	vm0 =	vmand vm0, vm1  }
0x108: {  	v14 =	vshrl.u32 v14, $0x9;
	v15 =	vsel vm0, $0xFFFFFFFF, v5  }
0x109: {  	v14 =	vadd.s32 v15, v14  }
0x10a: {  	v14 =	vand.u32 $0x1F, v14  }
0x10b: {  	vm12 =	veq.s32 v14, v0  }
0x10c: {  	v14 =	vsel vm12, $0x1, v5  }
0x10d: {  	(xrf0) =	vadd.scan.msk.s32 $0xffff, v14;
	_ =	sdelay $0x5  }
0x10e: {  	v14 =	vnsel vm12, $0x0, v1;
	v15, _, _ =	vpop (xrf0)  }
0x10f: {  	v14 =	vadd.s32 v14, v15  }
0x110: {  	(v2sf) =	vpush v14, $0xF  }
0x111: {  	s10 =	spop (v2sf)  }
0x112: {  	s1 =	sadd.s32 s1, s10  }
0x113: {  	v15 =	vmov s1  }
0x114: {  	v15 =	vadd.s32 $0xFFFFFFFF, v15  }
0x115: {  	v15 =	vbroadcast v15, $0x0;
	_ =	sdelay $0x1  }
0x116: {  	v14 =	vadd.s32 v14, v15;
	_ =	sdelay $0x4  }
0x117: {  	v15 =	vor.u32 s3, v3;
	[tilespmem:v14+s28+$0x0] =	vst.idx.msk vm12, v13  }
0x118: {  	s18 =	simm.s32 $0x1A600;
	s8 =	rddreg [dreg:$0xa];
	[tilespmem:v14+s29+$0x0] =	vst.idx.msk vm12, v15  }
0x119: {  	[tilespmem:s18], [sflag:$0x5] =	stream.linear.gather [hbm4b:s8+s4], $0x800, $0x38;
	[tilespmem:$0x1B600] =	vst v63  }
0x11a: {  	s17 =	spop (v2sf)  }
0x11b: {  	_ =	swait.ge [sflag:s26], $0x800  }
0x11c: {  	[sflag:s26] =	ssyncset.done $0x0  }
0x11d: {  	[sflag:s26] =	ssyncadd.s32 $0xFFFFF800  }
0x11e: {  	v13 =	vld [tilespmem:s18+$0x0];
	_ =	sdelay $0x4  }
0x11f: {  	v14 =	vshra.s32 v13, $0x1F;
	v15 =	vand.u32 $0x1FF, v13  }
0x120: {  	vm13 =	vlt.s32 v13, $0x1;
	v14 =	vshrl.u32 v14, $0x17;
	vm14 =	vne.s32 v15, $0x0  }
0x121: {  	v14 =	vadd.s32 v14, v13;
	vm0 =	vmand vm13, vm14  }
0x122: {  	v14 =	vshrl.u32 v14, $0x9;
	v15 =	vsel vm0, $0xFFFFFFFF, v5  }
0x123: {  	v14 =	vadd.s32 v15, v14  }
0x124: {  	v14 =	vand.u32 $0x1F, v14  }
0x125: {  	vm15 =	veq.s32 v14, v0  }
0x126: {  	v14 =	vsel vm15, $0x1, v5  }
0x127: {  	(xrf0) =	vadd.scan.msk.s32 $0xffff, v14;
	_ =	sdelay $0x2  }
0x128: {  	s1 =	sadd.s32 s1, s17  }
0x129: {  	v14 =	vmov s1  }
0x12a: {  	v14 =	vadd.s32 $0xFFFFFFFF, v14  }
0x12b: {  	v15 =	vnsel vm15, $0x0, v1;
	v14 =	vbroadcast v14, $0x0;
	v16, _, _ =	vpop (xrf0)  }
0x12c: {  	v15 =	vadd.s32 v15, v16  }
0x12d: {  	v14 =	vadd.s32 v15, v14;
	(v2sf) =	vpush v15, $0xF;
	_ =	sdelay $0x3  }
0x12e: {  	s21 =	simm.s32 $0x1800  }
0x12f: {  	v63 =	vor.u32 s21, v3;
	[tilespmem:v14+s28+$0x0] =	vst.idx.msk vm15, v13  }
0x130: {  	s10 =	simm.s32 $0x1A610;
	[tilespmem:v14+s29+$0x0] =	vst.idx.msk vm15, v63  }
0x131: {  	s11 =	simm.s32 $0x1820;
	s3 =	simm.s32 $0x1810;
	v13 =	vld [tilespmem:s10+$0x0]  }
.LBB2_8:
0x132: {  	p0 =	sne.s32 s11, $0x1FF0;
	_ =	sdelay $0x3  }
0x133: {  	v14 =	vshra.s32 v13, $0x1F;
	v15 =	vand.u32 $0x1FF, v13  }
0x134: {  	vm0 =	vlt.s32 v13, $0x1;
	v14 =	vshrl.u32 v14, $0x17;
	vm1 =	vne.s32 v15, $0x0  }
0x135: {  	v14 =	vadd.s32 v14, v13;
	vm0 =	vmand vm0, vm1  }
0x136: {  	v14 =	vshrl.u32 v14, $0x9;
	v15 =	vsel vm0, $0xFFFFFFFF, v5;
	s12 =	spop (v2sf)  }
0x137: {  	v14 =	vadd.s32 v15, v14;
	s1 =	sadd.s32 s1, s12  }
0x138: {  	v14 =	vand.u32 $0x1F, v14;
	v15 =	vmov s1  }
0x139: {  	vm0 =	veq.s32 v14, v0;
	v14 =	vadd.s32 $0xFFFFFFFF, v15  }
0x13a: {  	v15 =	vsel vm0, $0x1, v5;
	v14 =	vbroadcast v14, $0x0  }
0x13b: {  	(xrf0) =	vadd.scan.msk.s32 $0xffff, v15;
	_ =	sdelay $0x5  }
0x13c: {  	v15 =	vnsel vm0, $0x0, v1;
	v16, _, _ =	vpop (xrf0)  }
0x13d: {  	v15 =	vadd.s32 v15, v16  }
0x13e: {  	v14 =	vadd.s32 v15, v14;
	(v2sf) =	vpush v15, $0xF;
	_ =	sdelay $0x2  }
.Ltmp5:
0x13f: {  	(pc) =	sbr.rel @p0 .LBB2_8-.Ltmp5, $4  }
0x140: {  	_ = 	snop  }
0x141: {  	v15 =	vor.u32 s3, v3;
	s3 =	smov.u32 s11;
	[tilespmem:v14+s28+$0x0] =	vst.idx.msk vm0, v13  }
0x142: {  	s10 =	sadd.s32 $0x10, s10;
	[tilespmem:v14+s29+$0x0] =	vst.idx.msk vm0, v15  }
0x143: {  	s11 =	sadd.s32 $0x10, s11;
	v13 =	vld [tilespmem:s10+$0x0]  }
0x144: {  	_ =	sdelay $0x3  }
0x145: {  	v14 =	vshra.s32 v13, $0x1F;
	v15 =	vand.u32 $0x1FF, v13  }
0x146: {  	vm0 =	vlt.s32 v13, $0x1;
	v14 =	vshrl.u32 v14, $0x17;
	vm1 =	vne.s32 v15, $0x0  }
0x147: {  	v14 =	vadd.s32 v14, v13;
	vm0 =	vmand vm0, vm1  }
0x148: {  	v14 =	vshrl.u32 v14, $0x9;
	v15 =	vsel vm0, $0xFFFFFFFF, v5  }
0x149: {  	v14 =	vadd.s32 v15, v14  }
0x14a: {  	v14 =	vand.u32 $0x1F, v14  }
0x14b: {  	vm12 =	veq.s32 v14, v0  }
0x14c: {  	v14 =	vsel vm12, $0x1, v5  }
0x14d: {  	(xrf0) =	vadd.scan.msk.s32 $0xffff, v14;
	_ =	sdelay $0x5  }
0x14e: {  	v14 =	vnsel vm12, $0x0, v1;
	v15, _, _ =	vpop (xrf0)  }
0x14f: {  	v14 =	vadd.s32 v14, v15  }
0x150: {  	(v2sf) =	vpush v14, $0xF  }
0x151: {  	s10 =	spop (v2sf)  }
0x152: {  	s1 =	sadd.s32 s1, s10  }
0x153: {  	v15 =	vmov s1  }
0x154: {  	v15 =	vadd.s32 $0xFFFFFFFF, v15  }
0x155: {  	v15 =	vbroadcast v15, $0x0;
	_ =	sdelay $0x1  }
0x156: {  	v14 =	vadd.s32 v14, v15;
	_ =	sdelay $0x4  }
0x157: {  	v15 =	vor.u32 s3, v3;
	[tilespmem:v14+s28+$0x0] =	vst.idx.msk vm12, v13  }
0x158: {  	s18 =	simm.s32 $0x1A600;
	s8 =	rddreg [dreg:$0xb];
	[tilespmem:v14+s29+$0x0] =	vst.idx.msk vm12, v15  }
0x159: {  	[tilespmem:s18], [sflag:$0x5] =	stream.linear.gather [hbm4b:s8+s4], $0x800, $0x38;
	[tilespmem:$0x1B600] =	vst v63  }
0x15a: {  	s17 =	spop (v2sf)  }
0x15b: {  	_ =	swait.ge [sflag:s26], $0x800  }
0x15c: {  	[sflag:s26] =	ssyncset.done $0x0  }
0x15d: {  	[sflag:s26] =	ssyncadd.s32 $0xFFFFF800  }
0x15e: {  	v13 =	vld [tilespmem:s18+$0x0];
	_ =	sdelay $0x4  }
0x15f: {  	v14 =	vshra.s32 v13, $0x1F;
	v15 =	vand.u32 $0x1FF, v13  }
0x160: {  	vm13 =	vlt.s32 v13, $0x1;
	v14 =	vshrl.u32 v14, $0x17;
	vm14 =	vne.s32 v15, $0x0  }
0x161: {  	v14 =	vadd.s32 v14, v13;
	vm0 =	vmand vm13, vm14  }
0x162: {  	v14 =	vshrl.u32 v14, $0x9;
	v15 =	vsel vm0, $0xFFFFFFFF, v5  }
0x163: {  	v14 =	vadd.s32 v15, v14  }
0x164: {  	v14 =	vand.u32 $0x1F, v14  }
0x165: {  	vm15 =	veq.s32 v14, v0  }
0x166: {  	v14 =	vsel vm15, $0x1, v5  }
0x167: {  	(xrf0) =	vadd.scan.msk.s32 $0xffff, v14;
	_ =	sdelay $0x2  }
0x168: {  	s1 =	sadd.s32 s1, s17  }
0x169: {  	v14 =	vmov s1  }
0x16a: {  	v14 =	vadd.s32 $0xFFFFFFFF, v14  }
0x16b: {  	v15 =	vnsel vm15, $0x0, v1;
	v14 =	vbroadcast v14, $0x0;
	v16, _, _ =	vpop (xrf0)  }
0x16c: {  	v15 =	vadd.s32 v15, v16  }
0x16d: {  	v14 =	vadd.s32 v15, v14;
	(v2sf) =	vpush v15, $0xF;
	_ =	sdelay $0x3  }
0x16e: {  	s21 =	simm.s32 $0x2000  }
0x16f: {  	v63 =	vor.u32 s21, v3;
	[tilespmem:v14+s28+$0x0] =	vst.idx.msk vm15, v13  }
0x170: {  	s10 =	simm.s32 $0x1A610;
	[tilespmem:v14+s29+$0x0] =	vst.idx.msk vm15, v63  }
0x171: {  	s11 =	simm.s32 $0x2020;
	s3 =	simm.s32 $0x2010;
	v13 =	vld [tilespmem:s10+$0x0]  }
.LBB2_10:
0x172: {  	p0 =	sne.s32 s11, $0x27F0;
	_ =	sdelay $0x3  }
0x173: {  	v14 =	vshra.s32 v13, $0x1F;
	v15 =	vand.u32 $0x1FF, v13  }
0x174: {  	vm0 =	vlt.s32 v13, $0x1;
	v14 =	vshrl.u32 v14, $0x17;
	vm1 =	vne.s32 v15, $0x0  }
0x175: {  	v14 =	vadd.s32 v14, v13;
	vm0 =	vmand vm0, vm1  }
0x176: {  	v14 =	vshrl.u32 v14, $0x9;
	v15 =	vsel vm0, $0xFFFFFFFF, v5;
	s12 =	spop (v2sf)  }
0x177: {  	v14 =	vadd.s32 v15, v14;
	s1 =	sadd.s32 s1, s12  }
0x178: {  	v14 =	vand.u32 $0x1F, v14;
	v15 =	vmov s1  }
0x179: {  	vm0 =	veq.s32 v14, v0;
	v14 =	vadd.s32 $0xFFFFFFFF, v15  }
0x17a: {  	v15 =	vsel vm0, $0x1, v5;
	v14 =	vbroadcast v14, $0x0  }
0x17b: {  	(xrf0) =	vadd.scan.msk.s32 $0xffff, v15;
	_ =	sdelay $0x5  }
0x17c: {  	v15 =	vnsel vm0, $0x0, v1;
	v16, _, _ =	vpop (xrf0)  }
0x17d: {  	v15 =	vadd.s32 v15, v16  }
0x17e: {  	v14 =	vadd.s32 v15, v14;
	(v2sf) =	vpush v15, $0xF;
	_ =	sdelay $0x2  }
.Ltmp6:
0x17f: {  	(pc) =	sbr.rel @p0 .LBB2_10-.Ltmp6, $4  }
0x180: {  	_ = 	snop  }
0x181: {  	v15 =	vor.u32 s3, v3;
	s3 =	smov.u32 s11;
	[tilespmem:v14+s28+$0x0] =	vst.idx.msk vm0, v13  }
0x182: {  	s10 =	sadd.s32 $0x10, s10;
	[tilespmem:v14+s29+$0x0] =	vst.idx.msk vm0, v15  }
0x183: {  	s11 =	sadd.s32 $0x10, s11;
	v13 =	vld [tilespmem:s10+$0x0]  }
0x184: {  	_ =	sdelay $0x3  }
0x185: {  	v14 =	vshra.s32 v13, $0x1F;
	v15 =	vand.u32 $0x1FF, v13  }
0x186: {  	vm0 =	vlt.s32 v13, $0x1;
	v14 =	vshrl.u32 v14, $0x17;
	vm1 =	vne.s32 v15, $0x0  }
0x187: {  	v14 =	vadd.s32 v14, v13;
	vm0 =	vmand vm0, vm1  }
0x188: {  	v14 =	vshrl.u32 v14, $0x9;
	v15 =	vsel vm0, $0xFFFFFFFF, v5  }
0x189: {  	v14 =	vadd.s32 v15, v14  }
0x18a: {  	v14 =	vand.u32 $0x1F, v14  }
0x18b: {  	vm12 =	veq.s32 v14, v0  }
0x18c: {  	v14 =	vsel vm12, $0x1, v5  }
0x18d: {  	(xrf0) =	vadd.scan.msk.s32 $0xffff, v14;
	_ =	sdelay $0x5  }
0x18e: {  	v14 =	vnsel vm12, $0x0, v1;
	v15, _, _ =	vpop (xrf0)  }
0x18f: {  	v14 =	vadd.s32 v14, v15  }
0x190: {  	(v2sf) =	vpush v14, $0xF  }
0x191: {  	s10 =	spop (v2sf)  }
0x192: {  	s1 =	sadd.s32 s1, s10  }
0x193: {  	v15 =	vmov s1  }
0x194: {  	v15 =	vadd.s32 $0xFFFFFFFF, v15  }
0x195: {  	v15 =	vbroadcast v15, $0x0;
	_ =	sdelay $0x1  }
0x196: {  	v14 =	vadd.s32 v14, v15;
	_ =	sdelay $0x4  }
0x197: {  	v15 =	vor.u32 s3, v3;
	[tilespmem:v14+s28+$0x0] =	vst.idx.msk vm12, v13  }
0x198: {  	s18 =	simm.s32 $0x1A600;
	s8 =	rddreg [dreg:$0xc];
	[tilespmem:v14+s29+$0x0] =	vst.idx.msk vm12, v15  }
0x199: {  	[tilespmem:s18], [sflag:$0x5] =	stream.linear.gather [hbm4b:s8+s4], $0x800, $0x38;
	[tilespmem:$0x1B600] =	vst v63  }
0x19a: {  	s17 =	spop (v2sf)  }
0x19b: {  	_ =	swait.ge [sflag:s26], $0x800  }
0x19c: {  	[sflag:s26] =	ssyncset.done $0x0  }
0x19d: {  	[sflag:s26] =	ssyncadd.s32 $0xFFFFF800  }
0x19e: {  	v13 =	vld [tilespmem:s18+$0x0];
	_ =	sdelay $0x4  }
0x19f: {  	v14 =	vshra.s32 v13, $0x1F;
	v15 =	vand.u32 $0x1FF, v13  }
0x1a0: {  	vm13 =	vlt.s32 v13, $0x1;
	v14 =	vshrl.u32 v14, $0x17;
	vm14 =	vne.s32 v15, $0x0  }
0x1a1: {  	v14 =	vadd.s32 v14, v13;
	vm0 =	vmand vm13, vm14  }
0x1a2: {  	v14 =	vshrl.u32 v14, $0x9;
	v15 =	vsel vm0, $0xFFFFFFFF, v5  }
0x1a3: {  	v14 =	vadd.s32 v15, v14  }
0x1a4: {  	v14 =	vand.u32 $0x1F, v14  }
0x1a5: {  	vm15 =	veq.s32 v14, v0  }
0x1a6: {  	v14 =	vsel vm15, $0x1, v5  }
0x1a7: {  	(xrf0) =	vadd.scan.msk.s32 $0xffff, v14;
	_ =	sdelay $0x2  }
0x1a8: {  	s1 =	sadd.s32 s1, s17  }
0x1a9: {  	v14 =	vmov s1  }
0x1aa: {  	v14 =	vadd.s32 $0xFFFFFFFF, v14  }
0x1ab: {  	v15 =	vnsel vm15, $0x0, v1;
	v14 =	vbroadcast v14, $0x0;
	v16, _, _ =	vpop (xrf0)  }
0x1ac: {  	v15 =	vadd.s32 v15, v16  }
0x1ad: {  	v14 =	vadd.s32 v15, v14;
	(v2sf) =	vpush v15, $0xF;
	_ =	sdelay $0x3  }
0x1ae: {  	s21 =	simm.s32 $0x2800  }
0x1af: {  	v63 =	vor.u32 s21, v3;
	[tilespmem:v14+s28+$0x0] =	vst.idx.msk vm15, v13  }
0x1b0: {  	s10 =	simm.s32 $0x1A610;
	[tilespmem:v14+s29+$0x0] =	vst.idx.msk vm15, v63  }
0x1b1: {  	s11 =	simm.s32 $0x2820;
	s3 =	simm.s32 $0x2810;
	v13 =	vld [tilespmem:s10+$0x0]  }
.LBB2_12:
0x1b2: {  	p0 =	sne.s32 s11, $0x2FF0;
	_ =	sdelay $0x3  }
0x1b3: {  	v14 =	vshra.s32 v13, $0x1F;
	v15 =	vand.u32 $0x1FF, v13  }
0x1b4: {  	vm0 =	vlt.s32 v13, $0x1;
	v14 =	vshrl.u32 v14, $0x17;
	vm1 =	vne.s32 v15, $0x0  }
0x1b5: {  	v14 =	vadd.s32 v14, v13;
	vm0 =	vmand vm0, vm1  }
0x1b6: {  	v14 =	vshrl.u32 v14, $0x9;
	v15 =	vsel vm0, $0xFFFFFFFF, v5;
	s12 =	spop (v2sf)  }
0x1b7: {  	v14 =	vadd.s32 v15, v14;
	s1 =	sadd.s32 s1, s12  }
0x1b8: {  	v14 =	vand.u32 $0x1F, v14;
	v15 =	vmov s1  }
0x1b9: {  	vm0 =	veq.s32 v14, v0;
	v14 =	vadd.s32 $0xFFFFFFFF, v15  }
0x1ba: {  	v15 =	vsel vm0, $0x1, v5;
	v14 =	vbroadcast v14, $0x0  }
0x1bb: {  	(xrf0) =	vadd.scan.msk.s32 $0xffff, v15;
	_ =	sdelay $0x5  }
0x1bc: {  	v15 =	vnsel vm0, $0x0, v1;
	v16, _, _ =	vpop (xrf0)  }
0x1bd: {  	v15 =	vadd.s32 v15, v16  }
0x1be: {  	v14 =	vadd.s32 v15, v14;
	(v2sf) =	vpush v15, $0xF;
	_ =	sdelay $0x2  }
.Ltmp7:
0x1bf: {  	(pc) =	sbr.rel @p0 .LBB2_12-.Ltmp7, $4  }
0x1c0: {  	_ = 	snop  }
0x1c1: {  	v15 =	vor.u32 s3, v3;
	s3 =	smov.u32 s11;
	[tilespmem:v14+s28+$0x0] =	vst.idx.msk vm0, v13  }
0x1c2: {  	s10 =	sadd.s32 $0x10, s10;
	[tilespmem:v14+s29+$0x0] =	vst.idx.msk vm0, v15  }
0x1c3: {  	s11 =	sadd.s32 $0x10, s11;
	v13 =	vld [tilespmem:s10+$0x0]  }
0x1c4: {  	_ =	sdelay $0x3  }
0x1c5: {  	v14 =	vshra.s32 v13, $0x1F;
	v15 =	vand.u32 $0x1FF, v13  }
0x1c6: {  	vm0 =	vlt.s32 v13, $0x1;
	v14 =	vshrl.u32 v14, $0x17;
	vm1 =	vne.s32 v15, $0x0  }
0x1c7: {  	v14 =	vadd.s32 v14, v13;
	vm0 =	vmand vm0, vm1  }
0x1c8: {  	v14 =	vshrl.u32 v14, $0x9;
	v15 =	vsel vm0, $0xFFFFFFFF, v5  }
0x1c9: {  	v14 =	vadd.s32 v15, v14  }
0x1ca: {  	v14 =	vand.u32 $0x1F, v14  }
0x1cb: {  	vm12 =	veq.s32 v14, v0  }
0x1cc: {  	v14 =	vsel vm12, $0x1, v5  }
0x1cd: {  	(xrf0) =	vadd.scan.msk.s32 $0xffff, v14;
	_ =	sdelay $0x5  }
0x1ce: {  	v14 =	vnsel vm12, $0x0, v1;
	v15, _, _ =	vpop (xrf0)  }
0x1cf: {  	v14 =	vadd.s32 v14, v15  }
0x1d0: {  	(v2sf) =	vpush v14, $0xF  }
0x1d1: {  	s10 =	spop (v2sf)  }
0x1d2: {  	s1 =	sadd.s32 s1, s10  }
0x1d3: {  	v15 =	vmov s1  }
0x1d4: {  	v15 =	vadd.s32 $0xFFFFFFFF, v15  }
0x1d5: {  	v15 =	vbroadcast v15, $0x0;
	_ =	sdelay $0x1  }
0x1d6: {  	v14 =	vadd.s32 v14, v15;
	_ =	sdelay $0x4  }
0x1d7: {  	v15 =	vor.u32 s3, v3;
	[tilespmem:v14+s28+$0x0] =	vst.idx.msk vm12, v13  }
0x1d8: {  	s18 =	simm.s32 $0x1A600;
	s8 =	rddreg [dreg:$0xd];
	[tilespmem:v14+s29+$0x0] =	vst.idx.msk vm12, v15  }
0x1d9: {  	[tilespmem:s18], [sflag:$0x5] =	stream.linear.gather [hbm4b:s8+s4], $0x800, $0x38;
	[tilespmem:$0x1B600] =	vst v63  }
0x1da: {  	s17 =	spop (v2sf)  }
0x1db: {  	_ =	swait.ge [sflag:s26], $0x800  }
0x1dc: {  	[sflag:s26] =	ssyncset.done $0x0  }
0x1dd: {  	[sflag:s26] =	ssyncadd.s32 $0xFFFFF800  }
0x1de: {  	v13 =	vld [tilespmem:s18+$0x0];
	_ =	sdelay $0x4  }
0x1df: {  	v14 =	vshra.s32 v13, $0x1F;
	v15 =	vand.u32 $0x1FF, v13  }
0x1e0: {  	vm13 =	vlt.s32 v13, $0x1;
	v14 =	vshrl.u32 v14, $0x17;
	vm14 =	vne.s32 v15, $0x0  }
0x1e1: {  	v14 =	vadd.s32 v14, v13;
	vm0 =	vmand vm13, vm14  }
0x1e2: {  	v14 =	vshrl.u32 v14, $0x9;
	v15 =	vsel vm0, $0xFFFFFFFF, v5  }
0x1e3: {  	v14 =	vadd.s32 v15, v14  }
0x1e4: {  	v14 =	vand.u32 $0x1F, v14  }
0x1e5: {  	vm15 =	veq.s32 v14, v0  }
0x1e6: {  	v14 =	vsel vm15, $0x1, v5  }
0x1e7: {  	(xrf0) =	vadd.scan.msk.s32 $0xffff, v14;
	_ =	sdelay $0x2  }
0x1e8: {  	s1 =	sadd.s32 s1, s17  }
0x1e9: {  	v14 =	vmov s1  }
0x1ea: {  	v14 =	vadd.s32 $0xFFFFFFFF, v14  }
0x1eb: {  	v15 =	vnsel vm15, $0x0, v1;
	v14 =	vbroadcast v14, $0x0;
	v16, _, _ =	vpop (xrf0)  }
0x1ec: {  	v15 =	vadd.s32 v15, v16  }
0x1ed: {  	v14 =	vadd.s32 v15, v14;
	(v2sf) =	vpush v15, $0xF;
	_ =	sdelay $0x3  }
0x1ee: {  	s21 =	simm.s32 $0x3000  }
0x1ef: {  	v63 =	vor.u32 s21, v3;
	[tilespmem:v14+s28+$0x0] =	vst.idx.msk vm15, v13  }
0x1f0: {  	s10 =	simm.s32 $0x1A610;
	[tilespmem:v14+s29+$0x0] =	vst.idx.msk vm15, v63  }
0x1f1: {  	s11 =	simm.s32 $0x3020;
	s3 =	simm.s32 $0x3010;
	v13 =	vld [tilespmem:s10+$0x0]  }
.LBB2_14:
0x1f2: {  	p0 =	sne.s32 s11, $0x37F0;
	_ =	sdelay $0x3  }
0x1f3: {  	v14 =	vshra.s32 v13, $0x1F;
	v15 =	vand.u32 $0x1FF, v13  }
0x1f4: {  	vm0 =	vlt.s32 v13, $0x1;
	v14 =	vshrl.u32 v14, $0x17;
	vm1 =	vne.s32 v15, $0x0  }
0x1f5: {  	v14 =	vadd.s32 v14, v13;
	vm0 =	vmand vm0, vm1  }
0x1f6: {  	v14 =	vshrl.u32 v14, $0x9;
	v15 =	vsel vm0, $0xFFFFFFFF, v5;
	s12 =	spop (v2sf)  }
0x1f7: {  	v14 =	vadd.s32 v15, v14;
	s1 =	sadd.s32 s1, s12  }
0x1f8: {  	v14 =	vand.u32 $0x1F, v14;
	v15 =	vmov s1  }
0x1f9: {  	vm0 =	veq.s32 v14, v0;
	v14 =	vadd.s32 $0xFFFFFFFF, v15  }
0x1fa: {  	v15 =	vsel vm0, $0x1, v5;
	v14 =	vbroadcast v14, $0x0  }
0x1fb: {  	(xrf0) =	vadd.scan.msk.s32 $0xffff, v15;
	_ =	sdelay $0x5  }
0x1fc: {  	v15 =	vnsel vm0, $0x0, v1;
	v16, _, _ =	vpop (xrf0)  }
0x1fd: {  	v15 =	vadd.s32 v15, v16  }
0x1fe: {  	v14 =	vadd.s32 v15, v14;
	(v2sf) =	vpush v15, $0xF;
	_ =	sdelay $0x2  }
.Ltmp8:
0x1ff: {  	(pc) =	sbr.rel @p0 .LBB2_14-.Ltmp8, $4  }
0x200: {  	_ = 	snop  }
0x201: {  	v15 =	vor.u32 s3, v3;
	s3 =	smov.u32 s11;
	[tilespmem:v14+s28+$0x0] =	vst.idx.msk vm0, v13  }
0x202: {  	s10 =	sadd.s32 $0x10, s10;
	[tilespmem:v14+s29+$0x0] =	vst.idx.msk vm0, v15  }
0x203: {  	s11 =	sadd.s32 $0x10, s11;
	v13 =	vld [tilespmem:s10+$0x0]  }
0x204: {  	_ =	sdelay $0x3  }
0x205: {  	v14 =	vshra.s32 v13, $0x1F;
	v15 =	vand.u32 $0x1FF, v13  }
0x206: {  	vm0 =	vlt.s32 v13, $0x1;
	v14 =	vshrl.u32 v14, $0x17;
	vm1 =	vne.s32 v15, $0x0  }
0x207: {  	v14 =	vadd.s32 v14, v13;
	vm0 =	vmand vm0, vm1  }
0x208: {  	v14 =	vshrl.u32 v14, $0x9;
	v15 =	vsel vm0, $0xFFFFFFFF, v5  }
0x209: {  	v14 =	vadd.s32 v15, v14  }
0x20a: {  	v14 =	vand.u32 $0x1F, v14  }
0x20b: {  	vm12 =	veq.s32 v14, v0  }
0x20c: {  	v14 =	vsel vm12, $0x1, v5  }
0x20d: {  	(xrf0) =	vadd.scan.msk.s32 $0xffff, v14;
	_ =	sdelay $0x5  }
0x20e: {  	v14 =	vnsel vm12, $0x0, v1;
	v15, _, _ =	vpop (xrf0)  }
0x20f: {  	v14 =	vadd.s32 v14, v15  }
0x210: {  	(v2sf) =	vpush v14, $0xF  }
0x211: {  	s10 =	spop (v2sf)  }
0x212: {  	s1 =	sadd.s32 s1, s10  }
0x213: {  	v15 =	vmov s1  }
0x214: {  	v15 =	vadd.s32 $0xFFFFFFFF, v15  }
0x215: {  	v15 =	vbroadcast v15, $0x0;
	_ =	sdelay $0x1  }
0x216: {  	v14 =	vadd.s32 v14, v15;
	_ =	sdelay $0x4  }
0x217: {  	v15 =	vor.u32 s3, v3;
	[tilespmem:v14+s28+$0x0] =	vst.idx.msk vm12, v13  }
0x218: {  	s18 =	simm.s32 $0x1A600;
	s8 =	rddreg [dreg:$0xe];
	[tilespmem:v14+s29+$0x0] =	vst.idx.msk vm12, v15  }
0x219: {  	[tilespmem:s18], [sflag:$0x5] =	stream.linear.gather [hbm4b:s8+s4], $0x800, $0x38;
	[tilespmem:$0x1B600] =	vst v63  }
0x21a: {  	s17 =	spop (v2sf)  }
0x21b: {  	_ =	swait.ge [sflag:s26], $0x800  }
0x21c: {  	[sflag:s26] =	ssyncset.done $0x0  }
0x21d: {  	[sflag:s26] =	ssyncadd.s32 $0xFFFFF800  }
0x21e: {  	v13 =	vld [tilespmem:s18+$0x0];
	_ =	sdelay $0x4  }
0x21f: {  	v14 =	vshra.s32 v13, $0x1F;
	v15 =	vand.u32 $0x1FF, v13  }
0x220: {  	vm13 =	vlt.s32 v13, $0x1;
	v14 =	vshrl.u32 v14, $0x17;
	vm14 =	vne.s32 v15, $0x0  }
0x221: {  	v14 =	vadd.s32 v14, v13;
	vm0 =	vmand vm13, vm14  }
0x222: {  	v14 =	vshrl.u32 v14, $0x9;
	v15 =	vsel vm0, $0xFFFFFFFF, v5  }
0x223: {  	v14 =	vadd.s32 v15, v14  }
0x224: {  	v14 =	vand.u32 $0x1F, v14  }
0x225: {  	vm15 =	veq.s32 v14, v0  }
0x226: {  	v14 =	vsel vm15, $0x1, v5  }
0x227: {  	(xrf0) =	vadd.scan.msk.s32 $0xffff, v14;
	_ =	sdelay $0x2  }
0x228: {  	s1 =	sadd.s32 s1, s17  }
0x229: {  	v14 =	vmov s1  }
0x22a: {  	v14 =	vadd.s32 $0xFFFFFFFF, v14  }
0x22b: {  	v15 =	vnsel vm15, $0x0, v1;
	v14 =	vbroadcast v14, $0x0;
	v16, _, _ =	vpop (xrf0)  }
0x22c: {  	v15 =	vadd.s32 v15, v16  }
0x22d: {  	v14 =	vadd.s32 v15, v14;
	(v2sf) =	vpush v15, $0xF;
	_ =	sdelay $0x3  }
0x22e: {  	s21 =	simm.s32 $0x3800  }
0x22f: {  	v63 =	vor.u32 s21, v3;
	[tilespmem:v14+s28+$0x0] =	vst.idx.msk vm15, v13  }
0x230: {  	s10 =	simm.s32 $0x1A610;
	[tilespmem:v14+s29+$0x0] =	vst.idx.msk vm15, v63  }
0x231: {  	s11 =	simm.s32 $0x3820;
	s3 =	simm.s32 $0x3810;
	v13 =	vld [tilespmem:s10+$0x0]  }
.LBB2_16:
0x232: {  	p0 =	sne.s32 s11, $0x3FF0;
	_ =	sdelay $0x3  }
0x233: {  	v14 =	vshra.s32 v13, $0x1F;
	v15 =	vand.u32 $0x1FF, v13  }
0x234: {  	vm0 =	vlt.s32 v13, $0x1;
	v14 =	vshrl.u32 v14, $0x17;
	vm1 =	vne.s32 v15, $0x0  }
0x235: {  	v14 =	vadd.s32 v14, v13;
	vm0 =	vmand vm0, vm1  }
0x236: {  	v14 =	vshrl.u32 v14, $0x9;
	v15 =	vsel vm0, $0xFFFFFFFF, v5;
	s12 =	spop (v2sf)  }
0x237: {  	v14 =	vadd.s32 v15, v14;
	s1 =	sadd.s32 s1, s12  }
0x238: {  	v14 =	vand.u32 $0x1F, v14;
	v15 =	vmov s1  }
0x239: {  	vm0 =	veq.s32 v14, v0;
	v14 =	vadd.s32 $0xFFFFFFFF, v15  }
0x23a: {  	v15 =	vsel vm0, $0x1, v5;
	v14 =	vbroadcast v14, $0x0  }
0x23b: {  	(xrf0) =	vadd.scan.msk.s32 $0xffff, v15;
	_ =	sdelay $0x5  }
0x23c: {  	v15 =	vnsel vm0, $0x0, v1;
	v16, _, _ =	vpop (xrf0)  }
0x23d: {  	v15 =	vadd.s32 v15, v16  }
0x23e: {  	v14 =	vadd.s32 v15, v14;
	(v2sf) =	vpush v15, $0xF;
	_ =	sdelay $0x2  }
.Ltmp9:
0x23f: {  	(pc) =	sbr.rel @p0 .LBB2_16-.Ltmp9, $4  }
0x240: {  	_ = 	snop  }
0x241: {  	v15 =	vor.u32 s3, v3;
	s3 =	smov.u32 s11;
	[tilespmem:v14+s28+$0x0] =	vst.idx.msk vm0, v13  }
0x242: {  	s10 =	sadd.s32 $0x10, s10;
	[tilespmem:v14+s29+$0x0] =	vst.idx.msk vm0, v15  }
0x243: {  	s11 =	sadd.s32 $0x10, s11;
	v13 =	vld [tilespmem:s10+$0x0]  }
0x244: {  	_ =	sdelay $0x3  }
0x245: {  	v14 =	vshra.s32 v13, $0x1F;
	v15 =	vand.u32 $0x1FF, v13  }
0x246: {  	vm0 =	vlt.s32 v13, $0x1;
	v14 =	vshrl.u32 v14, $0x17;
	vm1 =	vne.s32 v15, $0x0  }
0x247: {  	v14 =	vadd.s32 v14, v13;
	vm0 =	vmand vm0, vm1  }
0x248: {  	v14 =	vshrl.u32 v14, $0x9;
	v15 =	vsel vm0, $0xFFFFFFFF, v5  }
0x249: {  	v14 =	vadd.s32 v15, v14  }
0x24a: {  	v14 =	vand.u32 $0x1F, v14  }
0x24b: {  	vm15 =	veq.s32 v14, v0  }
0x24c: {  	v14 =	vsel vm15, $0x1, v5  }
0x24d: {  	(xrf0) =	vadd.scan.msk.s32 $0xffff, v14;
	_ =	sdelay $0x5  }
0x24e: {  	v14 =	vnsel vm15, $0x0, v1;
	v15, _, _ =	vpop (xrf0)  }
0x24f: {  	v14 =	vadd.s32 v14, v15  }
0x250: {  	(v2sf) =	vpush v14, $0xF;
	_ =	sdelay $0x2  }
0x251: {  	s10 =	spop (v2sf)  }
0x252: {  	s1 =	sadd.s32 s1, s10  }
0x253: {  	v15 =	vmov s1  }
0x254: {  	v15 =	vadd.s32 $0xFFFFFFFF, v15  }
0x255: {  	v15 =	vbroadcast v15, $0x0;
	_ =	sdelay $0x1  }
0x256: {  	v14 =	vadd.s32 v14, v15;
	_ =	sdelay $0x1  }
.Ltmp10:
0x257: {  	_ = 	snop;
	(pc) =	sbr.rel .LBB2_18-.Ltmp10, $3  }
0x258: {  	_ =	sdelay $0x1  }
0x259: {  	v15 =	vor.u32 s3, v3;
	[tilespmem:v14+s28+$0x0] =	vst.idx.msk vm15, v13  }
0x25a: {  	s1 =	simm.s32 $0x0;
	s3 =	simm.s32 $0x0;
	[tilespmem:v14+s29+$0x0] =	vst.idx.msk vm15, v15;
	s21 =	spop (v2sf)  }
.LBB2_50:
0x25b: {  	s8 =	sadd.s32 s19, s10  }
0x25c: {  	p0 =	sgt.u32 s8, $0x7A0  }
0x25d: {  	s8 =	sshll.u32 @!p0 s8, $0x9;
	s10 =	simm.s32 @!p0 $0x1000  }
0x25e: {  	s11 =	simm.s32 @!p0 $0x7A1400;
	s12 =	simm.s32 @!p0 $0x8000;
	s8 =	sadd.s32 @!p0 s2, s8  }
0x25f: {  	[tilespmem:s12], [sflag:$0x2] =	stream.strided.gather @!p0 [hbm4b:s8+s10], $0x8000, s11, s10, $0x38;
	[tilespmem:$0x1B600] =	vst v63  }
.LBB2_62:
0x260: {  	s1 =	sadd.s32 $0x1, s1  }
0x261: {  	p0 =	sne.s32 s1, $0x3E  }
.Ltmp11:
0x262: {  	_ = 	snop;
	(pc) =	sbr.rel @!p0 .LBB2_63-.Ltmp11, $1  }
0x263: {  	_ =	sdelay $0x3  }
.LBB2_18:
0x264: {  	s10 =	sshll.u32 s1, $0x5  }
0x265: {  	s11 =	sor.u32 s6, s10  }
0x266: {  	p0 =	sne.s32 s11, $0x7A1  }
.Ltmp12:
0x267: {  	_ = 	snop;
	(pc) =	sbr.rel @!p0 .LBB2_19-.Ltmp12, $2  }
0x268: {  	_ =	sdelay $0x2  }
0x269: {  	s12 =	simm.s32 $0x0  }
.LBB2_26:
0x26a: {  	p0 =	sgt.u32 s11, $0x7A0  }
.Ltmp13:
0x26b: {  	_ = 	snop;
	(pc) =	sbr.rel @p0 .LBB2_62-.Ltmp13, $1  }
0x26c: {  	_ =	sdelay $0x3  }
0x26d: {  	s12 =	smulhi.u32 $0xAAAAAAAB, s1;
	_ =	sdelay $0x1  }
0x26e: {  	s12 =	sshrl.u32 s12, $0x1  }
0x26f: {  	s12 =	smul.u32 $0x3, s12;
	_ =	sdelay $0x1  }
0x270: {  	s12 =	ssub.s32 s1, s12  }
0x271: {  	p0 =	seq.s32 s12, $0x2  }
.Ltmp14:
0x272: {  	_ = 	snop;
	(pc) =	sbr.rel @p0 .LBB2_51-.Ltmp14, $4  }
0x273: {  	_ = 	snop  }
0x274: {  	s11 =	sshll.u32 s11, $0x9  }
0x275: {  	s13 =	sadd.s32 $0x200, s11  }
0x276: {  	v13 =	vmov s11;
	v14 =	vmov s13  }
0x277: {  	p0 =	seq.s32 s12, $0x1  }
.Ltmp15:
0x278: {  	_ = 	snop;
	(pc) =	sbr.rel @!p0 .LBB2_29-.Ltmp15, $1  }
0x279: {  	_ =	sdelay $0x3  }
.Ltmp16:
0x27a: {  	(pc) =	sbr.rel .LBB2_41-.Ltmp16, $4  }
0x27b: {  	_ = 	snop  }
0x27c: {  	_ =	swait.ge [sflag:s31], $0x8000  }
0x27d: {  	[sflag:s31] =	ssyncset.done $0x0  }
0x27e: {  	s12 =	simm.s32 $0x0;
	[sflag:s31] =	ssyncadd.s32 $0xFFFF8000  }
.LBB2_51:
.Ltmp17:
0x27f: {  	(pc) =	sbr.rel .LBB2_52-.Ltmp17, $4  }
0x280: {  	_ = 	snop  }
0x281: {  	_ =	swait.ge [sflag:s30], $0x8000  }
0x282: {  	[sflag:s30] =	ssyncset.done $0x0  }
0x283: {  	s12 =	simm.s32 $0x0;
	[sflag:s30] =	ssyncadd.s32 $0xFFFF8000  }
.LBB2_29:
.Ltmp18:
0x284: {  	(pc) =	sbr.rel .LBB2_30-.Ltmp18, $4  }
0x285: {  	_ = 	snop  }
0x286: {  	_ =	swait.ge [sflag:s9], $0x8000  }
0x287: {  	[sflag:s9] =	ssyncset.done $0x0  }
0x288: {  	s12 =	simm.s32 $0x0;
	[sflag:s9] =	ssyncadd.s32 $0xFFFF8000  }
.LBB2_21:
0x289: {  	_ = 	snop  }
.LBB2_24:
0x28a: {  	s15 =	simm.s32 @!p2 $0x4;
	[tilespmem:s14+$0x1AE40] =	vst @p0 v17  }
0x28b: {  	[hbm4b:s17+s4] =	stream.linear.scatter @p0 [tilespmem:s18], [sflag:$0x4], $0x80, $0x38;
	[tilespmem:$0x1B600] =	vst v63  }
0x28c: {  	_ =	swait.ge @!p2 [sflag:s15], $0x800  }
0x28d: {  	[sflag:s15] =	ssyncset.done @!p2 $0x0  }
0x28e: {  	[sflag:s15] =	ssyncadd.s32 @!p2 $0xFFFFF800  }
0x28f: {  	v13 =	vld.idx.msk [tilespmem:v16+s25+$0x0], $0xffff  }
0x290: {  	v14 =	vadd.s32 v6, v15;
	_ =	sdelay $0x2  }
0x291: {  	s17 =	sshra.s32 s16, $0x2  }
0x292: {  	[tilespmem:s17+$0x1AE00] =	vst v13  }
0x293: {  	v14 =	vld.idx.msk [tilespmem:v14+s25+$0x0], $0xffff  }
0x294: {  	v63 =	vadd.s32 v7, v15;
	_ =	sdelay $0x3  }
0x295: {  	[tilespmem:s17+$0x1AE10] =	vst v14  }
0x296: {  	v16 =	vld.idx.msk [tilespmem:v63+s25+$0x0], $0xffff  }
0x297: {  	v15 =	vadd.s32 v8, v15;
	_ =	sdelay $0x3  }
0x298: {  	[tilespmem:s17+$0x1AE20] =	vst v16  }
0x299: {  	v15 =	vld.idx.msk [tilespmem:v15+s25+$0x0], $0xffff  }
0x29a: {  	v13 =	vmul.f32 v13, v13;
	v14 =	vmul.f32 v14, v14;
	_ =	sdelay $0x1  }
0x29b: {  	v13 =	vadd.f32 v14, v13;
	v16 =	vmul.f32 v16, v16;
	_ =	sdelay $0x1  }
0x29c: {  	v13 =	vadd.f32 v16, v13;
	v14 =	vmul.f32 v15, v15;
	_ =	sdelay $0x1  }
0x29d: {  	v13 =	vadd.f32 v14, v13;
	_ =	sdelay $0x1  }
0x29e: {  	(xrf2) =	vadd.scan.msk.f32 $0xffff, v13;
	_ =	sdelay $0x9  }
0x29f: {  	v13, _, _ =	vpop (xrf2)  }
0x2a0: {  	(v2sf) =	vpush v13, $0xF;
	_ =	sdelay $0xe  }
0x2a1: {  	s18 =	spop (v2sf)  }
0x2a2: {  	s15 =	smul.f32 $1.562500020e-03, s18;
	_ =	sdelay $0x1  }
0x2a3: {  	v13 =	vmov s15  }
0x2a4: {  	v13 =	vadd.f32 $0.0e+00, v13;
	_ =	sdelay $0x1  }
0x2a5: {  	v13 =	vbroadcast v13, $0x0  }
0x2a6: {  	s13 =	sand.u32 $0x1FFFFFF0, s13;
	s3 =	sadd.s32 $0x1, s3;
	[tilespmem:s17+$0x1AE30] =	vst v15  }
0x2a7: {  	s13 =	sadd.s32 s7, s13;
	s21 =	sadd.s32 $0x1AE00, s17;
	[smem:$0x0] =	sst s3;
	[tilespmem:s17+$0x1AE40] =	vst v13  }
0x2a8: {  	[hbm4b:s13+s4] =	stream.linear.scatter [tilespmem:s21], [sflag:$0x4], $0x80, $0x38;
	[tilespmem:$0x1B600] =	vst v63  }
.LBB2_25:
0x2a9: {  	s12 =	sadd.s32 $0x1, s12  }
0x2aa: {  	p0 =	sne.s32 s12, $0x2C  }
.Ltmp19:
0x2ab: {  	_ = 	snop;
	(pc) =	sbr.rel @!p0 .LBB2_26-.Ltmp19, $1  }
0x2ac: {  	_ =	sdelay $0x3  }
.LBB2_19:
0x2ad: {  	s14 =	sshll.u32 s12, $0x4  }
0x2ae: {  	v13 =	vld [tilespmem:s14+$0x1A000];
	_ =	sdelay $0x4  }
0x2af: {  	v14 =	vand.u32 $0xFFFFFE00, v13  }
0x2b0: {  	vm0 =	veq.s32 v14, $0xF4200  }
0x2b1: {  	v14 =	vmpcnt.ones.xlane vm0;
	_ =	sdelay $0x1  }
0x2b2: {  	(v2sf) =	vpush v14, $0x0;
	_ =	sdelay $0xe  }
0x2b3: {  	s13 =	spop (v2sf)  }
0x2b4: {  	p0 =	slt.s32 s13, $0x1  }
.Ltmp20:
0x2b5: {  	_ = 	snop;
	(pc) =	sbr.rel @p0 .LBB2_25-.Ltmp20, $2  }
0x2b6: {  	_ =	sdelay $0x2  }
0x2b7: {  	v14 =	vld [tilespmem:s14+$0x1A300]  }
0x2b8: {  	v15 =	vsel vm0, $0x1, v5  }
0x2b9: {  	(xrf0) =	vadd.scan.msk.s32 $0xffff, v15;
	_ =	sdelay $0x5  }
0x2ba: {  	v15 =	vnsel vm0, $0x0, v1;
	v16, _, _ =	vpop (xrf0)  }
0x2bb: {  	v15 =	vadd.s32 v15, v16  }
0x2bc: {  	vm1 =	veq.s32 v15, $0x1  }
0x2bd: {  	vm1 =	vmand vm0, vm1  }
0x2be: {  	v15 =	vnsel vm1, $0x0, v13  }
0x2bf: {  	(xrf0) =	vadd.scan.msk.s32 $0xffff, v15  }
0x2c0: {  	v15 =	vnsel vm1, $0x0, v14  }
0x2c1: {  	(xrf0) =	vadd.scan.msk.s32 $0xffff, v15;
	_ =	sdelay $0x3  }
0x2c2: {  	v15, _, _ =	vpop (xrf0)  }
0x2c3: {  	(v2sf) =	vpush v15, $0xF  }
0x2c4: {  	v15, _, _ =	vpop (xrf0)  }
0x2c5: {  	(v2sf) =	vpush v15, $0xF;
	_ =	sdelay $0x9  }
0x2c6: {  	s14 =	sshra.s32 s3, $0x1F;
	s15 =	sadd.s32 $0xFFFFFFFF, s13  }
0x2c7: {  	s14 =	sshrl.u32 s14, $0x1C;
	p1 =	sne.s32 s15, $0x0  }
.Ltmp21:
0x2c8: {  	s17 =	sadd.s32 s14, s3;
	(pc) =	sbr.rel @!p1 .LBB2_21-.Ltmp21, $4  }
0x2c9: {  	s13 =	sand.u32 $0xFFFFFFF0, s17;
	s18 =	spop (v2sf)  }
0x2ca: {  	p0 =	slt.s32 s3, $0x1;
	s13 =	ssub.s32 s3, s13;
	s14 =	sadd.s32 $0xFFF0BE00, s18  }
0x2cb: {  	p2 =	sne.s32 @!p0 s13, $0x0;
	s16 =	sshll.u32 s13, $0x9;
	s21 =	spop (v2sf);
	v15 =	vmov s14  }
0x2cc: {  	p2 =	por p2, p0;
	p0 =	por $0x0, $0x0;
	vm0 =	vmxor vm0, vm1;
	s13 =	sshll.u32 s21, $0x4;
	v16 =	vadd.s32 v4, v15  }
0x2cd: {  	s14 =	simm.s32 @!p2 $0x4  }
0x2ce: {  	_ =	swait.ge @!p2 [sflag:s14], $0x800  }
0x2cf: {  	[sflag:s14] =	ssyncset.done @!p2 $0x0  }
0x2d0: {  	[sflag:s14] =	ssyncadd.s32 @!p2 $0xFFFFF800  }
0x2d1: {  	v16 =	vld.idx.msk [tilespmem:v16+s25+$0x0], $0xffff  }
0x2d2: {  	v17 =	vadd.s32 v6, v15;
	_ =	sdelay $0x2  }
0x2d3: {  	s14 =	sshra.s32 s16, $0x2  }
0x2d4: {  	[tilespmem:s14+$0x1AE00] =	vst v16  }
0x2d5: {  	v17 =	vld.idx.msk [tilespmem:v17+s25+$0x0], $0xffff  }
0x2d6: {  	v18 =	vadd.s32 v7, v15;
	_ =	sdelay $0x3  }
0x2d7: {  	[tilespmem:s14+$0x1AE10] =	vst v17  }
0x2d8: {  	v18 =	vld.idx.msk [tilespmem:v18+s25+$0x0], $0xffff  }
0x2d9: {  	v15 =	vadd.s32 v8, v15;
	_ =	sdelay $0x3  }
0x2da: {  	[tilespmem:s14+$0x1AE20] =	vst v18  }
0x2db: {  	v19 =	vld.idx.msk [tilespmem:v15+s25+$0x0], $0xffff  }
0x2dc: {  	v16 =	vmul.f32 v16, v16;
	v15 =	vmul.f32 v17, v17;
	_ =	sdelay $0x1  }
0x2dd: {  	v17 =	vmul.f32 v18, v18;
	v15 =	vadd.f32 v15, v16  }
0x2de: {  	v16 =	vsel vm0, $0x1, v5  }
0x2df: {  	(xrf0) =	vadd.scan.msk.s32 $0xffff, v16;
	v15 =	vadd.f32 v17, v15;
	v17 =	vmul.f32 v19, v19;
	_ =	sdelay $0x1  }
0x2e0: {  	v15 =	vadd.f32 v17, v15;
	_ =	sdelay $0x1  }
0x2e1: {  	(xrf2) =	vadd.scan.msk.f32 $0xffff, v15;
	_ =	sdelay $0x1  }
0x2e2: {  	v15 =	vnsel vm0, $0x0, v1;
	v16, _, _ =	vpop (xrf0)  }
0x2e3: {  	v15 =	vadd.s32 v15, v16  }
0x2e4: {  	vm1 =	veq.s32 v15, $0x1  }
0x2e5: {  	vm1 =	vmand vm0, vm1  }
0x2e6: {  	v15 =	vnsel vm1, $0x0, v13  }
0x2e7: {  	(xrf0) =	vadd.scan.msk.s32 $0xffff, v15;
	v15 =	vnsel vm1, $0x0, v14;
	_ =	sdelay $0x2  }
0x2e8: {  	(xrf0) =	vadd.scan.msk.s32 $0xffff, v15;
	v15, _, _ =	vpop (xrf2)  }
0x2e9: {  	(v2sf) =	vpush v15, $0xF;
	_ =	sdelay $0x2  }
0x2ea: {  	v15, _, _ =	vpop (xrf0)  }
0x2eb: {  	(v2sf) =	vpush v15, $0xF  }
0x2ec: {  	v15, _, _ =	vpop (xrf0)  }
0x2ed: {  	(v2sf) =	vpush v15, $0xF;
	_ =	sdelay $0x7  }
0x2ee: {  	s3 =	sadd.s32 $0x1, s3  }
0x2ef: {  	s8 =	sshra.s32 s3, $0x1F;
	s17 =	spop (v2sf)  }
0x2f0: {  	s15 =	sadd.s32 $0xFFFFFFFF, s15;
	s16 =	sshrl.u32 s8, $0x1C;
	s17 =	smul.f32 $1.562500020e-03, s17  }
0x2f1: {  	s13 =	sand.u32 $0x1FFFFFF0, s13;
	p1 =	sne.s32 s15, $0x0;
	s16 =	sadd.s32 s16, s3  }
.Ltmp22:
0x2f2: {  	p0 =	slt.s32 s3, $0x1;
	s16 =	sand.u32 $0xFFFFFFF0, s16;
	v15 =	vmov s17;
	(pc) =	sbr.rel @!p1 .LBB2_24-.Ltmp22, $4  }
0x2f3: {  	[smem:$0x0] =	sst s3;
	s16 =	ssub.s32 s3, s16;
	s18 =	spop (v2sf);
	v16 =	vadd.f32 $0.0e+00, v15  }
0x2f4: {  	p2 =	sne.s32 @!p0 s16, $0x0;
	s16 =	sshll.u32 s16, $0x9;
	s18 =	sadd.s32 $0xFFF0BE00, s18  }
0x2f5: {  	p2 =	por p2, p0;
	p0 =	por $0x1, $0x1;
	s21 =	spop (v2sf);
	v15 =	vmov s18;
	v17 =	vbroadcast v16, $0x0  }
0x2f6: {  	[tilespmem:s14+$0x1AE30] =	vst v19;
	vm0 =	vmxor vm0, vm1;
	s17 =	sadd.s32 s7, s13;
	s13 =	sshll.u32 s21, $0x4;
	s18 =	sadd.s32 $0x1AE00, s14;
	v16 =	vadd.s32 v4, v15  }
.LBB2_23:
0x2f7: {  	s15 =	sadd.s32 $0xFFFFFFFF, s15;
	s21 =	simm.s32 @!p2 $0x4;
	[tilespmem:s14+$0x1AE40] =	vst v17  }
0x2f8: {  	[hbm4b:s17+s4] =	stream.linear.scatter [tilespmem:s18], [sflag:$0x4], $0x80, $0x38;
	[tilespmem:$0x1B600] =	vst v63  }
0x2f9: {  	p1 =	sne.s32 s15, $0x0;
	_ =	swait.ge @!p2 [sflag:s21], $0x800  }
0x2fa: {  	[sflag:s21] =	ssyncset.done @!p2 $0x0  }
0x2fb: {  	s3 =	sadd.s32 $0x1, s3;
	[sflag:s21] =	ssyncadd.s32 @!p2 $0xFFFFF800  }
0x2fc: {  	v16 =	vld.idx.msk [tilespmem:v16+s25+$0x0], $0xffff;
	[smem:$0x0] =	sst s3  }
0x2fd: {  	v17 =	vadd.s32 v6, v15;
	_ =	sdelay $0x2  }
0x2fe: {  	s14 =	sshra.s32 s16, $0x2;
	_ =	sdelay $0x1  }
0x2ff: {  	[tilespmem:s14+$0x1AE00] =	vst v16  }
0x300: {  	v17 =	vld.idx.msk [tilespmem:v17+s25+$0x0], $0xffff  }
0x301: {  	v18 =	vadd.s32 v7, v15;
	_ =	sdelay $0x4  }
0x302: {  	[tilespmem:s14+$0x1AE10] =	vst v17;
	v17 =	vmul.f32 v17, v17  }
0x303: {  	v18 =	vld.idx.msk [tilespmem:v18+s25+$0x0], $0xffff  }
0x304: {  	v15 =	vadd.s32 v8, v15;
	_ =	sdelay $0x4  }
0x305: {  	[tilespmem:s14+$0x1AE20] =	vst v18;
	v18 =	vmul.f32 v18, v18  }
0x306: {  	v15 =	vld.idx.msk [tilespmem:v15+s25+$0x0], $0xffff  }
0x307: {  	v16 =	vmul.f32 v16, v16;
	_ =	sdelay $0x1  }
0x308: {  	v16 =	vadd.f32 v17, v16;
	_ =	sdelay $0x1  }
0x309: {  	v16 =	vadd.f32 v18, v16  }
0x30a: {  	v17 =	vsel vm0, $0x1, v5;
	[tilespmem:s14+$0x1AE30] =	vst v15;
	v15 =	vmul.f32 v15, v15  }
0x30b: {  	(xrf0) =	vadd.scan.msk.s32 $0xffff, v17  }
0x30c: {  	v15 =	vadd.f32 v15, v16;
	_ =	sdelay $0x1  }
0x30d: {  	(xrf2) =	vadd.scan.msk.f32 $0xffff, v15;
	_ =	sdelay $0x2  }
0x30e: {  	v15 =	vnsel vm0, $0x0, v1;
	v16, _, _ =	vpop (xrf0)  }
0x30f: {  	v15 =	vadd.s32 v15, v16  }
0x310: {  	vm1 =	veq.s32 v15, $0x1  }
0x311: {  	vm1 =	vmand vm0, vm1  }
0x312: {  	v15 =	vnsel vm1, $0x0, v13;
	v16 =	vnsel vm1, $0x0, v14;
	vm0 =	vmxor vm0, vm1  }
0x313: {  	(xrf0) =	vadd.scan.msk.s32 $0xffff, v15  }
0x314: {  	(xrf0) =	vadd.scan.msk.s32 $0xffff, v16  }
0x315: {  	v15, _, _ =	vpop (xrf2)  }
0x316: {  	(v2sf) =	vpush v15, $0xF;
	_ =	sdelay $0x2  }
0x317: {  	v15, _, _ =	vpop (xrf0)  }
0x318: {  	(v2sf) =	vpush v15, $0xF;
	v15, _, _ =	vpop (xrf0);
	_ =	sdelay $0x1  }
0x319: {  	(v2sf) =	vpush v15, $0xF;
	_ =	sdelay $0x8  }
0x31a: {  	s16 =	spop (v2sf)  }
0x31b: {  	s17 =	sshra.s32 s3, $0x1F;
	s16 =	smul.f32 $1.562500020e-03, s16  }
0x31c: {  	s17 =	sshrl.u32 s17, $0x1C  }
.Ltmp23:
0x31d: {  	s17 =	sadd.s32 s17, s3;
	p2 =	slt.s32 s3, $0x1;
	v15 =	vmov s16;
	(pc) =	sbr.rel @p1 .LBB2_23-.Ltmp23, $4  }
0x31e: {  	s13 =	sand.u32 $0x1FFFFFF0, s13;
	s16 =	sand.u32 $0xFFFFFFF0, s17;
	s17 =	spop (v2sf);
	v16 =	vadd.f32 $0.0e+00, v15  }
0x31f: {  	s16 =	ssub.s32 s3, s16;
	s18 =	sadd.s32 $0xFFF0BE00, s17;
	s17 =	sadd.s32 s7, s13  }
0x320: {  	p3 =	sne.s32 @!p2 s16, $0x0;
	s16 =	sshll.u32 s16, $0x9;
	v15 =	vmov s18;
	s13 =	spop (v2sf);
	v17 =	vbroadcast v16, $0x0  }
0x321: {  	p2 =	por p3, p2;
	s18 =	sadd.s32 $0x1AE00, s14;
	v16 =	vadd.s32 v4, v15;
	s13 =	sshll.u32 s13, $0x4  }
.Ltmp24:
0x322: {  	_ = 	snop;
	(pc) =	sbr.rel .LBB2_24-.Ltmp24, $1  }
0x323: {  	_ =	sdelay $0x3  }
.LBB2_43:
0x324: {  	_ = 	snop  }
.LBB2_48:
0x325: {  	s8 =	simm.s32 @!p2 $0x4;
	[tilespmem:s13+$0x1AE40] =	vst @p0 v19  }
0x326: {  	[hbm4b:s21+s4] =	stream.linear.scatter @p0 [tilespmem:s18], [sflag:$0x4], $0x80, $0x38;
	[tilespmem:$0x1B600] =	vst v63  }
0x327: {  	_ =	swait.ge @!p2 [sflag:s8], $0x800  }
0x328: {  	[sflag:s8] =	ssyncset.done @!p2 $0x0  }
0x329: {  	[sflag:s8] =	ssyncadd.s32 @!p2 $0xFFFFF800  }
0x32a: {  	v15 =	vld.idx.msk [tilespmem:v18+s23+$0x0], $0xffff  }
0x32b: {  	v16 =	vadd.s32 v10, v17;
	_ =	sdelay $0x2  }
0x32c: {  	s17 =	sshra.s32 s16, $0x2  }
0x32d: {  	[tilespmem:s17+$0x1AE00] =	vst v15  }
0x32e: {  	v16 =	vld.idx.msk [tilespmem:v16+s23+$0x0], $0xffff  }
0x32f: {  	v61 =	vadd.s32 v11, v17;
	_ =	sdelay $0x3  }
0x330: {  	[tilespmem:s17+$0x1AE10] =	vst v16  }
0x331: {  	v18 =	vld.idx.msk [tilespmem:v61+s23+$0x0], $0xffff  }
0x332: {  	v62 =	vadd.s32 v12, v17;
	_ =	sdelay $0x3  }
0x333: {  	[tilespmem:s17+$0x1AE20] =	vst v18  }
0x334: {  	v17 =	vld.idx.msk [tilespmem:v62+s23+$0x0], $0xffff  }
0x335: {  	v15 =	vmul.f32 v15, v15;
	v16 =	vmul.f32 v16, v16;
	_ =	sdelay $0x1  }
0x336: {  	v15 =	vadd.f32 v16, v15;
	v18 =	vmul.f32 v18, v18;
	_ =	sdelay $0x1  }
0x337: {  	v15 =	vadd.f32 v18, v15;
	v63 =	vmul.f32 v17, v17;
	_ =	sdelay $0x1  }
0x338: {  	v15 =	vadd.f32 v63, v15;
	_ =	sdelay $0x1  }
0x339: {  	(xrf2) =	vadd.scan.msk.f32 $0xffff, v15;
	_ =	sdelay $0x9  }
0x33a: {  	v15, _, _ =	vpop (xrf2)  }
0x33b: {  	(v2sf) =	vpush v15, $0xF;
	_ =	sdelay $0xe  }
0x33c: {  	s18 =	spop (v2sf)  }
0x33d: {  	s13 =	smul.f32 $1.562500020e-03, s18;
	_ =	sdelay $0x1  }
0x33e: {  	v15 =	vmov s13  }
0x33f: {  	v15 =	vadd.f32 $0.0e+00, v15;
	_ =	sdelay $0x1  }
0x340: {  	v15 =	vbroadcast v15, $0x0  }
0x341: {  	s3 =	sadd.s32 $0x1, s3;
	[tilespmem:s17+$0x1AE30] =	vst v17  }
0x342: {  	s14 =	sadd.s32 s7, s15;
	s21 =	sadd.s32 $0x1AE00, s17;
	[smem:$0x0] =	sst s3;
	[tilespmem:s17+$0x1AE40] =	vst v15  }
0x343: {  	[hbm4b:s14+s4] =	stream.linear.scatter [tilespmem:s21], [sflag:$0x4], $0x80, $0x38;
	[tilespmem:$0x1B600] =	vst v63  }
.LBB2_49:
0x344: {  	s12 =	sadd.s32 $0x1, s12  }
0x345: {  	p0 =	sne.s32 s12, $0x2C  }
.Ltmp25:
0x346: {  	_ = 	snop;
	(pc) =	sbr.rel @!p0 .LBB2_50-.Ltmp25, $1  }
0x347: {  	_ =	sdelay $0x3  }
.LBB2_41:
0x348: {  	s8 =	sshll.u32 s12, $0x4  }
0x349: {  	v15 =	vld [tilespmem:s8+$0x1A000];
	_ =	sdelay $0x4  }
0x34a: {  	vm0 =	vge.s32 v15, v13;
	vm1 =	vlt.s32 v15, v14  }
0x34b: {  	vm0 =	vmand vm0, vm1  }
0x34c: {  	v16 =	vmpcnt.ones.xlane vm0;
	_ =	sdelay $0x1  }
0x34d: {  	(v2sf) =	vpush v16, $0x0;
	_ =	sdelay $0xe  }
0x34e: {  	s13 =	spop (v2sf)  }
0x34f: {  	p0 =	slt.s32 s13, $0x1  }
.Ltmp26:
0x350: {  	_ = 	snop;
	(pc) =	sbr.rel @p0 .LBB2_49-.Ltmp26, $2  }
0x351: {  	_ =	sdelay $0x2  }
0x352: {  	v16 =	vld [tilespmem:s8+$0x1A300]  }
0x353: {  	v17 =	vsel vm0, $0x1, v5  }
0x354: {  	(xrf0) =	vadd.scan.msk.s32 $0xffff, v17;
	_ =	sdelay $0x5  }
0x355: {  	v17 =	vnsel vm0, $0x0, v1;
	v18, _, _ =	vpop (xrf0)  }
0x356: {  	v17 =	vadd.s32 v17, v18  }
0x357: {  	vm1 =	veq.s32 v17, $0x1  }
0x358: {  	vm1 =	vmand vm0, vm1  }
0x359: {  	v17 =	vnsel vm1, $0x0, v15  }
0x35a: {  	(xrf0) =	vadd.scan.msk.s32 $0xffff, v17;
	_ =	sdelay $0x2  }
0x35b: {  	v17 =	vnsel vm1, $0x0, v16;
	_ =	sdelay $0x2  }
0x35c: {  	(xrf0) =	vadd.scan.msk.s32 $0xffff, v17;
	v17, _, _ =	vpop (xrf0)  }
0x35d: {  	(v2sf) =	vpush v17, $0xF;
	_ =	sdelay $0x4  }
0x35e: {  	v17, _, _ =	vpop (xrf0)  }
0x35f: {  	(v2sf) =	vpush v17, $0xF;
	_ =	sdelay $0x8  }
0x360: {  	s14 =	spop (v2sf)  }
0x361: {  	s14 =	ssub.s32 s14, s11  }
0x362: {  	s8 =	sshra.s32 s3, $0x1F;
	v17 =	vmov s14;
	s14 =	sadd.s32 $0xFFFFFFFF, s13  }
0x363: {  	s8 =	sshrl.u32 s8, $0x1C;
	p1 =	sne.s32 s14, $0x0  }
.Ltmp27:
0x364: {  	s8 =	sadd.s32 s8, s3;
	(pc) =	sbr.rel @!p1 .LBB2_43-.Ltmp27, $4  }
0x365: {  	s8 =	sand.u32 $0xFFFFFFF0, s8;
	v18 =	vshll.u32 v17, $0x3  }
0x366: {  	p0 =	slt.s32 s3, $0x1;
	s8 =	ssub.s32 s3, s8;
	s21 =	spop (v2sf);
	v17 =	vand.u32 $0x7F, v17;
	v18 =	vand.u32 $0xFFFFFC00, v18  }
0x367: {  	p2 =	sne.s32 @!p0 s8, $0x0;
	s16 =	sshll.u32 s8, $0x9;
	s13 =	sshll.u32 s21, $0x4;
	v17 =	vor.u32 v17, v18  }
0x368: {  	p2 =	por p2, p0;
	p0 =	por $0x0, $0x0;
	vm0 =	vmxor vm0, vm1;
	s15 =	sand.u32 $0x1FFFFFF0, s13;
	v18 =	vadd.s32 v9, v17  }
0x369: {  	s8 =	simm.s32 @!p2 $0x4  }
0x36a: {  	_ =	swait.ge @!p2 [sflag:s8], $0x800  }
0x36b: {  	[sflag:s8] =	ssyncset.done @!p2 $0x0  }
0x36c: {  	[sflag:s8] =	ssyncadd.s32 @!p2 $0xFFFFF800  }
0x36d: {  	v18 =	vld.idx.msk [tilespmem:v18+s23+$0x0], $0xffff  }
0x36e: {  	v19 =	vadd.s32 v10, v17;
	_ =	sdelay $0x2  }
0x36f: {  	s13 =	sshra.s32 s16, $0x2  }
0x370: {  	[tilespmem:s13+$0x1AE00] =	vst v18  }
0x371: {  	v19 =	vld.idx.msk [tilespmem:v19+s23+$0x0], $0xffff  }
0x372: {  	v20 =	vadd.s32 v11, v17;
	_ =	sdelay $0x3  }
0x373: {  	[tilespmem:s13+$0x1AE10] =	vst v19  }
0x374: {  	v20 =	vld.idx.msk [tilespmem:v20+s23+$0x0], $0xffff  }
0x375: {  	v17 =	vadd.s32 v12, v17;
	_ =	sdelay $0x3  }
0x376: {  	[tilespmem:s13+$0x1AE20] =	vst v20  }
0x377: {  	v21 =	vld.idx.msk [tilespmem:v17+s23+$0x0], $0xffff  }
0x378: {  	v18 =	vmul.f32 v18, v18;
	v17 =	vmul.f32 v19, v19  }
0x379: {  	v19 =	vsel vm0, $0x1, v5  }
0x37a: {  	v20 =	vmul.f32 v20, v20;
	(xrf0) =	vadd.scan.msk.s32 $0xffff, v19;
	v17 =	vadd.f32 v17, v18;
	_ =	sdelay $0x1  }
0x37b: {  	v17 =	vadd.f32 v20, v17;
	v18 =	vmul.f32 v21, v21;
	_ =	sdelay $0x1  }
0x37c: {  	v17 =	vadd.f32 v18, v17;
	_ =	sdelay $0x1  }
0x37d: {  	v18 =	vnsel vm0, $0x0, v1;
	v19, _, _ =	vpop (xrf0);
	(xrf2) =	vadd.scan.msk.f32 $0xffff, v17  }
0x37e: {  	v17 =	vadd.s32 v18, v19  }
0x37f: {  	vm1 =	veq.s32 v17, $0x1  }
0x380: {  	vm1 =	vmand vm0, vm1  }
0x381: {  	v17 =	vnsel vm1, $0x0, v15  }
0x382: {  	(xrf0) =	vadd.scan.msk.s32 $0xffff, v17;
	_ =	sdelay $0x1  }
0x383: {  	v17 =	vnsel vm1, $0x0, v16  }
0x384: {  	(xrf0) =	vadd.scan.msk.s32 $0xffff, v17;
	_ =	sdelay $0x1  }
0x385: {  	v17, _, _ =	vpop (xrf2)  }
0x386: {  	v18, _, _ =	vpop (xrf0);
	(v2sf) =	vpush v17, $0xF  }
0x387: {  	(v2sf) =	vpush v18, $0xF;
	_ =	sdelay $0x1  }
0x388: {  	v17, _, _ =	vpop (xrf0)  }
0x389: {  	(v2sf) =	vpush v17, $0xF;
	_ =	sdelay $0xa  }
0x38a: {  	s3 =	sadd.s32 $0x1, s3;
	s14 =	sadd.s32 $0xFFFFFFFF, s14;
	s18 =	spop (v2sf)  }
0x38b: {  	s21 =	sshra.s32 s3, $0x1F;
	s17 =	spop (v2sf);
	s8 =	smul.f32 $1.562500020e-03, s18  }
0x38c: {  	p1 =	sne.s32 s14, $0x0;
	s16 =	sshrl.u32 s21, $0x1C;
	s17 =	ssub.s32 s17, s11  }
.Ltmp28:
0x38d: {  	p0 =	slt.s32 s3, $0x1;
	s16 =	sadd.s32 s16, s3;
	v17 =	vmov s17;
	v18 =	vmov s8;
	(pc) =	sbr.rel @!p1 .LBB2_45-.Ltmp28, $4  }
0x38e: {  	s16 =	sand.u32 $0xFFFFFFF0, s16;
	[smem:$0x0] =	sst s3;
	s18 =	spop (v2sf);
	v19 =	vshll.u32 v17, $0x3;
	v18 =	vadd.f32 $0.0e+00, v18  }
0x38f: {  	s8 =	ssub.s32 s3, s16;
	s21 =	sshll.u32 s18, $0x4;
	s18 =	sadd.s32 $0x1AE00, s13;
	v17 =	vand.u32 $0x7F, v17;
	v19 =	vand.u32 $0xFFFFFC00, v19  }
0x390: {  	p2 =	sne.s32 @!p0 s8, $0x0;
	s17 =	sand.u32 $0x1FFFFFF0, s21;
	s16 =	sshll.u32 s8, $0x9;
	v17 =	vor.u32 v17, v19;
	v19 =	vbroadcast v18, $0x0  }
0x391: {  	[tilespmem:s13+$0x1AE30] =	vst v21;
	vm0 =	vmxor vm0, vm1;
	s21 =	sadd.s32 s7, s15;
	p2 =	por p2, p0;
	p0 =	por $0x1, $0x1;
	v18 =	vadd.s32 v9, v17  }
.LBB2_46:
0x392: {  	s14 =	sadd.s32 $0xFFFFFFFF, s14;
	s8 =	simm.s32 @!p2 $0x4;
	[tilespmem:s13+$0x1AE40] =	vst v19;
	s15 =	smov.u32 s17  }
0x393: {  	[hbm4b:s21+s4] =	stream.linear.scatter [tilespmem:s18], [sflag:$0x4], $0x80, $0x38;
	[tilespmem:$0x1B600] =	vst v63  }
0x394: {  	p1 =	sne.s32 s14, $0x0;
	_ =	swait.ge @!p2 [sflag:s8], $0x800  }
0x395: {  	[sflag:s8] =	ssyncset.done @!p2 $0x0  }
0x396: {  	s3 =	sadd.s32 $0x1, s3;
	[sflag:s8] =	ssyncadd.s32 @!p2 $0xFFFFF800  }
0x397: {  	v18 =	vld.idx.msk [tilespmem:v18+s23+$0x0], $0xffff;
	[smem:$0x0] =	sst s3  }
0x398: {  	v19 =	vadd.s32 v10, v17;
	_ =	sdelay $0x2  }
0x399: {  	s13 =	sshra.s32 s16, $0x2;
	_ =	sdelay $0x1  }
0x39a: {  	[tilespmem:s13+$0x1AE00] =	vst v18  }
0x39b: {  	v19 =	vld.idx.msk [tilespmem:v19+s23+$0x0], $0xffff  }
0x39c: {  	v20 =	vadd.s32 v11, v17;
	_ =	sdelay $0x4  }
0x39d: {  	[tilespmem:s13+$0x1AE10] =	vst v19;
	v19 =	vmul.f32 v19, v19  }
0x39e: {  	v20 =	vld.idx.msk [tilespmem:v20+s23+$0x0], $0xffff  }
0x39f: {  	v17 =	vadd.s32 v12, v17;
	_ =	sdelay $0x4  }
0x3a0: {  	[tilespmem:s13+$0x1AE20] =	vst v20;
	v20 =	vmul.f32 v20, v20  }
0x3a1: {  	v17 =	vld.idx.msk [tilespmem:v17+s23+$0x0], $0xffff  }
0x3a2: {  	v18 =	vmul.f32 v18, v18;
	_ =	sdelay $0x1  }
0x3a3: {  	v21 =	vsel vm0, $0x1, v5;
	v18 =	vadd.f32 v19, v18  }
0x3a4: {  	(xrf0) =	vadd.scan.msk.s32 $0xffff, v21  }
0x3a5: {  	v18 =	vadd.f32 v20, v18  }
0x3a6: {  	[tilespmem:s13+$0x1AE30] =	vst v17;
	v17 =	vmul.f32 v17, v17;
	_ =	sdelay $0x1  }
0x3a7: {  	v17 =	vadd.f32 v17, v18;
	_ =	sdelay $0x1  }
0x3a8: {  	v18 =	vnsel vm0, $0x0, v1;
	v19, _, _ =	vpop (xrf0);
	(xrf2) =	vadd.scan.msk.f32 $0xffff, v17  }
0x3a9: {  	v17 =	vadd.s32 v18, v19  }
0x3aa: {  	vm1 =	veq.s32 v17, $0x1  }
0x3ab: {  	vm1 =	vmand vm0, vm1  }
0x3ac: {  	v17 =	vnsel vm1, $0x0, v15;
	v18 =	vnsel vm1, $0x0, v16;
	vm0 =	vmxor vm0, vm1  }
0x3ad: {  	(xrf0) =	vadd.scan.msk.s32 $0xffff, v17  }
0x3ae: {  	(xrf0) =	vadd.scan.msk.s32 $0xffff, v18;
	_ =	sdelay $0x3  }
0x3af: {  	v17, _, _ =	vpop (xrf2)  }
0x3b0: {  	v18, _, _ =	vpop (xrf0);
	(v2sf) =	vpush v17, $0xF  }
0x3b1: {  	(v2sf) =	vpush v18, $0xF;
	v17, _, _ =	vpop (xrf0)  }
0x3b2: {  	(v2sf) =	vpush v17, $0xF;
	_ =	sdelay $0xc  }
0x3b3: {  	s8 =	spop (v2sf)  }
0x3b4: {  	s16 =	sshra.s32 s3, $0x1F;
	s17 =	spop (v2sf);
	s8 =	smul.f32 $1.562500020e-03, s8  }
0x3b5: {  	s16 =	sshrl.u32 s16, $0x1C;
	s17 =	ssub.s32 s17, s11;
	s18 =	spop (v2sf)  }
.Ltmp29:
0x3b6: {  	s16 =	sadd.s32 s16, s3;
	v17 =	vmov s17;
	s17 =	sshll.u32 s18, $0x4;
	v18 =	vmov s8;
	(pc) =	sbr.rel @p1 .LBB2_46-.Ltmp29, $4  }
0x3b7: {  	s8 =	sand.u32 $0xFFFFFFF0, s16;
	v19 =	vshll.u32 v17, $0x3;
	s17 =	sand.u32 $0x1FFFFFF0, s17;
	v18 =	vadd.f32 $0.0e+00, v18  }
0x3b8: {  	p2 =	slt.s32 s3, $0x1;
	s8 =	ssub.s32 s3, s8;
	v17 =	vand.u32 $0x7F, v17;
	v19 =	vand.u32 $0xFFFFFC00, v19  }
0x3b9: {  	p3 =	sne.s32 @!p2 s8, $0x0;
	s16 =	sshll.u32 s8, $0x9;
	v17 =	vor.u32 v17, v19;
	v19 =	vbroadcast v18, $0x0  }
0x3ba: {  	s21 =	sadd.s32 s7, s15;
	s18 =	sadd.s32 $0x1AE00, s13;
	p2 =	por p3, p2;
	v18 =	vadd.s32 v9, v17  }
.Ltmp30:
0x3bb: {  	(pc) =	sbr.rel .LBB2_48-.Ltmp30, $2  }
0x3bc: {  	_ =	sdelay $0x2  }
0x3bd: {  	s15 =	smov.u32 s17  }
.LBB2_45:
.Ltmp31:
0x3be: {  	(pc) =	sbr.rel .LBB2_48-.Ltmp31, $2  }
0x3bf: {  	_ =	sdelay $0x2  }
0x3c0: {  	s15 =	smov.u32 s17  }
.LBB2_54:
0x3c1: {  	_ = 	snop  }
.LBB2_59:
0x3c2: {  	s8 =	simm.s32 @!p2 $0x4;
	[tilespmem:s13+$0x1AE40] =	vst @p0 v19  }
0x3c3: {  	[hbm4b:s21+s4] =	stream.linear.scatter @p0 [tilespmem:s18], [sflag:$0x4], $0x80, $0x38;
	[tilespmem:$0x1B600] =	vst v63  }
0x3c4: {  	_ =	swait.ge @!p2 [sflag:s8], $0x800  }
0x3c5: {  	[sflag:s8] =	ssyncset.done @!p2 $0x0  }
0x3c6: {  	[sflag:s8] =	ssyncadd.s32 @!p2 $0xFFFFF800  }
0x3c7: {  	v15 =	vld.idx.msk [tilespmem:v18+s24+$0x0], $0xffff  }
0x3c8: {  	v16 =	vadd.s32 v10, v17;
	_ =	sdelay $0x2  }
0x3c9: {  	s17 =	sshra.s32 s16, $0x2  }
0x3ca: {  	[tilespmem:s17+$0x1AE00] =	vst v15  }
0x3cb: {  	v16 =	vld.idx.msk [tilespmem:v16+s24+$0x0], $0xffff  }
0x3cc: {  	v61 =	vadd.s32 v11, v17;
	_ =	sdelay $0x3  }
0x3cd: {  	[tilespmem:s17+$0x1AE10] =	vst v16  }
0x3ce: {  	v18 =	vld.idx.msk [tilespmem:v61+s24+$0x0], $0xffff  }
0x3cf: {  	v62 =	vadd.s32 v12, v17;
	_ =	sdelay $0x3  }
0x3d0: {  	[tilespmem:s17+$0x1AE20] =	vst v18  }
0x3d1: {  	v17 =	vld.idx.msk [tilespmem:v62+s24+$0x0], $0xffff  }
0x3d2: {  	v15 =	vmul.f32 v15, v15;
	v16 =	vmul.f32 v16, v16;
	_ =	sdelay $0x1  }
0x3d3: {  	v15 =	vadd.f32 v16, v15;
	v18 =	vmul.f32 v18, v18;
	_ =	sdelay $0x1  }
0x3d4: {  	v15 =	vadd.f32 v18, v15;
	v63 =	vmul.f32 v17, v17;
	_ =	sdelay $0x1  }
0x3d5: {  	v15 =	vadd.f32 v63, v15;
	_ =	sdelay $0x1  }
0x3d6: {  	(xrf2) =	vadd.scan.msk.f32 $0xffff, v15;
	_ =	sdelay $0x9  }
0x3d7: {  	v15, _, _ =	vpop (xrf2)  }
0x3d8: {  	(v2sf) =	vpush v15, $0xF;
	_ =	sdelay $0xe  }
0x3d9: {  	s18 =	spop (v2sf)  }
0x3da: {  	s13 =	smul.f32 $1.562500020e-03, s18;
	_ =	sdelay $0x1  }
0x3db: {  	v15 =	vmov s13  }
0x3dc: {  	v15 =	vadd.f32 $0.0e+00, v15;
	_ =	sdelay $0x1  }
0x3dd: {  	v15 =	vbroadcast v15, $0x0  }
0x3de: {  	s3 =	sadd.s32 $0x1, s3;
	[tilespmem:s17+$0x1AE30] =	vst v17  }
0x3df: {  	s14 =	sadd.s32 s7, s15;
	s21 =	sadd.s32 $0x1AE00, s17;
	[smem:$0x0] =	sst s3;
	[tilespmem:s17+$0x1AE40] =	vst v15  }
0x3e0: {  	[hbm4b:s14+s4] =	stream.linear.scatter [tilespmem:s21], [sflag:$0x4], $0x80, $0x38;
	[tilespmem:$0x1B600] =	vst v63  }
.LBB2_60:
0x3e1: {  	s12 =	sadd.s32 $0x1, s12  }
0x3e2: {  	p0 =	sne.s32 s12, $0x2C  }
.Ltmp32:
0x3e3: {  	_ = 	snop;
	(pc) =	sbr.rel @!p0 .LBB2_61-.Ltmp32, $1  }
0x3e4: {  	_ =	sdelay $0x3  }
.LBB2_52:
0x3e5: {  	s8 =	sshll.u32 s12, $0x4  }
0x3e6: {  	v15 =	vld [tilespmem:s8+$0x1A000];
	_ =	sdelay $0x4  }
0x3e7: {  	vm0 =	vge.s32 v15, v13;
	vm1 =	vlt.s32 v15, v14  }
0x3e8: {  	vm0 =	vmand vm0, vm1  }
0x3e9: {  	v16 =	vmpcnt.ones.xlane vm0;
	_ =	sdelay $0x1  }
0x3ea: {  	(v2sf) =	vpush v16, $0x0;
	_ =	sdelay $0xe  }
0x3eb: {  	s13 =	spop (v2sf)  }
0x3ec: {  	p0 =	slt.s32 s13, $0x1  }
.Ltmp33:
0x3ed: {  	_ = 	snop;
	(pc) =	sbr.rel @p0 .LBB2_60-.Ltmp33, $2  }
0x3ee: {  	_ =	sdelay $0x2  }
0x3ef: {  	v16 =	vld [tilespmem:s8+$0x1A300]  }
0x3f0: {  	v17 =	vsel vm0, $0x1, v5  }
0x3f1: {  	(xrf0) =	vadd.scan.msk.s32 $0xffff, v17;
	_ =	sdelay $0x5  }
0x3f2: {  	v17 =	vnsel vm0, $0x0, v1;
	v18, _, _ =	vpop (xrf0)  }
0x3f3: {  	v17 =	vadd.s32 v17, v18  }
0x3f4: {  	vm1 =	veq.s32 v17, $0x1  }
0x3f5: {  	vm1 =	vmand vm0, vm1  }
0x3f6: {  	v17 =	vnsel vm1, $0x0, v15  }
0x3f7: {  	(xrf0) =	vadd.scan.msk.s32 $0xffff, v17;
	_ =	sdelay $0x2  }
0x3f8: {  	v17 =	vnsel vm1, $0x0, v16;
	_ =	sdelay $0x2  }
0x3f9: {  	(xrf0) =	vadd.scan.msk.s32 $0xffff, v17;
	v17, _, _ =	vpop (xrf0)  }
0x3fa: {  	(v2sf) =	vpush v17, $0xF;
	_ =	sdelay $0x4  }
0x3fb: {  	v17, _, _ =	vpop (xrf0)  }
0x3fc: {  	(v2sf) =	vpush v17, $0xF;
	_ =	sdelay $0x8  }
0x3fd: {  	s14 =	spop (v2sf)  }
0x3fe: {  	s14 =	ssub.s32 s14, s11  }
0x3ff: {  	s8 =	sshra.s32 s3, $0x1F;
	v17 =	vmov s14;
	s14 =	sadd.s32 $0xFFFFFFFF, s13  }
0x400: {  	s8 =	sshrl.u32 s8, $0x1C;
	p1 =	sne.s32 s14, $0x0  }
.Ltmp34:
0x401: {  	s8 =	sadd.s32 s8, s3;
	(pc) =	sbr.rel @!p1 .LBB2_54-.Ltmp34, $4  }
0x402: {  	s8 =	sand.u32 $0xFFFFFFF0, s8;
	v18 =	vshll.u32 v17, $0x3  }
0x403: {  	p0 =	slt.s32 s3, $0x1;
	s8 =	ssub.s32 s3, s8;
	s21 =	spop (v2sf);
	v17 =	vand.u32 $0x7F, v17;
	v18 =	vand.u32 $0xFFFFFC00, v18  }
0x404: {  	p2 =	sne.s32 @!p0 s8, $0x0;
	s16 =	sshll.u32 s8, $0x9;
	s13 =	sshll.u32 s21, $0x4;
	v17 =	vor.u32 v17, v18  }
0x405: {  	p2 =	por p2, p0;
	p0 =	por $0x0, $0x0;
	vm0 =	vmxor vm0, vm1;
	s15 =	sand.u32 $0x1FFFFFF0, s13;
	v18 =	vadd.s32 v9, v17  }
0x406: {  	s8 =	simm.s32 @!p2 $0x4  }
0x407: {  	_ =	swait.ge @!p2 [sflag:s8], $0x800  }
0x408: {  	[sflag:s8] =	ssyncset.done @!p2 $0x0  }
0x409: {  	[sflag:s8] =	ssyncadd.s32 @!p2 $0xFFFFF800  }
0x40a: {  	v18 =	vld.idx.msk [tilespmem:v18+s24+$0x0], $0xffff  }
0x40b: {  	v19 =	vadd.s32 v10, v17;
	_ =	sdelay $0x2  }
0x40c: {  	s13 =	sshra.s32 s16, $0x2  }
0x40d: {  	[tilespmem:s13+$0x1AE00] =	vst v18  }
0x40e: {  	v19 =	vld.idx.msk [tilespmem:v19+s24+$0x0], $0xffff  }
0x40f: {  	v20 =	vadd.s32 v11, v17;
	_ =	sdelay $0x3  }
0x410: {  	[tilespmem:s13+$0x1AE10] =	vst v19  }
0x411: {  	v20 =	vld.idx.msk [tilespmem:v20+s24+$0x0], $0xffff  }
0x412: {  	v17 =	vadd.s32 v12, v17;
	_ =	sdelay $0x3  }
0x413: {  	[tilespmem:s13+$0x1AE20] =	vst v20  }
0x414: {  	v21 =	vld.idx.msk [tilespmem:v17+s24+$0x0], $0xffff  }
0x415: {  	v18 =	vmul.f32 v18, v18;
	v17 =	vmul.f32 v19, v19  }
0x416: {  	v19 =	vsel vm0, $0x1, v5  }
0x417: {  	v20 =	vmul.f32 v20, v20;
	(xrf0) =	vadd.scan.msk.s32 $0xffff, v19;
	v17 =	vadd.f32 v17, v18;
	_ =	sdelay $0x1  }
0x418: {  	v17 =	vadd.f32 v20, v17;
	v18 =	vmul.f32 v21, v21;
	_ =	sdelay $0x1  }
0x419: {  	v17 =	vadd.f32 v18, v17;
	_ =	sdelay $0x1  }
0x41a: {  	v18 =	vnsel vm0, $0x0, v1;
	v19, _, _ =	vpop (xrf0);
	(xrf2) =	vadd.scan.msk.f32 $0xffff, v17  }
0x41b: {  	v17 =	vadd.s32 v18, v19  }
0x41c: {  	vm1 =	veq.s32 v17, $0x1  }
0x41d: {  	vm1 =	vmand vm0, vm1  }
0x41e: {  	v17 =	vnsel vm1, $0x0, v15  }
0x41f: {  	(xrf0) =	vadd.scan.msk.s32 $0xffff, v17;
	_ =	sdelay $0x1  }
0x420: {  	v17 =	vnsel vm1, $0x0, v16  }
0x421: {  	(xrf0) =	vadd.scan.msk.s32 $0xffff, v17;
	_ =	sdelay $0x1  }
0x422: {  	v17, _, _ =	vpop (xrf2)  }
0x423: {  	v18, _, _ =	vpop (xrf0);
	(v2sf) =	vpush v17, $0xF  }
0x424: {  	(v2sf) =	vpush v18, $0xF;
	_ =	sdelay $0x1  }
0x425: {  	v17, _, _ =	vpop (xrf0)  }
0x426: {  	(v2sf) =	vpush v17, $0xF;
	_ =	sdelay $0xa  }
0x427: {  	s3 =	sadd.s32 $0x1, s3;
	s14 =	sadd.s32 $0xFFFFFFFF, s14;
	s18 =	spop (v2sf)  }
0x428: {  	s21 =	sshra.s32 s3, $0x1F;
	s17 =	spop (v2sf);
	s8 =	smul.f32 $1.562500020e-03, s18  }
0x429: {  	p1 =	sne.s32 s14, $0x0;
	s16 =	sshrl.u32 s21, $0x1C;
	s17 =	ssub.s32 s17, s11  }
.Ltmp35:
0x42a: {  	p0 =	slt.s32 s3, $0x1;
	s16 =	sadd.s32 s16, s3;
	v17 =	vmov s17;
	v18 =	vmov s8;
	(pc) =	sbr.rel @!p1 .LBB2_56-.Ltmp35, $4  }
0x42b: {  	s16 =	sand.u32 $0xFFFFFFF0, s16;
	[smem:$0x0] =	sst s3;
	s18 =	spop (v2sf);
	v19 =	vshll.u32 v17, $0x3;
	v18 =	vadd.f32 $0.0e+00, v18  }
0x42c: {  	s8 =	ssub.s32 s3, s16;
	s21 =	sshll.u32 s18, $0x4;
	s18 =	sadd.s32 $0x1AE00, s13;
	v17 =	vand.u32 $0x7F, v17;
	v19 =	vand.u32 $0xFFFFFC00, v19  }
0x42d: {  	p2 =	sne.s32 @!p0 s8, $0x0;
	s17 =	sand.u32 $0x1FFFFFF0, s21;
	s16 =	sshll.u32 s8, $0x9;
	v17 =	vor.u32 v17, v19;
	v19 =	vbroadcast v18, $0x0  }
0x42e: {  	[tilespmem:s13+$0x1AE30] =	vst v21;
	vm0 =	vmxor vm0, vm1;
	s21 =	sadd.s32 s7, s15;
	p2 =	por p2, p0;
	p0 =	por $0x1, $0x1;
	v18 =	vadd.s32 v9, v17  }
.LBB2_57:
0x42f: {  	s14 =	sadd.s32 $0xFFFFFFFF, s14;
	s8 =	simm.s32 @!p2 $0x4;
	[tilespmem:s13+$0x1AE40] =	vst v19;
	s15 =	smov.u32 s17  }
0x430: {  	[hbm4b:s21+s4] =	stream.linear.scatter [tilespmem:s18], [sflag:$0x4], $0x80, $0x38;
	[tilespmem:$0x1B600] =	vst v63  }
0x431: {  	p1 =	sne.s32 s14, $0x0;
	_ =	swait.ge @!p2 [sflag:s8], $0x800  }
0x432: {  	[sflag:s8] =	ssyncset.done @!p2 $0x0  }
0x433: {  	s3 =	sadd.s32 $0x1, s3;
	[sflag:s8] =	ssyncadd.s32 @!p2 $0xFFFFF800  }
0x434: {  	v18 =	vld.idx.msk [tilespmem:v18+s24+$0x0], $0xffff;
	[smem:$0x0] =	sst s3  }
0x435: {  	v19 =	vadd.s32 v10, v17;
	_ =	sdelay $0x2  }
0x436: {  	s13 =	sshra.s32 s16, $0x2;
	_ =	sdelay $0x1  }
0x437: {  	[tilespmem:s13+$0x1AE00] =	vst v18  }
0x438: {  	v19 =	vld.idx.msk [tilespmem:v19+s24+$0x0], $0xffff  }
0x439: {  	v20 =	vadd.s32 v11, v17;
	_ =	sdelay $0x4  }
0x43a: {  	[tilespmem:s13+$0x1AE10] =	vst v19;
	v19 =	vmul.f32 v19, v19  }
0x43b: {  	v20 =	vld.idx.msk [tilespmem:v20+s24+$0x0], $0xffff  }
0x43c: {  	v17 =	vadd.s32 v12, v17;
	_ =	sdelay $0x4  }
0x43d: {  	[tilespmem:s13+$0x1AE20] =	vst v20;
	v20 =	vmul.f32 v20, v20  }
0x43e: {  	v17 =	vld.idx.msk [tilespmem:v17+s24+$0x0], $0xffff  }
0x43f: {  	v18 =	vmul.f32 v18, v18;
	_ =	sdelay $0x1  }
0x440: {  	v21 =	vsel vm0, $0x1, v5;
	v18 =	vadd.f32 v19, v18  }
0x441: {  	(xrf0) =	vadd.scan.msk.s32 $0xffff, v21  }
0x442: {  	v18 =	vadd.f32 v20, v18  }
0x443: {  	[tilespmem:s13+$0x1AE30] =	vst v17;
	v17 =	vmul.f32 v17, v17;
	_ =	sdelay $0x1  }
0x444: {  	v17 =	vadd.f32 v17, v18;
	_ =	sdelay $0x1  }
0x445: {  	v18 =	vnsel vm0, $0x0, v1;
	v19, _, _ =	vpop (xrf0);
	(xrf2) =	vadd.scan.msk.f32 $0xffff, v17  }
0x446: {  	v17 =	vadd.s32 v18, v19  }
0x447: {  	vm1 =	veq.s32 v17, $0x1  }
0x448: {  	vm1 =	vmand vm0, vm1  }
0x449: {  	v17 =	vnsel vm1, $0x0, v15;
	v18 =	vnsel vm1, $0x0, v16;
	vm0 =	vmxor vm0, vm1  }
0x44a: {  	(xrf0) =	vadd.scan.msk.s32 $0xffff, v17  }
0x44b: {  	(xrf0) =	vadd.scan.msk.s32 $0xffff, v18;
	_ =	sdelay $0x3  }
0x44c: {  	v17, _, _ =	vpop (xrf2)  }
0x44d: {  	v18, _, _ =	vpop (xrf0);
	(v2sf) =	vpush v17, $0xF  }
0x44e: {  	(v2sf) =	vpush v18, $0xF;
	v17, _, _ =	vpop (xrf0)  }
0x44f: {  	(v2sf) =	vpush v17, $0xF;
	_ =	sdelay $0xc  }
0x450: {  	s8 =	spop (v2sf)  }
0x451: {  	s16 =	sshra.s32 s3, $0x1F;
	s17 =	spop (v2sf);
	s8 =	smul.f32 $1.562500020e-03, s8  }
0x452: {  	s16 =	sshrl.u32 s16, $0x1C;
	s17 =	ssub.s32 s17, s11;
	s18 =	spop (v2sf)  }
.Ltmp36:
0x453: {  	s16 =	sadd.s32 s16, s3;
	v17 =	vmov s17;
	s17 =	sshll.u32 s18, $0x4;
	v18 =	vmov s8;
	(pc) =	sbr.rel @p1 .LBB2_57-.Ltmp36, $4  }
0x454: {  	s8 =	sand.u32 $0xFFFFFFF0, s16;
	v19 =	vshll.u32 v17, $0x3;
	s17 =	sand.u32 $0x1FFFFFF0, s17;
	v18 =	vadd.f32 $0.0e+00, v18  }
0x455: {  	p2 =	slt.s32 s3, $0x1;
	s8 =	ssub.s32 s3, s8;
	v17 =	vand.u32 $0x7F, v17;
	v19 =	vand.u32 $0xFFFFFC00, v19  }
0x456: {  	p3 =	sne.s32 @!p2 s8, $0x0;
	s16 =	sshll.u32 s8, $0x9;
	v17 =	vor.u32 v17, v19;
	v19 =	vbroadcast v18, $0x0  }
0x457: {  	s21 =	sadd.s32 s7, s15;
	s18 =	sadd.s32 $0x1AE00, s13;
	p2 =	por p3, p2;
	v18 =	vadd.s32 v9, v17  }
.Ltmp37:
0x458: {  	(pc) =	sbr.rel .LBB2_59-.Ltmp37, $2  }
0x459: {  	_ =	sdelay $0x2  }
0x45a: {  	s15 =	smov.u32 s17  }
.LBB2_56:
.Ltmp38:
0x45b: {  	(pc) =	sbr.rel .LBB2_59-.Ltmp38, $2  }
0x45c: {  	_ =	sdelay $0x2  }
0x45d: {  	s15 =	smov.u32 s17  }
.LBB2_61:
.Ltmp39:
0x45e: {  	s8 =	sadd.s32 s19, s10;
	(pc) =	sbr.rel .LBB2_62-.Ltmp39, $4  }
0x45f: {  	p0 =	sgt.u32 s8, $0x7A0  }
0x460: {  	s8 =	sshll.u32 @!p0 s8, $0x9;
	s10 =	simm.s32 @!p0 $0x1000  }
0x461: {  	s11 =	simm.s32 @!p0 $0x7A1400;
	s12 =	simm.s32 @!p0 $0x10000;
	s8 =	sadd.s32 @!p0 s2, s8  }
0x462: {  	[tilespmem:s12], [sflag:$0x3] =	stream.strided.gather @!p0 [hbm4b:s8+s10], $0x8000, s11, s10, $0x38;
	[tilespmem:$0x1B600] =	vst v63  }
.LBB2_32:
0x463: {  	_ = 	snop  }
.LBB2_37:
0x464: {  	s8 =	simm.s32 @!p2 $0x4;
	[tilespmem:s13+$0x1AE40] =	vst @p0 v19  }
0x465: {  	[hbm4b:s21+s4] =	stream.linear.scatter @p0 [tilespmem:s18], [sflag:$0x4], $0x80, $0x38;
	[tilespmem:$0x1B600] =	vst v63  }
0x466: {  	_ =	swait.ge @!p2 [sflag:s8], $0x800  }
0x467: {  	[sflag:s8] =	ssyncset.done @!p2 $0x0  }
0x468: {  	[sflag:s8] =	ssyncadd.s32 @!p2 $0xFFFFF800  }
0x469: {  	v15 =	vld.idx.msk [tilespmem:v18+s4+$0x0], $0xffff  }
0x46a: {  	v16 =	vadd.s32 v10, v17;
	_ =	sdelay $0x2  }
0x46b: {  	s17 =	sshra.s32 s16, $0x2  }
0x46c: {  	[tilespmem:s17+$0x1AE00] =	vst v15  }
0x46d: {  	v16 =	vld.idx.msk [tilespmem:v16+s4+$0x0], $0xffff  }
0x46e: {  	v61 =	vadd.s32 v11, v17;
	_ =	sdelay $0x3  }
0x46f: {  	[tilespmem:s17+$0x1AE10] =	vst v16  }
0x470: {  	v18 =	vld.idx.msk [tilespmem:v61+s4+$0x0], $0xffff  }
0x471: {  	v62 =	vadd.s32 v12, v17;
	_ =	sdelay $0x3  }
0x472: {  	[tilespmem:s17+$0x1AE20] =	vst v18  }
0x473: {  	v17 =	vld.idx.msk [tilespmem:v62+s4+$0x0], $0xffff  }
0x474: {  	v15 =	vmul.f32 v15, v15;
	v16 =	vmul.f32 v16, v16;
	_ =	sdelay $0x1  }
0x475: {  	v15 =	vadd.f32 v16, v15;
	v18 =	vmul.f32 v18, v18;
	_ =	sdelay $0x1  }
0x476: {  	v15 =	vadd.f32 v18, v15;
	v63 =	vmul.f32 v17, v17;
	_ =	sdelay $0x1  }
0x477: {  	v15 =	vadd.f32 v63, v15;
	_ =	sdelay $0x1  }
0x478: {  	(xrf2) =	vadd.scan.msk.f32 $0xffff, v15;
	_ =	sdelay $0x9  }
0x479: {  	v15, _, _ =	vpop (xrf2)  }
0x47a: {  	(v2sf) =	vpush v15, $0xF;
	_ =	sdelay $0xe  }
0x47b: {  	s18 =	spop (v2sf)  }
0x47c: {  	s13 =	smul.f32 $1.562500020e-03, s18;
	_ =	sdelay $0x1  }
0x47d: {  	v15 =	vmov s13  }
0x47e: {  	v15 =	vadd.f32 $0.0e+00, v15;
	_ =	sdelay $0x1  }
0x47f: {  	v15 =	vbroadcast v15, $0x0  }
0x480: {  	s3 =	sadd.s32 $0x1, s3;
	[tilespmem:s17+$0x1AE30] =	vst v17  }
0x481: {  	s14 =	sadd.s32 s7, s15;
	s21 =	sadd.s32 $0x1AE00, s17;
	[smem:$0x0] =	sst s3;
	[tilespmem:s17+$0x1AE40] =	vst v15  }
0x482: {  	[hbm4b:s14+s4] =	stream.linear.scatter [tilespmem:s21], [sflag:$0x4], $0x80, $0x38;
	[tilespmem:$0x1B600] =	vst v63  }
.LBB2_38:
0x483: {  	s12 =	sadd.s32 $0x1, s12  }
0x484: {  	p0 =	sne.s32 s12, $0x2C  }
.Ltmp40:
0x485: {  	_ = 	snop;
	(pc) =	sbr.rel @!p0 .LBB2_39-.Ltmp40, $1  }
0x486: {  	_ =	sdelay $0x3  }
.LBB2_30:
0x487: {  	s14 =	sshll.u32 s12, $0x4  }
0x488: {  	v15 =	vld [tilespmem:s14+$0x1A000];
	_ =	sdelay $0x4  }
0x489: {  	vm0 =	vge.s32 v15, v13;
	vm1 =	vlt.s32 v15, v14  }
0x48a: {  	vm0 =	vmand vm0, vm1  }
0x48b: {  	v16 =	vmpcnt.ones.xlane vm0;
	_ =	sdelay $0x1  }
0x48c: {  	(v2sf) =	vpush v16, $0x0;
	_ =	sdelay $0xe  }
0x48d: {  	s13 =	spop (v2sf)  }
0x48e: {  	p0 =	slt.s32 s13, $0x1  }
.Ltmp41:
0x48f: {  	_ = 	snop;
	(pc) =	sbr.rel @p0 .LBB2_38-.Ltmp41, $2  }
0x490: {  	_ =	sdelay $0x2  }
0x491: {  	v16 =	vld [tilespmem:s14+$0x1A300]  }
0x492: {  	v17 =	vsel vm0, $0x1, v5  }
0x493: {  	(xrf0) =	vadd.scan.msk.s32 $0xffff, v17;
	_ =	sdelay $0x5  }
0x494: {  	v17 =	vnsel vm0, $0x0, v1;
	v18, _, _ =	vpop (xrf0)  }
0x495: {  	v17 =	vadd.s32 v17, v18  }
0x496: {  	vm1 =	veq.s32 v17, $0x1  }
0x497: {  	vm1 =	vmand vm0, vm1  }
0x498: {  	v17 =	vnsel vm1, $0x0, v15  }
0x499: {  	(xrf0) =	vadd.scan.msk.s32 $0xffff, v17;
	_ =	sdelay $0x1  }
0x49a: {  	v17 =	vnsel vm1, $0x0, v16  }
0x49b: {  	(xrf0) =	vadd.scan.msk.s32 $0xffff, v17;
	_ =	sdelay $0x2  }
0x49c: {  	v17, _, _ =	vpop (xrf0)  }
0x49d: {  	(v2sf) =	vpush v17, $0xF;
	_ =	sdelay $0x1  }
0x49e: {  	v17, _, _ =	vpop (xrf0)  }
0x49f: {  	(v2sf) =	vpush v17, $0xF;
	_ =	sdelay $0x9  }
0x4a0: {  	s14 =	sshra.s32 s3, $0x1F  }
0x4a1: {  	s14 =	sshrl.u32 s14, $0x1C  }
0x4a2: {  	s18 =	sadd.s32 s14, s3;
	s14 =	sadd.s32 $0xFFFFFFFF, s13;
	s15 =	spop (v2sf)  }
0x4a3: {  	p1 =	sne.s32 s14, $0x0;
	s15 =	ssub.s32 s15, s11  }
.Ltmp42:
0x4a4: {  	v17 =	vmov s15;
	(pc) =	sbr.rel @!p1 .LBB2_32-.Ltmp42, $4  }
0x4a5: {  	s21 =	spop (v2sf);
	s15 =	sand.u32 $0xFFFFFFF0, s18;
	v18 =	vshll.u32 v17, $0x3  }
0x4a6: {  	p0 =	slt.s32 s3, $0x1;
	s13 =	sshll.u32 s21, $0x4;
	s16 =	ssub.s32 s3, s15;
	v17 =	vand.u32 $0x7F, v17;
	v18 =	vand.u32 $0xFFFFFC00, v18  }
0x4a7: {  	s15 =	sand.u32 $0x1FFFFFF0, s13;
	p2 =	sne.s32 @!p0 s16, $0x0;
	v17 =	vor.u32 v17, v18  }
0x4a8: {  	vm0 =	vmxor vm0, vm1;
	s16 =	sshll.u32 s16, $0x9;
	p2 =	por p2, p0;
	p0 =	por $0x0, $0x0;
	v18 =	vadd.s32 v9, v17  }
0x4a9: {  	s13 =	simm.s32 @!p2 $0x4  }
0x4aa: {  	_ =	swait.ge @!p2 [sflag:s13], $0x800  }
0x4ab: {  	[sflag:s13] =	ssyncset.done @!p2 $0x0  }
0x4ac: {  	[sflag:s13] =	ssyncadd.s32 @!p2 $0xFFFFF800  }
0x4ad: {  	v18 =	vld.idx.msk [tilespmem:v18+s4+$0x0], $0xffff  }
0x4ae: {  	v19 =	vadd.s32 v10, v17;
	_ =	sdelay $0x2  }
0x4af: {  	s13 =	sshra.s32 s16, $0x2  }
0x4b0: {  	[tilespmem:s13+$0x1AE00] =	vst v18  }
0x4b1: {  	v19 =	vld.idx.msk [tilespmem:v19+s4+$0x0], $0xffff  }
0x4b2: {  	v20 =	vadd.s32 v11, v17;
	_ =	sdelay $0x3  }
0x4b3: {  	[tilespmem:s13+$0x1AE10] =	vst v19  }
0x4b4: {  	v20 =	vld.idx.msk [tilespmem:v20+s4+$0x0], $0xffff  }
0x4b5: {  	v17 =	vadd.s32 v12, v17;
	_ =	sdelay $0x3  }
0x4b6: {  	[tilespmem:s13+$0x1AE20] =	vst v20  }
0x4b7: {  	v21 =	vld.idx.msk [tilespmem:v17+s4+$0x0], $0xffff  }
0x4b8: {  	v18 =	vmul.f32 v18, v18;
	v17 =	vmul.f32 v19, v19  }
0x4b9: {  	v19 =	vsel vm0, $0x1, v5  }
0x4ba: {  	v20 =	vmul.f32 v20, v20;
	(xrf0) =	vadd.scan.msk.s32 $0xffff, v19;
	v17 =	vadd.f32 v17, v18;
	_ =	sdelay $0x1  }
0x4bb: {  	v17 =	vadd.f32 v20, v17;
	v18 =	vmul.f32 v21, v21;
	_ =	sdelay $0x1  }
0x4bc: {  	v17 =	vadd.f32 v18, v17;
	_ =	sdelay $0x1  }
0x4bd: {  	v18 =	vnsel vm0, $0x0, v1;
	v19, _, _ =	vpop (xrf0);
	(xrf2) =	vadd.scan.msk.f32 $0xffff, v17  }
0x4be: {  	v17 =	vadd.s32 v18, v19  }
0x4bf: {  	vm1 =	veq.s32 v17, $0x1  }
0x4c0: {  	vm1 =	vmand vm0, vm1  }
0x4c1: {  	v17 =	vnsel vm1, $0x0, v15  }
0x4c2: {  	(xrf0) =	vadd.scan.msk.s32 $0xffff, v17;
	_ =	sdelay $0x1  }
0x4c3: {  	v17 =	vnsel vm1, $0x0, v16  }
0x4c4: {  	(xrf0) =	vadd.scan.msk.s32 $0xffff, v17;
	_ =	sdelay $0x1  }
0x4c5: {  	v17, _, _ =	vpop (xrf2)  }
0x4c6: {  	v18, _, _ =	vpop (xrf0);
	(v2sf) =	vpush v17, $0xF  }
0x4c7: {  	(v2sf) =	vpush v18, $0xF;
	_ =	sdelay $0x1  }
0x4c8: {  	v17, _, _ =	vpop (xrf0)  }
0x4c9: {  	(v2sf) =	vpush v17, $0xF;
	_ =	sdelay $0xa  }
0x4ca: {  	s3 =	sadd.s32 $0x1, s3;
	s14 =	sadd.s32 $0xFFFFFFFF, s14;
	s21 =	spop (v2sf)  }
0x4cb: {  	s17 =	sshra.s32 s3, $0x1F;
	s18 =	spop (v2sf);
	s16 =	smul.f32 $1.562500020e-03, s21  }
0x4cc: {  	p1 =	sne.s32 s14, $0x0;
	s17 =	sshrl.u32 s17, $0x1C;
	s18 =	ssub.s32 s18, s11  }
.Ltmp43:
0x4cd: {  	p0 =	slt.s32 s3, $0x1;
	s17 =	sadd.s32 s17, s3;
	v17 =	vmov s18;
	v18 =	vmov s16;
	(pc) =	sbr.rel @!p1 .LBB2_34-.Ltmp43, $4  }
0x4ce: {  	s17 =	sand.u32 $0xFFFFFFF0, s17;
	[smem:$0x0] =	sst s3;
	s8 =	spop (v2sf);
	v19 =	vshll.u32 v17, $0x3;
	v18 =	vadd.f32 $0.0e+00, v18  }
0x4cf: {  	s16 =	ssub.s32 s3, s17;
	s21 =	sshll.u32 s8, $0x4;
	s18 =	sadd.s32 $0x1AE00, s13;
	v17 =	vand.u32 $0x7F, v17;
	v19 =	vand.u32 $0xFFFFFC00, v19  }
0x4d0: {  	p2 =	sne.s32 @!p0 s16, $0x0;
	s17 =	sand.u32 $0x1FFFFFF0, s21;
	s16 =	sshll.u32 s16, $0x9;
	v17 =	vor.u32 v17, v19;
	v19 =	vbroadcast v18, $0x0  }
0x4d1: {  	[tilespmem:s13+$0x1AE30] =	vst v21;
	vm0 =	vmxor vm0, vm1;
	s21 =	sadd.s32 s7, s15;
	p2 =	por p2, p0;
	p0 =	por $0x1, $0x1;
	v18 =	vadd.s32 v9, v17  }
.LBB2_35:
0x4d2: {  	s14 =	sadd.s32 $0xFFFFFFFF, s14;
	s8 =	simm.s32 @!p2 $0x4;
	[tilespmem:s13+$0x1AE40] =	vst v19;
	s15 =	smov.u32 s17  }
0x4d3: {  	[hbm4b:s21+s4] =	stream.linear.scatter [tilespmem:s18], [sflag:$0x4], $0x80, $0x38;
	[tilespmem:$0x1B600] =	vst v63  }
0x4d4: {  	p1 =	sne.s32 s14, $0x0;
	_ =	swait.ge @!p2 [sflag:s8], $0x800  }
0x4d5: {  	[sflag:s8] =	ssyncset.done @!p2 $0x0  }
0x4d6: {  	s3 =	sadd.s32 $0x1, s3;
	[sflag:s8] =	ssyncadd.s32 @!p2 $0xFFFFF800  }
0x4d7: {  	v18 =	vld.idx.msk [tilespmem:v18+s4+$0x0], $0xffff;
	[smem:$0x0] =	sst s3  }
0x4d8: {  	v19 =	vadd.s32 v10, v17;
	_ =	sdelay $0x2  }
0x4d9: {  	s13 =	sshra.s32 s16, $0x2;
	_ =	sdelay $0x1  }
0x4da: {  	[tilespmem:s13+$0x1AE00] =	vst v18  }
0x4db: {  	v19 =	vld.idx.msk [tilespmem:v19+s4+$0x0], $0xffff  }
0x4dc: {  	v20 =	vadd.s32 v11, v17;
	_ =	sdelay $0x4  }
0x4dd: {  	[tilespmem:s13+$0x1AE10] =	vst v19;
	v19 =	vmul.f32 v19, v19  }
0x4de: {  	v20 =	vld.idx.msk [tilespmem:v20+s4+$0x0], $0xffff  }
0x4df: {  	v17 =	vadd.s32 v12, v17;
	_ =	sdelay $0x4  }
0x4e0: {  	[tilespmem:s13+$0x1AE20] =	vst v20;
	v20 =	vmul.f32 v20, v20  }
0x4e1: {  	v17 =	vld.idx.msk [tilespmem:v17+s4+$0x0], $0xffff  }
0x4e2: {  	v18 =	vmul.f32 v18, v18;
	_ =	sdelay $0x1  }
0x4e3: {  	v21 =	vsel vm0, $0x1, v5;
	v18 =	vadd.f32 v19, v18  }
0x4e4: {  	(xrf0) =	vadd.scan.msk.s32 $0xffff, v21  }
0x4e5: {  	v18 =	vadd.f32 v20, v18  }
0x4e6: {  	[tilespmem:s13+$0x1AE30] =	vst v17;
	v17 =	vmul.f32 v17, v17;
	_ =	sdelay $0x1  }
0x4e7: {  	v17 =	vadd.f32 v17, v18;
	_ =	sdelay $0x1  }
0x4e8: {  	v18 =	vnsel vm0, $0x0, v1;
	v19, _, _ =	vpop (xrf0);
	(xrf2) =	vadd.scan.msk.f32 $0xffff, v17  }
0x4e9: {  	v17 =	vadd.s32 v18, v19  }
0x4ea: {  	vm1 =	veq.s32 v17, $0x1  }
0x4eb: {  	vm1 =	vmand vm0, vm1  }
0x4ec: {  	v17 =	vnsel vm1, $0x0, v15;
	v18 =	vnsel vm1, $0x0, v16;
	vm0 =	vmxor vm0, vm1  }
0x4ed: {  	(xrf0) =	vadd.scan.msk.s32 $0xffff, v17  }
0x4ee: {  	(xrf0) =	vadd.scan.msk.s32 $0xffff, v18;
	_ =	sdelay $0x3  }
0x4ef: {  	v17, _, _ =	vpop (xrf2)  }
0x4f0: {  	v18, _, _ =	vpop (xrf0);
	(v2sf) =	vpush v17, $0xF  }
0x4f1: {  	(v2sf) =	vpush v18, $0xF;
	v17, _, _ =	vpop (xrf0)  }
0x4f2: {  	(v2sf) =	vpush v17, $0xF;
	_ =	sdelay $0xc  }
0x4f3: {  	s8 =	spop (v2sf)  }
0x4f4: {  	s16 =	sshra.s32 s3, $0x1F;
	s17 =	spop (v2sf);
	s8 =	smul.f32 $1.562500020e-03, s8  }
0x4f5: {  	s16 =	sshrl.u32 s16, $0x1C;
	s17 =	ssub.s32 s17, s11;
	s18 =	spop (v2sf)  }
.Ltmp44:
0x4f6: {  	s16 =	sadd.s32 s16, s3;
	v17 =	vmov s17;
	s17 =	sshll.u32 s18, $0x4;
	v18 =	vmov s8;
	(pc) =	sbr.rel @p1 .LBB2_35-.Ltmp44, $4  }
0x4f7: {  	s8 =	sand.u32 $0xFFFFFFF0, s16;
	v19 =	vshll.u32 v17, $0x3;
	s17 =	sand.u32 $0x1FFFFFF0, s17;
	v18 =	vadd.f32 $0.0e+00, v18  }
0x4f8: {  	p2 =	slt.s32 s3, $0x1;
	s8 =	ssub.s32 s3, s8;
	v17 =	vand.u32 $0x7F, v17;
	v19 =	vand.u32 $0xFFFFFC00, v19  }
0x4f9: {  	p3 =	sne.s32 @!p2 s8, $0x0;
	s16 =	sshll.u32 s8, $0x9;
	v17 =	vor.u32 v17, v19;
	v19 =	vbroadcast v18, $0x0  }
0x4fa: {  	s21 =	sadd.s32 s7, s15;
	s18 =	sadd.s32 $0x1AE00, s13;
	p2 =	por p3, p2;
	v18 =	vadd.s32 v9, v17  }
.Ltmp45:
0x4fb: {  	(pc) =	sbr.rel .LBB2_37-.Ltmp45, $2  }
0x4fc: {  	_ =	sdelay $0x2  }
0x4fd: {  	s15 =	smov.u32 s17  }
.LBB2_34:
.Ltmp46:
0x4fe: {  	(pc) =	sbr.rel .LBB2_37-.Ltmp46, $2  }
0x4ff: {  	_ =	sdelay $0x2  }
0x500: {  	s15 =	smov.u32 s17  }
.LBB2_39:
.Ltmp47:
0x501: {  	s8 =	sadd.s32 s19, s10;
	(pc) =	sbr.rel .LBB2_62-.Ltmp47, $4  }
0x502: {  	p0 =	sgt.u32 s8, $0x7A0  }
0x503: {  	s8 =	sshll.u32 @!p0 s8, $0x9;
	s10 =	simm.s32 @!p0 $0x1000  }
0x504: {  	s11 =	simm.s32 @!p0 $0x7A1400;
	s12 =	simm.s32 @!p0 $0x0;
	s8 =	sadd.s32 @!p0 s2, s8  }
0x505: {  	[tilespmem:s12], [sflag:$0x1] =	stream.strided.gather @!p0 [hbm4b:s8+s10], $0x8000, s11, s10, $0x38;
	[tilespmem:$0x1B600] =	vst v63  }
.LBB2_63:
0x506: {  	s1 =	sadd.s32 $0xFFFFFFFF, s3  }
0x507: {  	s8 =	sand.u32 $0xF, s1  }
0x508: {  	s21 =	sshra.s32 s1, $0x1F;
	p1 =	slt.s32 s1, $0x1;
	p0 =	sne.s32 s8, $0x0  }
0x509: {  	s8 =	sshrl.u32 s21, $0x1C;
	p0 =	por !p1, !p0  }
0x50a: {  	s1 =	sadd.s32 s8, s1;
	s8 =	simm.s32 $0x1;
	p0 =	por !p0, !p0  }
0x50b: {  	s1 =	sshrl.u32 s1, $0x4;
	s8 =	simm.s32 @!p0 $0x0  }
0x50c: {  	s1 =	ssub.s32 s8, s1  }
0x50d: {  	s1 =	sshll.u32 s1, $0x4  }
0x50e: {  	p0 =	slt.s32 s3, $0x1;
	s1 =	sadd.s32 s3, s1  }
0x50f: {  	p1 =	slt.s32 @!p0 s1, $0x1  }
0x510: {  	p0 =	por p0, p1  }
.Ltmp48:
0x511: {  	_ = 	snop;
	(pc) =	sbr.rel @p0 .LBB2_67-.Ltmp48, $2  }
0x512: {  	_ =	sdelay $0x2  }
0x513: {  	s3 =	simm.s32 $0x0  }
0x514: {  	s3 =	sadd.s32 $0x1, s3  }
0x515: {  	p0 =	sgt.s32 s1, s3  }
.Ltmp49:
0x516: {  	_ = 	snop;
	(pc) =	sbr.rel @!p0 .LBB2_66-.Ltmp49, $3  }
0x517: {  	_ =	sdelay $0x1  }
0x518: {  	_ =	swait.ge [sflag:s0], $0x80  }
0x519: {  	[sflag:s0] =	ssyncset.done $0x0  }
.LBB2_65:
0x51a: {  	s3 =	sadd.s32 $0x1, s3  }
0x51b: {  	[sflag:s0] =	ssyncadd.s32 $0xFFFFFF80;
	p0 =	sgt.s32 s1, s3  }
.Ltmp50:
0x51c: {  	(pc) =	sbr.rel @p0 .LBB2_65-.Ltmp50, $3  }
0x51d: {  	_ =	sdelay $0x1  }
0x51e: {  	_ =	swait.ge [sflag:s0], $0x80  }
0x51f: {  	[sflag:s0] =	ssyncset.done $0x0  }
.Ltmp51:
0x520: {  	_ = 	snop;
	(pc) =	sbr.rel .LBB2_66-.Ltmp51, $1  }
0x521: {  	_ =	sdelay $0x3  }
.LBB2_68:
0x522: {  	_ =	sfence.sel $0x180000  }
0x523: {  	[bflag:$0x0] =	sbarrier.arrive $0xFFFF  }
0x524: {  	_ =	strace $0x90000047  }
0x525: {  	s0 =	stileid.u32;
	[bflag:$0x2] =	sbarrier.arrive $0xFFFF  }
0x526: {  	p0 =	sne.s32 s0, $0x0;
	s0 =	rddreg [dreg:$0x4]  }
0x527: {  	s0 =	sadd.s32 @!p0 $0x100000, s0  }
0x528: {  	[sflag:s0] =	ssyncadd.tile.s32 @!p0 $0x1;
	_ =	shalt  }
.Lfunc_end2:
_tile_overlayer_lowered:
.L_overlay_start_2:
0x529: {  	(tag) =	ssettag $0x2  }
0x52a: {  	s0 =	rddreg [dreg:$0x0];
	s2 =	stileid.u32  }
0x52b: {  	s1 =	rddreg [dreg:$0x1];
	p0 =	sne.s32 s2, $0x0  }
0x52c: {  	s3 =	rddreg [dreg:$0x2];
	[bflag:$0x3] =	sbarrier.arrive $0xFFFF;
	s2 =	simm.s32 @!p0 $0x1C05  }
0x52d: {  	[timem:s3], [sflag:s2] =	dma.local @!p0 [hbm:s0], s1  }
0x52e: {  	s0 =	simm.s32 @!p0 $0x5  }
0x52f: {  	_ =	swait.ge @!p0 [sflag:s0], s1  }
0x530: {  	s1 =	ssub.s32 @!p0 $0x0, s1;
	[sflag:s0] =	ssyncset.done @!p0 $0x0  }
0x531: {  	[sflag:s0] =	ssyncadd.s32 @!p0 s1  }
0x532: {  	[bflag:$0x3] =	sbarrier.arrive $0xFFFF  }
0x533: {  	_ =	shalt  }

</sc_bundles>
